<compile_context>
chip_gen: v7x
topology: tpu7x:2x2x1
jax: 0.10.2.dev20260603
libtpu: 0.0.44.dev20260713+nightly
codegen_flags: <defaults>
</compile_context>

<pallas_src>
import functools

import jax
import jax.numpy as jnp
from jax import lax
from jax.experimental import pallas as pl
from jax.experimental.pallas import tpu as pltpu
from jax.experimental.pallas import tpu_sc as plsc

B = 16384
L = 26
V = 1000000
D = 16

NC = 2
NS = 16
NW = NC * NS
NB = B // NW
CB = 64
CI = CB * L
GW = 128
NG = CI // GW
NCHUNK = NB // CB

NTILE = V // 128
TAILV = V - NTILE * 128
SCW = 768
NSC = NTILE * 128 // SCW


def _sc_detile_fn():
    mesh = plsc.VectorSubcoreMesh(core_axis_name="c", subcore_axis_name="s",
                                  num_cores=NC, num_subcores=NS)
    nloop = (NSC + NW - 1) // NW

    @functools.partial(
        pl.kernel,
        out_type=jax.ShapeDtypeStruct((V * D,), jnp.float32),
        mesh=mesh,
        scratch_types=[
            pltpu.VMEM((8, SCW), jnp.float32),
            pltpu.VMEM((8, SCW), jnp.float32),
            pltpu.VMEM((8, SCW), jnp.float32),
            pltpu.VMEM((8, SCW), jnp.float32),
            pltpu.VMEM((SCW * D,), jnp.float32),
            pltpu.VMEM((SCW * D,), jnp.float32),
            pltpu.VMEM((8, TAILV), jnp.float32),
            pltpu.VMEM((8, TAILV), jnp.float32),
            pltpu.SemaphoreType.DMA,
            pltpu.SemaphoreType.DMA,
            pltpu.SemaphoreType.DMA,
            pltpu.SemaphoreType.DMA,
        ],
        compiler_params=pltpu.CompilerParams(
            needs_layout_passes=False, use_tc_tiling_on_sc=True),
    )
    def sc_detile(tab_hbm, out_hbm, bufa0_v, bufa1_v, bufb0_v, bufb1_v,
                  outb0_v, outb1_v, ta_v, tb_v,
                  isem0, isem1, osem0, osem1):
        wid = lax.axis_index("s") * NC + lax.axis_index("c")
        lane = lax.iota(jnp.int32, 16)
        bufa = (bufa0_v, bufa1_v)
        bufb = (bufb0_v, bufb1_v)
        outb = (outb0_v, outb1_v)
        isems = (isem0, isem1)
        osems = (osem0, osem1)

        def start_in(c, par):
            l0 = pl.multiple_of(c * SCW, SCW)
            pltpu.async_copy(
                tab_hbm.at[0, :, pl.ds(l0, SCW)], bufa[par], isems[par])
            pltpu.async_copy(
                tab_hbm.at[1, :, pl.ds(l0, SCW)], bufb[par], isems[par])

        def wait_in(c, par):
            l0 = pl.multiple_of(c * SCW, SCW)
            pltpu.make_async_copy(
                tab_hbm.at[0, :, pl.ds(l0, SCW)], bufa[par],
                isems[par]).wait()
            pltpu.make_async_copy(
                tab_hbm.at[1, :, pl.ds(l0, SCW)], bufb[par],
                isems[par]).wait()

        def drain_out(par):
            pltpu.make_async_copy(
                outb[par], out_hbm.at[pl.ds(0, SCW * D)],
                osems[par]).wait()

        start_in(wid, 0)

        def body(jj, carry):
            for par in range(2):
                j = jj * 2 + par
                c = j * NW + wid
                cn = c + NW

                @pl.when(cn < NSC)
                def _():
                    start_in(cn, 1 - par)

                @pl.when(c < NSC)
                def _():
                    wait_in(c, par)

                    @pl.when(j >= 2)
                    def _():
                        drain_out(par)

                    lane16 = lane * D

                    def gbody(g, carry2):
                        g16 = pl.multiple_of(g * 16, 16)
                        base = g * 256
                        for d in range(8):
                            va = bufa[par][d, pl.ds(g16, 16)]
                            plsc.store_scatter(
                                outb[par], [lane16 + base + d], va)
                            vb = bufb[par][d, pl.ds(g16, 16)]
                            plsc.store_scatter(
                                outb[par], [lane16 + base + 8 + d], vb)
                        return carry2

                    lax.fori_loop(0, SCW // 16, gbody, 0)
                    l0 = pl.multiple_of(c * SCW, SCW)
                    pltpu.async_copy(
                        outb[par], out_hbm.at[pl.ds(l0 * D, SCW * D)],
                        osems[par])

            return carry

        lax.fori_loop(0, (nloop + 1) // 2, body, 0)
        drain_out(0)
        drain_out(1)

        @pl.when(wid == 0)
        def _():
            l0 = NTILE * 128
            cpa = pltpu.async_copy(
                tab_hbm.at[0, :, pl.ds(l0, TAILV)], ta_v, isem0)
            cpb = pltpu.async_copy(
                tab_hbm.at[1, :, pl.ds(l0, TAILV)], tb_v, isem0)
            cpa.wait()
            cpb.wait()
            lane16 = lane * D
            for g in range(TAILV // 16):
                for d in range(8):
                    va = ta_v[d, pl.ds(g * 16, 16)]
                    plsc.store_scatter(
                        outb0_v, [lane16 + g * 256 + d], va)
                    vb = tb_v[d, pl.ds(g * 16, 16)]
                    plsc.store_scatter(
                        outb0_v, [lane16 + g * 256 + 8 + d], vb)
            pltpu.sync_copy(outb0_v.at[pl.ds(0, TAILV * D)],
                            out_hbm.at[pl.ds(l0 * D, TAILV * D)])

    return sc_detile


_sc_detile = _sc_detile_fn()


def _sc_pool_fn():
    mesh = plsc.VectorSubcoreMesh(core_axis_name="c", subcore_axis_name="s",
                                  num_cores=NC, num_subcores=NS)

    @functools.partial(
        pl.kernel,
        out_type=(jax.ShapeDtypeStruct((B, D), jnp.float32),
                  jax.ShapeDtypeStruct((B, D), jnp.float32)),
        mesh=mesh,
        scratch_types=[
            pltpu.VMEM((CI,), jnp.int32),
            pltpu.VMEM((CI,), jnp.int32),
            pltpu.VMEM((CI,), jnp.int32),
            pltpu.VMEM((CI,), jnp.int32),
            pltpu.VMEM((CI,), jnp.float32),
            pltpu.VMEM((CI,), jnp.float32),
            pltpu.VMEM((CI, D), jnp.float32),
            pltpu.VMEM((CI, D), jnp.float32),
            pltpu.VMEM((CI, D), jnp.float32),
            pltpu.VMEM((CI, D), jnp.float32),
            pltpu.VMEM((CB, D), jnp.float32),
            pltpu.VMEM((CB, D), jnp.float32),
            pltpu.VMEM((CB, D), jnp.float32),
            pltpu.VMEM((CB, D), jnp.float32),
            pltpu.SemaphoreType.DMA,
            pltpu.SemaphoreType.DMA,
            pltpu.SemaphoreType.DMA,
            pltpu.SemaphoreType.DMA,
            pltpu.SemaphoreType.DMA,
            pltpu.SemaphoreType.DMA,
        ],
        compiler_params=pltpu.CompilerParams(
            needs_layout_passes=False, use_tc_tiling_on_sc=False),
    )
    def sc_pool(x1_hbm, x2_hbm, x4_hbm, table_hbm, v1_hbm, v2_hbm,
                idx1a, idx1b, idx2a, idx2b, wa, wb,
                r1a, r1b, r2a, r2b, v1a, v1b, v2a, v2b,
                xsem0, xsem1, gsem0, gsem1, osem0, osem1):
        wid = lax.axis_index("s") * NC + lax.axis_index("c")
        idx1 = (idx1a, idx1b)
        idx2 = (idx2a, idx2b)
        wv = (wa, wb)
        rows1 = (r1a, r1b)
        rows2 = (r2a, r2b)
        v1v = (v1a, v1b)
        v2v = (v2a, v2b)
        xsems = (xsem0, xsem1)
        gsems = (gsem0, gsem1)
        osems = (osem0, osem1)

        def i0_of(ci):
            return pl.multiple_of((wid * NB + ci * CB) * L, CI)

        def start_idx(ci, par):
            i0 = i0_of(ci)
            pltpu.async_copy(x1_hbm.at[pl.ds(i0, CI)], idx1[par], xsems[par])
            pltpu.async_copy(x2_hbm.at[pl.ds(i0, CI)], idx2[par], xsems[par])
            pltpu.async_copy(x4_hbm.at[pl.ds(i0, CI)], wv[par], xsems[par])

        def wait_idx(ci, par):
            i0 = i0_of(ci)
            pltpu.make_async_copy(
                x1_hbm.at[pl.ds(i0, CI)], idx1[par], xsems[par]).wait()
            pltpu.make_async_copy(
                x2_hbm.at[pl.ds(i0, CI)], idx2[par], xsems[par]).wait()
            pltpu.make_async_copy(
                x4_hbm.at[pl.ds(i0, CI)], wv[par], xsems[par]).wait()

        def start_gathers(par):
            for j in range(NG):
                pltpu.async_copy(
                    table_hbm.at[idx1[par].at[pl.ds(j * GW, GW)]],
                    rows1[par].at[pl.ds(j * GW, GW)], gsems[par])
                pltpu.async_copy(
                    table_hbm.at[idx2[par].at[pl.ds(j * GW, GW)]],
                    rows2[par].at[pl.ds(j * GW, GW)], gsems[par])

        def wait_gathers(par):
            for j in range(NG):
                pltpu.make_async_copy(
                    table_hbm.at[idx1[par].at[pl.ds(j * GW, GW)]],
                    rows1[par].at[pl.ds(j * GW, GW)], gsems[par]).wait()
                pltpu.make_async_copy(
                    table_hbm.at[idx2[par].at[pl.ds(j * GW, GW)]],
                    rows2[par].at[pl.ds(j * GW, GW)], gsems[par]).wait()

        def drain_vout(ci, par):
            b0 = pl.multiple_of(wid * NB + ci * CB, CB)
            pltpu.make_async_copy(
                v1v[par], v1_hbm.at[pl.ds(b0, CB)], osems[par]).wait()
            pltpu.make_async_copy(
                v2v[par], v2_hbm.at[pl.ds(b0, CB)], osems[par]).wait()

        start_idx(0, 0)
        wait_idx(0, 0)
        start_gathers(0)
        start_idx(1, 1)

        def body(jj, carry):
            for par in range(2):
                ci = jj * 2 + par
                wait_gathers(par)

                @pl.when(ci + 1 < NCHUNK)
                def _():
                    wait_idx(ci + 1, 1 - par)
                    start_gathers(1 - par)

                @pl.when(ci >= 2)
                def _():
                    drain_vout(ci, par)

                def b_body(b, carry2):
                    r0 = b * L
                    wv0 = wv[par][pl.ds(r0, 16)]
                    wv1 = wv[par][pl.ds(r0 + 16, 16)]
                    acc1 = jnp.zeros((D,), jnp.float32)
                    acc2 = jnp.zeros((D,), jnp.float32)
                    for l in range(L):
                        wl = wv0[l] if l < 16 else wv1[l - 16]
                        acc1 = acc1 + rows1[par][r0 + l] * wl
                        acc2 = acc2 + rows2[par][r0 + l]
                    v1v[par][b] = acc1
                    v2v[par][b] = acc2
                    return carry2

                lax.fori_loop(0, CB, b_body, 0)
                b0 = pl.multiple_of(wid * NB + ci * CB, CB)
                pltpu.async_copy(v1v[par], v1_hbm.at[pl.ds(b0, CB)],
                                 osems[par])
                pltpu.async_copy(v2v[par], v2_hbm.at[pl.ds(b0, CB)],
                                 osems[par])

                @pl.when(ci + 2 < NCHUNK)
                def _():
                    start_idx(ci + 2, par)

            return carry

        lax.fori_loop(0, NCHUNK // 2, body, 0)
        drain_vout(0, 0)
        drain_vout(0, 1)

    return sc_pool


_sc_pool = _sc_pool_fn()


def _tc_finalize_body(v1_ref, v2_ref, o_ref):
    o_ref[...] = jax.nn.sigmoid(jnp.sum(v1_ref[...] * v2_ref[...], axis=1))


_tc_finalize = pl.pallas_call(
    _tc_finalize_body,
    out_shape=jax.ShapeDtypeStruct((B,), jnp.float32),
)


def kernel(x1, x2, x3, x4, table):
    del x3
    tab3 = table.T.reshape(2, 8, V)
    tab_lin = _sc_detile(tab3).reshape(V, D)
    x1f = x1.reshape(B * L)
    x2f = x2.reshape(B * L)
    x4f = x4.reshape(B * L)
    v1, v2 = _sc_pool(x1f, x2f, x4f, tab_lin)
    return _tc_finalize(v1, v2)

# --- scband reference (transcript-rebuilt; emitter-appended) ---
"""Pipeline reference for scband-ffm-84155589198095 (READ-ONLY COPY).

The authoritative reference and input builder live on the scoring server;
editing this copy changes nothing except your own understanding.
"""

import jax, jax.numpy as jnp
import numpy as np

B = 16384
L = 26
V = 1000000
D = 16

def setup_inputs(seed: int = 0) -> dict:
    key = jax.random.key(seed)
    k1, k2, k3, k4, k5 = jax.random.split(key, 5)
    x1 = jax.random.randint(k1, (B, L), 0, V, dtype=jnp.int64 if jax.config.jax_enable_x64 else jnp.int32).astype(jnp.int32)
    x2 = jax.random.randint(k2, (B, L), 0, V).astype(jnp.int32)
    x3 = jax.random.randint(k3, (B, L), 0, V).astype(jnp.int32)
    x4 = jax.random.uniform(k4, (B, L), dtype=jnp.float32)
    # xavier_uniform over rows [1:, :]: bound = sqrt(6/( (V-1) + D ))
    bound = float(np.sqrt(6.0 / ((V - 1) + D)))
    table = jax.random.uniform(k5, (V, D), minval=-bound, maxval=bound, dtype=jnp.float32)
    table = table.at[0].set(0.0)  # padding_idx=0
    return {"x1": x1, "x2": x2, "x3": x3, "x4": x4, "table": table}

def reference(x1, x2, x3, x4, table):
    # padding_idx=0: row 0 of the table is zero
    table_eff = table.at[0].set(0.0)
    e1 = jnp.take(table_eff, x1, axis=0)            # [B, L, D]
    v1 = jnp.sum(e1 * x4[:, :, None], axis=1)        # [B, D]
    e2 = jnp.take(table_eff, x2, axis=0)             # [B, L, D]
    v2 = jnp.sum(e2, axis=1)                          # [B, D]
    out = jax.nn.sigmoid(jnp.sum(v1 * v2, axis=1))    # [B]
    return out

if __name__ == "__main__":
    import jax
    _d = setup_inputs()
    print(jax.jit(kernel)(*tuple(_d.values())))

</pallas_src>

<mosaic_0001>
#map = affine_map<(d0, d1) -> (0)>
#map1 = affine_map<(d0, d1) -> (0, 0)>
module attributes {stable_mosaic.version = 14 : i64} {
  func.func @sc_pool(%arg0: i32, %arg1: i32, %arg2: memref<425984xi32, #tpu.memory_space<hbm>>, %arg3: memref<425984xi32, #tpu.memory_space<hbm>>, %arg4: memref<425984xf32, #tpu.memory_space<hbm>>, %arg5: memref<1000000x16xf32, #tpu.memory_space<hbm>>, %arg6: memref<16384x16xf32, #tpu.memory_space<hbm>>, %arg7: memref<16384x16xf32, #tpu.memory_space<hbm>>, %arg8: memref<1664xi32, #tpu.memory_space<vmem>>, %arg9: memref<1664xi32, #tpu.memory_space<vmem>>, %arg10: memref<1664xi32, #tpu.memory_space<vmem>>, %arg11: memref<1664xi32, #tpu.memory_space<vmem>>, %arg12: memref<1664xf32, #tpu.memory_space<vmem>>, %arg13: memref<1664xf32, #tpu.memory_space<vmem>>, %arg14: memref<1664x16xf32, #tpu.memory_space<vmem>>, %arg15: memref<1664x16xf32, #tpu.memory_space<vmem>>, %arg16: memref<1664x16xf32, #tpu.memory_space<vmem>>, %arg17: memref<1664x16xf32, #tpu.memory_space<vmem>>, %arg18: memref<64x16xf32, #tpu.memory_space<vmem>>, %arg19: memref<64x16xf32, #tpu.memory_space<vmem>>, %arg20: memref<64x16xf32, #tpu.memory_space<vmem>>, %arg21: memref<64x16xf32, #tpu.memory_space<vmem>>, %arg22: memref<!tpu.dma_semaphore, #tpu.memory_space<semaphore_mem>>, %arg23: memref<!tpu.dma_semaphore, #tpu.memory_space<semaphore_mem>>, %arg24: memref<!tpu.dma_semaphore, #tpu.memory_space<semaphore_mem>>, %arg25: memref<!tpu.dma_semaphore, #tpu.memory_space<semaphore_mem>>, %arg26: memref<!tpu.dma_semaphore, #tpu.memory_space<semaphore_mem>>, %arg27: memref<!tpu.dma_semaphore, #tpu.memory_space<semaphore_mem>>) attributes {dimension_semantics = [#tpu.dimension_semantics<core_parallel>, #tpu.dimension_semantics<subcore_parallel>], iteration_bounds = array<i64: 2, 16>, scalar_prefetch = 0 : i64, scratch_operands = 20 : i64, tpu.core_type = #tpu.core_type<sc_vector_subcore>, window_params = [{transform_indices = #map}, {transform_indices = #map}, {transform_indices = #map}, {transform_indices = #map1}, {transform_indices = #map1}, {transform_indices = #map1}]} {
    %mul3A = arith.constant 2 : i32
    %mul3A_0 = arith.muli %arg1, %mul3A : i32
    %add3A = arith.addi %mul3A_0, %arg0 : i32
    %mul3A_1 = arith.constant 512 : i32
    %mul3A_2 = arith.muli %add3A, %mul3A_1 : i32
    %add3A_3 = arith.constant 0 : i32
    %add3A_4 = arith.addi %mul3A_2, %add3A_3 : i32
    %mul3A_5 = arith.constant 26 : i32
    %mul3A_6 = arith.muli %add3A_4, %mul3A_5 : i32
    %multiple_of3A = tpu.assume_multiple %mul3A_6, 1664 : i32
    %dma_start3A = tpu.memref_slice %arg2[%multiple_of3A] : memref<425984xi32, #tpu.memory_space<hbm>> -> memref<1664xi32, #tpu.memory_space<hbm>>
    %dma_start3A_7 = tpu.memref_slice %arg2[%multiple_of3A] : memref<425984xi32, #tpu.memory_space<hbm>> -> memref<1664xi32, #tpu.memory_space<hbm>>
    tpu.enqueue_dma source(%dma_start3A_7 : memref<1664xi32, #tpu.memory_space<hbm>>) target(%arg8 : memref<1664xi32, #tpu.memory_space<vmem>>) target_semaphore(%arg22 : memref<!tpu.dma_semaphore, #tpu.memory_space<semaphore_mem>>)
    %dma_start3A_8 = tpu.memref_slice %arg3[%multiple_of3A] : memref<425984xi32, #tpu.memory_space<hbm>> -> memref<1664xi32, #tpu.memory_space<hbm>>
    %dma_start3A_9 = tpu.memref_slice %arg3[%multiple_of3A] : memref<425984xi32, #tpu.memory_space<hbm>> -> memref<1664xi32, #tpu.memory_space<hbm>>
    tpu.enqueue_dma source(%dma_start3A_9 : memref<1664xi32, #tpu.memory_space<hbm>>) target(%arg10 : memref<1664xi32, #tpu.memory_space<vmem>>) target_semaphore(%arg22 : memref<!tpu.dma_semaphore, #tpu.memory_space<semaphore_mem>>)
    %dma_start3A_10 = tpu.memref_slice %arg4[%multiple_of3A] : memref<425984xf32, #tpu.memory_space<hbm>> -> memref<1664xf32, #tpu.memory_space<hbm>>
    %dma_start3A_11 = tpu.memref_slice %arg4[%multiple_of3A] : memref<425984xf32, #tpu.memory_space<hbm>> -> memref<1664xf32, #tpu.memory_space<hbm>>
    tpu.enqueue_dma source(%dma_start3A_11 : memref<1664xf32, #tpu.memory_space<hbm>>) target(%arg12 : memref<1664xf32, #tpu.memory_space<vmem>>) target_semaphore(%arg22 : memref<!tpu.dma_semaphore, #tpu.memory_space<semaphore_mem>>)
    %mul3A_12 = arith.constant 512 : i32
    %mul3A_13 = arith.muli %add3A, %mul3A_12 : i32
    %add3A_14 = arith.constant 0 : i32
    %add3A_15 = arith.addi %mul3A_13, %add3A_14 : i32
    %mul3A_16 = arith.constant 26 : i32
    %mul3A_17 = arith.muli %add3A_15, %mul3A_16 : i32
    %multiple_of3A_18 = tpu.assume_multiple %mul3A_17, 1664 : i32
    %dma_wait3A = tpu.memref_slice %arg2[%multiple_of3A_18] : memref<425984xi32, #tpu.memory_space<hbm>> -> memref<1664xi32, #tpu.memory_space<hbm>>
    %dma_wait3A_19 = tpu.memref_slice %arg2[%multiple_of3A_18] : memref<425984xi32, #tpu.memory_space<hbm>> -> memref<1664xi32, #tpu.memory_space<hbm>>
    tpu.wait_dma2 semaphore(%arg22 : memref<!tpu.dma_semaphore, #tpu.memory_space<semaphore_mem>>) src(%dma_wait3A_19 : memref<1664xi32, #tpu.memory_space<hbm>>) dst(%arg8 : memref<1664xi32, #tpu.memory_space<vmem>>)
    %dma_wait3A_20 = tpu.memref_slice %arg3[%multiple_of3A_18] : memref<425984xi32, #tpu.memory_space<hbm>> -> memref<1664xi32, #tpu.memory_space<hbm>>
    %dma_wait3A_21 = tpu.memref_slice %arg3[%multiple_of3A_18] : memref<425984xi32, #tpu.memory_space<hbm>> -> memref<1664xi32, #tpu.memory_space<hbm>>
    tpu.wait_dma2 semaphore(%arg22 : memref<!tpu.dma_semaphore, #tpu.memory_space<semaphore_mem>>) src(%dma_wait3A_21 : memref<1664xi32, #tpu.memory_space<hbm>>) dst(%arg10 : memref<1664xi32, #tpu.memory_space<vmem>>)
    %dma_wait3A_22 = tpu.memref_slice %arg4[%multiple_of3A_18] : memref<425984xf32, #tpu.memory_space<hbm>> -> memref<1664xf32, #tpu.memory_space<hbm>>
    %dma_wait3A_23 = tpu.memref_slice %arg4[%multiple_of3A_18] : memref<425984xf32, #tpu.memory_space<hbm>> -> memref<1664xf32, #tpu.memory_space<hbm>>
    tpu.wait_dma2 semaphore(%arg22 : memref<!tpu.dma_semaphore, #tpu.memory_space<semaphore_mem>>) src(%dma_wait3A_23 : memref<1664xf32, #tpu.memory_space<hbm>>) dst(%arg12 : memref<1664xf32, #tpu.memory_space<vmem>>)
    %dma_start3A_24 = arith.constant 0 : i32
    %dma_start3A_25 = arith.constant 0 : i32
    %dma_start3A_26 = tpu.memref_slice %arg14[%dma_start3A_24, %dma_start3A_25] : memref<1664x16xf32, #tpu.memory_space<vmem>> -> memref<128x16xf32, #tpu.memory_space<vmem>>
    %dma_start3A_27 = arith.constant 0 : i32
    %dma_start3A_28 = tpu.memref_slice %arg8[%dma_start3A_27] : memref<1664xi32, #tpu.memory_space<vmem>> -> memref<128xi32, #tpu.memory_space<vmem>>
    %dma_start3A_29 = arith.constant 0 : i32
    %dma_start3A_30 = arith.constant 0 : i32
    %dma_start3A_31 = tpu.memref_slice %arg5[%dma_start3A_29, %dma_start3A_30] : memref<1000000x16xf32, #tpu.memory_space<hbm>> -> memref<1000000x16xf32, #tpu.memory_space<hbm>>
    tpu.enqueue_indirect_dma source(%dma_start3A_31 : memref<1000000x16xf32, #tpu.memory_space<hbm>>) target(%dma_start3A_26 : memref<128x16xf32, #tpu.memory_space<vmem>>) offsets(%dma_start3A_28 : memref<128xi32, #tpu.memory_space<vmem>>) semaphore(%arg24 : memref<!tpu.dma_semaphore, #tpu.memory_space<semaphore_mem>>)
    %dma_start3A_32 = arith.constant 0 : i32
    %dma_start3A_33 = arith.constant 0 : i32
    %dma_start3A_34 = tpu.memref_slice %arg16[%dma_start3A_32, %dma_start3A_33] : memref<1664x16xf32, #tpu.memory_space<vmem>> -> memref<128x16xf32, #tpu.memory_space<vmem>>
    %dma_start3A_35 = arith.constant 0 : i32
    %dma_start3A_36 = tpu.memref_slice %arg10[%dma_start3A_35] : memref<1664xi32, #tpu.memory_space<vmem>> -> memref<128xi32, #tpu.memory_space<vmem>>
    %dma_start3A_37 = arith.constant 0 : i32
    %dma_start3A_38 = arith.constant 0 : i32
    %dma_start3A_39 = tpu.memref_slice %arg5[%dma_start3A_37, %dma_start3A_38] : memref<1000000x16xf32, #tpu.memory_space<hbm>> -> memref<1000000x16xf32, #tpu.memory_space<hbm>>
    tpu.enqueue_indirect_dma source(%dma_start3A_39 : memref<1000000x16xf32, #tpu.memory_space<hbm>>) target(%dma_start3A_34 : memref<128x16xf32, #tpu.memory_space<vmem>>) offsets(%dma_start3A_36 : memref<128xi32, #tpu.memory_space<vmem>>) semaphore(%arg24 : memref<!tpu.dma_semaphore, #tpu.memory_space<semaphore_mem>>)
    %dma_start3A_40 = arith.constant 128 : i32
    %dma_start3A_41 = arith.constant 0 : i32
    %dma_start3A_42 = tpu.memref_slice %arg14[%dma_start3A_40, %dma_start3A_41] : memref<1664x16xf32, #tpu.memory_space<vmem>> -> memref<128x16xf32, #tpu.memory_space<vmem>>
    %dma_start3A_43 = arith.constant 128 : i32
    %dma_start3A_44 = tpu.memref_slice %arg8[%dma_start3A_43] : memref<1664xi32, #tpu.memory_space<vmem>> -> memref<128xi32, #tpu.memory_space<vmem>>
    %dma_start3A_45 = arith.constant 0 : i32
    %dma_start3A_46 = arith.constant 0 : i32
    %dma_start3A_47 = tpu.memref_slice %arg5[%dma_start3A_45, %dma_start3A_46] : memref<1000000x16xf32, #tpu.memory_space<hbm>> -> memref<1000000x16xf32, #tpu.memory_space<hbm>>
    tpu.enqueue_indirect_dma source(%dma_start3A_47 : memref<1000000x16xf32, #tpu.memory_space<hbm>>) target(%dma_start3A_42 : memref<128x16xf32, #tpu.memory_space<vmem>>) offsets(%dma_start3A_44 : memref<128xi32, #tpu.memory_space<vmem>>) semaphore(%arg24 : memref<!tpu.dma_semaphore, #tpu.memory_space<semaphore_mem>>)
    %dma_start3A_48 = arith.constant 128 : i32
    %dma_start3A_49 = arith.constant 0 : i32
    %dma_start3A_50 = tpu.memref_slice %arg16[%dma_start3A_48, %dma_start3A_49] : memref<1664x16xf32, #tpu.memory_space<vmem>> -> memref<128x16xf32, #tpu.memory_space<vmem>>
    %dma_start3A_51 = arith.constant 128 : i32
    %dma_start3A_52 = tpu.memref_slice %arg10[%dma_start3A_51] : memref<1664xi32, #tpu.memory_space<vmem>> -> memref<128xi32, #tpu.memory_space<vmem>>
    %dma_start3A_53 = arith.constant 0 : i32
    %dma_start3A_54 = arith.constant 0 : i32
    %dma_start3A_55 = tpu.memref_slice %arg5[%dma_start3A_53, %dma_start3A_54] : memref<1000000x16xf32, #tpu.memory_space<hbm>> -> memref<1000000x16xf32, #tpu.memory_space<hbm>>
    tpu.enqueue_indirect_dma source(%dma_start3A_55 : memref<1000000x16xf32, #tpu.memory_space<hbm>>) target(%dma_start3A_50 : memref<128x16xf32, #tpu.memory_space<vmem>>) offsets(%dma_start3A_52 : memref<128xi32, #tpu.memory_space<vmem>>) semaphore(%arg24 : memref<!tpu.dma_semaphore, #tpu.memory_space<semaphore_mem>>)
    %dma_start3A_56 = arith.constant 256 : i32
    %dma_start3A_57 = arith.constant 0 : i32
    %dma_start3A_58 = tpu.memref_slice %arg14[%dma_start3A_56, %dma_start3A_57] : memref<1664x16xf32, #tpu.memory_space<vmem>> -> memref<128x16xf32, #tpu.memory_space<vmem>>
    %dma_start3A_59 = arith.constant 256 : i32
    %dma_start3A_60 = tpu.memref_slice %arg8[%dma_start3A_59] : memref<1664xi32, #tpu.memory_space<vmem>> -> memref<128xi32, #tpu.memory_space<vmem>>
    %dma_start3A_61 = arith.constant 0 : i32
    %dma_start3A_62 = arith.constant 0 : i32
    %dma_start3A_63 = tpu.memref_slice %arg5[%dma_start3A_61, %dma_start3A_62] : memref<1000000x16xf32, #tpu.memory_space<hbm>> -> memref<1000000x16xf32, #tpu.memory_space<hbm>>
    tpu.enqueue_indirect_dma source(%dma_start3A_63 : memref<1000000x16xf32, #tpu.memory_space<hbm>>) target(%dma_start3A_58 : memref<128x16xf32, #tpu.memory_space<vmem>>) offsets(%dma_start3A_60 : memref<128xi32, #tpu.memory_space<vmem>>) semaphore(%arg24 : memref<!tpu.dma_semaphore, #tpu.memory_space<semaphore_mem>>)
    %dma_start3A_64 = arith.constant 256 : i32
    %dma_start3A_65 = arith.constant 0 : i32
    %dma_start3A_66 = tpu.memref_slice %arg16[%dma_start3A_64, %dma_start3A_65] : memref<1664x16xf32, #tpu.memory_space<vmem>> -> memref<128x16xf32, #tpu.memory_space<vmem>>
    %dma_start3A_67 = arith.constant 256 : i32
    %dma_start3A_68 = tpu.memref_slice %arg10[%dma_start3A_67] : memref<1664xi32, #tpu.memory_space<vmem>> -> memref<128xi32, #tpu.memory_space<vmem>>
    %dma_start3A_69 = arith.constant 0 : i32
    %dma_start3A_70 = arith.constant 0 : i32
    %dma_start3A_71 = tpu.memref_slice %arg5[%dma_start3A_69, %dma_start3A_70] : memref<1000000x16xf32, #tpu.memory_space<hbm>> -> memref<1000000x16xf32, #tpu.memory_space<hbm>>
    tpu.enqueue_indirect_dma source(%dma_start3A_71 : memref<1000000x16xf32, #tpu.memory_space<hbm>>) target(%dma_start3A_66 : memref<128x16xf32, #tpu.memory_space<vmem>>) offsets(%dma_start3A_68 : memref<128xi32, #tpu.memory_space<vmem>>) semaphore(%arg24 : memref<!tpu.dma_semaphore, #tpu.memory_space<semaphore_mem>>)
    %dma_start3A_72 = arith.constant 384 : i32
    %dma_start3A_73 = arith.constant 0 : i32
    %dma_start3A_74 = tpu.memref_slice %arg14[%dma_start3A_72, %dma_start3A_73] : memref<1664x16xf32, #tpu.memory_space<vmem>> -> memref<128x16xf32, #tpu.memory_space<vmem>>
    %dma_start3A_75 = arith.constant 384 : i32
    %dma_start3A_76 = tpu.memref_slice %arg8[%dma_start3A_75] : memref<1664xi32, #tpu.memory_space<vmem>> -> memref<128xi32, #tpu.memory_space<vmem>>
    %dma_start3A_77 = arith.constant 0 : i32
    %dma_start3A_78 = arith.constant 0 : i32
    %dma_start3A_79 = tpu.memref_slice %arg5[%dma_start3A_77, %dma_start3A_78] : memref<1000000x16xf32, #tpu.memory_space<hbm>> -> memref<1000000x16xf32, #tpu.memory_space<hbm>>
    tpu.enqueue_indirect_dma source(%dma_start3A_79 : memref<1000000x16xf32, #tpu.memory_space<hbm>>) target(%dma_start3A_74 : memref<128x16xf32, #tpu.memory_space<vmem>>) offsets(%dma_start3A_76 : memref<128xi32, #tpu.memory_space<vmem>>) semaphore(%arg24 : memref<!tpu.dma_semaphore, #tpu.memory_space<semaphore_mem>>)
    %dma_start3A_80 = arith.constant 384 : i32
    %dma_start3A_81 = arith.constant 0 : i32
    %dma_start3A_82 = tpu.memref_slice %arg16[%dma_start3A_80, %dma_start3A_81] : memref<1664x16xf32, #tpu.memory_space<vmem>> -> memref<128x16xf32, #tpu.memory_space<vmem>>
    %dma_start3A_83 = arith.constant 384 : i32
    %dma_start3A_84 = tpu.memref_slice %arg10[%dma_start3A_83] : memref<1664xi32, #tpu.memory_space<vmem>> -> memref<128xi32, #tpu.memory_space<vmem>>
    %dma_start3A_85 = arith.constant 0 : i32
    %dma_start3A_86 = arith.constant 0 : i32
    %dma_start3A_87 = tpu.memref_slice %arg5[%dma_start3A_85, %dma_start3A_86] : memref<1000000x16xf32, #tpu.memory_space<hbm>> -> memref<1000000x16xf32, #tpu.memory_space<hbm>>
    tpu.enqueue_indirect_dma source(%dma_start3A_87 : memref<1000000x16xf32, #tpu.memory_space<hbm>>) target(%dma_start3A_82 : memref<128x16xf32, #tpu.memory_space<vmem>>) offsets(%dma_start3A_84 : memref<128xi32, #tpu.memory_space<vmem>>) semaphore(%arg24 : memref<!tpu.dma_semaphore, #tpu.memory_space<semaphore_mem>>)
    %dma_start3A_88 = arith.constant 512 : i32
    %dma_start3A_89 = arith.constant 0 : i32
    %dma_start3A_90 = tpu.memref_slice %arg14[%dma_start3A_88, %dma_start3A_89] : memref<1664x16xf32, #tpu.memory_space<vmem>> -> memref<128x16xf32, #tpu.memory_space<vmem>>
    %dma_start3A_91 = arith.constant 512 : i32
    %dma_start3A_92 = tpu.memref_slice %arg8[%dma_start3A_91] : memref<1664xi32, #tpu.memory_space<vmem>> -> memref<128xi32, #tpu.memory_space<vmem>>
    %dma_start3A_93 = arith.constant 0 : i32
    %dma_start3A_94 = arith.constant 0 : i32
    %dma_start3A_95 = tpu.memref_slice %arg5[%dma_start3A_93, %dma_start3A_94] : memref<1000000x16xf32, #tpu.memory_space<hbm>> -> memref<1000000x16xf32, #tpu.memory_space<hbm>>
    tpu.enqueue_indirect_dma source(%dma_start3A_95 : memref<1000000x16xf32, #tpu.memory_space<hbm>>) target(%dma_start3A_90 : memref<128x16xf32, #tpu.memory_space<vmem>>) offsets(%dma_start3A_92 : memref<128xi32, #tpu.memory_space<vmem>>) semaphore(%arg24 : memref<!tpu.dma_semaphore, #tpu.memory_space<semaphore_mem>>)
    %dma_start3A_96 = arith.constant 512 : i32
    %dma_start3A_97 = arith.constant 0 : i32
    %dma_start3A_98 = tpu.memref_slice %arg16[%dma_start3A_96, %dma_start3A_97] : memref<1664x16xf32, #tpu.memory_space<vmem>> -> memref<128x16xf32, #tpu.memory_space<vmem>>
    %dma_start3A_99 = arith.constant 512 : i32
    %dma_start3A_100 = tpu.memref_slice %arg10[%dma_start3A_99] : memref<1664xi32, #tpu.memory_space<vmem>> -> memref<128xi32, #tpu.memory_space<vmem>>
    %dma_start3A_101 = arith.constant 0 : i32
    %dma_start3A_102 = arith.constant 0 : i32
    %dma_start3A_103 = tpu.memref_slice %arg5[%dma_start3A_101, %dma_start3A_102] : memref<1000000x16xf32, #tpu.memory_space<hbm>> -> memref<1000000x16xf32, #tpu.memory_space<hbm>>
    tpu.enqueue_indirect_dma source(%dma_start3A_103 : memref<1000000x16xf32, #tpu.memory_space<hbm>>) target(%dma_start3A_98 : memref<128x16xf32, #tpu.memory_space<vmem>>) offsets(%dma_start3A_100 : memref<128xi32, #tpu.memory_space<vmem>>) semaphore(%arg24 : memref<!tpu.dma_semaphore, #tpu.memory_space<semaphore_mem>>)
    %dma_start3A_104 = arith.constant 640 : i32
    %dma_start3A_105 = arith.constant 0 : i32
    %dma_start3A_106 = tpu.memref_slice %arg14[%dma_start3A_104, %dma_start3A_105] : memref<1664x16xf32, #tpu.memory_space<vmem>> -> memref<128x16xf32, #tpu.memory_space<vmem>>
    %dma_start3A_107 = arith.constant 640 : i32
    %dma_start3A_108 = tpu.memref_slice %arg8[%dma_start3A_107] : memref<1664xi32, #tpu.memory_space<vmem>> -> memref<128xi32, #tpu.memory_space<vmem>>
    %dma_start3A_109 = arith.constant 0 : i32
    %dma_start3A_110 = arith.constant 0 : i32
    %dma_start3A_111 = tpu.memref_slice %arg5[%dma_start3A_109, %dma_start3A_110] : memref<1000000x16xf32, #tpu.memory_space<hbm>> -> memref<1000000x16xf32, #tpu.memory_space<hbm>>
    tpu.enqueue_indirect_dma source(%dma_start3A_111 : memref<1000000x16xf32, #tpu.memory_space<hbm>>) target(%dma_start3A_106 : memref<128x16xf32, #tpu.memory_space<vmem>>) offsets(%dma_start3A_108 : memref<128xi32, #tpu.memory_space<vmem>>) semaphore(%arg24 : memref<!tpu.dma_semaphore, #tpu.memory_space<semaphore_mem>>)
    %dma_start3A_112 = arith.constant 640 : i32
    %dma_start3A_113 = arith.constant 0 : i32
    %dma_start3A_114 = tpu.memref_slice %arg16[%dma_start3A_112, %dma_start3A_113] : memref<1664x16xf32, #tpu.memory_space<vmem>> -> memref<128x16xf32, #tpu.memory_space<vmem>>
    %dma_start3A_115 = arith.constant 640 : i32
    %dma_start3A_116 = tpu.memref_slice %arg10[%dma_start3A_115] : memref<1664xi32, #tpu.memory_space<vmem>> -> memref<128xi32, #tpu.memory_space<vmem>>
    %dma_start3A_117 = arith.constant 0 : i32
    %dma_start3A_118 = arith.constant 0 : i32
    %dma_start3A_119 = tpu.memref_slice %arg5[%dma_start3A_117, %dma_start3A_118] : memref<1000000x16xf32, #tpu.memory_space<hbm>> -> memref<1000000x16xf32, #tpu.memory_space<hbm>>
    tpu.enqueue_indirect_dma source(%dma_start3A_119 : memref<1000000x16xf32, #tpu.memory_space<hbm>>) target(%dma_start3A_114 : memref<128x16xf32, #tpu.memory_space<vmem>>) offsets(%dma_start3A_116 : memref<128xi32, #tpu.memory_space<vmem>>) semaphore(%arg24 : memref<!tpu.dma_semaphore, #tpu.memory_space<semaphore_mem>>)
    %dma_start3A_120 = arith.constant 768 : i32
    %dma_start3A_121 = arith.constant 0 : i32
    %dma_start3A_122 = tpu.memref_slice %arg14[%dma_start3A_120, %dma_start3A_121] : memref<1664x16xf32, #tpu.memory_space<vmem>> -> memref<128x16xf32, #tpu.memory_space<vmem>>
    %dma_start3A_123 = arith.constant 768 : i32
    %dma_start3A_124 = tpu.memref_slice %arg8[%dma_start3A_123] : memref<1664xi32, #tpu.memory_space<vmem>> -> memref<128xi32, #tpu.memory_space<vmem>>
    %dma_start3A_125 = arith.constant 0 : i32
    %dma_start3A_126 = arith.constant 0 : i32
    %dma_start3A_127 = tpu.memref_slice %arg5[%dma_start3A_125, %dma_start3A_126] : memref<1000000x16xf32, #tpu.memory_space<hbm>> -> memref<1000000x16xf32, #tpu.memory_space<hbm>>
    tpu.enqueue_indirect_dma source(%dma_start3A_127 : memref<1000000x16xf32, #tpu.memory_space<hbm>>) target(%dma_start3A_122 : memref<128x16xf32, #tpu.memory_space<vmem>>) offsets(%dma_start3A_124 : memref<128xi32, #tpu.memory_space<vmem>>) semaphore(%arg24 : memref<!tpu.dma_semaphore, #tpu.memory_space<semaphore_mem>>)
    %dma_start3A_128 = arith.constant 768 : i32
    %dma_start3A_129 = arith.constant 0 : i32
    %dma_start3A_130 = tpu.memref_slice %arg16[%dma_start3A_128, %dma_start3A_129] : memref<1664x16xf32, #tpu.memory_space<vmem>> -> memref<128x16xf32, #tpu.memory_space<vmem>>
    %dma_start3A_131 = arith.constant 768 : i32
    %dma_start3A_132 = tpu.memref_slice %arg10[%dma_start3A_131] : memref<1664xi32, #tpu.memory_space<vmem>> -> memref<128xi32, #tpu.memory_space<vmem>>
    %dma_start3A_133 = arith.constant 0 : i32
    %dma_start3A_134 = arith.constant 0 : i32
    %dma_start3A_135 = tpu.memref_slice %arg5[%dma_start3A_133, %dma_start3A_134] : memref<1000000x16xf32, #tpu.memory_space<hbm>> -> memref<1000000x16xf32, #tpu.memory_space<hbm>>
    tpu.enqueue_indirect_dma source(%dma_start3A_135 : memref<1000000x16xf32, #tpu.memory_space<hbm>>) target(%dma_start3A_130 : memref<128x16xf32, #tpu.memory_space<vmem>>) offsets(%dma_start3A_132 : memref<128xi32, #tpu.memory_space<vmem>>) semaphore(%arg24 : memref<!tpu.dma_semaphore, #tpu.memory_space<semaphore_mem>>)
    %dma_start3A_136 = arith.constant 896 : i32
    %dma_start3A_137 = arith.constant 0 : i32
    %dma_start3A_138 = tpu.memref_slice %arg14[%dma_start3A_136, %dma_start3A_137] : memref<1664x16xf32, #tpu.memory_space<vmem>> -> memref<128x16xf32, #tpu.memory_space<vmem>>
    %dma_start3A_139 = arith.constant 896 : i32
    %dma_start3A_140 = tpu.memref_slice %arg8[%dma_start3A_139] : memref<1664xi32, #tpu.memory_space<vmem>> -> memref<128xi32, #tpu.memory_space<vmem>>
    %dma_start3A_141 = arith.constant 0 : i32
    %dma_start3A_142 = arith.constant 0 : i32
    %dma_start3A_143 = tpu.memref_slice %arg5[%dma_start3A_141, %dma_start3A_142] : memref<1000000x16xf32, #tpu.memory_space<hbm>> -> memref<1000000x16xf32, #tpu.memory_space<hbm>>
    tpu.enqueue_indirect_dma source(%dma_start3A_143 : memref<1000000x16xf32, #tpu.memory_space<hbm>>) target(%dma_start3A_138 : memref<128x16xf32, #tpu.memory_space<vmem>>) offsets(%dma_start3A_140 : memref<128xi32, #tpu.memory_space<vmem>>) semaphore(%arg24 : memref<!tpu.dma_semaphore, #tpu.memory_space<semaphore_mem>>)
    %dma_start3A_144 = arith.constant 896 : i32
    %dma_start3A_145 = arith.constant 0 : i32
    %dma_start3A_146 = tpu.memref_slice %arg16[%dma_start3A_144, %dma_start3A_145] : memref<1664x16xf32, #tpu.memory_space<vmem>> -> memref<128x16xf32, #tpu.memory_space<vmem>>
    %dma_start3A_147 = arith.constant 896 : i32
    %dma_start3A_148 = tpu.memref_slice %arg10[%dma_start3A_147] : memref<1664xi32, #tpu.memory_space<vmem>> -> memref<128xi32, #tpu.memory_space<vmem>>
    %dma_start3A_149 = arith.constant 0 : i32
    %dma_start3A_150 = arith.constant 0 : i32
    %dma_start3A_151 = tpu.memref_slice %arg5[%dma_start3A_149, %dma_start3A_150] : memref<1000000x16xf32, #tpu.memory_space<hbm>> -> memref<1000000x16xf32, #tpu.memory_space<hbm>>
    tpu.enqueue_indirect_dma source(%dma_start3A_151 : memref<1000000x16xf32, #tpu.memory_space<hbm>>) target(%dma_start3A_146 : memref<128x16xf32, #tpu.memory_space<vmem>>) offsets(%dma_start3A_148 : memref<128xi32, #tpu.memory_space<vmem>>) semaphore(%arg24 : memref<!tpu.dma_semaphore, #tpu.memory_space<semaphore_mem>>)
    %dma_start3A_152 = arith.constant 1024 : i32
    %dma_start3A_153 = arith.constant 0 : i32
    %dma_start3A_154 = tpu.memref_slice %arg14[%dma_start3A_152, %dma_start3A_153] : memref<1664x16xf32, #tpu.memory_space<vmem>> -> memref<128x16xf32, #tpu.memory_space<vmem>>
    %dma_start3A_155 = arith.constant 1024 : i32
    %dma_start3A_156 = tpu.memref_slice %arg8[%dma_start3A_155] : memref<1664xi32, #tpu.memory_space<vmem>> -> memref<128xi32, #tpu.memory_space<vmem>>
    %dma_start3A_157 = arith.constant 0 : i32
    %dma_start3A_158 = arith.constant 0 : i32
    %dma_start3A_159 = tpu.memref_slice %arg5[%dma_start3A_157, %dma_start3A_158] : memref<1000000x16xf32, #tpu.memory_space<hbm>> -> memref<1000000x16xf32, #tpu.memory_space<hbm>>
    tpu.enqueue_indirect_dma source(%dma_start3A_159 : memref<1000000x16xf32, #tpu.memory_space<hbm>>) target(%dma_start3A_154 : memref<128x16xf32, #tpu.memory_space<vmem>>) offsets(%dma_start3A_156 : memref<128xi32, #tpu.memory_space<vmem>>) semaphore(%arg24 : memref<!tpu.dma_semaphore, #tpu.memory_space<semaphore_mem>>)
    %dma_start3A_160 = arith.constant 1024 : i32
    %dma_start3A_161 = arith.constant 0 : i32
    %dma_start3A_162 = tpu.memref_slice %arg16[%dma_start3A_160, %dma_start3A_161] : memref<1664x16xf32, #tpu.memory_space<vmem>> -> memref<128x16xf32, #tpu.memory_space<vmem>>
    %dma_start3A_163 = arith.constant 1024 : i32
    %dma_start3A_164 = tpu.memref_slice %arg10[%dma_start3A_163] : memref<1664xi32, #tpu.memory_space<vmem>> -> memref<128xi32, #tpu.memory_space<vmem>>
    %dma_start3A_165 = arith.constant 0 : i32
    %dma_start3A_166 = arith.constant 0 : i32
    %dma_start3A_167 = tpu.memref_slice %arg5[%dma_start3A_165, %dma_start3A_166] : memref<1000000x16xf32, #tpu.memory_space<hbm>> -> memref<1000000x16xf32, #tpu.memory_space<hbm>>
    tpu.enqueue_indirect_dma source(%dma_start3A_167 : memref<1000000x16xf32, #tpu.memory_space<hbm>>) target(%dma_start3A_162 : memref<128x16xf32, #tpu.memory_space<vmem>>) offsets(%dma_start3A_164 : memref<128xi32, #tpu.memory_space<vmem>>) semaphore(%arg24 : memref<!tpu.dma_semaphore, #tpu.memory_space<semaphore_mem>>)
    %dma_start3A_168 = arith.constant 1152 : i32
    %dma_start3A_169 = arith.constant 0 : i32
    %dma_start3A_170 = tpu.memref_slice %arg14[%dma_start3A_168, %dma_start3A_169] : memref<1664x16xf32, #tpu.memory_space<vmem>> -> memref<128x16xf32, #tpu.memory_space<vmem>>
    %dma_start3A_171 = arith.constant 1152 : i32
    %dma_start3A_172 = tpu.memref_slice %arg8[%dma_start3A_171] : memref<1664xi32, #tpu.memory_space<vmem>> -> memref<128xi32, #tpu.memory_space<vmem>>
    %dma_start3A_173 = arith.constant 0 : i32
    %dma_start3A_174 = arith.constant 0 : i32
    %dma_start3A_175 = tpu.memref_slice %arg5[%dma_start3A_173, %dma_start3A_174] : memref<1000000x16xf32, #tpu.memory_space<hbm>> -> memref<1000000x16xf32, #tpu.memory_space<hbm>>
    tpu.enqueue_indirect_dma source(%dma_start3A_175 : memref<1000000x16xf32, #tpu.memory_space<hbm>>) target(%dma_start3A_170 : memref<128x16xf32, #tpu.memory_space<vmem>>) offsets(%dma_start3A_172 : memref<128xi32, #tpu.memory_space<vmem>>) semaphore(%arg24 : memref<!tpu.dma_semaphore, #tpu.memory_space<semaphore_mem>>)
    %dma_start3A_176 = arith.constant 1152 : i32
    %dma_start3A_177 = arith.constant 0 : i32
    %dma_start3A_178 = tpu.memref_slice %arg16[%dma_start3A_176, %dma_start3A_177] : memref<1664x16xf32, #tpu.memory_space<vmem>> -> memref<128x16xf32, #tpu.memory_space<vmem>>
    %dma_start3A_179 = arith.constant 1152 : i32
    %dma_start3A_180 = tpu.memref_slice %arg10[%dma_start3A_179] : memref<1664xi32, #tpu.memory_space<vmem>> -> memref<128xi32, #tpu.memory_space<vmem>>
    %dma_start3A_181 = arith.constant 0 : i32
    %dma_start3A_182 = arith.constant 0 : i32
    %dma_start3A_183 = tpu.memref_slice %arg5[%dma_start3A_181, %dma_start3A_182] : memref<1000000x16xf32, #tpu.memory_space<hbm>> -> memref<1000000x16xf32, #tpu.memory_space<hbm>>
    tpu.enqueue_indirect_dma source(%dma_start3A_183 : memref<1000000x16xf32, #tpu.memory_space<hbm>>) target(%dma_start3A_178 : memref<128x16xf32, #tpu.memory_space<vmem>>) offsets(%dma_start3A_180 : memref<128xi32, #tpu.memory_space<vmem>>) semaphore(%arg24 : memref<!tpu.dma_semaphore, #tpu.memory_space<semaphore_mem>>)
    %dma_start3A_184 = arith.constant 1280 : i32
    %dma_start3A_185 = arith.constant 0 : i32
    %dma_start3A_186 = tpu.memref_slice %arg14[%dma_start3A_184, %dma_start3A_185] : memref<1664x16xf32, #tpu.memory_space<vmem>> -> memref<128x16xf32, #tpu.memory_space<vmem>>
    %dma_start3A_187 = arith.constant 1280 : i32
    %dma_start3A_188 = tpu.memref_slice %arg8[%dma_start3A_187] : memref<1664xi32, #tpu.memory_space<vmem>> -> memref<128xi32, #tpu.memory_space<vmem>>
    %dma_start3A_189 = arith.constant 0 : i32
    %dma_start3A_190 = arith.constant 0 : i32
    %dma_start3A_191 = tpu.memref_slice %arg5[%dma_start3A_189, %dma_start3A_190] : memref<1000000x16xf32, #tpu.memory_space<hbm>> -> memref<1000000x16xf32, #tpu.memory_space<hbm>>
    tpu.enqueue_indirect_dma source(%dma_start3A_191 : memref<1000000x16xf32, #tpu.memory_space<hbm>>) target(%dma_start3A_186 : memref<128x16xf32, #tpu.memory_space<vmem>>) offsets(%dma_start3A_188 : memref<128xi32, #tpu.memory_space<vmem>>) semaphore(%arg24 : memref<!tpu.dma_semaphore, #tpu.memory_space<semaphore_mem>>)
    %dma_start3A_192 = arith.constant 1280 : i32
    %dma_start3A_193 = arith.constant 0 : i32
    %dma_start3A_194 = tpu.memref_slice %arg16[%dma_start3A_192, %dma_start3A_193] : memref<1664x16xf32, #tpu.memory_space<vmem>> -> memref<128x16xf32, #tpu.memory_space<vmem>>
    %dma_start3A_195 = arith.constant 1280 : i32
    %dma_start3A_196 = tpu.memref_slice %arg10[%dma_start3A_195] : memref<1664xi32, #tpu.memory_space<vmem>> -> memref<128xi32, #tpu.memory_space<vmem>>
    %dma_start3A_197 = arith.constant 0 : i32
    %dma_start3A_198 = arith.constant 0 : i32
    %dma_start3A_199 = tpu.memref_slice %arg5[%dma_start3A_197, %dma_start3A_198] : memref<1000000x16xf32, #tpu.memory_space<hbm>> -> memref<1000000x16xf32, #tpu.memory_space<hbm>>
    tpu.enqueue_indirect_dma source(%dma_start3A_199 : memref<1000000x16xf32, #tpu.memory_space<hbm>>) target(%dma_start3A_194 : memref<128x16xf32, #tpu.memory_space<vmem>>) offsets(%dma_start3A_196 : memref<128xi32, #tpu.memory_space<vmem>>) semaphore(%arg24 : memref<!tpu.dma_semaphore, #tpu.memory_space<semaphore_mem>>)
    %dma_start3A_200 = arith.constant 1408 : i32
    %dma_start3A_201 = arith.constant 0 : i32
    %dma_start3A_202 = tpu.memref_slice %arg14[%dma_start3A_200, %dma_start3A_201] : memref<1664x16xf32, #tpu.memory_space<vmem>> -> memref<128x16xf32, #tpu.memory_space<vmem>>
    %dma_start3A_203 = arith.constant 1408 : i32
    %dma_start3A_204 = tpu.memref_slice %arg8[%dma_start3A_203] : memref<1664xi32, #tpu.memory_space<vmem>> -> memref<128xi32, #tpu.memory_space<vmem>>
    %dma_start3A_205 = arith.constant 0 : i32
    %dma_start3A_206 = arith.constant 0 : i32
    %dma_start3A_207 = tpu.memref_slice %arg5[%dma_start3A_205, %dma_start3A_206] : memref<1000000x16xf32, #tpu.memory_space<hbm>> -> memref<1000000x16xf32, #tpu.memory_space<hbm>>
    tpu.enqueue_indirect_dma source(%dma_start3A_207 : memref<1000000x16xf32, #tpu.memory_space<hbm>>) target(%dma_start3A_202 : memref<128x16xf32, #tpu.memory_space<vmem>>) offsets(%dma_start3A_204 : memref<128xi32, #tpu.memory_space<vmem>>) semaphore(%arg24 : memref<!tpu.dma_semaphore, #tpu.memory_space<semaphore_mem>>)
    %dma_start3A_208 = arith.constant 1408 : i32
    %dma_start3A_209 = arith.constant 0 : i32
    %dma_start3A_210 = tpu.memref_slice %arg16[%dma_start3A_208, %dma_start3A_209] : memref<1664x16xf32, #tpu.memory_space<vmem>> -> memref<128x16xf32, #tpu.memory_space<vmem>>
    %dma_start3A_211 = arith.constant 1408 : i32
    %dma_start3A_212 = tpu.memref_slice %arg10[%dma_start3A_211] : memref<1664xi32, #tpu.memory_space<vmem>> -> memref<128xi32, #tpu.memory_space<vmem>>
    %dma_start3A_213 = arith.constant 0 : i32
    %dma_start3A_214 = arith.constant 0 : i32
    %dma_start3A_215 = tpu.memref_slice %arg5[%dma_start3A_213, %dma_start3A_214] : memref<1000000x16xf32, #tpu.memory_space<hbm>> -> memref<1000000x16xf32, #tpu.memory_space<hbm>>
    tpu.enqueue_indirect_dma source(%dma_start3A_215 : memref<1000000x16xf32, #tpu.memory_space<hbm>>) target(%dma_start3A_210 : memref<128x16xf32, #tpu.memory_space<vmem>>) offsets(%dma_start3A_212 : memref<128xi32, #tpu.memory_space<vmem>>) semaphore(%arg24 : memref<!tpu.dma_semaphore, #tpu.memory_space<semaphore_mem>>)
    %dma_start3A_216 = arith.constant 1536 : i32
    %dma_start3A_217 = arith.constant 0 : i32
    %dma_start3A_218 = tpu.memref_slice %arg14[%dma_start3A_216, %dma_start3A_217] : memref<1664x16xf32, #tpu.memory_space<vmem>> -> memref<128x16xf32, #tpu.memory_space<vmem>>
    %dma_start3A_219 = arith.constant 1536 : i32
    %dma_start3A_220 = tpu.memref_slice %arg8[%dma_start3A_219] : memref<1664xi32, #tpu.memory_space<vmem>> -> memref<128xi32, #tpu.memory_space<vmem>>
    %dma_start3A_221 = arith.constant 0 : i32
    %dma_start3A_222 = arith.constant 0 : i32
    %dma_start3A_223 = tpu.memref_slice %arg5[%dma_start3A_221, %dma_start3A_222] : memref<1000000x16xf32, #tpu.memory_space<hbm>> -> memref<1000000x16xf32, #tpu.memory_space<hbm>>
    tpu.enqueue_indirect_dma source(%dma_start3A_223 : memref<1000000x16xf32, #tpu.memory_space<hbm>>) target(%dma_start3A_218 : memref<128x16xf32, #tpu.memory_space<vmem>>) offsets(%dma_start3A_220 : memref<128xi32, #tpu.memory_space<vmem>>) semaphore(%arg24 : memref<!tpu.dma_semaphore, #tpu.memory_space<semaphore_mem>>)
    %dma_start3A_224 = arith.constant 1536 : i32
    %dma_start3A_225 = arith.constant 0 : i32
    %dma_start3A_226 = tpu.memref_slice %arg16[%dma_start3A_224, %dma_start3A_225] : memref<1664x16xf32, #tpu.memory_space<vmem>> -> memref<128x16xf32, #tpu.memory_space<vmem>>
    %dma_start3A_227 = arith.constant 1536 : i32
    %dma_start3A_228 = tpu.memref_slice %arg10[%dma_start3A_227] : memref<1664xi32, #tpu.memory_space<vmem>> -> memref<128xi32, #tpu.memory_space<vmem>>
    %dma_start3A_229 = arith.constant 0 : i32
    %dma_start3A_230 = arith.constant 0 : i32
    %dma_start3A_231 = tpu.memref_slice %arg5[%dma_start3A_229, %dma_start3A_230] : memref<1000000x16xf32, #tpu.memory_space<hbm>> -> memref<1000000x16xf32, #tpu.memory_space<hbm>>
    tpu.enqueue_indirect_dma source(%dma_start3A_231 : memref<1000000x16xf32, #tpu.memory_space<hbm>>) target(%dma_start3A_226 : memref<128x16xf32, #tpu.memory_space<vmem>>) offsets(%dma_start3A_228 : memref<128xi32, #tpu.memory_space<vmem>>) semaphore(%arg24 : memref<!tpu.dma_semaphore, #tpu.memory_space<semaphore_mem>>)
    %mul3A_232 = arith.constant 512 : i32
    %mul3A_233 = arith.muli %add3A, %mul3A_232 : i32
    %add3A_234 = arith.constant 64 : i32
    %add3A_235 = arith.addi %mul3A_233, %add3A_234 : i32
    %mul3A_236 = arith.constant 26 : i32
    %mul3A_237 = arith.muli %add3A_235, %mul3A_236 : i32
    %multiple_of3A_238 = tpu.assume_multiple %mul3A_237, 1664 : i32
    %dma_start3A_239 = tpu.memref_slice %arg2[%multiple_of3A_238] : memref<425984xi32, #tpu.memory_space<hbm>> -> memref<1664xi32, #tpu.memory_space<hbm>>
    %dma_start3A_240 = tpu.memref_slice %arg2[%multiple_of3A_238] : memref<425984xi32, #tpu.memory_space<hbm>> -> memref<1664xi32, #tpu.memory_space<hbm>>
    tpu.enqueue_dma source(%dma_start3A_240 : memref<1664xi32, #tpu.memory_space<hbm>>) target(%arg9 : memref<1664xi32, #tpu.memory_space<vmem>>) target_semaphore(%arg23 : memref<!tpu.dma_semaphore, #tpu.memory_space<semaphore_mem>>)
    %dma_start3A_241 = tpu.memref_slice %arg3[%multiple_of3A_238] : memref<425984xi32, #tpu.memory_space<hbm>> -> memref<1664xi32, #tpu.memory_space<hbm>>
    %dma_start3A_242 = tpu.memref_slice %arg3[%multiple_of3A_238] : memref<425984xi32, #tpu.memory_space<hbm>> -> memref<1664xi32, #tpu.memory_space<hbm>>
    tpu.enqueue_dma source(%dma_start3A_242 : memref<1664xi32, #tpu.memory_space<hbm>>) target(%arg11 : memref<1664xi32, #tpu.memory_space<vmem>>) target_semaphore(%arg23 : memref<!tpu.dma_semaphore, #tpu.memory_space<semaphore_mem>>)
    %dma_start3A_243 = tpu.memref_slice %arg4[%multiple_of3A_238] : memref<425984xf32, #tpu.memory_space<hbm>> -> memref<1664xf32, #tpu.memory_space<hbm>>
    %dma_start3A_244 = tpu.memref_slice %arg4[%multiple_of3A_238] : memref<425984xf32, #tpu.memory_space<hbm>> -> memref<1664xf32, #tpu.memory_space<hbm>>
    tpu.enqueue_dma source(%dma_start3A_244 : memref<1664xf32, #tpu.memory_space<hbm>>) target(%arg13 : memref<1664xf32, #tpu.memory_space<vmem>>) target_semaphore(%arg23 : memref<!tpu.dma_semaphore, #tpu.memory_space<semaphore_mem>>)
    %scan3A = arith.constant 0 : i32
    %scan3A_245 = arith.constant 0 : i32
    %scan3A_246 = arith.constant 4 : i32
    %scan3A_247 = arith.addi %scan3A_245, %scan3A_246 : i32
    %scan3A_248 = arith.constant 1 : i32
    scf.for %scan3A_276 = %scan3A_245 to %scan3A_247 step %scan3A_248  : i32 {
      %mul3A_277 = arith.constant 2 : i32
      %mul3A_278 = arith.muli %scan3A_276, %mul3A_277 : i32
      %add3A_279 = arith.constant 0 : i32
      %add3A_280 = arith.addi %mul3A_278, %add3A_279 : i32
      %dma_wait3A_281 = arith.constant 0 : i32
      %dma_wait3A_282 = arith.constant 0 : i32
      %dma_wait3A_283 = tpu.memref_slice %arg14[%dma_wait3A_281, %dma_wait3A_282] : memref<1664x16xf32, #tpu.memory_space<vmem>> -> memref<128x16xf32, #tpu.memory_space<vmem>>
      %dma_wait3A_284 = arith.constant 0 : i32
      %dma_wait3A_285 = tpu.memref_slice %arg8[%dma_wait3A_284] : memref<1664xi32, #tpu.memory_space<vmem>> -> memref<128xi32, #tpu.memory_space<vmem>>
      %dma_wait3A_286 = arith.constant 0 : i32
      %dma_wait3A_287 = arith.constant 0 : i32
      %dma_wait3A_288 = tpu.memref_slice %arg5[%dma_wait3A_286, %dma_wait3A_287] : memref<1000000x16xf32, #tpu.memory_space<hbm>> -> memref<1000000x16xf32, #tpu.memory_space<hbm>>
      tpu.wait_indirect_dma semaphore(%arg24 : memref<!tpu.dma_semaphore, #tpu.memory_space<semaphore_mem>>) src(%dma_wait3A_288 : memref<1000000x16xf32, #tpu.memory_space<hbm>>) dst(%dma_wait3A_283 : memref<128x16xf32, #tpu.memory_space<vmem>>)
      %dma_wait3A_289 = arith.constant 0 : i32
      %dma_wait3A_290 = arith.constant 0 : i32
      %dma_wait3A_291 = tpu.memref_slice %arg16[%dma_wait3A_289, %dma_wait3A_290] : memref<1664x16xf32, #tpu.memory_space<vmem>> -> memref<128x16xf32, #tpu.memory_space<vmem>>
      %dma_wait3A_292 = arith.constant 0 : i32
      %dma_wait3A_293 = tpu.memref_slice %arg10[%dma_wait3A_292] : memref<1664xi32, #tpu.memory_space<vmem>> -> memref<128xi32, #tpu.memory_space<vmem>>
      %dma_wait3A_294 = arith.constant 0 : i32
      %dma_wait3A_295 = arith.constant 0 : i32
      %dma_wait3A_296 = tpu.memref_slice %arg5[%dma_wait3A_294, %dma_wait3A_295] : memref<1000000x16xf32, #tpu.memory_space<hbm>> -> memref<1000000x16xf32, #tpu.memory_space<hbm>>
      tpu.wait_indirect_dma semaphore(%arg24 : memref<!tpu.dma_semaphore, #tpu.memory_space<semaphore_mem>>) src(%dma_wait3A_296 : memref<1000000x16xf32, #tpu.memory_space<hbm>>) dst(%dma_wait3A_291 : memref<128x16xf32, #tpu.memory_space<vmem>>)
      %dma_wait3A_297 = arith.constant 128 : i32
      %dma_wait3A_298 = arith.constant 0 : i32
      %dma_wait3A_299 = tpu.memref_slice %arg14[%dma_wait3A_297, %dma_wait3A_298] : memref<1664x16xf32, #tpu.memory_space<vmem>> -> memref<128x16xf32, #tpu.memory_space<vmem>>
      %dma_wait3A_300 = arith.constant 128 : i32
      %dma_wait3A_301 = tpu.memref_slice %arg8[%dma_wait3A_300] : memref<1664xi32, #tpu.memory_space<vmem>> -> memref<128xi32, #tpu.memory_space<vmem>>
      %dma_wait3A_302 = arith.constant 0 : i32
      %dma_wait3A_303 = arith.constant 0 : i32
      %dma_wait3A_304 = tpu.memref_slice %arg5[%dma_wait3A_302, %dma_wait3A_303] : memref<1000000x16xf32, #tpu.memory_space<hbm>> -> memref<1000000x16xf32, #tpu.memory_space<hbm>>
      tpu.wait_indirect_dma semaphore(%arg24 : memref<!tpu.dma_semaphore, #tpu.memory_space<semaphore_mem>>) src(%dma_wait3A_304 : memref<1000000x16xf32, #tpu.memory_space<hbm>>) dst(%dma_wait3A_299 : memref<128x16xf32, #tpu.memory_space<vmem>>)
      %dma_wait3A_305 = arith.constant 128 : i32
      %dma_wait3A_306 = arith.constant 0 : i32
      %dma_wait3A_307 = tpu.memref_slice %arg16[%dma_wait3A_305, %dma_wait3A_306] : memref<1664x16xf32, #tpu.memory_space<vmem>> -> memref<128x16xf32, #tpu.memory_space<vmem>>
      %dma_wait3A_308 = arith.constant 128 : i32
      %dma_wait3A_309 = tpu.memref_slice %arg10[%dma_wait3A_308] : memref<1664xi32, #tpu.memory_space<vmem>> -> memref<128xi32, #tpu.memory_space<vmem>>
      %dma_wait3A_310 = arith.constant 0 : i32
      %dma_wait3A_311 = arith.constant 0 : i32
      %dma_wait3A_312 = tpu.memref_slice %arg5[%dma_wait3A_310, %dma_wait3A_311] : memref<1000000x16xf32, #tpu.memory_space<hbm>> -> memref<1000000x16xf32, #tpu.memory_space<hbm>>
      tpu.wait_indirect_dma semaphore(%arg24 : memref<!tpu.dma_semaphore, #tpu.memory_space<semaphore_mem>>) src(%dma_wait3A_312 : memref<1000000x16xf32, #tpu.memory_space<hbm>>) dst(%dma_wait3A_307 : memref<128x16xf32, #tpu.memory_space<vmem>>)
      %dma_wait3A_313 = arith.constant 256 : i32
      %dma_wait3A_314 = arith.constant 0 : i32
      %dma_wait3A_315 = tpu.memref_slice %arg14[%dma_wait3A_313, %dma_wait3A_314] : memref<1664x16xf32, #tpu.memory_space<vmem>> -> memref<128x16xf32, #tpu.memory_space<vmem>>
      %dma_wait3A_316 = arith.constant 256 : i32
      %dma_wait3A_317 = tpu.memref_slice %arg8[%dma_wait3A_316] : memref<1664xi32, #tpu.memory_space<vmem>> -> memref<128xi32, #tpu.memory_space<vmem>>
      %dma_wait3A_318 = arith.constant 0 : i32
      %dma_wait3A_319 = arith.constant 0 : i32
      %dma_wait3A_320 = tpu.memref_slice %arg5[%dma_wait3A_318, %dma_wait3A_319] : memref<1000000x16xf32, #tpu.memory_space<hbm>> -> memref<1000000x16xf32, #tpu.memory_space<hbm>>
      tpu.wait_indirect_dma semaphore(%arg24 : memref<!tpu.dma_semaphore, #tpu.memory_space<semaphore_mem>>) src(%dma_wait3A_320 : memref<1000000x16xf32, #tpu.memory_space<hbm>>) dst(%dma_wait3A_315 : memref<128x16xf32, #tpu.memory_space<vmem>>)
      %dma_wait3A_321 = arith.constant 256 : i32
      %dma_wait3A_322 = arith.constant 0 : i32
      %dma_wait3A_323 = tpu.memref_slice %arg16[%dma_wait3A_321, %dma_wait3A_322] : memref<1664x16xf32, #tpu.memory_space<vmem>> -> memref<128x16xf32, #tpu.memory_space<vmem>>
      %dma_wait3A_324 = arith.constant 256 : i32
      %dma_wait3A_325 = tpu.memref_slice %arg10[%dma_wait3A_324] : memref<1664xi32, #tpu.memory_space<vmem>> -> memref<128xi32, #tpu.memory_space<vmem>>
      %dma_wait3A_326 = arith.constant 0 : i32
      %dma_wait3A_327 = arith.constant 0 : i32
      %dma_wait3A_328 = tpu.memref_slice %arg5[%dma_wait3A_326, %dma_wait3A_327] : memref<1000000x16xf32, #tpu.memory_space<hbm>> -> memref<1000000x16xf32, #tpu.memory_space<hbm>>
      tpu.wait_indirect_dma semaphore(%arg24 : memref<!tpu.dma_semaphore, #tpu.memory_space<semaphore_mem>>) src(%dma_wait3A_328 : memref<1000000x16xf32, #tpu.memory_space<hbm>>) dst(%dma_wait3A_323 : memref<128x16xf32, #tpu.memory_space<vmem>>)
      %dma_wait3A_329 = arith.constant 384 : i32
      %dma_wait3A_330 = arith.constant 0 : i32
      %dma_wait3A_331 = tpu.memref_slice %arg14[%dma_wait3A_329, %dma_wait3A_330] : memref<1664x16xf32, #tpu.memory_space<vmem>> -> memref<128x16xf32, #tpu.memory_space<vmem>>
      %dma_wait3A_332 = arith.constant 384 : i32
      %dma_wait3A_333 = tpu.memref_slice %arg8[%dma_wait3A_332] : memref<1664xi32, #tpu.memory_space<vmem>> -> memref<128xi32, #tpu.memory_space<vmem>>
      %dma_wait3A_334 = arith.constant 0 : i32
      %dma_wait3A_335 = arith.constant 0 : i32
      %dma_wait3A_336 = tpu.memref_slice %arg5[%dma_wait3A_334, %dma_wait3A_335] : memref<1000000x16xf32, #tpu.memory_space<hbm>> -> memref<1000000x16xf32, #tpu.memory_space<hbm>>
      tpu.wait_indirect_dma semaphore(%arg24 : memref<!tpu.dma_semaphore, #tpu.memory_space<semaphore_mem>>) src(%dma_wait3A_336 : memref<1000000x16xf32, #tpu.memory_space<hbm>>) dst(%dma_wait3A_331 : memref<128x16xf32, #tpu.memory_space<vmem>>)
      %dma_wait3A_337 = arith.constant 384 : i32
      %dma_wait3A_338 = arith.constant 0 : i32
      %dma_wait3A_339 = tpu.memref_slice %arg16[%dma_wait3A_337, %dma_wait3A_338] : memref<1664x16xf32, #tpu.memory_space<vmem>> -> memref<128x16xf32, #tpu.memory_space<vmem>>
      %dma_wait3A_340 = arith.constant 384 : i32
      %dma_wait3A_341 = tpu.memref_slice %arg10[%dma_wait3A_340] : memref<1664xi32, #tpu.memory_space<vmem>> -> memref<128xi32, #tpu.memory_space<vmem>>
      %dma_wait3A_342 = arith.constant 0 : i32
      %dma_wait3A_343 = arith.constant 0 : i32
      %dma_wait3A_344 = tpu.memref_slice %arg5[%dma_wait3A_342, %dma_wait3A_343] : memref<1000000x16xf32, #tpu.memory_space<hbm>> -> memref<1000000x16xf32, #tpu.memory_space<hbm>>
      tpu.wait_indirect_dma semaphore(%arg24 : memref<!tpu.dma_semaphore, #tpu.memory_space<semaphore_mem>>) src(%dma_wait3A_344 : memref<1000000x16xf32, #tpu.memory_space<hbm>>) dst(%dma_wait3A_339 : memref<128x16xf32, #tpu.memory_space<vmem>>)
      %dma_wait3A_345 = arith.constant 512 : i32
      %dma_wait3A_346 = arith.constant 0 : i32
      %dma_wait3A_347 = tpu.memref_slice %arg14[%dma_wait3A_345, %dma_wait3A_346] : memref<1664x16xf32, #tpu.memory_space<vmem>> -> memref<128x16xf32, #tpu.memory_space<vmem>>
      %dma_wait3A_348 = arith.constant 512 : i32
      %dma_wait3A_349 = tpu.memref_slice %arg8[%dma_wait3A_348] : memref<1664xi32, #tpu.memory_space<vmem>> -> memref<128xi32, #tpu.memory_space<vmem>>
      %dma_wait3A_350 = arith.constant 0 : i32
      %dma_wait3A_351 = arith.constant 0 : i32
      %dma_wait3A_352 = tpu.memref_slice %arg5[%dma_wait3A_350, %dma_wait3A_351] : memref<1000000x16xf32, #tpu.memory_space<hbm>> -> memref<1000000x16xf32, #tpu.memory_space<hbm>>
      tpu.wait_indirect_dma semaphore(%arg24 : memref<!tpu.dma_semaphore, #tpu.memory_space<semaphore_mem>>) src(%dma_wait3A_352 : memref<1000000x16xf32, #tpu.memory_space<hbm>>) dst(%dma_wait3A_347 : memref<128x16xf32, #tpu.memory_space<vmem>>)
      %dma_wait3A_353 = arith.constant 512 : i32
      %dma_wait3A_354 = arith.constant 0 : i32
      %dma_wait3A_355 = tpu.memref_slice %arg16[%dma_wait3A_353, %dma_wait3A_354] : memref<1664x16xf32, #tpu.memory_space<vmem>> -> memref<128x16xf32, #tpu.memory_space<vmem>>
      %dma_wait3A_356 = arith.constant 512 : i32
      %dma_wait3A_357 = tpu.memref_slice %arg10[%dma_wait3A_356] : memref<1664xi32, #tpu.memory_space<vmem>> -> memref<128xi32, #tpu.memory_space<vmem>>
      %dma_wait3A_358 = arith.constant 0 : i32
      %dma_wait3A_359 = arith.constant 0 : i32
      %dma_wait3A_360 = tpu.memref_slice %arg5[%dma_wait3A_358, %dma_wait3A_359] : memref<1000000x16xf32, #tpu.memory_space<hbm>> -> memref<1000000x16xf32, #tpu.memory_space<hbm>>
      tpu.wait_indirect_dma semaphore(%arg24 : memref<!tpu.dma_semaphore, #tpu.memory_space<semaphore_mem>>) src(%dma_wait3A_360 : memref<1000000x16xf32, #tpu.memory_space<hbm>>) dst(%dma_wait3A_355 : memref<128x16xf32, #tpu.memory_space<vmem>>)
      %dma_wait3A_361 = arith.constant 640 : i32
      %dma_wait3A_362 = arith.constant 0 : i32
      %dma_wait3A_363 = tpu.memref_slice %arg14[%dma_wait3A_361, %dma_wait3A_362] : memref<1664x16xf32, #tpu.memory_space<vmem>> -> memref<128x16xf32, #tpu.memory_space<vmem>>
      %dma_wait3A_364 = arith.constant 640 : i32
      %dma_wait3A_365 = tpu.memref_slice %arg8[%dma_wait3A_364] : memref<1664xi32, #tpu.memory_space<vmem>> -> memref<128xi32, #tpu.memory_space<vmem>>
      %dma_wait3A_366 = arith.constant 0 : i32
      %dma_wait3A_367 = arith.constant 0 : i32
      %dma_wait3A_368 = tpu.memref_slice %arg5[%dma_wait3A_366, %dma_wait3A_367] : memref<1000000x16xf32, #tpu.memory_space<hbm>> -> memref<1000000x16xf32, #tpu.memory_space<hbm>>
      tpu.wait_indirect_dma semaphore(%arg24 : memref<!tpu.dma_semaphore, #tpu.memory_space<semaphore_mem>>) src(%dma_wait3A_368 : memref<1000000x16xf32, #tpu.memory_space<hbm>>) dst(%dma_wait3A_363 : memref<128x16xf32, #tpu.memory_space<vmem>>)
      %dma_wait3A_369 = arith.constant 640 : i32
      %dma_wait3A_370 = arith.constant 0 : i32
      %dma_wait3A_371 = tpu.memref_slice %arg16[%dma_wait3A_369, %dma_wait3A_370] : memref<1664x16xf32, #tpu.memory_space<vmem>> -> memref<128x16xf32, #tpu.memory_space<vmem>>
      %dma_wait3A_372 = arith.constant 640 : i32
      %dma_wait3A_373 = tpu.memref_slice %arg10[%dma_wait3A_372] : memref<1664xi32, #tpu.memory_space<vmem>> -> memref<128xi32, #tpu.memory_space<vmem>>
      %dma_wait3A_374 = arith.constant 0 : i32
      %dma_wait3A_375 = arith.constant 0 : i32
      %dma_wait3A_376 = tpu.memref_slice %arg5[%dma_wait3A_374, %dma_wait3A_375] : memref<1000000x16xf32, #tpu.memory_space<hbm>> -> memref<1000000x16xf32, #tpu.memory_space<hbm>>
      tpu.wait_indirect_dma semaphore(%arg24 : memref<!tpu.dma_semaphore, #tpu.memory_space<semaphore_mem>>) src(%dma_wait3A_376 : memref<1000000x16xf32, #tpu.memory_space<hbm>>) dst(%dma_wait3A_371 : memref<128x16xf32, #tpu.memory_space<vmem>>)
      %dma_wait3A_377 = arith.constant 768 : i32
      %dma_wait3A_378 = arith.constant 0 : i32
      %dma_wait3A_379 = tpu.memref_slice %arg14[%dma_wait3A_377, %dma_wait3A_378] : memref<1664x16xf32, #tpu.memory_space<vmem>> -> memref<128x16xf32, #tpu.memory_space<vmem>>
      %dma_wait3A_380 = arith.constant 768 : i32
      %dma_wait3A_381 = tpu.memref_slice %arg8[%dma_wait3A_380] : memref<1664xi32, #tpu.memory_space<vmem>> -> memref<128xi32, #tpu.memory_space<vmem>>
      %dma_wait3A_382 = arith.constant 0 : i32
      %dma_wait3A_383 = arith.constant 0 : i32
      %dma_wait3A_384 = tpu.memref_slice %arg5[%dma_wait3A_382, %dma_wait3A_383] : memref<1000000x16xf32, #tpu.memory_space<hbm>> -> memref<1000000x16xf32, #tpu.memory_space<hbm>>
      tpu.wait_indirect_dma semaphore(%arg24 : memref<!tpu.dma_semaphore, #tpu.memory_space<semaphore_mem>>) src(%dma_wait3A_384 : memref<1000000x16xf32, #tpu.memory_space<hbm>>) dst(%dma_wait3A_379 : memref<128x16xf32, #tpu.memory_space<vmem>>)
      %dma_wait3A_385 = arith.constant 768 : i32
      %dma_wait3A_386 = arith.constant 0 : i32
      %dma_wait3A_387 = tpu.memref_slice %arg16[%dma_wait3A_385, %dma_wait3A_386] : memref<1664x16xf32, #tpu.memory_space<vmem>> -> memref<128x16xf32, #tpu.memory_space<vmem>>
      %dma_wait3A_388 = arith.constant 768 : i32
      %dma_wait3A_389 = tpu.memref_slice %arg10[%dma_wait3A_388] : memref<1664xi32, #tpu.memory_space<vmem>> -> memref<128xi32, #tpu.memory_space<vmem>>
      %dma_wait3A_390 = arith.constant 0 : i32
      %dma_wait3A_391 = arith.constant 0 : i32
      %dma_wait3A_392 = tpu.memref_slice %arg5[%dma_wait3A_390, %dma_wait3A_391] : memref<1000000x16xf32, #tpu.memory_space<hbm>> -> memref<1000000x16xf32, #tpu.memory_space<hbm>>
      tpu.wait_indirect_dma semaphore(%arg24 : memref<!tpu.dma_semaphore, #tpu.memory_space<semaphore_mem>>) src(%dma_wait3A_392 : memref<1000000x16xf32, #tpu.memory_space<hbm>>) dst(%dma_wait3A_387 : memref<128x16xf32, #tpu.memory_space<vmem>>)
      %dma_wait3A_393 = arith.constant 896 : i32
      %dma_wait3A_394 = arith.constant 0 : i32
      %dma_wait3A_395 = tpu.memref_slice %arg14[%dma_wait3A_393, %dma_wait3A_394] : memref<1664x16xf32, #tpu.memory_space<vmem>> -> memref<128x16xf32, #tpu.memory_space<vmem>>
      %dma_wait3A_396 = arith.constant 896 : i32
      %dma_wait3A_397 = tpu.memref_slice %arg8[%dma_wait3A_396] : memref<1664xi32, #tpu.memory_space<vmem>> -> memref<128xi32, #tpu.memory_space<vmem>>
      %dma_wait3A_398 = arith.constant 0 : i32
      %dma_wait3A_399 = arith.constant 0 : i32
      %dma_wait3A_400 = tpu.memref_slice %arg5[%dma_wait3A_398, %dma_wait3A_399] : memref<1000000x16xf32, #tpu.memory_space<hbm>> -> memref<1000000x16xf32, #tpu.memory_space<hbm>>
      tpu.wait_indirect_dma semaphore(%arg24 : memref<!tpu.dma_semaphore, #tpu.memory_space<semaphore_mem>>) src(%dma_wait3A_400 : memref<1000000x16xf32, #tpu.memory_space<hbm>>) dst(%dma_wait3A_395 : memref<128x16xf32, #tpu.memory_space<vmem>>)
      %dma_wait3A_401 = arith.constant 896 : i32
      %dma_wait3A_402 = arith.constant 0 : i32
      %dma_wait3A_403 = tpu.memref_slice %arg16[%dma_wait3A_401, %dma_wait3A_402] : memref<1664x16xf32, #tpu.memory_space<vmem>> -> memref<128x16xf32, #tpu.memory_space<vmem>>
      %dma_wait3A_404 = arith.constant 896 : i32
      %dma_wait3A_405 = tpu.memref_slice %arg10[%dma_wait3A_404] : memref<1664xi32, #tpu.memory_space<vmem>> -> memref<128xi32, #tpu.memory_space<vmem>>
      %dma_wait3A_406 = arith.constant 0 : i32
      %dma_wait3A_407 = arith.constant 0 : i32
      %dma_wait3A_408 = tpu.memref_slice %arg5[%dma_wait3A_406, %dma_wait3A_407] : memref<1000000x16xf32, #tpu.memory_space<hbm>> -> memref<1000000x16xf32, #tpu.memory_space<hbm>>
      tpu.wait_indirect_dma semaphore(%arg24 : memref<!tpu.dma_semaphore, #tpu.memory_space<semaphore_mem>>) src(%dma_wait3A_408 : memref<1000000x16xf32, #tpu.memory_space<hbm>>) dst(%dma_wait3A_403 : memref<128x16xf32, #tpu.memory_space<vmem>>)
      %dma_wait3A_409 = arith.constant 1024 : i32
      %dma_wait3A_410 = arith.constant 0 : i32
      %dma_wait3A_411 = tpu.memref_slice %arg14[%dma_wait3A_409, %dma_wait3A_410] : memref<1664x16xf32, #tpu.memory_space<vmem>> -> memref<128x16xf32, #tpu.memory_space<vmem>>
      %dma_wait3A_412 = arith.constant 1024 : i32
      %dma_wait3A_413 = tpu.memref_slice %arg8[%dma_wait3A_412] : memref<1664xi32, #tpu.memory_space<vmem>> -> memref<128xi32, #tpu.memory_space<vmem>>
      %dma_wait3A_414 = arith.constant 0 : i32
      %dma_wait3A_415 = arith.constant 0 : i32
      %dma_wait3A_416 = tpu.memref_slice %arg5[%dma_wait3A_414, %dma_wait3A_415] : memref<1000000x16xf32, #tpu.memory_space<hbm>> -> memref<1000000x16xf32, #tpu.memory_space<hbm>>
      tpu.wait_indirect_dma semaphore(%arg24 : memref<!tpu.dma_semaphore, #tpu.memory_space<semaphore_mem>>) src(%dma_wait3A_416 : memref<1000000x16xf32, #tpu.memory_space<hbm>>) dst(%dma_wait3A_411 : memref<128x16xf32, #tpu.memory_space<vmem>>)
      %dma_wait3A_417 = arith.constant 1024 : i32
      %dma_wait3A_418 = arith.constant 0 : i32
      %dma_wait3A_419 = tpu.memref_slice %arg16[%dma_wait3A_417, %dma_wait3A_418] : memref<1664x16xf32, #tpu.memory_space<vmem>> -> memref<128x16xf32, #tpu.memory_space<vmem>>
      %dma_wait3A_420 = arith.constant 1024 : i32
      %dma_wait3A_421 = tpu.memref_slice %arg10[%dma_wait3A_420] : memref<1664xi32, #tpu.memory_space<vmem>> -> memref<128xi32, #tpu.memory_space<vmem>>
      %dma_wait3A_422 = arith.constant 0 : i32
      %dma_wait3A_423 = arith.constant 0 : i32
      %dma_wait3A_424 = tpu.memref_slice %arg5[%dma_wait3A_422, %dma_wait3A_423] : memref<1000000x16xf32, #tpu.memory_space<hbm>> -> memref<1000000x16xf32, #tpu.memory_space<hbm>>
      tpu.wait_indirect_dma semaphore(%arg24 : memref<!tpu.dma_semaphore, #tpu.memory_space<semaphore_mem>>) src(%dma_wait3A_424 : memref<1000000x16xf32, #tpu.memory_space<hbm>>) dst(%dma_wait3A_419 : memref<128x16xf32, #tpu.memory_space<vmem>>)
      %dma_wait3A_425 = arith.constant 1152 : i32
      %dma_wait3A_426 = arith.constant 0 : i32
      %dma_wait3A_427 = tpu.memref_slice %arg14[%dma_wait3A_425, %dma_wait3A_426] : memref<1664x16xf32, #tpu.memory_space<vmem>> -> memref<128x16xf32, #tpu.memory_space<vmem>>
      %dma_wait3A_428 = arith.constant 1152 : i32
      %dma_wait3A_429 = tpu.memref_slice %arg8[%dma_wait3A_428] : memref<1664xi32, #tpu.memory_space<vmem>> -> memref<128xi32, #tpu.memory_space<vmem>>
      %dma_wait3A_430 = arith.constant 0 : i32
      %dma_wait3A_431 = arith.constant 0 : i32
      %dma_wait3A_432 = tpu.memref_slice %arg5[%dma_wait3A_430, %dma_wait3A_431] : memref<1000000x16xf32, #tpu.memory_space<hbm>> -> memref<1000000x16xf32, #tpu.memory_space<hbm>>
      tpu.wait_indirect_dma semaphore(%arg24 : memref<!tpu.dma_semaphore, #tpu.memory_space<semaphore_mem>>) src(%dma_wait3A_432 : memref<1000000x16xf32, #tpu.memory_space<hbm>>) dst(%dma_wait3A_427 : memref<128x16xf32, #tpu.memory_space<vmem>>)
      %dma_wait3A_433 = arith.constant 1152 : i32
      %dma_wait3A_434 = arith.constant 0 : i32
      %dma_wait3A_435 = tpu.memref_slice %arg16[%dma_wait3A_433, %dma_wait3A_434] : memref<1664x16xf32, #tpu.memory_space<vmem>> -> memref<128x16xf32, #tpu.memory_space<vmem>>
      %dma_wait3A_436 = arith.constant 1152 : i32
      %dma_wait3A_437 = tpu.memref_slice %arg10[%dma_wait3A_436] : memref<1664xi32, #tpu.memory_space<vmem>> -> memref<128xi32, #tpu.memory_space<vmem>>
      %dma_wait3A_438 = arith.constant 0 : i32
      %dma_wait3A_439 = arith.constant 0 : i32
      %dma_wait3A_440 = tpu.memref_slice %arg5[%dma_wait3A_438, %dma_wait3A_439] : memref<1000000x16xf32, #tpu.memory_space<hbm>> -> memref<1000000x16xf32, #tpu.memory_space<hbm>>
      tpu.wait_indirect_dma semaphore(%arg24 : memref<!tpu.dma_semaphore, #tpu.memory_space<semaphore_mem>>) src(%dma_wait3A_440 : memref<1000000x16xf32, #tpu.memory_space<hbm>>) dst(%dma_wait3A_435 : memref<128x16xf32, #tpu.memory_space<vmem>>)
      %dma_wait3A_441 = arith.constant 1280 : i32
      %dma_wait3A_442 = arith.constant 0 : i32
      %dma_wait3A_443 = tpu.memref_slice %arg14[%dma_wait3A_441, %dma_wait3A_442] : memref<1664x16xf32, #tpu.memory_space<vmem>> -> memref<128x16xf32, #tpu.memory_space<vmem>>
      %dma_wait3A_444 = arith.constant 1280 : i32
      %dma_wait3A_445 = tpu.memref_slice %arg8[%dma_wait3A_444] : memref<1664xi32, #tpu.memory_space<vmem>> -> memref<128xi32, #tpu.memory_space<vmem>>
      %dma_wait3A_446 = arith.constant 0 : i32
      %dma_wait3A_447 = arith.constant 0 : i32
      %dma_wait3A_448 = tpu.memref_slice %arg5[%dma_wait3A_446, %dma_wait3A_447] : memref<1000000x16xf32, #tpu.memory_space<hbm>> -> memref<1000000x16xf32, #tpu.memory_space<hbm>>
      tpu.wait_indirect_dma semaphore(%arg24 : memref<!tpu.dma_semaphore, #tpu.memory_space<semaphore_mem>>) src(%dma_wait3A_448 : memref<1000000x16xf32, #tpu.memory_space<hbm>>) dst(%dma_wait3A_443 : memref<128x16xf32, #tpu.memory_space<vmem>>)
      %dma_wait3A_449 = arith.constant 1280 : i32
      %dma_wait3A_450 = arith.constant 0 : i32
      %dma_wait3A_451 = tpu.memref_slice %arg16[%dma_wait3A_449, %dma_wait3A_450] : memref<1664x16xf32, #tpu.memory_space<vmem>> -> memref<128x16xf32, #tpu.memory_space<vmem>>
      %dma_wait3A_452 = arith.constant 1280 : i32
      %dma_wait3A_453 = tpu.memref_slice %arg10[%dma_wait3A_452] : memref<1664xi32, #tpu.memory_space<vmem>> -> memref<128xi32, #tpu.memory_space<vmem>>
      %dma_wait3A_454 = arith.constant 0 : i32
      %dma_wait3A_455 = arith.constant 0 : i32
      %dma_wait3A_456 = tpu.memref_slice %arg5[%dma_wait3A_454, %dma_wait3A_455] : memref<1000000x16xf32, #tpu.memory_space<hbm>> -> memref<1000000x16xf32, #tpu.memory_space<hbm>>
      tpu.wait_indirect_dma semaphore(%arg24 : memref<!tpu.dma_semaphore, #tpu.memory_space<semaphore_mem>>) src(%dma_wait3A_456 : memref<1000000x16xf32, #tpu.memory_space<hbm>>) dst(%dma_wait3A_451 : memref<128x16xf32, #tpu.memory_space<vmem>>)
      %dma_wait3A_457 = arith.constant 1408 : i32
      %dma_wait3A_458 = arith.constant 0 : i32
      %dma_wait3A_459 = tpu.memref_slice %arg14[%dma_wait3A_457, %dma_wait3A_458] : memref<1664x16xf32, #tpu.memory_space<vmem>> -> memref<128x16xf32, #tpu.memory_space<vmem>>
      %dma_wait3A_460 = arith.constant 1408 : i32
      %dma_wait3A_461 = tpu.memref_slice %arg8[%dma_wait3A_460] : memref<1664xi32, #tpu.memory_space<vmem>> -> memref<128xi32, #tpu.memory_space<vmem>>
      %dma_wait3A_462 = arith.constant 0 : i32
      %dma_wait3A_463 = arith.constant 0 : i32
      %dma_wait3A_464 = tpu.memref_slice %arg5[%dma_wait3A_462, %dma_wait3A_463] : memref<1000000x16xf32, #tpu.memory_space<hbm>> -> memref<1000000x16xf32, #tpu.memory_space<hbm>>
      tpu.wait_indirect_dma semaphore(%arg24 : memref<!tpu.dma_semaphore, #tpu.memory_space<semaphore_mem>>) src(%dma_wait3A_464 : memref<1000000x16xf32, #tpu.memory_space<hbm>>) dst(%dma_wait3A_459 : memref<128x16xf32, #tpu.memory_space<vmem>>)
      %dma_wait3A_465 = arith.constant 1408 : i32
      %dma_wait3A_466 = arith.constant 0 : i32
      %dma_wait3A_467 = tpu.memref_slice %arg16[%dma_wait3A_465, %dma_wait3A_466] : memref<1664x16xf32, #tpu.memory_space<vmem>> -> memref<128x16xf32, #tpu.memory_space<vmem>>
      %dma_wait3A_468 = arith.constant 1408 : i32
      %dma_wait3A_469 = tpu.memref_slice %arg10[%dma_wait3A_468] : memref<1664xi32, #tpu.memory_space<vmem>> -> memref<128xi32, #tpu.memory_space<vmem>>
      %dma_wait3A_470 = arith.constant 0 : i32
      %dma_wait3A_471 = arith.constant 0 : i32
      %dma_wait3A_472 = tpu.memref_slice %arg5[%dma_wait3A_470, %dma_wait3A_471] : memref<1000000x16xf32, #tpu.memory_space<hbm>> -> memref<1000000x16xf32, #tpu.memory_space<hbm>>
      tpu.wait_indirect_dma semaphore(%arg24 : memref<!tpu.dma_semaphore, #tpu.memory_space<semaphore_mem>>) src(%dma_wait3A_472 : memref<1000000x16xf32, #tpu.memory_space<hbm>>) dst(%dma_wait3A_467 : memref<128x16xf32, #tpu.memory_space<vmem>>)
      %dma_wait3A_473 = arith.constant 1536 : i32
      %dma_wait3A_474 = arith.constant 0 : i32
      %dma_wait3A_475 = tpu.memref_slice %arg14[%dma_wait3A_473, %dma_wait3A_474] : memref<1664x16xf32, #tpu.memory_space<vmem>> -> memref<128x16xf32, #tpu.memory_space<vmem>>
      %dma_wait3A_476 = arith.constant 1536 : i32
      %dma_wait3A_477 = tpu.memref_slice %arg8[%dma_wait3A_476] : memref<1664xi32, #tpu.memory_space<vmem>> -> memref<128xi32, #tpu.memory_space<vmem>>
      %dma_wait3A_478 = arith.constant 0 : i32
      %dma_wait3A_479 = arith.constant 0 : i32
      %dma_wait3A_480 = tpu.memref_slice %arg5[%dma_wait3A_478, %dma_wait3A_479] : memref<1000000x16xf32, #tpu.memory_space<hbm>> -> memref<1000000x16xf32, #tpu.memory_space<hbm>>
      tpu.wait_indirect_dma semaphore(%arg24 : memref<!tpu.dma_semaphore, #tpu.memory_space<semaphore_mem>>) src(%dma_wait3A_480 : memref<1000000x16xf32, #tpu.memory_space<hbm>>) dst(%dma_wait3A_475 : memref<128x16xf32, #tpu.memory_space<vmem>>)
      %dma_wait3A_481 = arith.constant 1536 : i32
      %dma_wait3A_482 = arith.constant 0 : i32
      %dma_wait3A_483 = tpu.memref_slice %arg16[%dma_wait3A_481, %dma_wait3A_482] : memref<1664x16xf32, #tpu.memory_space<vmem>> -> memref<128x16xf32, #tpu.memory_space<vmem>>
      %dma_wait3A_484 = arith.constant 1536 : i32
      %dma_wait3A_485 = tpu.memref_slice %arg10[%dma_wait3A_484] : memref<1664xi32, #tpu.memory_space<vmem>> -> memref<128xi32, #tpu.memory_space<vmem>>
      %dma_wait3A_486 = arith.constant 0 : i32
      %dma_wait3A_487 = arith.constant 0 : i32
      %dma_wait3A_488 = tpu.memref_slice %arg5[%dma_wait3A_486, %dma_wait3A_487] : memref<1000000x16xf32, #tpu.memory_space<hbm>> -> memref<1000000x16xf32, #tpu.memory_space<hbm>>
      tpu.wait_indirect_dma semaphore(%arg24 : memref<!tpu.dma_semaphore, #tpu.memory_space<semaphore_mem>>) src(%dma_wait3A_488 : memref<1000000x16xf32, #tpu.memory_space<hbm>>) dst(%dma_wait3A_483 : memref<128x16xf32, #tpu.memory_space<vmem>>)
      %add3A_489 = arith.constant 1 : i32
      %add3A_490 = arith.addi %add3A_280, %add3A_489 : i32
      %lt3A = arith.constant 8 : i32
      %lt3A_491 = arith.cmpi slt, %add3A_490, %lt3A : i32
      %convert_element_type3A = arith.extui %lt3A_491 : i1 to i32
      %cond3A = arith.constant 0 : i32
      %cond3A_492 = arith.cmpi ne, %convert_element_type3A, %cond3A : i32
      scf.if %cond3A_492 {
        %add3A_775 = arith.constant 1 : i32
        %add3A_776 = arith.addi %add3A_280, %add3A_775 : i32
        %mul3A_777 = arith.constant 512 : i32
        %mul3A_778 = arith.muli %add3A, %mul3A_777 : i32
        %mul3A_779 = arith.constant 64 : i32
        %mul3A_780 = arith.muli %add3A_776, %mul3A_779 : i32
        %add3A_781 = arith.addi %mul3A_778, %mul3A_780 : i32
        %mul3A_782 = arith.constant 26 : i32
        %mul3A_783 = arith.muli %add3A_781, %mul3A_782 : i32
        %multiple_of3A_784 = tpu.assume_multiple %mul3A_783, 1664 : i32
        %dma_wait3A_785 = tpu.memref_slice %arg2[%multiple_of3A_784] : memref<425984xi32, #tpu.memory_space<hbm>> -> memref<1664xi32, #tpu.memory_space<hbm>>
        %dma_wait3A_786 = tpu.memref_slice %arg2[%multiple_of3A_784] : memref<425984xi32, #tpu.memory_space<hbm>> -> memref<1664xi32, #tpu.memory_space<hbm>>
        tpu.wait_dma2 semaphore(%arg23 : memref<!tpu.dma_semaphore, #tpu.memory_space<semaphore_mem>>) src(%dma_wait3A_786 : memref<1664xi32, #tpu.memory_space<hbm>>) dst(%arg9 : memref<1664xi32, #tpu.memory_space<vmem>>)
        %dma_wait3A_787 = tpu.memref_slice %arg3[%multiple_of3A_784] : memref<425984xi32, #tpu.memory_space<hbm>> -> memref<1664xi32, #tpu.memory_space<hbm>>
        %dma_wait3A_788 = tpu.memref_slice %arg3[%multiple_of3A_784] : memref<425984xi32, #tpu.memory_space<hbm>> -> memref<1664xi32, #tpu.memory_space<hbm>>
        tpu.wait_dma2 semaphore(%arg23 : memref<!tpu.dma_semaphore, #tpu.memory_space<semaphore_mem>>) src(%dma_wait3A_788 : memref<1664xi32, #tpu.memory_space<hbm>>) dst(%arg11 : memref<1664xi32, #tpu.memory_space<vmem>>)
        %dma_wait3A_789 = tpu.memref_slice %arg4[%multiple_of3A_784] : memref<425984xf32, #tpu.memory_space<hbm>> -> memref<1664xf32, #tpu.memory_space<hbm>>
        %dma_wait3A_790 = tpu.memref_slice %arg4[%multiple_of3A_784] : memref<425984xf32, #tpu.memory_space<hbm>> -> memref<1664xf32, #tpu.memory_space<hbm>>
        tpu.wait_dma2 semaphore(%arg23 : memref<!tpu.dma_semaphore, #tpu.memory_space<semaphore_mem>>) src(%dma_wait3A_790 : memref<1664xf32, #tpu.memory_space<hbm>>) dst(%arg13 : memref<1664xf32, #tpu.memory_space<vmem>>)
        %dma_start3A_791 = arith.constant 0 : i32
        %dma_start3A_792 = arith.constant 0 : i32
        %dma_start3A_793 = tpu.memref_slice %arg15[%dma_start3A_791, %dma_start3A_792] : memref<1664x16xf32, #tpu.memory_space<vmem>> -> memref<128x16xf32, #tpu.memory_space<vmem>>
        %dma_start3A_794 = arith.constant 0 : i32
        %dma_start3A_795 = tpu.memref_slice %arg9[%dma_start3A_794] : memref<1664xi32, #tpu.memory_space<vmem>> -> memref<128xi32, #tpu.memory_space<vmem>>
        %dma_start3A_796 = arith.constant 0 : i32
        %dma_start3A_797 = arith.constant 0 : i32
        %dma_start3A_798 = tpu.memref_slice %arg5[%dma_start3A_796, %dma_start3A_797] : memref<1000000x16xf32, #tpu.memory_space<hbm>> -> memref<1000000x16xf32, #tpu.memory_space<hbm>>
        tpu.enqueue_indirect_dma source(%dma_start3A_798 : memref<1000000x16xf32, #tpu.memory_space<hbm>>) target(%dma_start3A_793 : memref<128x16xf32, #tpu.memory_space<vmem>>) offsets(%dma_start3A_795 : memref<128xi32, #tpu.memory_space<vmem>>) semaphore(%arg25 : memref<!tpu.dma_semaphore, #tpu.memory_space<semaphore_mem>>)
        %dma_start3A_799 = arith.constant 0 : i32
        %dma_start3A_800 = arith.constant 0 : i32
        %dma_start3A_801 = tpu.memref_slice %arg17[%dma_start3A_799, %dma_start3A_800] : memref<1664x16xf32, #tpu.memory_space<vmem>> -> memref<128x16xf32, #tpu.memory_space<vmem>>
        %dma_start3A_802 = arith.constant 0 : i32
        %dma_start3A_803 = tpu.memref_slice %arg11[%dma_start3A_802] : memref<1664xi32, #tpu.memory_space<vmem>> -> memref<128xi32, #tpu.memory_space<vmem>>
        %dma_start3A_804 = arith.constant 0 : i32
        %dma_start3A_805 = arith.constant 0 : i32
        %dma_start3A_806 = tpu.memref_slice %arg5[%dma_start3A_804, %dma_start3A_805] : memref<1000000x16xf32, #tpu.memory_space<hbm>> -> memref<1000000x16xf32, #tpu.memory_space<hbm>>
        tpu.enqueue_indirect_dma source(%dma_start3A_806 : memref<1000000x16xf32, #tpu.memory_space<hbm>>) target(%dma_start3A_801 : memref<128x16xf32, #tpu.memory_space<vmem>>) offsets(%dma_start3A_803 : memref<128xi32, #tpu.memory_space<vmem>>) semaphore(%arg25 : memref<!tpu.dma_semaphore, #tpu.memory_space<semaphore_mem>>)
        %dma_start3A_807 = arith.constant 128 : i32
        %dma_start3A_808 = arith.constant 0 : i32
        %dma_start3A_809 = tpu.memref_slice %arg15[%dma_start3A_807, %dma_start3A_808] : memref<1664x16xf32, #tpu.memory_space<vmem>> -> memref<128x16xf32, #tpu.memory_space<vmem>>
        %dma_start3A_810 = arith.constant 128 : i32
        %dma_start3A_811 = tpu.memref_slice %arg9[%dma_start3A_810] : memref<1664xi32, #tpu.memory_space<vmem>> -> memref<128xi32, #tpu.memory_space<vmem>>
        %dma_start3A_812 = arith.constant 0 : i32
        %dma_start3A_813 = arith.constant 0 : i32
        %dma_start3A_814 = tpu.memref_slice %arg5[%dma_start3A_812, %dma_start3A_813] : memref<1000000x16xf32, #tpu.memory_space<hbm>> -> memref<1000000x16xf32, #tpu.memory_space<hbm>>
        tpu.enqueue_indirect_dma source(%dma_start3A_814 : memref<1000000x16xf32, #tpu.memory_space<hbm>>) target(%dma_start3A_809 : memref<128x16xf32, #tpu.memory_space<vmem>>) offsets(%dma_start3A_811 : memref<128xi32, #tpu.memory_space<vmem>>) semaphore(%arg25 : memref<!tpu.dma_semaphore, #tpu.memory_space<semaphore_mem>>)
        %dma_start3A_815 = arith.constant 128 : i32
        %dma_start3A_816 = arith.constant 0 : i32
        %dma_start3A_817 = tpu.memref_slice %arg17[%dma_start3A_815, %dma_start3A_816] : memref<1664x16xf32, #tpu.memory_space<vmem>> -> memref<128x16xf32, #tpu.memory_space<vmem>>
        %dma_start3A_818 = arith.constant 128 : i32
        %dma_start3A_819 = tpu.memref_slice %arg11[%dma_start3A_818] : memref<1664xi32, #tpu.memory_space<vmem>> -> memref<128xi32, #tpu.memory_space<vmem>>
        %dma_start3A_820 = arith.constant 0 : i32
        %dma_start3A_821 = arith.constant 0 : i32
        %dma_start3A_822 = tpu.memref_slice %arg5[%dma_start3A_820, %dma_start3A_821] : memref<1000000x16xf32, #tpu.memory_space<hbm>> -> memref<1000000x16xf32, #tpu.memory_space<hbm>>
        tpu.enqueue_indirect_dma source(%dma_start3A_822 : memref<1000000x16xf32, #tpu.memory_space<hbm>>) target(%dma_start3A_817 : memref<128x16xf32, #tpu.memory_space<vmem>>) offsets(%dma_start3A_819 : memref<128xi32, #tpu.memory_space<vmem>>) semaphore(%arg25 : memref<!tpu.dma_semaphore, #tpu.memory_space<semaphore_mem>>)
        %dma_start3A_823 = arith.constant 256 : i32
        %dma_start3A_824 = arith.constant 0 : i32
        %dma_start3A_825 = tpu.memref_slice %arg15[%dma_start3A_823, %dma_start3A_824] : memref<1664x16xf32, #tpu.memory_space<vmem>> -> memref<128x16xf32, #tpu.memory_space<vmem>>
        %dma_start3A_826 = arith.constant 256 : i32
        %dma_start3A_827 = tpu.memref_slice %arg9[%dma_start3A_826] : memref<1664xi32, #tpu.memory_space<vmem>> -> memref<128xi32, #tpu.memory_space<vmem>>
        %dma_start3A_828 = arith.constant 0 : i32
        %dma_start3A_829 = arith.constant 0 : i32
        %dma_start3A_830 = tpu.memref_slice %arg5[%dma_start3A_828, %dma_start3A_829] : memref<1000000x16xf32, #tpu.memory_space<hbm>> -> memref<1000000x16xf32, #tpu.memory_space<hbm>>
        tpu.enqueue_indirect_dma source(%dma_start3A_830 : memref<1000000x16xf32, #tpu.memory_space<hbm>>) target(%dma_start3A_825 : memref<128x16xf32, #tpu.memory_space<vmem>>) offsets(%dma_start3A_827 : memref<128xi32, #tpu.memory_space<vmem>>) semaphore(%arg25 : memref<!tpu.dma_semaphore, #tpu.memory_space<semaphore_mem>>)
        %dma_start3A_831 = arith.constant 256 : i32
        %dma_start3A_832 = arith.constant 0 : i32
        %dma_start3A_833 = tpu.memref_slice %arg17[%dma_start3A_831, %dma_start3A_832] : memref<1664x16xf32, #tpu.memory_space<vmem>> -> memref<128x16xf32, #tpu.memory_space<vmem>>
        %dma_start3A_834 = arith.constant 256 : i32
        %dma_start3A_835 = tpu.memref_slice %arg11[%dma_start3A_834] : memref<1664xi32, #tpu.memory_space<vmem>> -> memref<128xi32, #tpu.memory_space<vmem>>
        %dma_start3A_836 = arith.constant 0 : i32
        %dma_start3A_837 = arith.constant 0 : i32
        %dma_start3A_838 = tpu.memref_slice %arg5[%dma_start3A_836, %dma_start3A_837] : memref<1000000x16xf32, #tpu.memory_space<hbm>> -> memref<1000000x16xf32, #tpu.memory_space<hbm>>
        tpu.enqueue_indirect_dma source(%dma_start3A_838 : memref<1000000x16xf32, #tpu.memory_space<hbm>>) target(%dma_start3A_833 : memref<128x16xf32, #tpu.memory_space<vmem>>) offsets(%dma_start3A_835 : memref<128xi32, #tpu.memory_space<vmem>>) semaphore(%arg25 : memref<!tpu.dma_semaphore, #tpu.memory_space<semaphore_mem>>)
        %dma_start3A_839 = arith.constant 384 : i32
        %dma_start3A_840 = arith.constant 0 : i32
        %dma_start3A_841 = tpu.memref_slice %arg15[%dma_start3A_839, %dma_start3A_840] : memref<1664x16xf32, #tpu.memory_space<vmem>> -> memref<128x16xf32, #tpu.memory_space<vmem>>
        %dma_start3A_842 = arith.constant 384 : i32
        %dma_start3A_843 = tpu.memref_slice %arg9[%dma_start3A_842] : memref<1664xi32, #tpu.memory_space<vmem>> -> memref<128xi32, #tpu.memory_space<vmem>>
        %dma_start3A_844 = arith.constant 0 : i32
        %dma_start3A_845 = arith.constant 0 : i32
        %dma_start3A_846 = tpu.memref_slice %arg5[%dma_start3A_844, %dma_start3A_845] : memref<1000000x16xf32, #tpu.memory_space<hbm>> -> memref<1000000x16xf32, #tpu.memory_space<hbm>>
        tpu.enqueue_indirect_dma source(%dma_start3A_846 : memref<1000000x16xf32, #tpu.memory_space<hbm>>) target(%dma_start3A_841 : memref<128x16xf32, #tpu.memory_space<vmem>>) offsets(%dma_start3A_843 : memref<128xi32, #tpu.memory_space<vmem>>) semaphore(%arg25 : memref<!tpu.dma_semaphore, #tpu.memory_space<semaphore_mem>>)
        %dma_start3A_847 = arith.constant 384 : i32
        %dma_start3A_848 = arith.constant 0 : i32
        %dma_start3A_849 = tpu.memref_slice %arg17[%dma_start3A_847, %dma_start3A_848] : memref<1664x16xf32, #tpu.memory_space<vmem>> -> memref<128x16xf32, #tpu.memory_space<vmem>>
        %dma_start3A_850 = arith.constant 384 : i32
        %dma_start3A_851 = tpu.memref_slice %arg11[%dma_start3A_850] : memref<1664xi32, #tpu.memory_space<vmem>> -> memref<128xi32, #tpu.memory_space<vmem>>
        %dma_start3A_852 = arith.constant 0 : i32
        %dma_start3A_853 = arith.constant 0 : i32
        %dma_start3A_854 = tpu.memref_slice %arg5[%dma_start3A_852, %dma_start3A_853] : memref<1000000x16xf32, #tpu.memory_space<hbm>> -> memref<1000000x16xf32, #tpu.memory_space<hbm>>
        tpu.enqueue_indirect_dma source(%dma_start3A_854 : memref<1000000x16xf32, #tpu.memory_space<hbm>>) target(%dma_start3A_849 : memref<128x16xf32, #tpu.memory_space<vmem>>) offsets(%dma_start3A_851 : memref<128xi32, #tpu.memory_space<vmem>>) semaphore(%arg25 : memref<!tpu.dma_semaphore, #tpu.memory_space<semaphore_mem>>)
        %dma_start3A_855 = arith.constant 512 : i32
        %dma_start3A_856 = arith.constant 0 : i32
        %dma_start3A_857 = tpu.memref_slice %arg15[%dma_start3A_855, %dma_start3A_856] : memref<1664x16xf32, #tpu.memory_space<vmem>> -> memref<128x16xf32, #tpu.memory_space<vmem>>
        %dma_start3A_858 = arith.constant 512 : i32
        %dma_start3A_859 = tpu.memref_slice %arg9[%dma_start3A_858] : memref<1664xi32, #tpu.memory_space<vmem>> -> memref<128xi32, #tpu.memory_space<vmem>>
        %dma_start3A_860 = arith.constant 0 : i32
        %dma_start3A_861 = arith.constant 0 : i32
        %dma_start3A_862 = tpu.memref_slice %arg5[%dma_start3A_860, %dma_start3A_861] : memref<1000000x16xf32, #tpu.memory_space<hbm>> -> memref<1000000x16xf32, #tpu.memory_space<hbm>>
        tpu.enqueue_indirect_dma source(%dma_start3A_862 : memref<1000000x16xf32, #tpu.memory_space<hbm>>) target(%dma_start3A_857 : memref<128x16xf32, #tpu.memory_space<vmem>>) offsets(%dma_start3A_859 : memref<128xi32, #tpu.memory_space<vmem>>) semaphore(%arg25 : memref<!tpu.dma_semaphore, #tpu.memory_space<semaphore_mem>>)
        %dma_start3A_863 = arith.constant 512 : i32
        %dma_start3A_864 = arith.constant 0 : i32
        %dma_start3A_865 = tpu.memref_slice %arg17[%dma_start3A_863, %dma_start3A_864] : memref<1664x16xf32, #tpu.memory_space<vmem>> -> memref<128x16xf32, #tpu.memory_space<vmem>>
        %dma_start3A_866 = arith.constant 512 : i32
        %dma_start3A_867 = tpu.memref_slice %arg11[%dma_start3A_866] : memref<1664xi32, #tpu.memory_space<vmem>> -> memref<128xi32, #tpu.memory_space<vmem>>
        %dma_start3A_868 = arith.constant 0 : i32
        %dma_start3A_869 = arith.constant 0 : i32
        %dma_start3A_870 = tpu.memref_slice %arg5[%dma_start3A_868, %dma_start3A_869] : memref<1000000x16xf32, #tpu.memory_space<hbm>> -> memref<1000000x16xf32, #tpu.memory_space<hbm>>
        tpu.enqueue_indirect_dma source(%dma_start3A_870 : memref<1000000x16xf32, #tpu.memory_space<hbm>>) target(%dma_start3A_865 : memref<128x16xf32, #tpu.memory_space<vmem>>) offsets(%dma_start3A_867 : memref<128xi32, #tpu.memory_space<vmem>>) semaphore(%arg25 : memref<!tpu.dma_semaphore, #tpu.memory_space<semaphore_mem>>)
        %dma_start3A_871 = arith.constant 640 : i32
        %dma_start3A_872 = arith.constant 0 : i32
        %dma_start3A_873 = tpu.memref_slice %arg15[%dma_start3A_871, %dma_start3A_872] : memref<1664x16xf32, #tpu.memory_space<vmem>> -> memref<128x16xf32, #tpu.memory_space<vmem>>
        %dma_start3A_874 = arith.constant 640 : i32
        %dma_start3A_875 = tpu.memref_slice %arg9[%dma_start3A_874] : memref<1664xi32, #tpu.memory_space<vmem>> -> memref<128xi32, #tpu.memory_space<vmem>>
        %dma_start3A_876 = arith.constant 0 : i32
        %dma_start3A_877 = arith.constant 0 : i32
        %dma_start3A_878 = tpu.memref_slice %arg5[%dma_start3A_876, %dma_start3A_877] : memref<1000000x16xf32, #tpu.memory_space<hbm>> -> memref<1000000x16xf32, #tpu.memory_space<hbm>>
        tpu.enqueue_indirect_dma source(%dma_start3A_878 : memref<1000000x16xf32, #tpu.memory_space<hbm>>) target(%dma_start3A_873 : memref<128x16xf32, #tpu.memory_space<vmem>>) offsets(%dma_start3A_875 : memref<128xi32, #tpu.memory_space<vmem>>) semaphore(%arg25 : memref<!tpu.dma_semaphore, #tpu.memory_space<semaphore_mem>>)
        %dma_start3A_879 = arith.constant 640 : i32
        %dma_start3A_880 = arith.constant 0 : i32
        %dma_start3A_881 = tpu.memref_slice %arg17[%dma_start3A_879, %dma_start3A_880] : memref<1664x16xf32, #tpu.memory_space<vmem>> -> memref<128x16xf32, #tpu.memory_space<vmem>>
        %dma_start3A_882 = arith.constant 640 : i32
        %dma_start3A_883 = tpu.memref_slice %arg11[%dma_start3A_882] : memref<1664xi32, #tpu.memory_space<vmem>> -> memref<128xi32, #tpu.memory_space<vmem>>
        %dma_start3A_884 = arith.constant 0 : i32
        %dma_start3A_885 = arith.constant 0 : i32
        %dma_start3A_886 = tpu.memref_slice %arg5[%dma_start3A_884, %dma_start3A_885] : memref<1000000x16xf32, #tpu.memory_space<hbm>> -> memref<1000000x16xf32, #tpu.memory_space<hbm>>
        tpu.enqueue_indirect_dma source(%dma_start3A_886 : memref<1000000x16xf32, #tpu.memory_space<hbm>>) target(%dma_start3A_881 : memref<128x16xf32, #tpu.memory_space<vmem>>) offsets(%dma_start3A_883 : memref<128xi32, #tpu.memory_space<vmem>>) semaphore(%arg25 : memref<!tpu.dma_semaphore, #tpu.memory_space<semaphore_mem>>)
        %dma_start3A_887 = arith.constant 768 : i32
        %dma_start3A_888 = arith.constant 0 : i32
        %dma_start3A_889 = tpu.memref_slice %arg15[%dma_start3A_887, %dma_start3A_888] : memref<1664x16xf32, #tpu.memory_space<vmem>> -> memref<128x16xf32, #tpu.memory_space<vmem>>
        %dma_start3A_890 = arith.constant 768 : i32
        %dma_start3A_891 = tpu.memref_slice %arg9[%dma_start3A_890] : memref<1664xi32, #tpu.memory_space<vmem>> -> memref<128xi32, #tpu.memory_space<vmem>>
        %dma_start3A_892 = arith.constant 0 : i32
        %dma_start3A_893 = arith.constant 0 : i32
        %dma_start3A_894 = tpu.memref_slice %arg5[%dma_start3A_892, %dma_start3A_893] : memref<1000000x16xf32, #tpu.memory_space<hbm>> -> memref<1000000x16xf32, #tpu.memory_space<hbm>>
        tpu.enqueue_indirect_dma source(%dma_start3A_894 : memref<1000000x16xf32, #tpu.memory_space<hbm>>) target(%dma_start3A_889 : memref<128x16xf32, #tpu.memory_space<vmem>>) offsets(%dma_start3A_891 : memref<128xi32, #tpu.memory_space<vmem>>) semaphore(%arg25 : memref<!tpu.dma_semaphore, #tpu.memory_space<semaphore_mem>>)
        %dma_start3A_895 = arith.constant 768 : i32
        %dma_start3A_896 = arith.constant 0 : i32
        %dma_start3A_897 = tpu.memref_slice %arg17[%dma_start3A_895, %dma_start3A_896] : memref<1664x16xf32, #tpu.memory_space<vmem>> -> memref<128x16xf32, #tpu.memory_space<vmem>>
        %dma_start3A_898 = arith.constant 768 : i32
        %dma_start3A_899 = tpu.memref_slice %arg11[%dma_start3A_898] : memref<1664xi32, #tpu.memory_space<vmem>> -> memref<128xi32, #tpu.memory_space<vmem>>
        %dma_start3A_900 = arith.constant 0 : i32
        %dma_start3A_901 = arith.constant 0 : i32
        %dma_start3A_902 = tpu.memref_slice %arg5[%dma_start3A_900, %dma_start3A_901] : memref<1000000x16xf32, #tpu.memory_space<hbm>> -> memref<1000000x16xf32, #tpu.memory_space<hbm>>
        tpu.enqueue_indirect_dma source(%dma_start3A_902 : memref<1000000x16xf32, #tpu.memory_space<hbm>>) target(%dma_start3A_897 : memref<128x16xf32, #tpu.memory_space<vmem>>) offsets(%dma_start3A_899 : memref<128xi32, #tpu.memory_space<vmem>>) semaphore(%arg25 : memref<!tpu.dma_semaphore, #tpu.memory_space<semaphore_mem>>)
        %dma_start3A_903 = arith.constant 896 : i32
        %dma_start3A_904 = arith.constant 0 : i32
        %dma_start3A_905 = tpu.memref_slice %arg15[%dma_start3A_903, %dma_start3A_904] : memref<1664x16xf32, #tpu.memory_space<vmem>> -> memref<128x16xf32, #tpu.memory_space<vmem>>
        %dma_start3A_906 = arith.constant 896 : i32
        %dma_start3A_907 = tpu.memref_slice %arg9[%dma_start3A_906] : memref<1664xi32, #tpu.memory_space<vmem>> -> memref<128xi32, #tpu.memory_space<vmem>>
        %dma_start3A_908 = arith.constant 0 : i32
        %dma_start3A_909 = arith.constant 0 : i32
        %dma_start3A_910 = tpu.memref_slice %arg5[%dma_start3A_908, %dma_start3A_909] : memref<1000000x16xf32, #tpu.memory_space<hbm>> -> memref<1000000x16xf32, #tpu.memory_space<hbm>>
        tpu.enqueue_indirect_dma source(%dma_start3A_910 : memref<1000000x16xf32, #tpu.memory_space<hbm>>) target(%dma_start3A_905 : memref<128x16xf32, #tpu.memory_space<vmem>>) offsets(%dma_start3A_907 : memref<128xi32, #tpu.memory_space<vmem>>) semaphore(%arg25 : memref<!tpu.dma_semaphore, #tpu.memory_space<semaphore_mem>>)
        %dma_start3A_911 = arith.constant 896 : i32
        %dma_start3A_912 = arith.constant 0 : i32
        %dma_start3A_913 = tpu.memref_slice %arg17[%dma_start3A_911, %dma_start3A_912] : memref<1664x16xf32, #tpu.memory_space<vmem>> -> memref<128x16xf32, #tpu.memory_space<vmem>>
        %dma_start3A_914 = arith.constant 896 : i32
        %dma_start3A_915 = tpu.memref_slice %arg11[%dma_start3A_914] : memref<1664xi32, #tpu.memory_space<vmem>> -> memref<128xi32, #tpu.memory_space<vmem>>
        %dma_start3A_916 = arith.constant 0 : i32
        %dma_start3A_917 = arith.constant 0 : i32
        %dma_start3A_918 = tpu.memref_slice %arg5[%dma_start3A_916, %dma_start3A_917] : memref<1000000x16xf32, #tpu.memory_space<hbm>> -> memref<1000000x16xf32, #tpu.memory_space<hbm>>
        tpu.enqueue_indirect_dma source(%dma_start3A_918 : memref<1000000x16xf32, #tpu.memory_space<hbm>>) target(%dma_start3A_913 : memref<128x16xf32, #tpu.memory_space<vmem>>) offsets(%dma_start3A_915 : memref<128xi32, #tpu.memory_space<vmem>>) semaphore(%arg25 : memref<!tpu.dma_semaphore, #tpu.memory_space<semaphore_mem>>)
        %dma_start3A_919 = arith.constant 1024 : i32
        %dma_start3A_920 = arith.constant 0 : i32
        %dma_start3A_921 = tpu.memref_slice %arg15[%dma_start3A_919, %dma_start3A_920] : memref<1664x16xf32, #tpu.memory_space<vmem>> -> memref<128x16xf32, #tpu.memory_space<vmem>>
        %dma_start3A_922 = arith.constant 1024 : i32
        %dma_start3A_923 = tpu.memref_slice %arg9[%dma_start3A_922] : memref<1664xi32, #tpu.memory_space<vmem>> -> memref<128xi32, #tpu.memory_space<vmem>>
        %dma_start3A_924 = arith.constant 0 : i32
        %dma_start3A_925 = arith.constant 0 : i32
        %dma_start3A_926 = tpu.memref_slice %arg5[%dma_start3A_924, %dma_start3A_925] : memref<1000000x16xf32, #tpu.memory_space<hbm>> -> memref<1000000x16xf32, #tpu.memory_space<hbm>>
        tpu.enqueue_indirect_dma source(%dma_start3A_926 : memref<1000000x16xf32, #tpu.memory_space<hbm>>) target(%dma_start3A_921 : memref<128x16xf32, #tpu.memory_space<vmem>>) offsets(%dma_start3A_923 : memref<128xi32, #tpu.memory_space<vmem>>) semaphore(%arg25 : memref<!tpu.dma_semaphore, #tpu.memory_space<semaphore_mem>>)
        %dma_start3A_927 = arith.constant 1024 : i32
        %dma_start3A_928 = arith.constant 0 : i32
        %dma_start3A_929 = tpu.memref_slice %arg17[%dma_start3A_927, %dma_start3A_928] : memref<1664x16xf32, #tpu.memory_space<vmem>> -> memref<128x16xf32, #tpu.memory_space<vmem>>
        %dma_start3A_930 = arith.constant 1024 : i32
        %dma_start3A_931 = tpu.memref_slice %arg11[%dma_start3A_930] : memref<1664xi32, #tpu.memory_space<vmem>> -> memref<128xi32, #tpu.memory_space<vmem>>
        %dma_start3A_932 = arith.constant 0 : i32
        %dma_start3A_933 = arith.constant 0 : i32
        %dma_start3A_934 = tpu.memref_slice %arg5[%dma_start3A_932, %dma_start3A_933] : memref<1000000x16xf32, #tpu.memory_space<hbm>> -> memref<1000000x16xf32, #tpu.memory_space<hbm>>
        tpu.enqueue_indirect_dma source(%dma_start3A_934 : memref<1000000x16xf32, #tpu.memory_space<hbm>>) target(%dma_start3A_929 : memref<128x16xf32, #tpu.memory_space<vmem>>) offsets(%dma_start3A_931 : memref<128xi32, #tpu.memory_space<vmem>>) semaphore(%arg25 : memref<!tpu.dma_semaphore, #tpu.memory_space<semaphore_mem>>)
        %dma_start3A_935 = arith.constant 1152 : i32
        %dma_start3A_936 = arith.constant 0 : i32
        %dma_start3A_937 = tpu.memref_slice %arg15[%dma_start3A_935, %dma_start3A_936] : memref<1664x16xf32, #tpu.memory_space<vmem>> -> memref<128x16xf32, #tpu.memory_space<vmem>>
        %dma_start3A_938 = arith.constant 1152 : i32
        %dma_start3A_939 = tpu.memref_slice %arg9[%dma_start3A_938] : memref<1664xi32, #tpu.memory_space<vmem>> -> memref<128xi32, #tpu.memory_space<vmem>>
        %dma_start3A_940 = arith.constant 0 : i32
        %dma_start3A_941 = arith.constant 0 : i32
        %dma_start3A_942 = tpu.memref_slice %arg5[%dma_start3A_940, %dma_start3A_941] : memref<1000000x16xf32, #tpu.memory_space<hbm>> -> memref<1000000x16xf32, #tpu.memory_space<hbm>>
        tpu.enqueue_indirect_dma source(%dma_start3A_942 : memref<1000000x16xf32, #tpu.memory_space<hbm>>) target(%dma_start3A_937 : memref<128x16xf32, #tpu.memory_space<vmem>>) offsets(%dma_start3A_939 : memref<128xi32, #tpu.memory_space<vmem>>) semaphore(%arg25 : memref<!tpu.dma_semaphore, #tpu.memory_space<semaphore_mem>>)
        %dma_start3A_943 = arith.constant 1152 : i32
        %dma_start3A_944 = arith.constant 0 : i32
        %dma_start3A_945 = tpu.memref_slice %arg17[%dma_start3A_943, %dma_start3A_944] : memref<1664x16xf32, #tpu.memory_space<vmem>> -> memref<128x16xf32, #tpu.memory_space<vmem>>
        %dma_start3A_946 = arith.constant 1152 : i32
        %dma_start3A_947 = tpu.memref_slice %arg11[%dma_start3A_946] : memref<1664xi32, #tpu.memory_space<vmem>> -> memref<128xi32, #tpu.memory_space<vmem>>
        %dma_start3A_948 = arith.constant 0 : i32
        %dma_start3A_949 = arith.constant 0 : i32
        %dma_start3A_950 = tpu.memref_slice %arg5[%dma_start3A_948, %dma_start3A_949] : memref<1000000x16xf32, #tpu.memory_space<hbm>> -> memref<1000000x16xf32, #tpu.memory_space<hbm>>
        tpu.enqueue_indirect_dma source(%dma_start3A_950 : memref<1000000x16xf32, #tpu.memory_space<hbm>>) target(%dma_start3A_945 : memref<128x16xf32, #tpu.memory_space<vmem>>) offsets(%dma_start3A_947 : memref<128xi32, #tpu.memory_space<vmem>>) semaphore(%arg25 : memref<!tpu.dma_semaphore, #tpu.memory_space<semaphore_mem>>)
        %dma_start3A_951 = arith.constant 1280 : i32
        %dma_start3A_952 = arith.constant 0 : i32
        %dma_start3A_953 = tpu.memref_slice %arg15[%dma_start3A_951, %dma_start3A_952] : memref<1664x16xf32, #tpu.memory_space<vmem>> -> memref<128x16xf32, #tpu.memory_space<vmem>>
        %dma_start3A_954 = arith.constant 1280 : i32
        %dma_start3A_955 = tpu.memref_slice %arg9[%dma_start3A_954] : memref<1664xi32, #tpu.memory_space<vmem>> -> memref<128xi32, #tpu.memory_space<vmem>>
        %dma_start3A_956 = arith.constant 0 : i32
        %dma_start3A_957 = arith.constant 0 : i32
        %dma_start3A_958 = tpu.memref_slice %arg5[%dma_start3A_956, %dma_start3A_957] : memref<1000000x16xf32, #tpu.memory_space<hbm>> -> memref<1000000x16xf32, #tpu.memory_space<hbm>>
        tpu.enqueue_indirect_dma source(%dma_start3A_958 : memref<1000000x16xf32, #tpu.memory_space<hbm>>) target(%dma_start3A_953 : memref<128x16xf32, #tpu.memory_space<vmem>>) offsets(%dma_start3A_955 : memref<128xi32, #tpu.memory_space<vmem>>) semaphore(%arg25 : memref<!tpu.dma_semaphore, #tpu.memory_space<semaphore_mem>>)
        %dma_start3A_959 = arith.constant 1280 : i32
        %dma_start3A_960 = arith.constant 0 : i32
        %dma_start3A_961 = tpu.memref_slice %arg17[%dma_start3A_959, %dma_start3A_960] : memref<1664x16xf32, #tpu.memory_space<vmem>> -> memref<128x16xf32, #tpu.memory_space<vmem>>
        %dma_start3A_962 = arith.constant 1280 : i32
        %dma_start3A_963 = tpu.memref_slice %arg11[%dma_start3A_962] : memref<1664xi32, #tpu.memory_space<vmem>> -> memref<128xi32, #tpu.memory_space<vmem>>
        %dma_start3A_964 = arith.constant 0 : i32
        %dma_start3A_965 = arith.constant 0 : i32
        %dma_start3A_966 = tpu.memref_slice %arg5[%dma_start3A_964, %dma_start3A_965] : memref<1000000x16xf32, #tpu.memory_space<hbm>> -> memref<1000000x16xf32, #tpu.memory_space<hbm>>
        tpu.enqueue_indirect_dma source(%dma_start3A_966 : memref<1000000x16xf32, #tpu.memory_space<hbm>>) target(%dma_start3A_961 : memref<128x16xf32, #tpu.memory_space<vmem>>) offsets(%dma_start3A_963 : memref<128xi32, #tpu.memory_space<vmem>>) semaphore(%arg25 : memref<!tpu.dma_semaphore, #tpu.memory_space<semaphore_mem>>)
        %dma_start3A_967 = arith.constant 1408 : i32
        %dma_start3A_968 = arith.constant 0 : i32
        %dma_start3A_969 = tpu.memref_slice %arg15[%dma_start3A_967, %dma_start3A_968] : memref<1664x16xf32, #tpu.memory_space<vmem>> -> memref<128x16xf32, #tpu.memory_space<vmem>>
        %dma_start3A_970 = arith.constant 1408 : i32
        %dma_start3A_971 = tpu.memref_slice %arg9[%dma_start3A_970] : memref<1664xi32, #tpu.memory_space<vmem>> -> memref<128xi32, #tpu.memory_space<vmem>>
        %dma_start3A_972 = arith.constant 0 : i32
        %dma_start3A_973 = arith.constant 0 : i32
        %dma_start3A_974 = tpu.memref_slice %arg5[%dma_start3A_972, %dma_start3A_973] : memref<1000000x16xf32, #tpu.memory_space<hbm>> -> memref<1000000x16xf32, #tpu.memory_space<hbm>>
        tpu.enqueue_indirect_dma source(%dma_start3A_974 : memref<1000000x16xf32, #tpu.memory_space<hbm>>) target(%dma_start3A_969 : memref<128x16xf32, #tpu.memory_space<vmem>>) offsets(%dma_start3A_971 : memref<128xi32, #tpu.memory_space<vmem>>) semaphore(%arg25 : memref<!tpu.dma_semaphore, #tpu.memory_space<semaphore_mem>>)
        %dma_start3A_975 = arith.constant 1408 : i32
        %dma_start3A_976 = arith.constant 0 : i32
        %dma_start3A_977 = tpu.memref_slice %arg17[%dma_start3A_975, %dma_start3A_976] : memref<1664x16xf32, #tpu.memory_space<vmem>> -> memref<128x16xf32, #tpu.memory_space<vmem>>
        %dma_start3A_978 = arith.constant 1408 : i32
        %dma_start3A_979 = tpu.memref_slice %arg11[%dma_start3A_978] : memref<1664xi32, #tpu.memory_space<vmem>> -> memref<128xi32, #tpu.memory_space<vmem>>
        %dma_start3A_980 = arith.constant 0 : i32
        %dma_start3A_981 = arith.constant 0 : i32
        %dma_start3A_982 = tpu.memref_slice %arg5[%dma_start3A_980, %dma_start3A_981] : memref<1000000x16xf32, #tpu.memory_space<hbm>> -> memref<1000000x16xf32, #tpu.memory_space<hbm>>
        tpu.enqueue_indirect_dma source(%dma_start3A_982 : memref<1000000x16xf32, #tpu.memory_space<hbm>>) target(%dma_start3A_977 : memref<128x16xf32, #tpu.memory_space<vmem>>) offsets(%dma_start3A_979 : memref<128xi32, #tpu.memory_space<vmem>>) semaphore(%arg25 : memref<!tpu.dma_semaphore, #tpu.memory_space<semaphore_mem>>)
        %dma_start3A_983 = arith.constant 1536 : i32
        %dma_start3A_984 = arith.constant 0 : i32
        %dma_start3A_985 = tpu.memref_slice %arg15[%dma_start3A_983, %dma_start3A_984] : memref<1664x16xf32, #tpu.memory_space<vmem>> -> memref<128x16xf32, #tpu.memory_space<vmem>>
        %dma_start3A_986 = arith.constant 1536 : i32
        %dma_start3A_987 = tpu.memref_slice %arg9[%dma_start3A_986] : memref<1664xi32, #tpu.memory_space<vmem>> -> memref<128xi32, #tpu.memory_space<vmem>>
        %dma_start3A_988 = arith.constant 0 : i32
        %dma_start3A_989 = arith.constant 0 : i32
        %dma_start3A_990 = tpu.memref_slice %arg5[%dma_start3A_988, %dma_start3A_989] : memref<1000000x16xf32, #tpu.memory_space<hbm>> -> memref<1000000x16xf32, #tpu.memory_space<hbm>>
        tpu.enqueue_indirect_dma source(%dma_start3A_990 : memref<1000000x16xf32, #tpu.memory_space<hbm>>) target(%dma_start3A_985 : memref<128x16xf32, #tpu.memory_space<vmem>>) offsets(%dma_start3A_987 : memref<128xi32, #tpu.memory_space<vmem>>) semaphore(%arg25 : memref<!tpu.dma_semaphore, #tpu.memory_space<semaphore_mem>>)
        %dma_start3A_991 = arith.constant 1536 : i32
        %dma_start3A_992 = arith.constant 0 : i32
        %dma_start3A_993 = tpu.memref_slice %arg17[%dma_start3A_991, %dma_start3A_992] : memref<1664x16xf32, #tpu.memory_space<vmem>> -> memref<128x16xf32, #tpu.memory_space<vmem>>
        %dma_start3A_994 = arith.constant 1536 : i32
        %dma_start3A_995 = tpu.memref_slice %arg11[%dma_start3A_994] : memref<1664xi32, #tpu.memory_space<vmem>> -> memref<128xi32, #tpu.memory_space<vmem>>
        %dma_start3A_996 = arith.constant 0 : i32
        %dma_start3A_997 = arith.constant 0 : i32
        %dma_start3A_998 = tpu.memref_slice %arg5[%dma_start3A_996, %dma_start3A_997] : memref<1000000x16xf32, #tpu.memory_space<hbm>> -> memref<1000000x16xf32, #tpu.memory_space<hbm>>
        tpu.enqueue_indirect_dma source(%dma_start3A_998 : memref<1000000x16xf32, #tpu.memory_space<hbm>>) target(%dma_start3A_993 : memref<128x16xf32, #tpu.memory_space<vmem>>) offsets(%dma_start3A_995 : memref<128xi32, #tpu.memory_space<vmem>>) semaphore(%arg25 : memref<!tpu.dma_semaphore, #tpu.memory_space<semaphore_mem>>)
      } else {
      }
      %ge3A = arith.constant 2 : i32
      %ge3A_493 = arith.cmpi sge, %add3A_280, %ge3A : i32
      %convert_element_type3A_494 = arith.extui %ge3A_493 : i1 to i32
      %cond3A_495 = arith.constant 0 : i32
      %cond3A_496 = arith.cmpi ne, %convert_element_type3A_494, %cond3A_495 : i32
      scf.if %cond3A_496 {
        %mul3A_775 = arith.constant 512 : i32
        %mul3A_776 = arith.muli %add3A, %mul3A_775 : i32
        %mul3A_777 = arith.constant 64 : i32
        %mul3A_778 = arith.muli %add3A_280, %mul3A_777 : i32
        %add3A_779 = arith.addi %mul3A_776, %mul3A_778 : i32
        %multiple_of3A_780 = tpu.assume_multiple %add3A_779, 64 : i32
        %dma_wait3A_781 = arith.constant 0 : i32
        %dma_wait3A_782 = tpu.memref_slice %arg6[%multiple_of3A_780, %dma_wait3A_781] : memref<16384x16xf32, #tpu.memory_space<hbm>> -> memref<64x16xf32, #tpu.memory_space<hbm>>
        %dma_wait3A_783 = arith.constant 0 : i32
        %dma_wait3A_784 = tpu.memref_slice %arg6[%multiple_of3A_780, %dma_wait3A_783] : memref<16384x16xf32, #tpu.memory_space<hbm>> -> memref<64x16xf32, #tpu.memory_space<hbm>>
        tpu.wait_dma2 semaphore(%arg26 : memref<!tpu.dma_semaphore, #tpu.memory_space<semaphore_mem>>) src(%arg18 : memref<64x16xf32, #tpu.memory_space<vmem>>) dst(%dma_wait3A_784 : memref<64x16xf32, #tpu.memory_space<hbm>>)
        %dma_wait3A_785 = arith.constant 0 : i32
        %dma_wait3A_786 = tpu.memref_slice %arg7[%multiple_of3A_780, %dma_wait3A_785] : memref<16384x16xf32, #tpu.memory_space<hbm>> -> memref<64x16xf32, #tpu.memory_space<hbm>>
        %dma_wait3A_787 = arith.constant 0 : i32
        %dma_wait3A_788 = tpu.memref_slice %arg7[%multiple_of3A_780, %dma_wait3A_787] : memref<16384x16xf32, #tpu.memory_space<hbm>> -> memref<64x16xf32, #tpu.memory_space<hbm>>
        tpu.wait_dma2 semaphore(%arg26 : memref<!tpu.dma_semaphore, #tpu.memory_space<semaphore_mem>>) src(%arg20 : memref<64x16xf32, #tpu.memory_space<vmem>>) dst(%dma_wait3A_788 : memref<64x16xf32, #tpu.memory_space<hbm>>)
      } else {
      }
      %scan3A_497 = arith.constant 0 : i32
      %scan3A_498 = arith.constant 0 : i32
      %scan3A_499 = arith.constant 64 : i32
      %scan3A_500 = arith.addi %scan3A_498, %scan3A_499 : i32
      %scan3A_501 = arith.constant 1 : i32
      scf.for %scan3A_775 = %scan3A_498 to %scan3A_500 step %scan3A_501  : i32 {
        %mul3A_776 = arith.constant 26 : i32
        %mul3A_777 = arith.muli %scan3A_775, %mul3A_776 : i32
        %get3A = arith.index_cast %mul3A_777 : i32 to index
        %get3A_778 = tpu.vector_load %arg12[%get3A] {strides = array<i32>} : memref<1664xf32, #tpu.memory_space<vmem>>, vector<16xf32>,
        %add3A_779 = arith.constant 16 : i32
        %add3A_780 = arith.addi %mul3A_777, %add3A_779 : i32
        %get3A_781 = arith.index_cast %add3A_780 : i32 to index
        %get3A_782 = tpu.vector_load %arg12[%get3A_781] {strides = array<i32>} : memref<1664xf32, #tpu.memory_space<vmem>>, vector<16xf32>,
        %broadcast_in_dim3A = arith.constant 0.000000e+00 : f32
        %broadcast_in_dim3A_783 = vector.broadcast %broadcast_in_dim3A : f32 to vector<16xf32>
        %broadcast_in_dim3A_784 = arith.constant 0.000000e+00 : f32
        %broadcast_in_dim3A_785 = vector.broadcast %broadcast_in_dim3A_784 : f32 to vector<16xf32>
        %slice3A = vector.extract_strided_slice %get3A_778 {offsets = [0], sizes = [1], strides = [1]} : vector<16xf32> to vector<1xf32>
        %squeeze3A = vector.extract %slice3A[0] : f32 from vector<1xf32>
        %add3A_786 = arith.constant 0 : i32
        %add3A_787 = arith.addi %mul3A_777, %add3A_786 : i32
        %get3A_788 = arith.index_cast %add3A_787 : i32 to index
        %get3A_789 = arith.constant 0 : index
        %get3A_790 = tpu.vector_load %arg14[%get3A_788, %get3A_789] {strides = array<i32>} : memref<1664x16xf32, #tpu.memory_space<vmem>>, vector<16xf32>,
        %mul3A_791 = vector.broadcast %squeeze3A : f32 to vector<16xf32>
        %mul3A_792 = arith.mulf %get3A_790, %mul3A_791 : vector<16xf32>
        %add3A_793 = arith.addf %broadcast_in_dim3A_783, %mul3A_792 : vector<16xf32>
        %add3A_794 = arith.constant 0 : i32
        %add3A_795 = arith.addi %mul3A_777, %add3A_794 : i32
        %get3A_796 = arith.index_cast %add3A_795 : i32 to index
        %get3A_797 = arith.constant 0 : index
        %get3A_798 = tpu.vector_load %arg16[%get3A_796, %get3A_797] {strides = array<i32>} : memref<1664x16xf32, #tpu.memory_space<vmem>>, vector<16xf32>,
        %add3A_799 = arith.addf %broadcast_in_dim3A_785, %get3A_798 : vector<16xf32>
        %slice3A_800 = vector.extract_strided_slice %get3A_778 {offsets = [1], sizes = [1], strides = [1]} : vector<16xf32> to vector<1xf32>
        %squeeze3A_801 = vector.extract %slice3A_800[0] : f32 from vector<1xf32>
        %add3A_802 = arith.constant 1 : i32
        %add3A_803 = arith.addi %mul3A_777, %add3A_802 : i32
        %get3A_804 = arith.index_cast %add3A_803 : i32 to index
        %get3A_805 = arith.constant 0 : index
        %get3A_806 = tpu.vector_load %arg14[%get3A_804, %get3A_805] {strides = array<i32>} : memref<1664x16xf32, #tpu.memory_space<vmem>>, vector<16xf32>,
        %mul3A_807 = vector.broadcast %squeeze3A_801 : f32 to vector<16xf32>
        %mul3A_808 = arith.mulf %get3A_806, %mul3A_807 : vector<16xf32>
        %add3A_809 = arith.addf %add3A_793, %mul3A_808 : vector<16xf32>
        %add3A_810 = arith.constant 1 : i32
        %add3A_811 = arith.addi %mul3A_777, %add3A_810 : i32
        %get3A_812 = arith.index_cast %add3A_811 : i32 to index
        %get3A_813 = arith.constant 0 : index
        %get3A_814 = tpu.vector_load %arg16[%get3A_812, %get3A_813] {strides = array<i32>} : memref<1664x16xf32, #tpu.memory_space<vmem>>, vector<16xf32>,
        %add3A_815 = arith.addf %add3A_799, %get3A_814 : vector<16xf32>
        %slice3A_816 = vector.extract_strided_slice %get3A_778 {offsets = [2], sizes = [1], strides = [1]} : vector<16xf32> to vector<1xf32>
        %squeeze3A_817 = vector.extract %slice3A_816[0] : f32 from vector<1xf32>
        %add3A_818 = arith.constant 2 : i32
        %add3A_819 = arith.addi %mul3A_777, %add3A_818 : i32
        %get3A_820 = arith.index_cast %add3A_819 : i32 to index
        %get3A_821 = arith.constant 0 : index
        %get3A_822 = tpu.vector_load %arg14[%get3A_820, %get3A_821] {strides = array<i32>} : memref<1664x16xf32, #tpu.memory_space<vmem>>, vector<16xf32>,
        %mul3A_823 = vector.broadcast %squeeze3A_817 : f32 to vector<16xf32>
        %mul3A_824 = arith.mulf %get3A_822, %mul3A_823 : vector<16xf32>
        %add3A_825 = arith.addf %add3A_809, %mul3A_824 : vector<16xf32>
        %add3A_826 = arith.constant 2 : i32
        %add3A_827 = arith.addi %mul3A_777, %add3A_826 : i32
        %get3A_828 = arith.index_cast %add3A_827 : i32 to index
        %get3A_829 = arith.constant 0 : index
        %get3A_830 = tpu.vector_load %arg16[%get3A_828, %get3A_829] {strides = array<i32>} : memref<1664x16xf32, #tpu.memory_space<vmem>>, vector<16xf32>,
        %add3A_831 = arith.addf %add3A_815, %get3A_830 : vector<16xf32>
        %slice3A_832 = vector.extract_strided_slice %get3A_778 {offsets = [3], sizes = [1], strides = [1]} : vector<16xf32> to vector<1xf32>
        %squeeze3A_833 = vector.extract %slice3A_832[0] : f32 from vector<1xf32>
        %add3A_834 = arith.constant 3 : i32
        %add3A_835 = arith.addi %mul3A_777, %add3A_834 : i32
        %get3A_836 = arith.index_cast %add3A_835 : i32 to index
        %get3A_837 = arith.constant 0 : index
        %get3A_838 = tpu.vector_load %arg14[%get3A_836, %get3A_837] {strides = array<i32>} : memref<1664x16xf32, #tpu.memory_space<vmem>>, vector<16xf32>,
        %mul3A_839 = vector.broadcast %squeeze3A_833 : f32 to vector<16xf32>
        %mul3A_840 = arith.mulf %get3A_838, %mul3A_839 : vector<16xf32>
        %add3A_841 = arith.addf %add3A_825, %mul3A_840 : vector<16xf32>
        %add3A_842 = arith.constant 3 : i32
        %add3A_843 = arith.addi %mul3A_777, %add3A_842 : i32
        %get3A_844 = arith.index_cast %add3A_843 : i32 to index
        %get3A_845 = arith.constant 0 : index
        %get3A_846 = tpu.vector_load %arg16[%get3A_844, %get3A_845] {strides = array<i32>} : memref<1664x16xf32, #tpu.memory_space<vmem>>, vector<16xf32>,
        %add3A_847 = arith.addf %add3A_831, %get3A_846 : vector<16xf32>
        %slice3A_848 = vector.extract_strided_slice %get3A_778 {offsets = [4], sizes = [1], strides = [1]} : vector<16xf32> to vector<1xf32>
        %squeeze3A_849 = vector.extract %slice3A_848[0] : f32 from vector<1xf32>
        %add3A_850 = arith.constant 4 : i32
        %add3A_851 = arith.addi %mul3A_777, %add3A_850 : i32
        %get3A_852 = arith.index_cast %add3A_851 : i32 to index
        %get3A_853 = arith.constant 0 : index
        %get3A_854 = tpu.vector_load %arg14[%get3A_852, %get3A_853] {strides = array<i32>} : memref<1664x16xf32, #tpu.memory_space<vmem>>, vector<16xf32>,
        %mul3A_855 = vector.broadcast %squeeze3A_849 : f32 to vector<16xf32>
        %mul3A_856 = arith.mulf %get3A_854, %mul3A_855 : vector<16xf32>
        %add3A_857 = arith.addf %add3A_841, %mul3A_856 : vector<16xf32>
        %add3A_858 = arith.constant 4 : i32
        %add3A_859 = arith.addi %mul3A_777, %add3A_858 : i32
        %get3A_860 = arith.index_cast %add3A_859 : i32 to index
        %get3A_861 = arith.constant 0 : index
        %get3A_862 = tpu.vector_load %arg16[%get3A_860, %get3A_861] {strides = array<i32>} : memref<1664x16xf32, #tpu.memory_space<vmem>>, vector<16xf32>,
        %add3A_863 = arith.addf %add3A_847, %get3A_862 : vector<16xf32>
        %slice3A_864 = vector.extract_strided_slice %get3A_778 {offsets = [5], sizes = [1], strides = [1]} : vector<16xf32> to vector<1xf32>
        %squeeze3A_865 = vector.extract %slice3A_864[0] : f32 from vector<1xf32>
        %add3A_866 = arith.constant 5 : i32
        %add3A_867 = arith.addi %mul3A_777, %add3A_866 : i32
        %get3A_868 = arith.index_cast %add3A_867 : i32 to index
        %get3A_869 = arith.constant 0 : index
        %get3A_870 = tpu.vector_load %arg14[%get3A_868, %get3A_869] {strides = array<i32>} : memref<1664x16xf32, #tpu.memory_space<vmem>>, vector<16xf32>,
        %mul3A_871 = vector.broadcast %squeeze3A_865 : f32 to vector<16xf32>
        %mul3A_872 = arith.mulf %get3A_870, %mul3A_871 : vector<16xf32>
        %add3A_873 = arith.addf %add3A_857, %mul3A_872 : vector<16xf32>
        %add3A_874 = arith.constant 5 : i32
        %add3A_875 = arith.addi %mul3A_777, %add3A_874 : i32
        %get3A_876 = arith.index_cast %add3A_875 : i32 to index
        %get3A_877 = arith.constant 0 : index
        %get3A_878 = tpu.vector_load %arg16[%get3A_876, %get3A_877] {strides = array<i32>} : memref<1664x16xf32, #tpu.memory_space<vmem>>, vector<16xf32>,
        %add3A_879 = arith.addf %add3A_863, %get3A_878 : vector<16xf32>
        %slice3A_880 = vector.extract_strided_slice %get3A_778 {offsets = [6], sizes = [1], strides = [1]} : vector<16xf32> to vector<1xf32>
        %squeeze3A_881 = vector.extract %slice3A_880[0] : f32 from vector<1xf32>
        %add3A_882 = arith.constant 6 : i32
        %add3A_883 = arith.addi %mul3A_777, %add3A_882 : i32
        %get3A_884 = arith.index_cast %add3A_883 : i32 to index
        %get3A_885 = arith.constant 0 : index
        %get3A_886 = tpu.vector_load %arg14[%get3A_884, %get3A_885] {strides = array<i32>} : memref<1664x16xf32, #tpu.memory_space<vmem>>, vector<16xf32>,
        %mul3A_887 = vector.broadcast %squeeze3A_881 : f32 to vector<16xf32>
        %mul3A_888 = arith.mulf %get3A_886, %mul3A_887 : vector<16xf32>
        %add3A_889 = arith.addf %add3A_873, %mul3A_888 : vector<16xf32>
        %add3A_890 = arith.constant 6 : i32
        %add3A_891 = arith.addi %mul3A_777, %add3A_890 : i32
        %get3A_892 = arith.index_cast %add3A_891 : i32 to index
        %get3A_893 = arith.constant 0 : index
        %get3A_894 = tpu.vector_load %arg16[%get3A_892, %get3A_893] {strides = array<i32>} : memref<1664x16xf32, #tpu.memory_space<vmem>>, vector<16xf32>,
        %add3A_895 = arith.addf %add3A_879, %get3A_894 : vector<16xf32>
        %slice3A_896 = vector.extract_strided_slice %get3A_778 {offsets = [7], sizes = [1], strides = [1]} : vector<16xf32> to vector<1xf32>
        %squeeze3A_897 = vector.extract %slice3A_896[0] : f32 from vector<1xf32>
        %add3A_898 = arith.constant 7 : i32
        %add3A_899 = arith.addi %mul3A_777, %add3A_898 : i32
        %get3A_900 = arith.index_cast %add3A_899 : i32 to index
        %get3A_901 = arith.constant 0 : index
        %get3A_902 = tpu.vector_load %arg14[%get3A_900, %get3A_901] {strides = array<i32>} : memref<1664x16xf32, #tpu.memory_space<vmem>>, vector<16xf32>,
        %mul3A_903 = vector.broadcast %squeeze3A_897 : f32 to vector<16xf32>
        %mul3A_904 = arith.mulf %get3A_902, %mul3A_903 : vector<16xf32>
        %add3A_905 = arith.addf %add3A_889, %mul3A_904 : vector<16xf32>
        %add3A_906 = arith.constant 7 : i32
        %add3A_907 = arith.addi %mul3A_777, %add3A_906 : i32
        %get3A_908 = arith.index_cast %add3A_907 : i32 to index
        %get3A_909 = arith.constant 0 : index
        %get3A_910 = tpu.vector_load %arg16[%get3A_908, %get3A_909] {strides = array<i32>} : memref<1664x16xf32, #tpu.memory_space<vmem>>, vector<16xf32>,
        %add3A_911 = arith.addf %add3A_895, %get3A_910 : vector<16xf32>
        %slice3A_912 = vector.extract_strided_slice %get3A_778 {offsets = [8], sizes = [1], strides = [1]} : vector<16xf32> to vector<1xf32>
        %squeeze3A_913 = vector.extract %slice3A_912[0] : f32 from vector<1xf32>
        %add3A_914 = arith.constant 8 : i32
        %add3A_915 = arith.addi %mul3A_777, %add3A_914 : i32
        %get3A_916 = arith.index_cast %add3A_915 : i32 to index
        %get3A_917 = arith.constant 0 : index
        %get3A_918 = tpu.vector_load %arg14[%get3A_916, %get3A_917] {strides = array<i32>} : memref<1664x16xf32, #tpu.memory_space<vmem>>, vector<16xf32>,
        %mul3A_919 = vector.broadcast %squeeze3A_913 : f32 to vector<16xf32>
        %mul3A_920 = arith.mulf %get3A_918, %mul3A_919 : vector<16xf32>
        %add3A_921 = arith.addf %add3A_905, %mul3A_920 : vector<16xf32>
        %add3A_922 = arith.constant 8 : i32
        %add3A_923 = arith.addi %mul3A_777, %add3A_922 : i32
        %get3A_924 = arith.index_cast %add3A_923 : i32 to index
        %get3A_925 = arith.constant 0 : index
        %get3A_926 = tpu.vector_load %arg16[%get3A_924, %get3A_925] {strides = array<i32>} : memref<1664x16xf32, #tpu.memory_space<vmem>>, vector<16xf32>,
        %add3A_927 = arith.addf %add3A_911, %get3A_926 : vector<16xf32>
        %slice3A_928 = vector.extract_strided_slice %get3A_778 {offsets = [9], sizes = [1], strides = [1]} : vector<16xf32> to vector<1xf32>
        %squeeze3A_929 = vector.extract %slice3A_928[0] : f32 from vector<1xf32>
        %add3A_930 = arith.constant 9 : i32
        %add3A_931 = arith.addi %mul3A_777, %add3A_930 : i32
        %get3A_932 = arith.index_cast %add3A_931 : i32 to index
        %get3A_933 = arith.constant 0 : index
        %get3A_934 = tpu.vector_load %arg14[%get3A_932, %get3A_933] {strides = array<i32>} : memref<1664x16xf32, #tpu.memory_space<vmem>>, vector<16xf32>,
        %mul3A_935 = vector.broadcast %squeeze3A_929 : f32 to vector<16xf32>
        %mul3A_936 = arith.mulf %get3A_934, %mul3A_935 : vector<16xf32>
        %add3A_937 = arith.addf %add3A_921, %mul3A_936 : vector<16xf32>
        %add3A_938 = arith.constant 9 : i32
        %add3A_939 = arith.addi %mul3A_777, %add3A_938 : i32
        %get3A_940 = arith.index_cast %add3A_939 : i32 to index
        %get3A_941 = arith.constant 0 : index
        %get3A_942 = tpu.vector_load %arg16[%get3A_940, %get3A_941] {strides = array<i32>} : memref<1664x16xf32, #tpu.memory_space<vmem>>, vector<16xf32>,
        %add3A_943 = arith.addf %add3A_927, %get3A_942 : vector<16xf32>
        %slice3A_944 = vector.extract_strided_slice %get3A_778 {offsets = [10], sizes = [1], strides = [1]} : vector<16xf32> to vector<1xf32>
        %squeeze3A_945 = vector.extract %slice3A_944[0] : f32 from vector<1xf32>
        %add3A_946 = arith.constant 10 : i32
        %add3A_947 = arith.addi %mul3A_777, %add3A_946 : i32
        %get3A_948 = arith.index_cast %add3A_947 : i32 to index
        %get3A_949 = arith.constant 0 : index
        %get3A_950 = tpu.vector_load %arg14[%get3A_948, %get3A_949] {strides = array<i32>} : memref<1664x16xf32, #tpu.memory_space<vmem>>, vector<16xf32>,
        %mul3A_951 = vector.broadcast %squeeze3A_945 : f32 to vector<16xf32>
        %mul3A_952 = arith.mulf %get3A_950, %mul3A_951 : vector<16xf32>
        %add3A_953 = arith.addf %add3A_937, %mul3A_952 : vector<16xf32>
        %add3A_954 = arith.constant 10 : i32
        %add3A_955 = arith.addi %mul3A_777, %add3A_954 : i32
        %get3A_956 = arith.index_cast %add3A_955 : i32 to index
        %get3A_957 = arith.constant 0 : index
        %get3A_958 = tpu.vector_load %arg16[%get3A_956, %get3A_957] {strides = array<i32>} : memref<1664x16xf32, #tpu.memory_space<vmem>>, vector<16xf32>,
        %add3A_959 = arith.addf %add3A_943, %get3A_958 : vector<16xf32>
        %slice3A_960 = vector.extract_strided_slice %get3A_778 {offsets = [11], sizes = [1], strides = [1]} : vector<16xf32> to vector<1xf32>
        %squeeze3A_961 = vector.extract %slice3A_960[0] : f32 from vector<1xf32>
        %add3A_962 = arith.constant 11 : i32
        %add3A_963 = arith.addi %mul3A_777, %add3A_962 : i32
        %get3A_964 = arith.index_cast %add3A_963 : i32 to index
        %get3A_965 = arith.constant 0 : index
        %get3A_966 = tpu.vector_load %arg14[%get3A_964, %get3A_965] {strides = array<i32>} : memref<1664x16xf32, #tpu.memory_space<vmem>>, vector<16xf32>,
        %mul3A_967 = vector.broadcast %squeeze3A_961 : f32 to vector<16xf32>
        %mul3A_968 = arith.mulf %get3A_966, %mul3A_967 : vector<16xf32>
        %add3A_969 = arith.addf %add3A_953, %mul3A_968 : vector<16xf32>
        %add3A_970 = arith.constant 11 : i32
        %add3A_971 = arith.addi %mul3A_777, %add3A_970 : i32
        %get3A_972 = arith.index_cast %add3A_971 : i32 to index
        %get3A_973 = arith.constant 0 : index
        %get3A_974 = tpu.vector_load %arg16[%get3A_972, %get3A_973] {strides = array<i32>} : memref<1664x16xf32, #tpu.memory_space<vmem>>, vector<16xf32>,
        %add3A_975 = arith.addf %add3A_959, %get3A_974 : vector<16xf32>
        %slice3A_976 = vector.extract_strided_slice %get3A_778 {offsets = [12], sizes = [1], strides = [1]} : vector<16xf32> to vector<1xf32>
        %squeeze3A_977 = vector.extract %slice3A_976[0] : f32 from vector<1xf32>
        %add3A_978 = arith.constant 12 : i32
        %add3A_979 = arith.addi %mul3A_777, %add3A_978 : i32
        %get3A_980 = arith.index_cast %add3A_979 : i32 to index
        %get3A_981 = arith.constant 0 : index
        %get3A_982 = tpu.vector_load %arg14[%get3A_980, %get3A_981] {strides = array<i32>} : memref<1664x16xf32, #tpu.memory_space<vmem>>, vector<16xf32>,
        %mul3A_983 = vector.broadcast %squeeze3A_977 : f32 to vector<16xf32>
        %mul3A_984 = arith.mulf %get3A_982, %mul3A_983 : vector<16xf32>
        %add3A_985 = arith.addf %add3A_969, %mul3A_984 : vector<16xf32>
        %add3A_986 = arith.constant 12 : i32
        %add3A_987 = arith.addi %mul3A_777, %add3A_986 : i32
        %get3A_988 = arith.index_cast %add3A_987 : i32 to index
        %get3A_989 = arith.constant 0 : index
        %get3A_990 = tpu.vector_load %arg16[%get3A_988, %get3A_989] {strides = array<i32>} : memref<1664x16xf32, #tpu.memory_space<vmem>>, vector<16xf32>,
        %add3A_991 = arith.addf %add3A_975, %get3A_990 : vector<16xf32>
        %slice3A_992 = vector.extract_strided_slice %get3A_778 {offsets = [13], sizes = [1], strides = [1]} : vector<16xf32> to vector<1xf32>
        %squeeze3A_993 = vector.extract %slice3A_992[0] : f32 from vector<1xf32>
        %add3A_994 = arith.constant 13 : i32
        %add3A_995 = arith.addi %mul3A_777, %add3A_994 : i32
        %get3A_996 = arith.index_cast %add3A_995 : i32 to index
        %get3A_997 = arith.constant 0 : index
        %get3A_998 = tpu.vector_load %arg14[%get3A_996, %get3A_997] {strides = array<i32>} : memref<1664x16xf32, #tpu.memory_space<vmem>>, vector<16xf32>,
        %mul3A_999 = vector.broadcast %squeeze3A_993 : f32 to vector<16xf32>
        %mul3A_1000 = arith.mulf %get3A_998, %mul3A_999 : vector<16xf32>
        %add3A_1001 = arith.addf %add3A_985, %mul3A_1000 : vector<16xf32>
        %add3A_1002 = arith.constant 13 : i32
        %add3A_1003 = arith.addi %mul3A_777, %add3A_1002 : i32
        %get3A_1004 = arith.index_cast %add3A_1003 : i32 to index
        %get3A_1005 = arith.constant 0 : index
        %get3A_1006 = tpu.vector_load %arg16[%get3A_1004, %get3A_1005] {strides = array<i32>} : memref<1664x16xf32, #tpu.memory_space<vmem>>, vector<16xf32>,
        %add3A_1007 = arith.addf %add3A_991, %get3A_1006 : vector<16xf32>
        %slice3A_1008 = vector.extract_strided_slice %get3A_778 {offsets = [14], sizes = [1], strides = [1]} : vector<16xf32> to vector<1xf32>
        %squeeze3A_1009 = vector.extract %slice3A_1008[0] : f32 from vector<1xf32>
        %add3A_1010 = arith.constant 14 : i32
        %add3A_1011 = arith.addi %mul3A_777, %add3A_1010 : i32
        %get3A_1012 = arith.index_cast %add3A_1011 : i32 to index
        %get3A_1013 = arith.constant 0 : index
        %get3A_1014 = tpu.vector_load %arg14[%get3A_1012, %get3A_1013] {strides = array<i32>} : memref<1664x16xf32, #tpu.memory_space<vmem>>, vector<16xf32>,
        %mul3A_1015 = vector.broadcast %squeeze3A_1009 : f32 to vector<16xf32>
        %mul3A_1016 = arith.mulf %get3A_1014, %mul3A_1015 : vector<16xf32>
        %add3A_1017 = arith.addf %add3A_1001, %mul3A_1016 : vector<16xf32>
        %add3A_1018 = arith.constant 14 : i32
        %add3A_1019 = arith.addi %mul3A_777, %add3A_1018 : i32
        %get3A_1020 = arith.index_cast %add3A_1019 : i32 to index
        %get3A_1021 = arith.constant 0 : index
        %get3A_1022 = tpu.vector_load %arg16[%get3A_1020, %get3A_1021] {strides = array<i32>} : memref<1664x16xf32, #tpu.memory_space<vmem>>, vector<16xf32>,
        %add3A_1023 = arith.addf %add3A_1007, %get3A_1022 : vector<16xf32>
        %slice3A_1024 = vector.extract_strided_slice %get3A_778 {offsets = [15], sizes = [1], strides = [1]} : vector<16xf32> to vector<1xf32>
        %squeeze3A_1025 = vector.extract %slice3A_1024[0] : f32 from vector<1xf32>
        %add3A_1026 = arith.constant 15 : i32
        %add3A_1027 = arith.addi %mul3A_777, %add3A_1026 : i32
        %get3A_1028 = arith.index_cast %add3A_1027 : i32 to index
        %get3A_1029 = arith.constant 0 : index
        %get3A_1030 = tpu.vector_load %arg14[%get3A_1028, %get3A_1029] {strides = array<i32>} : memref<1664x16xf32, #tpu.memory_space<vmem>>, vector<16xf32>,
        %mul3A_1031 = vector.broadcast %squeeze3A_1025 : f32 to vector<16xf32>
        %mul3A_1032 = arith.mulf %get3A_1030, %mul3A_1031 : vector<16xf32>
        %add3A_1033 = arith.addf %add3A_1017, %mul3A_1032 : vector<16xf32>
        %add3A_1034 = arith.constant 15 : i32
        %add3A_1035 = arith.addi %mul3A_777, %add3A_1034 : i32
        %get3A_1036 = arith.index_cast %add3A_1035 : i32 to index
        %get3A_1037 = arith.constant 0 : index
        %get3A_1038 = tpu.vector_load %arg16[%get3A_1036, %get3A_1037] {strides = array<i32>} : memref<1664x16xf32, #tpu.memory_space<vmem>>, vector<16xf32>,
        %add3A_1039 = arith.addf %add3A_1023, %get3A_1038 : vector<16xf32>
        %slice3A_1040 = vector.extract_strided_slice %get3A_782 {offsets = [0], sizes = [1], strides = [1]} : vector<16xf32> to vector<1xf32>
        %squeeze3A_1041 = vector.extract %slice3A_1040[0] : f32 from vector<1xf32>
        %add3A_1042 = arith.constant 16 : i32
        %add3A_1043 = arith.addi %mul3A_777, %add3A_1042 : i32
        %get3A_1044 = arith.index_cast %add3A_1043 : i32 to index
        %get3A_1045 = arith.constant 0 : index
        %get3A_1046 = tpu.vector_load %arg14[%get3A_1044, %get3A_1045] {strides = array<i32>} : memref<1664x16xf32, #tpu.memory_space<vmem>>, vector<16xf32>,
        %mul3A_1047 = vector.broadcast %squeeze3A_1041 : f32 to vector<16xf32>
        %mul3A_1048 = arith.mulf %get3A_1046, %mul3A_1047 : vector<16xf32>
        %add3A_1049 = arith.addf %add3A_1033, %mul3A_1048 : vector<16xf32>
        %add3A_1050 = arith.constant 16 : i32
        %add3A_1051 = arith.addi %mul3A_777, %add3A_1050 : i32
        %get3A_1052 = arith.index_cast %add3A_1051 : i32 to index
        %get3A_1053 = arith.constant 0 : index
        %get3A_1054 = tpu.vector_load %arg16[%get3A_1052, %get3A_1053] {strides = array<i32>} : memref<1664x16xf32, #tpu.memory_space<vmem>>, vector<16xf32>,
        %add3A_1055 = arith.addf %add3A_1039, %get3A_1054 : vector<16xf32>
        %slice3A_1056 = vector.extract_strided_slice %get3A_782 {offsets = [1], sizes = [1], strides = [1]} : vector<16xf32> to vector<1xf32>
        %squeeze3A_1057 = vector.extract %slice3A_1056[0] : f32 from vector<1xf32>
        %add3A_1058 = arith.constant 17 : i32
        %add3A_1059 = arith.addi %mul3A_777, %add3A_1058 : i32
        %get3A_1060 = arith.index_cast %add3A_1059 : i32 to index
        %get3A_1061 = arith.constant 0 : index
        %get3A_1062 = tpu.vector_load %arg14[%get3A_1060, %get3A_1061] {strides = array<i32>} : memref<1664x16xf32, #tpu.memory_space<vmem>>, vector<16xf32>,
        %mul3A_1063 = vector.broadcast %squeeze3A_1057 : f32 to vector<16xf32>
        %mul3A_1064 = arith.mulf %get3A_1062, %mul3A_1063 : vector<16xf32>
        %add3A_1065 = arith.addf %add3A_1049, %mul3A_1064 : vector<16xf32>
        %add3A_1066 = arith.constant 17 : i32
        %add3A_1067 = arith.addi %mul3A_777, %add3A_1066 : i32
        %get3A_1068 = arith.index_cast %add3A_1067 : i32 to index
        %get3A_1069 = arith.constant 0 : index
        %get3A_1070 = tpu.vector_load %arg16[%get3A_1068, %get3A_1069] {strides = array<i32>} : memref<1664x16xf32, #tpu.memory_space<vmem>>, vector<16xf32>,
        %add3A_1071 = arith.addf %add3A_1055, %get3A_1070 : vector<16xf32>
        %slice3A_1072 = vector.extract_strided_slice %get3A_782 {offsets = [2], sizes = [1], strides = [1]} : vector<16xf32> to vector<1xf32>
        %squeeze3A_1073 = vector.extract %slice3A_1072[0] : f32 from vector<1xf32>
        %add3A_1074 = arith.constant 18 : i32
        %add3A_1075 = arith.addi %mul3A_777, %add3A_1074 : i32
        %get3A_1076 = arith.index_cast %add3A_1075 : i32 to index
        %get3A_1077 = arith.constant 0 : index
        %get3A_1078 = tpu.vector_load %arg14[%get3A_1076, %get3A_1077] {strides = array<i32>} : memref<1664x16xf32, #tpu.memory_space<vmem>>, vector<16xf32>,
        %mul3A_1079 = vector.broadcast %squeeze3A_1073 : f32 to vector<16xf32>
        %mul3A_1080 = arith.mulf %get3A_1078, %mul3A_1079 : vector<16xf32>
        %add3A_1081 = arith.addf %add3A_1065, %mul3A_1080 : vector<16xf32>
        %add3A_1082 = arith.constant 18 : i32
        %add3A_1083 = arith.addi %mul3A_777, %add3A_1082 : i32
        %get3A_1084 = arith.index_cast %add3A_1083 : i32 to index
        %get3A_1085 = arith.constant 0 : index
        %get3A_1086 = tpu.vector_load %arg16[%get3A_1084, %get3A_1085] {strides = array<i32>} : memref<1664x16xf32, #tpu.memory_space<vmem>>, vector<16xf32>,
        %add3A_1087 = arith.addf %add3A_1071, %get3A_1086 : vector<16xf32>
        %slice3A_1088 = vector.extract_strided_slice %get3A_782 {offsets = [3], sizes = [1], strides = [1]} : vector<16xf32> to vector<1xf32>
        %squeeze3A_1089 = vector.extract %slice3A_1088[0] : f32 from vector<1xf32>
        %add3A_1090 = arith.constant 19 : i32
        %add3A_1091 = arith.addi %mul3A_777, %add3A_1090 : i32
        %get3A_1092 = arith.index_cast %add3A_1091 : i32 to index
        %get3A_1093 = arith.constant 0 : index
        %get3A_1094 = tpu.vector_load %arg14[%get3A_1092, %get3A_1093] {strides = array<i32>} : memref<1664x16xf32, #tpu.memory_space<vmem>>, vector<16xf32>,
        %mul3A_1095 = vector.broadcast %squeeze3A_1089 : f32 to vector<16xf32>
        %mul3A_1096 = arith.mulf %get3A_1094, %mul3A_1095 : vector<16xf32>
        %add3A_1097 = arith.addf %add3A_1081, %mul3A_1096 : vector<16xf32>
        %add3A_1098 = arith.constant 19 : i32
        %add3A_1099 = arith.addi %mul3A_777, %add3A_1098 : i32
        %get3A_1100 = arith.index_cast %add3A_1099 : i32 to index
        %get3A_1101 = arith.constant 0 : index
        %get3A_1102 = tpu.vector_load %arg16[%get3A_1100, %get3A_1101] {strides = array<i32>} : memref<1664x16xf32, #tpu.memory_space<vmem>>, vector<16xf32>,
        %add3A_1103 = arith.addf %add3A_1087, %get3A_1102 : vector<16xf32>
        %slice3A_1104 = vector.extract_strided_slice %get3A_782 {offsets = [4], sizes = [1], strides = [1]} : vector<16xf32> to vector<1xf32>
        %squeeze3A_1105 = vector.extract %slice3A_1104[0] : f32 from vector<1xf32>
        %add3A_1106 = arith.constant 20 : i32
        %add3A_1107 = arith.addi %mul3A_777, %add3A_1106 : i32
        %get3A_1108 = arith.index_cast %add3A_1107 : i32 to index
        %get3A_1109 = arith.constant 0 : index
        %get3A_1110 = tpu.vector_load %arg14[%get3A_1108, %get3A_1109] {strides = array<i32>} : memref<1664x16xf32, #tpu.memory_space<vmem>>, vector<16xf32>,
        %mul3A_1111 = vector.broadcast %squeeze3A_1105 : f32 to vector<16xf32>
        %mul3A_1112 = arith.mulf %get3A_1110, %mul3A_1111 : vector<16xf32>
        %add3A_1113 = arith.addf %add3A_1097, %mul3A_1112 : vector<16xf32>
        %add3A_1114 = arith.constant 20 : i32
        %add3A_1115 = arith.addi %mul3A_777, %add3A_1114 : i32
        %get3A_1116 = arith.index_cast %add3A_1115 : i32 to index
        %get3A_1117 = arith.constant 0 : index
        %get3A_1118 = tpu.vector_load %arg16[%get3A_1116, %get3A_1117] {strides = array<i32>} : memref<1664x16xf32, #tpu.memory_space<vmem>>, vector<16xf32>,
        %add3A_1119 = arith.addf %add3A_1103, %get3A_1118 : vector<16xf32>
        %slice3A_1120 = vector.extract_strided_slice %get3A_782 {offsets = [5], sizes = [1], strides = [1]} : vector<16xf32> to vector<1xf32>
        %squeeze3A_1121 = vector.extract %slice3A_1120[0] : f32 from vector<1xf32>
        %add3A_1122 = arith.constant 21 : i32
        %add3A_1123 = arith.addi %mul3A_777, %add3A_1122 : i32
        %get3A_1124 = arith.index_cast %add3A_1123 : i32 to index
        %get3A_1125 = arith.constant 0 : index
        %get3A_1126 = tpu.vector_load %arg14[%get3A_1124, %get3A_1125] {strides = array<i32>} : memref<1664x16xf32, #tpu.memory_space<vmem>>, vector<16xf32>,
        %mul3A_1127 = vector.broadcast %squeeze3A_1121 : f32 to vector<16xf32>
        %mul3A_1128 = arith.mulf %get3A_1126, %mul3A_1127 : vector<16xf32>
        %add3A_1129 = arith.addf %add3A_1113, %mul3A_1128 : vector<16xf32>
        %add3A_1130 = arith.constant 21 : i32
        %add3A_1131 = arith.addi %mul3A_777, %add3A_1130 : i32
        %get3A_1132 = arith.index_cast %add3A_1131 : i32 to index
        %get3A_1133 = arith.constant 0 : index
        %get3A_1134 = tpu.vector_load %arg16[%get3A_1132, %get3A_1133] {strides = array<i32>} : memref<1664x16xf32, #tpu.memory_space<vmem>>, vector<16xf32>,
        %add3A_1135 = arith.addf %add3A_1119, %get3A_1134 : vector<16xf32>
        %slice3A_1136 = vector.extract_strided_slice %get3A_782 {offsets = [6], sizes = [1], strides = [1]} : vector<16xf32> to vector<1xf32>
        %squeeze3A_1137 = vector.extract %slice3A_1136[0] : f32 from vector<1xf32>
        %add3A_1138 = arith.constant 22 : i32
        %add3A_1139 = arith.addi %mul3A_777, %add3A_1138 : i32
        %get3A_1140 = arith.index_cast %add3A_1139 : i32 to index
        %get3A_1141 = arith.constant 0 : index
        %get3A_1142 = tpu.vector_load %arg14[%get3A_1140, %get3A_1141] {strides = array<i32>} : memref<1664x16xf32, #tpu.memory_space<vmem>>, vector<16xf32>,
        %mul3A_1143 = vector.broadcast %squeeze3A_1137 : f32 to vector<16xf32>
        %mul3A_1144 = arith.mulf %get3A_1142, %mul3A_1143 : vector<16xf32>
        %add3A_1145 = arith.addf %add3A_1129, %mul3A_1144 : vector<16xf32>
        %add3A_1146 = arith.constant 22 : i32
        %add3A_1147 = arith.addi %mul3A_777, %add3A_1146 : i32
        %get3A_1148 = arith.index_cast %add3A_1147 : i32 to index
        %get3A_1149 = arith.constant 0 : index
        %get3A_1150 = tpu.vector_load %arg16[%get3A_1148, %get3A_1149] {strides = array<i32>} : memref<1664x16xf32, #tpu.memory_space<vmem>>, vector<16xf32>,
        %add3A_1151 = arith.addf %add3A_1135, %get3A_1150 : vector<16xf32>
        %slice3A_1152 = vector.extract_strided_slice %get3A_782 {offsets = [7], sizes = [1], strides = [1]} : vector<16xf32> to vector<1xf32>
        %squeeze3A_1153 = vector.extract %slice3A_1152[0] : f32 from vector<1xf32>
        %add3A_1154 = arith.constant 23 : i32
        %add3A_1155 = arith.addi %mul3A_777, %add3A_1154 : i32
        %get3A_1156 = arith.index_cast %add3A_1155 : i32 to index
        %get3A_1157 = arith.constant 0 : index
        %get3A_1158 = tpu.vector_load %arg14[%get3A_1156, %get3A_1157] {strides = array<i32>} : memref<1664x16xf32, #tpu.memory_space<vmem>>, vector<16xf32>,
        %mul3A_1159 = vector.broadcast %squeeze3A_1153 : f32 to vector<16xf32>
        %mul3A_1160 = arith.mulf %get3A_1158, %mul3A_1159 : vector<16xf32>
        %add3A_1161 = arith.addf %add3A_1145, %mul3A_1160 : vector<16xf32>
        %add3A_1162 = arith.constant 23 : i32
        %add3A_1163 = arith.addi %mul3A_777, %add3A_1162 : i32
        %get3A_1164 = arith.index_cast %add3A_1163 : i32 to index
        %get3A_1165 = arith.constant 0 : index
        %get3A_1166 = tpu.vector_load %arg16[%get3A_1164, %get3A_1165] {strides = array<i32>} : memref<1664x16xf32, #tpu.memory_space<vmem>>, vector<16xf32>,
        %add3A_1167 = arith.addf %add3A_1151, %get3A_1166 : vector<16xf32>
        %slice3A_1168 = vector.extract_strided_slice %get3A_782 {offsets = [8], sizes = [1], strides = [1]} : vector<16xf32> to vector<1xf32>
        %squeeze3A_1169 = vector.extract %slice3A_1168[0] : f32 from vector<1xf32>
        %add3A_1170 = arith.constant 24 : i32
        %add3A_1171 = arith.addi %mul3A_777, %add3A_1170 : i32
        %get3A_1172 = arith.index_cast %add3A_1171 : i32 to index
        %get3A_1173 = arith.constant 0 : index
        %get3A_1174 = tpu.vector_load %arg14[%get3A_1172, %get3A_1173] {strides = array<i32>} : memref<1664x16xf32, #tpu.memory_space<vmem>>, vector<16xf32>,
        %mul3A_1175 = vector.broadcast %squeeze3A_1169 : f32 to vector<16xf32>
        %mul3A_1176 = arith.mulf %get3A_1174, %mul3A_1175 : vector<16xf32>
        %add3A_1177 = arith.addf %add3A_1161, %mul3A_1176 : vector<16xf32>
        %add3A_1178 = arith.constant 24 : i32
        %add3A_1179 = arith.addi %mul3A_777, %add3A_1178 : i32
        %get3A_1180 = arith.index_cast %add3A_1179 : i32 to index
        %get3A_1181 = arith.constant 0 : index
        %get3A_1182 = tpu.vector_load %arg16[%get3A_1180, %get3A_1181] {strides = array<i32>} : memref<1664x16xf32, #tpu.memory_space<vmem>>, vector<16xf32>,
        %add3A_1183 = arith.addf %add3A_1167, %get3A_1182 : vector<16xf32>
        %slice3A_1184 = vector.extract_strided_slice %get3A_782 {offsets = [9], sizes = [1], strides = [1]} : vector<16xf32> to vector<1xf32>
        %squeeze3A_1185 = vector.extract %slice3A_1184[0] : f32 from vector<1xf32>
        %add3A_1186 = arith.constant 25 : i32
        %add3A_1187 = arith.addi %mul3A_777, %add3A_1186 : i32
        %get3A_1188 = arith.index_cast %add3A_1187 : i32 to index
        %get3A_1189 = arith.constant 0 : index
        %get3A_1190 = tpu.vector_load %arg14[%get3A_1188, %get3A_1189] {strides = array<i32>} : memref<1664x16xf32, #tpu.memory_space<vmem>>, vector<16xf32>,
        %mul3A_1191 = vector.broadcast %squeeze3A_1185 : f32 to vector<16xf32>
        %mul3A_1192 = arith.mulf %get3A_1190, %mul3A_1191 : vector<16xf32>
        %add3A_1193 = arith.addf %add3A_1177, %mul3A_1192 : vector<16xf32>
        %add3A_1194 = arith.constant 25 : i32
        %add3A_1195 = arith.addi %mul3A_777, %add3A_1194 : i32
        %get3A_1196 = arith.index_cast %add3A_1195 : i32 to index
        %get3A_1197 = arith.constant 0 : index
        %get3A_1198 = tpu.vector_load %arg16[%get3A_1196, %get3A_1197] {strides = array<i32>} : memref<1664x16xf32, #tpu.memory_space<vmem>>, vector<16xf32>,
        %add3A_1199 = arith.addf %add3A_1183, %get3A_1198 : vector<16xf32>
        %swap3A = arith.index_cast %scan3A_775 : i32 to index
        %swap3A_1200 = arith.constant 0 : index
        %swap3A_1201 = tpu.vector_load %arg18[%swap3A, %swap3A_1200] {strides = array<i32>} : memref<64x16xf32, #tpu.memory_space<vmem>>, vector<16xf32>,
        tpu.vector_store %arg18[%swap3A, %swap3A_1200], %add3A_1193 {strides = array<i32>} : memref<64x16xf32, #tpu.memory_space<vmem>>, vector<16xf32>,
        %swap3A_1202 = arith.index_cast %scan3A_775 : i32 to index
        %swap3A_1203 = arith.constant 0 : index
        %swap3A_1204 = tpu.vector_load %arg20[%swap3A_1202, %swap3A_1203] {strides = array<i32>} : memref<64x16xf32, #tpu.memory_space<vmem>>, vector<16xf32>,
        tpu.vector_store %arg20[%swap3A_1202, %swap3A_1203], %add3A_1199 {strides = array<i32>} : memref<64x16xf32, #tpu.memory_space<vmem>>, vector<16xf32>,
      }
      %scan3A_502 = arith.constant 64 : i32
      %mul3A_503 = arith.constant 512 : i32
      %mul3A_504 = arith.muli %add3A, %mul3A_503 : i32
      %mul3A_505 = arith.constant 64 : i32
      %mul3A_506 = arith.muli %add3A_280, %mul3A_505 : i32
      %add3A_507 = arith.addi %mul3A_504, %mul3A_506 : i32
      %multiple_of3A_508 = tpu.assume_multiple %add3A_507, 64 : i32
      %dma_start3A_509 = arith.constant 0 : i32
      %dma_start3A_510 = tpu.memref_slice %arg6[%multiple_of3A_508, %dma_start3A_509] : memref<16384x16xf32, #tpu.memory_space<hbm>> -> memref<64x16xf32, #tpu.memory_space<hbm>>
      %dma_start3A_511 = arith.constant 0 : i32
      %dma_start3A_512 = tpu.memref_slice %arg6[%multiple_of3A_508, %dma_start3A_511] : memref<16384x16xf32, #tpu.memory_space<hbm>> -> memref<64x16xf32, #tpu.memory_space<hbm>>
      tpu.enqueue_dma source(%arg18 : memref<64x16xf32, #tpu.memory_space<vmem>>) target(%dma_start3A_512 : memref<64x16xf32, #tpu.memory_space<hbm>>) target_semaphore(%arg26 : memref<!tpu.dma_semaphore, #tpu.memory_space<semaphore_mem>>)
      %dma_start3A_513 = arith.constant 0 : i32
      %dma_start3A_514 = tpu.memref_slice %arg7[%multiple_of3A_508, %dma_start3A_513] : memref<16384x16xf32, #tpu.memory_space<hbm>> -> memref<64x16xf32, #tpu.memory_space<hbm>>
      %dma_start3A_515 = arith.constant 0 : i32
      %dma_start3A_516 = tpu.memref_slice %arg7[%multiple_of3A_508, %dma_start3A_515] : memref<16384x16xf32, #tpu.memory_space<hbm>> -> memref<64x16xf32, #tpu.memory_space<hbm>>
      tpu.enqueue_dma source(%arg20 : memref<64x16xf32, #tpu.memory_space<vmem>>) target(%dma_start3A_516 : memref<64x16xf32, #tpu.memory_space<hbm>>) target_semaphore(%arg26 : memref<!tpu.dma_semaphore, #tpu.memory_space<semaphore_mem>>)
      %add3A_517 = arith.constant 2 : i32
      %add3A_518 = arith.addi %add3A_280, %add3A_517 : i32
      %lt3A_519 = arith.constant 8 : i32
      %lt3A_520 = arith.cmpi slt, %add3A_518, %lt3A_519 : i32
      %convert_element_type3A_521 = arith.extui %lt3A_520 : i1 to i32
      %cond3A_522 = arith.constant 0 : i32
      %cond3A_523 = arith.cmpi ne, %convert_element_type3A_521, %cond3A_522 : i32
      scf.if %cond3A_523 {
        %add3A_775 = arith.constant 2 : i32
        %add3A_776 = arith.addi %add3A_280, %add3A_775 : i32
        %mul3A_777 = arith.constant 512 : i32
        %mul3A_778 = arith.muli %add3A, %mul3A_777 : i32
        %mul3A_779 = arith.constant 64 : i32
        %mul3A_780 = arith.muli %add3A_776, %mul3A_779 : i32
        %add3A_781 = arith.addi %mul3A_778, %mul3A_780 : i32
        %mul3A_782 = arith.constant 26 : i32
        %mul3A_783 = arith.muli %add3A_781, %mul3A_782 : i32
        %multiple_of3A_784 = tpu.assume_multiple %mul3A_783, 1664 : i32
        %dma_start3A_785 = tpu.memref_slice %arg2[%multiple_of3A_784] : memref<425984xi32, #tpu.memory_space<hbm>> -> memref<1664xi32, #tpu.memory_space<hbm>>
        %dma_start3A_786 = tpu.memref_slice %arg2[%multiple_of3A_784] : memref<425984xi32, #tpu.memory_space<hbm>> -> memref<1664xi32, #tpu.memory_space<hbm>>
        tpu.enqueue_dma source(%dma_start3A_786 : memref<1664xi32, #tpu.memory_space<hbm>>) target(%arg8 : memref<1664xi32, #tpu.memory_space<vmem>>) target_semaphore(%arg22 : memref<!tpu.dma_semaphore, #tpu.memory_space<semaphore_mem>>)
        %dma_start3A_787 = tpu.memref_slice %arg3[%multiple_of3A_784] : memref<425984xi32, #tpu.memory_space<hbm>> -> memref<1664xi32, #tpu.memory_space<hbm>>
        %dma_start3A_788 = tpu.memref_slice %arg3[%multiple_of3A_784] : memref<425984xi32, #tpu.memory_space<hbm>> -> memref<1664xi32, #tpu.memory_space<hbm>>
        tpu.enqueue_dma source(%dma_start3A_788 : memref<1664xi32, #tpu.memory_space<hbm>>) target(%arg10 : memref<1664xi32, #tpu.memory_space<vmem>>) target_semaphore(%arg22 : memref<!tpu.dma_semaphore, #tpu.memory_space<semaphore_mem>>)
        %dma_start3A_789 = tpu.memref_slice %arg4[%multiple_of3A_784] : memref<425984xf32, #tpu.memory_space<hbm>> -> memref<1664xf32, #tpu.memory_space<hbm>>
        %dma_start3A_790 = tpu.memref_slice %arg4[%multiple_of3A_784] : memref<425984xf32, #tpu.memory_space<hbm>> -> memref<1664xf32, #tpu.memory_space<hbm>>
        tpu.enqueue_dma source(%dma_start3A_790 : memref<1664xf32, #tpu.memory_space<hbm>>) target(%arg12 : memref<1664xf32, #tpu.memory_space<vmem>>) target_semaphore(%arg22 : memref<!tpu.dma_semaphore, #tpu.memory_space<semaphore_mem>>)
      } else {
      }
      %mul3A_524 = arith.constant 2 : i32
      %mul3A_525 = arith.muli %scan3A_276, %mul3A_524 : i32
      %add3A_526 = arith.constant 1 : i32
      %add3A_527 = arith.addi %mul3A_525, %add3A_526 : i32
      %dma_wait3A_528 = arith.constant 0 : i32
      %dma_wait3A_529 = arith.constant 0 : i32
      %dma_wait3A_530 = tpu.memref_slice %arg15[%dma_wait3A_528, %dma_wait3A_529] : memref<1664x16xf32, #tpu.memory_space<vmem>> -> memref<128x16xf32, #tpu.memory_space<vmem>>
      %dma_wait3A_531 = arith.constant 0 : i32
      %dma_wait3A_532 = tpu.memref_slice %arg9[%dma_wait3A_531] : memref<1664xi32, #tpu.memory_space<vmem>> -> memref<128xi32, #tpu.memory_space<vmem>>
      %dma_wait3A_533 = arith.constant 0 : i32
      %dma_wait3A_534 = arith.constant 0 : i32
      %dma_wait3A_535 = tpu.memref_slice %arg5[%dma_wait3A_533, %dma_wait3A_534] : memref<1000000x16xf32, #tpu.memory_space<hbm>> -> memref<1000000x16xf32, #tpu.memory_space<hbm>>
      tpu.wait_indirect_dma semaphore(%arg25 : memref<!tpu.dma_semaphore, #tpu.memory_space<semaphore_mem>>) src(%dma_wait3A_535 : memref<1000000x16xf32, #tpu.memory_space<hbm>>) dst(%dma_wait3A_530 : memref<128x16xf32, #tpu.memory_space<vmem>>)
      %dma_wait3A_536 = arith.constant 0 : i32
      %dma_wait3A_537 = arith.constant 0 : i32
      %dma_wait3A_538 = tpu.memref_slice %arg17[%dma_wait3A_536, %dma_wait3A_537] : memref<1664x16xf32, #tpu.memory_space<vmem>> -> memref<128x16xf32, #tpu.memory_space<vmem>>
      %dma_wait3A_539 = arith.constant 0 : i32
      %dma_wait3A_540 = tpu.memref_slice %arg11[%dma_wait3A_539] : memref<1664xi32, #tpu.memory_space<vmem>> -> memref<128xi32, #tpu.memory_space<vmem>>
      %dma_wait3A_541 = arith.constant 0 : i32
      %dma_wait3A_542 = arith.constant 0 : i32
      %dma_wait3A_543 = tpu.memref_slice %arg5[%dma_wait3A_541, %dma_wait3A_542] : memref<1000000x16xf32, #tpu.memory_space<hbm>> -> memref<1000000x16xf32, #tpu.memory_space<hbm>>
      tpu.wait_indirect_dma semaphore(%arg25 : memref<!tpu.dma_semaphore, #tpu.memory_space<semaphore_mem>>) src(%dma_wait3A_543 : memref<1000000x16xf32, #tpu.memory_space<hbm>>) dst(%dma_wait3A_538 : memref<128x16xf32, #tpu.memory_space<vmem>>)
      %dma_wait3A_544 = arith.constant 128 : i32
      %dma_wait3A_545 = arith.constant 0 : i32
      %dma_wait3A_546 = tpu.memref_slice %arg15[%dma_wait3A_544, %dma_wait3A_545] : memref<1664x16xf32, #tpu.memory_space<vmem>> -> memref<128x16xf32, #tpu.memory_space<vmem>>
      %dma_wait3A_547 = arith.constant 128 : i32
      %dma_wait3A_548 = tpu.memref_slice %arg9[%dma_wait3A_547] : memref<1664xi32, #tpu.memory_space<vmem>> -> memref<128xi32, #tpu.memory_space<vmem>>
      %dma_wait3A_549 = arith.constant 0 : i32
      %dma_wait3A_550 = arith.constant 0 : i32
      %dma_wait3A_551 = tpu.memref_slice %arg5[%dma_wait3A_549, %dma_wait3A_550] : memref<1000000x16xf32, #tpu.memory_space<hbm>> -> memref<1000000x16xf32, #tpu.memory_space<hbm>>
      tpu.wait_indirect_dma semaphore(%arg25 : memref<!tpu.dma_semaphore, #tpu.memory_space<semaphore_mem>>) src(%dma_wait3A_551 : memref<1000000x16xf32, #tpu.memory_space<hbm>>) dst(%dma_wait3A_546 : memref<128x16xf32, #tpu.memory_space<vmem>>)
      %dma_wait3A_552 = arith.constant 128 : i32
      %dma_wait3A_553 = arith.constant 0 : i32
      %dma_wait3A_554 = tpu.memref_slice %arg17[%dma_wait3A_552, %dma_wait3A_553] : memref<1664x16xf32, #tpu.memory_space<vmem>> -> memref<128x16xf32, #tpu.memory_space<vmem>>
      %dma_wait3A_555 = arith.constant 128 : i32
      %dma_wait3A_556 = tpu.memref_slice %arg11[%dma_wait3A_555] : memref<1664xi32, #tpu.memory_space<vmem>> -> memref<128xi32, #tpu.memory_space<vmem>>
      %dma_wait3A_557 = arith.constant 0 : i32
      %dma_wait3A_558 = arith.constant 0 : i32
      %dma_wait3A_559 = tpu.memref_slice %arg5[%dma_wait3A_557, %dma_wait3A_558] : memref<1000000x16xf32, #tpu.memory_space<hbm>> -> memref<1000000x16xf32, #tpu.memory_space<hbm>>
      tpu.wait_indirect_dma semaphore(%arg25 : memref<!tpu.dma_semaphore, #tpu.memory_space<semaphore_mem>>) src(%dma_wait3A_559 : memref<1000000x16xf32, #tpu.memory_space<hbm>>) dst(%dma_wait3A_554 : memref<128x16xf32, #tpu.memory_space<vmem>>)
      %dma_wait3A_560 = arith.constant 256 : i32
      %dma_wait3A_561 = arith.constant 0 : i32
      %dma_wait3A_562 = tpu.memref_slice %arg15[%dma_wait3A_560, %dma_wait3A_561] : memref<1664x16xf32, #tpu.memory_space<vmem>> -> memref<128x16xf32, #tpu.memory_space<vmem>>
      %dma_wait3A_563 = arith.constant 256 : i32
      %dma_wait3A_564 = tpu.memref_slice %arg9[%dma_wait3A_563] : memref<1664xi32, #tpu.memory_space<vmem>> -> memref<128xi32, #tpu.memory_space<vmem>>
      %dma_wait3A_565 = arith.constant 0 : i32
      %dma_wait3A_566 = arith.constant 0 : i32
      %dma_wait3A_567 = tpu.memref_slice %arg5[%dma_wait3A_565, %dma_wait3A_566] : memref<1000000x16xf32, #tpu.memory_space<hbm>> -> memref<1000000x16xf32, #tpu.memory_space<hbm>>
      tpu.wait_indirect_dma semaphore(%arg25 : memref<!tpu.dma_semaphore, #tpu.memory_space<semaphore_mem>>) src(%dma_wait3A_567 : memref<1000000x16xf32, #tpu.memory_space<hbm>>) dst(%dma_wait3A_562 : memref<128x16xf32, #tpu.memory_space<vmem>>)
      %dma_wait3A_568 = arith.constant 256 : i32
      %dma_wait3A_569 = arith.constant 0 : i32
      %dma_wait3A_570 = tpu.memref_slice %arg17[%dma_wait3A_568, %dma_wait3A_569] : memref<1664x16xf32, #tpu.memory_space<vmem>> -> memref<128x16xf32, #tpu.memory_space<vmem>>
      %dma_wait3A_571 = arith.constant 256 : i32
      %dma_wait3A_572 = tpu.memref_slice %arg11[%dma_wait3A_571] : memref<1664xi32, #tpu.memory_space<vmem>> -> memref<128xi32, #tpu.memory_space<vmem>>
      %dma_wait3A_573 = arith.constant 0 : i32
      %dma_wait3A_574 = arith.constant 0 : i32
      %dma_wait3A_575 = tpu.memref_slice %arg5[%dma_wait3A_573, %dma_wait3A_574] : memref<1000000x16xf32, #tpu.memory_space<hbm>> -> memref<1000000x16xf32, #tpu.memory_space<hbm>>
      tpu.wait_indirect_dma semaphore(%arg25 : memref<!tpu.dma_semaphore, #tpu.memory_space<semaphore_mem>>) src(%dma_wait3A_575 : memref<1000000x16xf32, #tpu.memory_space<hbm>>) dst(%dma_wait3A_570 : memref<128x16xf32, #tpu.memory_space<vmem>>)
      %dma_wait3A_576 = arith.constant 384 : i32
      %dma_wait3A_577 = arith.constant 0 : i32
      %dma_wait3A_578 = tpu.memref_slice %arg15[%dma_wait3A_576, %dma_wait3A_577] : memref<1664x16xf32, #tpu.memory_space<vmem>> -> memref<128x16xf32, #tpu.memory_space<vmem>>
      %dma_wait3A_579 = arith.constant 384 : i32
      %dma_wait3A_580 = tpu.memref_slice %arg9[%dma_wait3A_579] : memref<1664xi32, #tpu.memory_space<vmem>> -> memref<128xi32, #tpu.memory_space<vmem>>
      %dma_wait3A_581 = arith.constant 0 : i32
      %dma_wait3A_582 = arith.constant 0 : i32
      %dma_wait3A_583 = tpu.memref_slice %arg5[%dma_wait3A_581, %dma_wait3A_582] : memref<1000000x16xf32, #tpu.memory_space<hbm>> -> memref<1000000x16xf32, #tpu.memory_space<hbm>>
      tpu.wait_indirect_dma semaphore(%arg25 : memref<!tpu.dma_semaphore, #tpu.memory_space<semaphore_mem>>) src(%dma_wait3A_583 : memref<1000000x16xf32, #tpu.memory_space<hbm>>) dst(%dma_wait3A_578 : memref<128x16xf32, #tpu.memory_space<vmem>>)
      %dma_wait3A_584 = arith.constant 384 : i32
      %dma_wait3A_585 = arith.constant 0 : i32
      %dma_wait3A_586 = tpu.memref_slice %arg17[%dma_wait3A_584, %dma_wait3A_585] : memref<1664x16xf32, #tpu.memory_space<vmem>> -> memref<128x16xf32, #tpu.memory_space<vmem>>
      %dma_wait3A_587 = arith.constant 384 : i32
      %dma_wait3A_588 = tpu.memref_slice %arg11[%dma_wait3A_587] : memref<1664xi32, #tpu.memory_space<vmem>> -> memref<128xi32, #tpu.memory_space<vmem>>
      %dma_wait3A_589 = arith.constant 0 : i32
      %dma_wait3A_590 = arith.constant 0 : i32
      %dma_wait3A_591 = tpu.memref_slice %arg5[%dma_wait3A_589, %dma_wait3A_590] : memref<1000000x16xf32, #tpu.memory_space<hbm>> -> memref<1000000x16xf32, #tpu.memory_space<hbm>>
      tpu.wait_indirect_dma semaphore(%arg25 : memref<!tpu.dma_semaphore, #tpu.memory_space<semaphore_mem>>) src(%dma_wait3A_591 : memref<1000000x16xf32, #tpu.memory_space<hbm>>) dst(%dma_wait3A_586 : memref<128x16xf32, #tpu.memory_space<vmem>>)
      %dma_wait3A_592 = arith.constant 512 : i32
      %dma_wait3A_593 = arith.constant 0 : i32
      %dma_wait3A_594 = tpu.memref_slice %arg15[%dma_wait3A_592, %dma_wait3A_593] : memref<1664x16xf32, #tpu.memory_space<vmem>> -> memref<128x16xf32, #tpu.memory_space<vmem>>
      %dma_wait3A_595 = arith.constant 512 : i32
      %dma_wait3A_596 = tpu.memref_slice %arg9[%dma_wait3A_595] : memref<1664xi32, #tpu.memory_space<vmem>> -> memref<128xi32, #tpu.memory_space<vmem>>
      %dma_wait3A_597 = arith.constant 0 : i32
      %dma_wait3A_598 = arith.constant 0 : i32
      %dma_wait3A_599 = tpu.memref_slice %arg5[%dma_wait3A_597, %dma_wait3A_598] : memref<1000000x16xf32, #tpu.memory_space<hbm>> -> memref<1000000x16xf32, #tpu.memory_space<hbm>>
      tpu.wait_indirect_dma semaphore(%arg25 : memref<!tpu.dma_semaphore, #tpu.memory_space<semaphore_mem>>) src(%dma_wait3A_599 : memref<1000000x16xf32, #tpu.memory_space<hbm>>) dst(%dma_wait3A_594 : memref<128x16xf32, #tpu.memory_space<vmem>>)
      %dma_wait3A_600 = arith.constant 512 : i32
      %dma_wait3A_601 = arith.constant 0 : i32
      %dma_wait3A_602 = tpu.memref_slice %arg17[%dma_wait3A_600, %dma_wait3A_601] : memref<1664x16xf32, #tpu.memory_space<vmem>> -> memref<128x16xf32, #tpu.memory_space<vmem>>
      %dma_wait3A_603 = arith.constant 512 : i32
      %dma_wait3A_604 = tpu.memref_slice %arg11[%dma_wait3A_603] : memref<1664xi32, #tpu.memory_space<vmem>> -> memref<128xi32, #tpu.memory_space<vmem>>
      %dma_wait3A_605 = arith.constant 0 : i32
      %dma_wait3A_606 = arith.constant 0 : i32
      %dma_wait3A_607 = tpu.memref_slice %arg5[%dma_wait3A_605, %dma_wait3A_606] : memref<1000000x16xf32, #tpu.memory_space<hbm>> -> memref<1000000x16xf32, #tpu.memory_space<hbm>>
      tpu.wait_indirect_dma semaphore(%arg25 : memref<!tpu.dma_semaphore, #tpu.memory_space<semaphore_mem>>) src(%dma_wait3A_607 : memref<1000000x16xf32, #tpu.memory_space<hbm>>) dst(%dma_wait3A_602 : memref<128x16xf32, #tpu.memory_space<vmem>>)
      %dma_wait3A_608 = arith.constant 640 : i32
      %dma_wait3A_609 = arith.constant 0 : i32
      %dma_wait3A_610 = tpu.memref_slice %arg15[%dma_wait3A_608, %dma_wait3A_609] : memref<1664x16xf32, #tpu.memory_space<vmem>> -> memref<128x16xf32, #tpu.memory_space<vmem>>
      %dma_wait3A_611 = arith.constant 640 : i32
      %dma_wait3A_612 = tpu.memref_slice %arg9[%dma_wait3A_611] : memref<1664xi32, #tpu.memory_space<vmem>> -> memref<128xi32, #tpu.memory_space<vmem>>
      %dma_wait3A_613 = arith.constant 0 : i32
      %dma_wait3A_614 = arith.constant 0 : i32
      %dma_wait3A_615 = tpu.memref_slice %arg5[%dma_wait3A_613, %dma_wait3A_614] : memref<1000000x16xf32, #tpu.memory_space<hbm>> -> memref<1000000x16xf32, #tpu.memory_space<hbm>>
      tpu.wait_indirect_dma semaphore(%arg25 : memref<!tpu.dma_semaphore, #tpu.memory_space<semaphore_mem>>) src(%dma_wait3A_615 : memref<1000000x16xf32, #tpu.memory_space<hbm>>) dst(%dma_wait3A_610 : memref<128x16xf32, #tpu.memory_space<vmem>>)
      %dma_wait3A_616 = arith.constant 640 : i32
      %dma_wait3A_617 = arith.constant 0 : i32
      %dma_wait3A_618 = tpu.memref_slice %arg17[%dma_wait3A_616, %dma_wait3A_617] : memref<1664x16xf32, #tpu.memory_space<vmem>> -> memref<128x16xf32, #tpu.memory_space<vmem>>
      %dma_wait3A_619 = arith.constant 640 : i32
      %dma_wait3A_620 = tpu.memref_slice %arg11[%dma_wait3A_619] : memref<1664xi32, #tpu.memory_space<vmem>> -> memref<128xi32, #tpu.memory_space<vmem>>
      %dma_wait3A_621 = arith.constant 0 : i32
      %dma_wait3A_622 = arith.constant 0 : i32
      %dma_wait3A_623 = tpu.memref_slice %arg5[%dma_wait3A_621, %dma_wait3A_622] : memref<1000000x16xf32, #tpu.memory_space<hbm>> -> memref<1000000x16xf32, #tpu.memory_space<hbm>>
      tpu.wait_indirect_dma semaphore(%arg25 : memref<!tpu.dma_semaphore, #tpu.memory_space<semaphore_mem>>) src(%dma_wait3A_623 : memref<1000000x16xf32, #tpu.memory_space<hbm>>) dst(%dma_wait3A_618 : memref<128x16xf32, #tpu.memory_space<vmem>>)
      %dma_wait3A_624 = arith.constant 768 : i32
      %dma_wait3A_625 = arith.constant 0 : i32
      %dma_wait3A_626 = tpu.memref_slice %arg15[%dma_wait3A_624, %dma_wait3A_625] : memref<1664x16xf32, #tpu.memory_space<vmem>> -> memref<128x16xf32, #tpu.memory_space<vmem>>
      %dma_wait3A_627 = arith.constant 768 : i32
      %dma_wait3A_628 = tpu.memref_slice %arg9[%dma_wait3A_627] : memref<1664xi32, #tpu.memory_space<vmem>> -> memref<128xi32, #tpu.memory_space<vmem>>
      %dma_wait3A_629 = arith.constant 0 : i32
      %dma_wait3A_630 = arith.constant 0 : i32
      %dma_wait3A_631 = tpu.memref_slice %arg5[%dma_wait3A_629, %dma_wait3A_630] : memref<1000000x16xf32, #tpu.memory_space<hbm>> -> memref<1000000x16xf32, #tpu.memory_space<hbm>>
      tpu.wait_indirect_dma semaphore(%arg25 : memref<!tpu.dma_semaphore, #tpu.memory_space<semaphore_mem>>) src(%dma_wait3A_631 : memref<1000000x16xf32, #tpu.memory_space<hbm>>) dst(%dma_wait3A_626 : memref<128x16xf32, #tpu.memory_space<vmem>>)
      %dma_wait3A_632 = arith.constant 768 : i32
      %dma_wait3A_633 = arith.constant 0 : i32
      %dma_wait3A_634 = tpu.memref_slice %arg17[%dma_wait3A_632, %dma_wait3A_633] : memref<1664x16xf32, #tpu.memory_space<vmem>> -> memref<128x16xf32, #tpu.memory_space<vmem>>
      %dma_wait3A_635 = arith.constant 768 : i32
      %dma_wait3A_636 = tpu.memref_slice %arg11[%dma_wait3A_635] : memref<1664xi32, #tpu.memory_space<vmem>> -> memref<128xi32, #tpu.memory_space<vmem>>
      %dma_wait3A_637 = arith.constant 0 : i32
      %dma_wait3A_638 = arith.constant 0 : i32
      %dma_wait3A_639 = tpu.memref_slice %arg5[%dma_wait3A_637, %dma_wait3A_638] : memref<1000000x16xf32, #tpu.memory_space<hbm>> -> memref<1000000x16xf32, #tpu.memory_space<hbm>>
      tpu.wait_indirect_dma semaphore(%arg25 : memref<!tpu.dma_semaphore, #tpu.memory_space<semaphore_mem>>) src(%dma_wait3A_639 : memref<1000000x16xf32, #tpu.memory_space<hbm>>) dst(%dma_wait3A_634 : memref<128x16xf32, #tpu.memory_space<vmem>>)
      %dma_wait3A_640 = arith.constant 896 : i32
      %dma_wait3A_641 = arith.constant 0 : i32
      %dma_wait3A_642 = tpu.memref_slice %arg15[%dma_wait3A_640, %dma_wait3A_641] : memref<1664x16xf32, #tpu.memory_space<vmem>> -> memref<128x16xf32, #tpu.memory_space<vmem>>
      %dma_wait3A_643 = arith.constant 896 : i32
      %dma_wait3A_644 = tpu.memref_slice %arg9[%dma_wait3A_643] : memref<1664xi32, #tpu.memory_space<vmem>> -> memref<128xi32, #tpu.memory_space<vmem>>
      %dma_wait3A_645 = arith.constant 0 : i32
      %dma_wait3A_646 = arith.constant 0 : i32
      %dma_wait3A_647 = tpu.memref_slice %arg5[%dma_wait3A_645, %dma_wait3A_646] : memref<1000000x16xf32, #tpu.memory_space<hbm>> -> memref<1000000x16xf32, #tpu.memory_space<hbm>>
      tpu.wait_indirect_dma semaphore(%arg25 : memref<!tpu.dma_semaphore, #tpu.memory_space<semaphore_mem>>) src(%dma_wait3A_647 : memref<1000000x16xf32, #tpu.memory_space<hbm>>) dst(%dma_wait3A_642 : memref<128x16xf32, #tpu.memory_space<vmem>>)
      %dma_wait3A_648 = arith.constant 896 : i32
      %dma_wait3A_649 = arith.constant 0 : i32
      %dma_wait3A_650 = tpu.memref_slice %arg17[%dma_wait3A_648, %dma_wait3A_649] : memref<1664x16xf32, #tpu.memory_space<vmem>> -> memref<128x16xf32, #tpu.memory_space<vmem>>
      %dma_wait3A_651 = arith.constant 896 : i32
      %dma_wait3A_652 = tpu.memref_slice %arg11[%dma_wait3A_651] : memref<1664xi32, #tpu.memory_space<vmem>> -> memref<128xi32, #tpu.memory_space<vmem>>
      %dma_wait3A_653 = arith.constant 0 : i32
      %dma_wait3A_654 = arith.constant 0 : i32
      %dma_wait3A_655 = tpu.memref_slice %arg5[%dma_wait3A_653, %dma_wait3A_654] : memref<1000000x16xf32, #tpu.memory_space<hbm>> -> memref<1000000x16xf32, #tpu.memory_space<hbm>>
      tpu.wait_indirect_dma semaphore(%arg25 : memref<!tpu.dma_semaphore, #tpu.memory_space<semaphore_mem>>) src(%dma_wait3A_655 : memref<1000000x16xf32, #tpu.memory_space<hbm>>) dst(%dma_wait3A_650 : memref<128x16xf32, #tpu.memory_space<vmem>>)
      %dma_wait3A_656 = arith.constant 1024 : i32
      %dma_wait3A_657 = arith.constant 0 : i32
      %dma_wait3A_658 = tpu.memref_slice %arg15[%dma_wait3A_656, %dma_wait3A_657] : memref<1664x16xf32, #tpu.memory_space<vmem>> -> memref<128x16xf32, #tpu.memory_space<vmem>>
      %dma_wait3A_659 = arith.constant 1024 : i32
      %dma_wait3A_660 = tpu.memref_slice %arg9[%dma_wait3A_659] : memref<1664xi32, #tpu.memory_space<vmem>> -> memref<128xi32, #tpu.memory_space<vmem>>
      %dma_wait3A_661 = arith.constant 0 : i32
      %dma_wait3A_662 = arith.constant 0 : i32
      %dma_wait3A_663 = tpu.memref_slice %arg5[%dma_wait3A_661, %dma_wait3A_662] : memref<1000000x16xf32, #tpu.memory_space<hbm>> -> memref<1000000x16xf32, #tpu.memory_space<hbm>>
      tpu.wait_indirect_dma semaphore(%arg25 : memref<!tpu.dma_semaphore, #tpu.memory_space<semaphore_mem>>) src(%dma_wait3A_663 : memref<1000000x16xf32, #tpu.memory_space<hbm>>) dst(%dma_wait3A_658 : memref<128x16xf32, #tpu.memory_space<vmem>>)
      %dma_wait3A_664 = arith.constant 1024 : i32
      %dma_wait3A_665 = arith.constant 0 : i32
      %dma_wait3A_666 = tpu.memref_slice %arg17[%dma_wait3A_664, %dma_wait3A_665] : memref<1664x16xf32, #tpu.memory_space<vmem>> -> memref<128x16xf32, #tpu.memory_space<vmem>>
      %dma_wait3A_667 = arith.constant 1024 : i32
      %dma_wait3A_668 = tpu.memref_slice %arg11[%dma_wait3A_667] : memref<1664xi32, #tpu.memory_space<vmem>> -> memref<128xi32, #tpu.memory_space<vmem>>
      %dma_wait3A_669 = arith.constant 0 : i32
      %dma_wait3A_670 = arith.constant 0 : i32
      %dma_wait3A_671 = tpu.memref_slice %arg5[%dma_wait3A_669, %dma_wait3A_670] : memref<1000000x16xf32, #tpu.memory_space<hbm>> -> memref<1000000x16xf32, #tpu.memory_space<hbm>>
      tpu.wait_indirect_dma semaphore(%arg25 : memref<!tpu.dma_semaphore, #tpu.memory_space<semaphore_mem>>) src(%dma_wait3A_671 : memref<1000000x16xf32, #tpu.memory_space<hbm>>) dst(%dma_wait3A_666 : memref<128x16xf32, #tpu.memory_space<vmem>>)
      %dma_wait3A_672 = arith.constant 1152 : i32
      %dma_wait3A_673 = arith.constant 0 : i32
      %dma_wait3A_674 = tpu.memref_slice %arg15[%dma_wait3A_672, %dma_wait3A_673] : memref<1664x16xf32, #tpu.memory_space<vmem>> -> memref<128x16xf32, #tpu.memory_space<vmem>>
      %dma_wait3A_675 = arith.constant 1152 : i32
      %dma_wait3A_676 = tpu.memref_slice %arg9[%dma_wait3A_675] : memref<1664xi32, #tpu.memory_space<vmem>> -> memref<128xi32, #tpu.memory_space<vmem>>
      %dma_wait3A_677 = arith.constant 0 : i32
      %dma_wait3A_678 = arith.constant 0 : i32
      %dma_wait3A_679 = tpu.memref_slice %arg5[%dma_wait3A_677, %dma_wait3A_678] : memref<1000000x16xf32, #tpu.memory_space<hbm>> -> memref<1000000x16xf32, #tpu.memory_space<hbm>>
      tpu.wait_indirect_dma semaphore(%arg25 : memref<!tpu.dma_semaphore, #tpu.memory_space<semaphore_mem>>) src(%dma_wait3A_679 : memref<1000000x16xf32, #tpu.memory_space<hbm>>) dst(%dma_wait3A_674 : memref<128x16xf32, #tpu.memory_space<vmem>>)
      %dma_wait3A_680 = arith.constant 1152 : i32
      %dma_wait3A_681 = arith.constant 0 : i32
      %dma_wait3A_682 = tpu.memref_slice %arg17[%dma_wait3A_680, %dma_wait3A_681] : memref<1664x16xf32, #tpu.memory_space<vmem>> -> memref<128x16xf32, #tpu.memory_space<vmem>>
      %dma_wait3A_683 = arith.constant 1152 : i32
      %dma_wait3A_684 = tpu.memref_slice %arg11[%dma_wait3A_683] : memref<1664xi32, #tpu.memory_space<vmem>> -> memref<128xi32, #tpu.memory_space<vmem>>
      %dma_wait3A_685 = arith.constant 0 : i32
      %dma_wait3A_686 = arith.constant 0 : i32
      %dma_wait3A_687 = tpu.memref_slice %arg5[%dma_wait3A_685, %dma_wait3A_686] : memref<1000000x16xf32, #tpu.memory_space<hbm>> -> memref<1000000x16xf32, #tpu.memory_space<hbm>>
      tpu.wait_indirect_dma semaphore(%arg25 : memref<!tpu.dma_semaphore, #tpu.memory_space<semaphore_mem>>) src(%dma_wait3A_687 : memref<1000000x16xf32, #tpu.memory_space<hbm>>) dst(%dma_wait3A_682 : memref<128x16xf32, #tpu.memory_space<vmem>>)
      %dma_wait3A_688 = arith.constant 1280 : i32
      %dma_wait3A_689 = arith.constant 0 : i32
      %dma_wait3A_690 = tpu.memref_slice %arg15[%dma_wait3A_688, %dma_wait3A_689] : memref<1664x16xf32, #tpu.memory_space<vmem>> -> memref<128x16xf32, #tpu.memory_space<vmem>>
      %dma_wait3A_691 = arith.constant 1280 : i32
      %dma_wait3A_692 = tpu.memref_slice %arg9[%dma_wait3A_691] : memref<1664xi32, #tpu.memory_space<vmem>> -> memref<128xi32, #tpu.memory_space<vmem>>
      %dma_wait3A_693 = arith.constant 0 : i32
      %dma_wait3A_694 = arith.constant 0 : i32
      %dma_wait3A_695 = tpu.memref_slice %arg5[%dma_wait3A_693, %dma_wait3A_694] : memref<1000000x16xf32, #tpu.memory_space<hbm>> -> memref<1000000x16xf32, #tpu.memory_space<hbm>>
      tpu.wait_indirect_dma semaphore(%arg25 : memref<!tpu.dma_semaphore, #tpu.memory_space<semaphore_mem>>) src(%dma_wait3A_695 : memref<1000000x16xf32, #tpu.memory_space<hbm>>) dst(%dma_wait3A_690 : memref<128x16xf32, #tpu.memory_space<vmem>>)
      %dma_wait3A_696 = arith.constant 1280 : i32
      %dma_wait3A_697 = arith.constant 0 : i32
      %dma_wait3A_698 = tpu.memref_slice %arg17[%dma_wait3A_696, %dma_wait3A_697] : memref<1664x16xf32, #tpu.memory_space<vmem>> -> memref<128x16xf32, #tpu.memory_space<vmem>>
      %dma_wait3A_699 = arith.constant 1280 : i32
      %dma_wait3A_700 = tpu.memref_slice %arg11[%dma_wait3A_699] : memref<1664xi32, #tpu.memory_space<vmem>> -> memref<128xi32, #tpu.memory_space<vmem>>
      %dma_wait3A_701 = arith.constant 0 : i32
      %dma_wait3A_702 = arith.constant 0 : i32
      %dma_wait3A_703 = tpu.memref_slice %arg5[%dma_wait3A_701, %dma_wait3A_702] : memref<1000000x16xf32, #tpu.memory_space<hbm>> -> memref<1000000x16xf32, #tpu.memory_space<hbm>>
      tpu.wait_indirect_dma semaphore(%arg25 : memref<!tpu.dma_semaphore, #tpu.memory_space<semaphore_mem>>) src(%dma_wait3A_703 : memref<1000000x16xf32, #tpu.memory_space<hbm>>) dst(%dma_wait3A_698 : memref<128x16xf32, #tpu.memory_space<vmem>>)
      %dma_wait3A_704 = arith.constant 1408 : i32
      %dma_wait3A_705 = arith.constant 0 : i32
      %dma_wait3A_706 = tpu.memref_slice %arg15[%dma_wait3A_704, %dma_wait3A_705] : memref<1664x16xf32, #tpu.memory_space<vmem>> -> memref<128x16xf32, #tpu.memory_space<vmem>>
      %dma_wait3A_707 = arith.constant 1408 : i32
      %dma_wait3A_708 = tpu.memref_slice %arg9[%dma_wait3A_707] : memref<1664xi32, #tpu.memory_space<vmem>> -> memref<128xi32, #tpu.memory_space<vmem>>
      %dma_wait3A_709 = arith.constant 0 : i32
      %dma_wait3A_710 = arith.constant 0 : i32
      %dma_wait3A_711 = tpu.memref_slice %arg5[%dma_wait3A_709, %dma_wait3A_710] : memref<1000000x16xf32, #tpu.memory_space<hbm>> -> memref<1000000x16xf32, #tpu.memory_space<hbm>>
      tpu.wait_indirect_dma semaphore(%arg25 : memref<!tpu.dma_semaphore, #tpu.memory_space<semaphore_mem>>) src(%dma_wait3A_711 : memref<1000000x16xf32, #tpu.memory_space<hbm>>) dst(%dma_wait3A_706 : memref<128x16xf32, #tpu.memory_space<vmem>>)
      %dma_wait3A_712 = arith.constant 1408 : i32
      %dma_wait3A_713 = arith.constant 0 : i32
      %dma_wait3A_714 = tpu.memref_slice %arg17[%dma_wait3A_712, %dma_wait3A_713] : memref<1664x16xf32, #tpu.memory_space<vmem>> -> memref<128x16xf32, #tpu.memory_space<vmem>>
      %dma_wait3A_715 = arith.constant 1408 : i32
      %dma_wait3A_716 = tpu.memref_slice %arg11[%dma_wait3A_715] : memref<1664xi32, #tpu.memory_space<vmem>> -> memref<128xi32, #tpu.memory_space<vmem>>
      %dma_wait3A_717 = arith.constant 0 : i32
      %dma_wait3A_718 = arith.constant 0 : i32
      %dma_wait3A_719 = tpu.memref_slice %arg5[%dma_wait3A_717, %dma_wait3A_718] : memref<1000000x16xf32, #tpu.memory_space<hbm>> -> memref<1000000x16xf32, #tpu.memory_space<hbm>>
      tpu.wait_indirect_dma semaphore(%arg25 : memref<!tpu.dma_semaphore, #tpu.memory_space<semaphore_mem>>) src(%dma_wait3A_719 : memref<1000000x16xf32, #tpu.memory_space<hbm>>) dst(%dma_wait3A_714 : memref<128x16xf32, #tpu.memory_space<vmem>>)
      %dma_wait3A_720 = arith.constant 1536 : i32
      %dma_wait3A_721 = arith.constant 0 : i32
      %dma_wait3A_722 = tpu.memref_slice %arg15[%dma_wait3A_720, %dma_wait3A_721] : memref<1664x16xf32, #tpu.memory_space<vmem>> -> memref<128x16xf32, #tpu.memory_space<vmem>>
      %dma_wait3A_723 = arith.constant 1536 : i32
      %dma_wait3A_724 = tpu.memref_slice %arg9[%dma_wait3A_723] : memref<1664xi32, #tpu.memory_space<vmem>> -> memref<128xi32, #tpu.memory_space<vmem>>
      %dma_wait3A_725 = arith.constant 0 : i32
      %dma_wait3A_726 = arith.constant 0 : i32
      %dma_wait3A_727 = tpu.memref_slice %arg5[%dma_wait3A_725, %dma_wait3A_726] : memref<1000000x16xf32, #tpu.memory_space<hbm>> -> memref<1000000x16xf32, #tpu.memory_space<hbm>>
      tpu.wait_indirect_dma semaphore(%arg25 : memref<!tpu.dma_semaphore, #tpu.memory_space<semaphore_mem>>) src(%dma_wait3A_727 : memref<1000000x16xf32, #tpu.memory_space<hbm>>) dst(%dma_wait3A_722 : memref<128x16xf32, #tpu.memory_space<vmem>>)
      %dma_wait3A_728 = arith.constant 1536 : i32
      %dma_wait3A_729 = arith.constant 0 : i32
      %dma_wait3A_730 = tpu.memref_slice %arg17[%dma_wait3A_728, %dma_wait3A_729] : memref<1664x16xf32, #tpu.memory_space<vmem>> -> memref<128x16xf32, #tpu.memory_space<vmem>>
      %dma_wait3A_731 = arith.constant 1536 : i32
      %dma_wait3A_732 = tpu.memref_slice %arg11[%dma_wait3A_731] : memref<1664xi32, #tpu.memory_space<vmem>> -> memref<128xi32, #tpu.memory_space<vmem>>
      %dma_wait3A_733 = arith.constant 0 : i32
      %dma_wait3A_734 = arith.constant 0 : i32
      %dma_wait3A_735 = tpu.memref_slice %arg5[%dma_wait3A_733, %dma_wait3A_734] : memref<1000000x16xf32, #tpu.memory_space<hbm>> -> memref<1000000x16xf32, #tpu.memory_space<hbm>>
      tpu.wait_indirect_dma semaphore(%arg25 : memref<!tpu.dma_semaphore, #tpu.memory_space<semaphore_mem>>) src(%dma_wait3A_735 : memref<1000000x16xf32, #tpu.memory_space<hbm>>) dst(%dma_wait3A_730 : memref<128x16xf32, #tpu.memory_space<vmem>>)
      %add3A_736 = arith.constant 1 : i32
      %add3A_737 = arith.addi %add3A_527, %add3A_736 : i32
      %lt3A_738 = arith.constant 8 : i32
      %lt3A_739 = arith.cmpi slt, %add3A_737, %lt3A_738 : i32
      %convert_element_type3A_740 = arith.extui %lt3A_739 : i1 to i32
      %cond3A_741 = arith.constant 0 : i32
      %cond3A_742 = arith.cmpi ne, %convert_element_type3A_740, %cond3A_741 : i32
      scf.if %cond3A_742 {
        %add3A_775 = arith.constant 1 : i32
        %add3A_776 = arith.addi %add3A_527, %add3A_775 : i32
        %mul3A_777 = arith.constant 512 : i32
        %mul3A_778 = arith.muli %add3A, %mul3A_777 : i32
        %mul3A_779 = arith.constant 64 : i32
        %mul3A_780 = arith.muli %add3A_776, %mul3A_779 : i32
        %add3A_781 = arith.addi %mul3A_778, %mul3A_780 : i32
        %mul3A_782 = arith.constant 26 : i32
        %mul3A_783 = arith.muli %add3A_781, %mul3A_782 : i32
        %multiple_of3A_784 = tpu.assume_multiple %mul3A_783, 1664 : i32
        %dma_wait3A_785 = tpu.memref_slice %arg2[%multiple_of3A_784] : memref<425984xi32, #tpu.memory_space<hbm>> -> memref<1664xi32, #tpu.memory_space<hbm>>
        %dma_wait3A_786 = tpu.memref_slice %arg2[%multiple_of3A_784] : memref<425984xi32, #tpu.memory_space<hbm>> -> memref<1664xi32, #tpu.memory_space<hbm>>
        tpu.wait_dma2 semaphore(%arg22 : memref<!tpu.dma_semaphore, #tpu.memory_space<semaphore_mem>>) src(%dma_wait3A_786 : memref<1664xi32, #tpu.memory_space<hbm>>) dst(%arg8 : memref<1664xi32, #tpu.memory_space<vmem>>)
        %dma_wait3A_787 = tpu.memref_slice %arg3[%multiple_of3A_784] : memref<425984xi32, #tpu.memory_space<hbm>> -> memref<1664xi32, #tpu.memory_space<hbm>>
        %dma_wait3A_788 = tpu.memref_slice %arg3[%multiple_of3A_784] : memref<425984xi32, #tpu.memory_space<hbm>> -> memref<1664xi32, #tpu.memory_space<hbm>>
        tpu.wait_dma2 semaphore(%arg22 : memref<!tpu.dma_semaphore, #tpu.memory_space<semaphore_mem>>) src(%dma_wait3A_788 : memref<1664xi32, #tpu.memory_space<hbm>>) dst(%arg10 : memref<1664xi32, #tpu.memory_space<vmem>>)
        %dma_wait3A_789 = tpu.memref_slice %arg4[%multiple_of3A_784] : memref<425984xf32, #tpu.memory_space<hbm>> -> memref<1664xf32, #tpu.memory_space<hbm>>
        %dma_wait3A_790 = tpu.memref_slice %arg4[%multiple_of3A_784] : memref<425984xf32, #tpu.memory_space<hbm>> -> memref<1664xf32, #tpu.memory_space<hbm>>
        tpu.wait_dma2 semaphore(%arg22 : memref<!tpu.dma_semaphore, #tpu.memory_space<semaphore_mem>>) src(%dma_wait3A_790 : memref<1664xf32, #tpu.memory_space<hbm>>) dst(%arg12 : memref<1664xf32, #tpu.memory_space<vmem>>)
        %dma_start3A_791 = arith.constant 0 : i32
        %dma_start3A_792 = arith.constant 0 : i32
        %dma_start3A_793 = tpu.memref_slice %arg14[%dma_start3A_791, %dma_start3A_792] : memref<1664x16xf32, #tpu.memory_space<vmem>> -> memref<128x16xf32, #tpu.memory_space<vmem>>
        %dma_start3A_794 = arith.constant 0 : i32
        %dma_start3A_795 = tpu.memref_slice %arg8[%dma_start3A_794] : memref<1664xi32, #tpu.memory_space<vmem>> -> memref<128xi32, #tpu.memory_space<vmem>>
        %dma_start3A_796 = arith.constant 0 : i32
        %dma_start3A_797 = arith.constant 0 : i32
        %dma_start3A_798 = tpu.memref_slice %arg5[%dma_start3A_796, %dma_start3A_797] : memref<1000000x16xf32, #tpu.memory_space<hbm>> -> memref<1000000x16xf32, #tpu.memory_space<hbm>>
        tpu.enqueue_indirect_dma source(%dma_start3A_798 : memref<1000000x16xf32, #tpu.memory_space<hbm>>) target(%dma_start3A_793 : memref<128x16xf32, #tpu.memory_space<vmem>>) offsets(%dma_start3A_795 : memref<128xi32, #tpu.memory_space<vmem>>) semaphore(%arg24 : memref<!tpu.dma_semaphore, #tpu.memory_space<semaphore_mem>>)
        %dma_start3A_799 = arith.constant 0 : i32
        %dma_start3A_800 = arith.constant 0 : i32
        %dma_start3A_801 = tpu.memref_slice %arg16[%dma_start3A_799, %dma_start3A_800] : memref<1664x16xf32, #tpu.memory_space<vmem>> -> memref<128x16xf32, #tpu.memory_space<vmem>>
        %dma_start3A_802 = arith.constant 0 : i32
        %dma_start3A_803 = tpu.memref_slice %arg10[%dma_start3A_802] : memref<1664xi32, #tpu.memory_space<vmem>> -> memref<128xi32, #tpu.memory_space<vmem>>
        %dma_start3A_804 = arith.constant 0 : i32
        %dma_start3A_805 = arith.constant 0 : i32
        %dma_start3A_806 = tpu.memref_slice %arg5[%dma_start3A_804, %dma_start3A_805] : memref<1000000x16xf32, #tpu.memory_space<hbm>> -> memref<1000000x16xf32, #tpu.memory_space<hbm>>
        tpu.enqueue_indirect_dma source(%dma_start3A_806 : memref<1000000x16xf32, #tpu.memory_space<hbm>>) target(%dma_start3A_801 : memref<128x16xf32, #tpu.memory_space<vmem>>) offsets(%dma_start3A_803 : memref<128xi32, #tpu.memory_space<vmem>>) semaphore(%arg24 : memref<!tpu.dma_semaphore, #tpu.memory_space<semaphore_mem>>)
        %dma_start3A_807 = arith.constant 128 : i32
        %dma_start3A_808 = arith.constant 0 : i32
        %dma_start3A_809 = tpu.memref_slice %arg14[%dma_start3A_807, %dma_start3A_808] : memref<1664x16xf32, #tpu.memory_space<vmem>> -> memref<128x16xf32, #tpu.memory_space<vmem>>
        %dma_start3A_810 = arith.constant 128 : i32
        %dma_start3A_811 = tpu.memref_slice %arg8[%dma_start3A_810] : memref<1664xi32, #tpu.memory_space<vmem>> -> memref<128xi32, #tpu.memory_space<vmem>>
        %dma_start3A_812 = arith.constant 0 : i32
        %dma_start3A_813 = arith.constant 0 : i32
        %dma_start3A_814 = tpu.memref_slice %arg5[%dma_start3A_812, %dma_start3A_813] : memref<1000000x16xf32, #tpu.memory_space<hbm>> -> memref<1000000x16xf32, #tpu.memory_space<hbm>>
        tpu.enqueue_indirect_dma source(%dma_start3A_814 : memref<1000000x16xf32, #tpu.memory_space<hbm>>) target(%dma_start3A_809 : memref<128x16xf32, #tpu.memory_space<vmem>>) offsets(%dma_start3A_811 : memref<128xi32, #tpu.memory_space<vmem>>) semaphore(%arg24 : memref<!tpu.dma_semaphore, #tpu.memory_space<semaphore_mem>>)
        %dma_start3A_815 = arith.constant 128 : i32
        %dma_start3A_816 = arith.constant 0 : i32
        %dma_start3A_817 = tpu.memref_slice %arg16[%dma_start3A_815, %dma_start3A_816] : memref<1664x16xf32, #tpu.memory_space<vmem>> -> memref<128x16xf32, #tpu.memory_space<vmem>>
        %dma_start3A_818 = arith.constant 128 : i32
        %dma_start3A_819 = tpu.memref_slice %arg10[%dma_start3A_818] : memref<1664xi32, #tpu.memory_space<vmem>> -> memref<128xi32, #tpu.memory_space<vmem>>
        %dma_start3A_820 = arith.constant 0 : i32
        %dma_start3A_821 = arith.constant 0 : i32
        %dma_start3A_822 = tpu.memref_slice %arg5[%dma_start3A_820, %dma_start3A_821] : memref<1000000x16xf32, #tpu.memory_space<hbm>> -> memref<1000000x16xf32, #tpu.memory_space<hbm>>
        tpu.enqueue_indirect_dma source(%dma_start3A_822 : memref<1000000x16xf32, #tpu.memory_space<hbm>>) target(%dma_start3A_817 : memref<128x16xf32, #tpu.memory_space<vmem>>) offsets(%dma_start3A_819 : memref<128xi32, #tpu.memory_space<vmem>>) semaphore(%arg24 : memref<!tpu.dma_semaphore, #tpu.memory_space<semaphore_mem>>)
        %dma_start3A_823 = arith.constant 256 : i32
        %dma_start3A_824 = arith.constant 0 : i32
        %dma_start3A_825 = tpu.memref_slice %arg14[%dma_start3A_823, %dma_start3A_824] : memref<1664x16xf32, #tpu.memory_space<vmem>> -> memref<128x16xf32, #tpu.memory_space<vmem>>
        %dma_start3A_826 = arith.constant 256 : i32
        %dma_start3A_827 = tpu.memref_slice %arg8[%dma_start3A_826] : memref<1664xi32, #tpu.memory_space<vmem>> -> memref<128xi32, #tpu.memory_space<vmem>>
        %dma_start3A_828 = arith.constant 0 : i32
        %dma_start3A_829 = arith.constant 0 : i32
        %dma_start3A_830 = tpu.memref_slice %arg5[%dma_start3A_828, %dma_start3A_829] : memref<1000000x16xf32, #tpu.memory_space<hbm>> -> memref<1000000x16xf32, #tpu.memory_space<hbm>>
        tpu.enqueue_indirect_dma source(%dma_start3A_830 : memref<1000000x16xf32, #tpu.memory_space<hbm>>) target(%dma_start3A_825 : memref<128x16xf32, #tpu.memory_space<vmem>>) offsets(%dma_start3A_827 : memref<128xi32, #tpu.memory_space<vmem>>) semaphore(%arg24 : memref<!tpu.dma_semaphore, #tpu.memory_space<semaphore_mem>>)
        %dma_start3A_831 = arith.constant 256 : i32
        %dma_start3A_832 = arith.constant 0 : i32
        %dma_start3A_833 = tpu.memref_slice %arg16[%dma_start3A_831, %dma_start3A_832] : memref<1664x16xf32, #tpu.memory_space<vmem>> -> memref<128x16xf32, #tpu.memory_space<vmem>>
        %dma_start3A_834 = arith.constant 256 : i32
        %dma_start3A_835 = tpu.memref_slice %arg10[%dma_start3A_834] : memref<1664xi32, #tpu.memory_space<vmem>> -> memref<128xi32, #tpu.memory_space<vmem>>
        %dma_start3A_836 = arith.constant 0 : i32
        %dma_start3A_837 = arith.constant 0 : i32
        %dma_start3A_838 = tpu.memref_slice %arg5[%dma_start3A_836, %dma_start3A_837] : memref<1000000x16xf32, #tpu.memory_space<hbm>> -> memref<1000000x16xf32, #tpu.memory_space<hbm>>
        tpu.enqueue_indirect_dma source(%dma_start3A_838 : memref<1000000x16xf32, #tpu.memory_space<hbm>>) target(%dma_start3A_833 : memref<128x16xf32, #tpu.memory_space<vmem>>) offsets(%dma_start3A_835 : memref<128xi32, #tpu.memory_space<vmem>>) semaphore(%arg24 : memref<!tpu.dma_semaphore, #tpu.memory_space<semaphore_mem>>)
        %dma_start3A_839 = arith.constant 384 : i32
        %dma_start3A_840 = arith.constant 0 : i32
        %dma_start3A_841 = tpu.memref_slice %arg14[%dma_start3A_839, %dma_start3A_840] : memref<1664x16xf32, #tpu.memory_space<vmem>> -> memref<128x16xf32, #tpu.memory_space<vmem>>
        %dma_start3A_842 = arith.constant 384 : i32
        %dma_start3A_843 = tpu.memref_slice %arg8[%dma_start3A_842] : memref<1664xi32, #tpu.memory_space<vmem>> -> memref<128xi32, #tpu.memory_space<vmem>>
        %dma_start3A_844 = arith.constant 0 : i32
        %dma_start3A_845 = arith.constant 0 : i32
        %dma_start3A_846 = tpu.memref_slice %arg5[%dma_start3A_844, %dma_start3A_845] : memref<1000000x16xf32, #tpu.memory_space<hbm>> -> memref<1000000x16xf32, #tpu.memory_space<hbm>>
        tpu.enqueue_indirect_dma source(%dma_start3A_846 : memref<1000000x16xf32, #tpu.memory_space<hbm>>) target(%dma_start3A_841 : memref<128x16xf32, #tpu.memory_space<vmem>>) offsets(%dma_start3A_843 : memref<128xi32, #tpu.memory_space<vmem>>) semaphore(%arg24 : memref<!tpu.dma_semaphore, #tpu.memory_space<semaphore_mem>>)
        %dma_start3A_847 = arith.constant 384 : i32
        %dma_start3A_848 = arith.constant 0 : i32
        %dma_start3A_849 = tpu.memref_slice %arg16[%dma_start3A_847, %dma_start3A_848] : memref<1664x16xf32, #tpu.memory_space<vmem>> -> memref<128x16xf32, #tpu.memory_space<vmem>>
        %dma_start3A_850 = arith.constant 384 : i32
        %dma_start3A_851 = tpu.memref_slice %arg10[%dma_start3A_850] : memref<1664xi32, #tpu.memory_space<vmem>> -> memref<128xi32, #tpu.memory_space<vmem>>
        %dma_start3A_852 = arith.constant 0 : i32
        %dma_start3A_853 = arith.constant 0 : i32
        %dma_start3A_854 = tpu.memref_slice %arg5[%dma_start3A_852, %dma_start3A_853] : memref<1000000x16xf32, #tpu.memory_space<hbm>> -> memref<1000000x16xf32, #tpu.memory_space<hbm>>
        tpu.enqueue_indirect_dma source(%dma_start3A_854 : memref<1000000x16xf32, #tpu.memory_space<hbm>>) target(%dma_start3A_849 : memref<128x16xf32, #tpu.memory_space<vmem>>) offsets(%dma_start3A_851 : memref<128xi32, #tpu.memory_space<vmem>>) semaphore(%arg24 : memref<!tpu.dma_semaphore, #tpu.memory_space<semaphore_mem>>)
        %dma_start3A_855 = arith.constant 512 : i32
        %dma_start3A_856 = arith.constant 0 : i32
        %dma_start3A_857 = tpu.memref_slice %arg14[%dma_start3A_855, %dma_start3A_856] : memref<1664x16xf32, #tpu.memory_space<vmem>> -> memref<128x16xf32, #tpu.memory_space<vmem>>
        %dma_start3A_858 = arith.constant 512 : i32
        %dma_start3A_859 = tpu.memref_slice %arg8[%dma_start3A_858] : memref<1664xi32, #tpu.memory_space<vmem>> -> memref<128xi32, #tpu.memory_space<vmem>>
        %dma_start3A_860 = arith.constant 0 : i32
        %dma_start3A_861 = arith.constant 0 : i32
        %dma_start3A_862 = tpu.memref_slice %arg5[%dma_start3A_860, %dma_start3A_861] : memref<1000000x16xf32, #tpu.memory_space<hbm>> -> memref<1000000x16xf32, #tpu.memory_space<hbm>>
        tpu.enqueue_indirect_dma source(%dma_start3A_862 : memref<1000000x16xf32, #tpu.memory_space<hbm>>) target(%dma_start3A_857 : memref<128x16xf32, #tpu.memory_space<vmem>>) offsets(%dma_start3A_859 : memref<128xi32, #tpu.memory_space<vmem>>) semaphore(%arg24 : memref<!tpu.dma_semaphore, #tpu.memory_space<semaphore_mem>>)
        %dma_start3A_863 = arith.constant 512 : i32
        %dma_start3A_864 = arith.constant 0 : i32
        %dma_start3A_865 = tpu.memref_slice %arg16[%dma_start3A_863, %dma_start3A_864] : memref<1664x16xf32, #tpu.memory_space<vmem>> -> memref<128x16xf32, #tpu.memory_space<vmem>>
        %dma_start3A_866 = arith.constant 512 : i32
        %dma_start3A_867 = tpu.memref_slice %arg10[%dma_start3A_866] : memref<1664xi32, #tpu.memory_space<vmem>> -> memref<128xi32, #tpu.memory_space<vmem>>
        %dma_start3A_868 = arith.constant 0 : i32
        %dma_start3A_869 = arith.constant 0 : i32
        %dma_start3A_870 = tpu.memref_slice %arg5[%dma_start3A_868, %dma_start3A_869] : memref<1000000x16xf32, #tpu.memory_space<hbm>> -> memref<1000000x16xf32, #tpu.memory_space<hbm>>
        tpu.enqueue_indirect_dma source(%dma_start3A_870 : memref<1000000x16xf32, #tpu.memory_space<hbm>>) target(%dma_start3A_865 : memref<128x16xf32, #tpu.memory_space<vmem>>) offsets(%dma_start3A_867 : memref<128xi32, #tpu.memory_space<vmem>>) semaphore(%arg24 : memref<!tpu.dma_semaphore, #tpu.memory_space<semaphore_mem>>)
        %dma_start3A_871 = arith.constant 640 : i32
        %dma_start3A_872 = arith.constant 0 : i32
        %dma_start3A_873 = tpu.memref_slice %arg14[%dma_start3A_871, %dma_start3A_872] : memref<1664x16xf32, #tpu.memory_space<vmem>> -> memref<128x16xf32, #tpu.memory_space<vmem>>
        %dma_start3A_874 = arith.constant 640 : i32
        %dma_start3A_875 = tpu.memref_slice %arg8[%dma_start3A_874] : memref<1664xi32, #tpu.memory_space<vmem>> -> memref<128xi32, #tpu.memory_space<vmem>>
        %dma_start3A_876 = arith.constant 0 : i32
        %dma_start3A_877 = arith.constant 0 : i32
        %dma_start3A_878 = tpu.memref_slice %arg5[%dma_start3A_876, %dma_start3A_877] : memref<1000000x16xf32, #tpu.memory_space<hbm>> -> memref<1000000x16xf32, #tpu.memory_space<hbm>>
        tpu.enqueue_indirect_dma source(%dma_start3A_878 : memref<1000000x16xf32, #tpu.memory_space<hbm>>) target(%dma_start3A_873 : memref<128x16xf32, #tpu.memory_space<vmem>>) offsets(%dma_start3A_875 : memref<128xi32, #tpu.memory_space<vmem>>) semaphore(%arg24 : memref<!tpu.dma_semaphore, #tpu.memory_space<semaphore_mem>>)
        %dma_start3A_879 = arith.constant 640 : i32
        %dma_start3A_880 = arith.constant 0 : i32
        %dma_start3A_881 = tpu.memref_slice %arg16[%dma_start3A_879, %dma_start3A_880] : memref<1664x16xf32, #tpu.memory_space<vmem>> -> memref<128x16xf32, #tpu.memory_space<vmem>>
        %dma_start3A_882 = arith.constant 640 : i32
        %dma_start3A_883 = tpu.memref_slice %arg10[%dma_start3A_882] : memref<1664xi32, #tpu.memory_space<vmem>> -> memref<128xi32, #tpu.memory_space<vmem>>
        %dma_start3A_884 = arith.constant 0 : i32
        %dma_start3A_885 = arith.constant 0 : i32
        %dma_start3A_886 = tpu.memref_slice %arg5[%dma_start3A_884, %dma_start3A_885] : memref<1000000x16xf32, #tpu.memory_space<hbm>> -> memref<1000000x16xf32, #tpu.memory_space<hbm>>
        tpu.enqueue_indirect_dma source(%dma_start3A_886 : memref<1000000x16xf32, #tpu.memory_space<hbm>>) target(%dma_start3A_881 : memref<128x16xf32, #tpu.memory_space<vmem>>) offsets(%dma_start3A_883 : memref<128xi32, #tpu.memory_space<vmem>>) semaphore(%arg24 : memref<!tpu.dma_semaphore, #tpu.memory_space<semaphore_mem>>)
        %dma_start3A_887 = arith.constant 768 : i32
        %dma_start3A_888 = arith.constant 0 : i32
        %dma_start3A_889 = tpu.memref_slice %arg14[%dma_start3A_887, %dma_start3A_888] : memref<1664x16xf32, #tpu.memory_space<vmem>> -> memref<128x16xf32, #tpu.memory_space<vmem>>
        %dma_start3A_890 = arith.constant 768 : i32
        %dma_start3A_891 = tpu.memref_slice %arg8[%dma_start3A_890] : memref<1664xi32, #tpu.memory_space<vmem>> -> memref<128xi32, #tpu.memory_space<vmem>>
        %dma_start3A_892 = arith.constant 0 : i32
        %dma_start3A_893 = arith.constant 0 : i32
        %dma_start3A_894 = tpu.memref_slice %arg5[%dma_start3A_892, %dma_start3A_893] : memref<1000000x16xf32, #tpu.memory_space<hbm>> -> memref<1000000x16xf32, #tpu.memory_space<hbm>>
        tpu.enqueue_indirect_dma source(%dma_start3A_894 : memref<1000000x16xf32, #tpu.memory_space<hbm>>) target(%dma_start3A_889 : memref<128x16xf32, #tpu.memory_space<vmem>>) offsets(%dma_start3A_891 : memref<128xi32, #tpu.memory_space<vmem>>) semaphore(%arg24 : memref<!tpu.dma_semaphore, #tpu.memory_space<semaphore_mem>>)
        %dma_start3A_895 = arith.constant 768 : i32
        %dma_start3A_896 = arith.constant 0 : i32
        %dma_start3A_897 = tpu.memref_slice %arg16[%dma_start3A_895, %dma_start3A_896] : memref<1664x16xf32, #tpu.memory_space<vmem>> -> memref<128x16xf32, #tpu.memory_space<vmem>>
        %dma_start3A_898 = arith.constant 768 : i32
        %dma_start3A_899 = tpu.memref_slice %arg10[%dma_start3A_898] : memref<1664xi32, #tpu.memory_space<vmem>> -> memref<128xi32, #tpu.memory_space<vmem>>
        %dma_start3A_900 = arith.constant 0 : i32
        %dma_start3A_901 = arith.constant 0 : i32
        %dma_start3A_902 = tpu.memref_slice %arg5[%dma_start3A_900, %dma_start3A_901] : memref<1000000x16xf32, #tpu.memory_space<hbm>> -> memref<1000000x16xf32, #tpu.memory_space<hbm>>
        tpu.enqueue_indirect_dma source(%dma_start3A_902 : memref<1000000x16xf32, #tpu.memory_space<hbm>>) target(%dma_start3A_897 : memref<128x16xf32, #tpu.memory_space<vmem>>) offsets(%dma_start3A_899 : memref<128xi32, #tpu.memory_space<vmem>>) semaphore(%arg24 : memref<!tpu.dma_semaphore, #tpu.memory_space<semaphore_mem>>)
        %dma_start3A_903 = arith.constant 896 : i32
        %dma_start3A_904 = arith.constant 0 : i32
        %dma_start3A_905 = tpu.memref_slice %arg14[%dma_start3A_903, %dma_start3A_904] : memref<1664x16xf32, #tpu.memory_space<vmem>> -> memref<128x16xf32, #tpu.memory_space<vmem>>
        %dma_start3A_906 = arith.constant 896 : i32
        %dma_start3A_907 = tpu.memref_slice %arg8[%dma_start3A_906] : memref<1664xi32, #tpu.memory_space<vmem>> -> memref<128xi32, #tpu.memory_space<vmem>>
        %dma_start3A_908 = arith.constant 0 : i32
        %dma_start3A_909 = arith.constant 0 : i32
        %dma_start3A_910 = tpu.memref_slice %arg5[%dma_start3A_908, %dma_start3A_909] : memref<1000000x16xf32, #tpu.memory_space<hbm>> -> memref<1000000x16xf32, #tpu.memory_space<hbm>>
        tpu.enqueue_indirect_dma source(%dma_start3A_910 : memref<1000000x16xf32, #tpu.memory_space<hbm>>) target(%dma_start3A_905 : memref<128x16xf32, #tpu.memory_space<vmem>>) offsets(%dma_start3A_907 : memref<128xi32, #tpu.memory_space<vmem>>) semaphore(%arg24 : memref<!tpu.dma_semaphore, #tpu.memory_space<semaphore_mem>>)
        %dma_start3A_911 = arith.constant 896 : i32
        %dma_start3A_912 = arith.constant 0 : i32
        %dma_start3A_913 = tpu.memref_slice %arg16[%dma_start3A_911, %dma_start3A_912] : memref<1664x16xf32, #tpu.memory_space<vmem>> -> memref<128x16xf32, #tpu.memory_space<vmem>>
        %dma_start3A_914 = arith.constant 896 : i32
        %dma_start3A_915 = tpu.memref_slice %arg10[%dma_start3A_914] : memref<1664xi32, #tpu.memory_space<vmem>> -> memref<128xi32, #tpu.memory_space<vmem>>
        %dma_start3A_916 = arith.constant 0 : i32
        %dma_start3A_917 = arith.constant 0 : i32
        %dma_start3A_918 = tpu.memref_slice %arg5[%dma_start3A_916, %dma_start3A_917] : memref<1000000x16xf32, #tpu.memory_space<hbm>> -> memref<1000000x16xf32, #tpu.memory_space<hbm>>
        tpu.enqueue_indirect_dma source(%dma_start3A_918 : memref<1000000x16xf32, #tpu.memory_space<hbm>>) target(%dma_start3A_913 : memref<128x16xf32, #tpu.memory_space<vmem>>) offsets(%dma_start3A_915 : memref<128xi32, #tpu.memory_space<vmem>>) semaphore(%arg24 : memref<!tpu.dma_semaphore, #tpu.memory_space<semaphore_mem>>)
        %dma_start3A_919 = arith.constant 1024 : i32
        %dma_start3A_920 = arith.constant 0 : i32
        %dma_start3A_921 = tpu.memref_slice %arg14[%dma_start3A_919, %dma_start3A_920] : memref<1664x16xf32, #tpu.memory_space<vmem>> -> memref<128x16xf32, #tpu.memory_space<vmem>>
        %dma_start3A_922 = arith.constant 1024 : i32
        %dma_start3A_923 = tpu.memref_slice %arg8[%dma_start3A_922] : memref<1664xi32, #tpu.memory_space<vmem>> -> memref<128xi32, #tpu.memory_space<vmem>>
        %dma_start3A_924 = arith.constant 0 : i32
        %dma_start3A_925 = arith.constant 0 : i32
        %dma_start3A_926 = tpu.memref_slice %arg5[%dma_start3A_924, %dma_start3A_925] : memref<1000000x16xf32, #tpu.memory_space<hbm>> -> memref<1000000x16xf32, #tpu.memory_space<hbm>>
        tpu.enqueue_indirect_dma source(%dma_start3A_926 : memref<1000000x16xf32, #tpu.memory_space<hbm>>) target(%dma_start3A_921 : memref<128x16xf32, #tpu.memory_space<vmem>>) offsets(%dma_start3A_923 : memref<128xi32, #tpu.memory_space<vmem>>) semaphore(%arg24 : memref<!tpu.dma_semaphore, #tpu.memory_space<semaphore_mem>>)
        %dma_start3A_927 = arith.constant 1024 : i32
        %dma_start3A_928 = arith.constant 0 : i32
        %dma_start3A_929 = tpu.memref_slice %arg16[%dma_start3A_927, %dma_start3A_928] : memref<1664x16xf32, #tpu.memory_space<vmem>> -> memref<128x16xf32, #tpu.memory_space<vmem>>
        %dma_start3A_930 = arith.constant 1024 : i32
        %dma_start3A_931 = tpu.memref_slice %arg10[%dma_start3A_930] : memref<1664xi32, #tpu.memory_space<vmem>> -> memref<128xi32, #tpu.memory_space<vmem>>
        %dma_start3A_932 = arith.constant 0 : i32
        %dma_start3A_933 = arith.constant 0 : i32
        %dma_start3A_934 = tpu.memref_slice %arg5[%dma_start3A_932, %dma_start3A_933] : memref<1000000x16xf32, #tpu.memory_space<hbm>> -> memref<1000000x16xf32, #tpu.memory_space<hbm>>
        tpu.enqueue_indirect_dma source(%dma_start3A_934 : memref<1000000x16xf32, #tpu.memory_space<hbm>>) target(%dma_start3A_929 : memref<128x16xf32, #tpu.memory_space<vmem>>) offsets(%dma_start3A_931 : memref<128xi32, #tpu.memory_space<vmem>>) semaphore(%arg24 : memref<!tpu.dma_semaphore, #tpu.memory_space<semaphore_mem>>)
        %dma_start3A_935 = arith.constant 1152 : i32
        %dma_start3A_936 = arith.constant 0 : i32
        %dma_start3A_937 = tpu.memref_slice %arg14[%dma_start3A_935, %dma_start3A_936] : memref<1664x16xf32, #tpu.memory_space<vmem>> -> memref<128x16xf32, #tpu.memory_space<vmem>>
        %dma_start3A_938 = arith.constant 1152 : i32
        %dma_start3A_939 = tpu.memref_slice %arg8[%dma_start3A_938] : memref<1664xi32, #tpu.memory_space<vmem>> -> memref<128xi32, #tpu.memory_space<vmem>>
        %dma_start3A_940 = arith.constant 0 : i32
        %dma_start3A_941 = arith.constant 0 : i32
        %dma_start3A_942 = tpu.memref_slice %arg5[%dma_start3A_940, %dma_start3A_941] : memref<1000000x16xf32, #tpu.memory_space<hbm>> -> memref<1000000x16xf32, #tpu.memory_space<hbm>>
        tpu.enqueue_indirect_dma source(%dma_start3A_942 : memref<1000000x16xf32, #tpu.memory_space<hbm>>) target(%dma_start3A_937 : memref<128x16xf32, #tpu.memory_space<vmem>>) offsets(%dma_start3A_939 : memref<128xi32, #tpu.memory_space<vmem>>) semaphore(%arg24 : memref<!tpu.dma_semaphore, #tpu.memory_space<semaphore_mem>>)
        %dma_start3A_943 = arith.constant 1152 : i32
        %dma_start3A_944 = arith.constant 0 : i32
        %dma_start3A_945 = tpu.memref_slice %arg16[%dma_start3A_943, %dma_start3A_944] : memref<1664x16xf32, #tpu.memory_space<vmem>> -> memref<128x16xf32, #tpu.memory_space<vmem>>
        %dma_start3A_946 = arith.constant 1152 : i32
        %dma_start3A_947 = tpu.memref_slice %arg10[%dma_start3A_946] : memref<1664xi32, #tpu.memory_space<vmem>> -> memref<128xi32, #tpu.memory_space<vmem>>
        %dma_start3A_948 = arith.constant 0 : i32
        %dma_start3A_949 = arith.constant 0 : i32
        %dma_start3A_950 = tpu.memref_slice %arg5[%dma_start3A_948, %dma_start3A_949] : memref<1000000x16xf32, #tpu.memory_space<hbm>> -> memref<1000000x16xf32, #tpu.memory_space<hbm>>
        tpu.enqueue_indirect_dma source(%dma_start3A_950 : memref<1000000x16xf32, #tpu.memory_space<hbm>>) target(%dma_start3A_945 : memref<128x16xf32, #tpu.memory_space<vmem>>) offsets(%dma_start3A_947 : memref<128xi32, #tpu.memory_space<vmem>>) semaphore(%arg24 : memref<!tpu.dma_semaphore, #tpu.memory_space<semaphore_mem>>)
        %dma_start3A_951 = arith.constant 1280 : i32
        %dma_start3A_952 = arith.constant 0 : i32
        %dma_start3A_953 = tpu.memref_slice %arg14[%dma_start3A_951, %dma_start3A_952] : memref<1664x16xf32, #tpu.memory_space<vmem>> -> memref<128x16xf32, #tpu.memory_space<vmem>>
        %dma_start3A_954 = arith.constant 1280 : i32
        %dma_start3A_955 = tpu.memref_slice %arg8[%dma_start3A_954] : memref<1664xi32, #tpu.memory_space<vmem>> -> memref<128xi32, #tpu.memory_space<vmem>>
        %dma_start3A_956 = arith.constant 0 : i32
        %dma_start3A_957 = arith.constant 0 : i32
        %dma_start3A_958 = tpu.memref_slice %arg5[%dma_start3A_956, %dma_start3A_957] : memref<1000000x16xf32, #tpu.memory_space<hbm>> -> memref<1000000x16xf32, #tpu.memory_space<hbm>>
        tpu.enqueue_indirect_dma source(%dma_start3A_958 : memref<1000000x16xf32, #tpu.memory_space<hbm>>) target(%dma_start3A_953 : memref<128x16xf32, #tpu.memory_space<vmem>>) offsets(%dma_start3A_955 : memref<128xi32, #tpu.memory_space<vmem>>) semaphore(%arg24 : memref<!tpu.dma_semaphore, #tpu.memory_space<semaphore_mem>>)
        %dma_start3A_959 = arith.constant 1280 : i32
        %dma_start3A_960 = arith.constant 0 : i32
        %dma_start3A_961 = tpu.memref_slice %arg16[%dma_start3A_959, %dma_start3A_960] : memref<1664x16xf32, #tpu.memory_space<vmem>> -> memref<128x16xf32, #tpu.memory_space<vmem>>
        %dma_start3A_962 = arith.constant 1280 : i32
        %dma_start3A_963 = tpu.memref_slice %arg10[%dma_start3A_962] : memref<1664xi32, #tpu.memory_space<vmem>> -> memref<128xi32, #tpu.memory_space<vmem>>
        %dma_start3A_964 = arith.constant 0 : i32
        %dma_start3A_965 = arith.constant 0 : i32
        %dma_start3A_966 = tpu.memref_slice %arg5[%dma_start3A_964, %dma_start3A_965] : memref<1000000x16xf32, #tpu.memory_space<hbm>> -> memref<1000000x16xf32, #tpu.memory_space<hbm>>
        tpu.enqueue_indirect_dma source(%dma_start3A_966 : memref<1000000x16xf32, #tpu.memory_space<hbm>>) target(%dma_start3A_961 : memref<128x16xf32, #tpu.memory_space<vmem>>) offsets(%dma_start3A_963 : memref<128xi32, #tpu.memory_space<vmem>>) semaphore(%arg24 : memref<!tpu.dma_semaphore, #tpu.memory_space<semaphore_mem>>)
        %dma_start3A_967 = arith.constant 1408 : i32
        %dma_start3A_968 = arith.constant 0 : i32
        %dma_start3A_969 = tpu.memref_slice %arg14[%dma_start3A_967, %dma_start3A_968] : memref<1664x16xf32, #tpu.memory_space<vmem>> -> memref<128x16xf32, #tpu.memory_space<vmem>>
        %dma_start3A_970 = arith.constant 1408 : i32
        %dma_start3A_971 = tpu.memref_slice %arg8[%dma_start3A_970] : memref<1664xi32, #tpu.memory_space<vmem>> -> memref<128xi32, #tpu.memory_space<vmem>>
        %dma_start3A_972 = arith.constant 0 : i32
        %dma_start3A_973 = arith.constant 0 : i32
        %dma_start3A_974 = tpu.memref_slice %arg5[%dma_start3A_972, %dma_start3A_973] : memref<1000000x16xf32, #tpu.memory_space<hbm>> -> memref<1000000x16xf32, #tpu.memory_space<hbm>>
        tpu.enqueue_indirect_dma source(%dma_start3A_974 : memref<1000000x16xf32, #tpu.memory_space<hbm>>) target(%dma_start3A_969 : memref<128x16xf32, #tpu.memory_space<vmem>>) offsets(%dma_start3A_971 : memref<128xi32, #tpu.memory_space<vmem>>) semaphore(%arg24 : memref<!tpu.dma_semaphore, #tpu.memory_space<semaphore_mem>>)
        %dma_start3A_975 = arith.constant 1408 : i32
        %dma_start3A_976 = arith.constant 0 : i32
        %dma_start3A_977 = tpu.memref_slice %arg16[%dma_start3A_975, %dma_start3A_976] : memref<1664x16xf32, #tpu.memory_space<vmem>> -> memref<128x16xf32, #tpu.memory_space<vmem>>
        %dma_start3A_978 = arith.constant 1408 : i32
        %dma_start3A_979 = tpu.memref_slice %arg10[%dma_start3A_978] : memref<1664xi32, #tpu.memory_space<vmem>> -> memref<128xi32, #tpu.memory_space<vmem>>
        %dma_start3A_980 = arith.constant 0 : i32
        %dma_start3A_981 = arith.constant 0 : i32
        %dma_start3A_982 = tpu.memref_slice %arg5[%dma_start3A_980, %dma_start3A_981] : memref<1000000x16xf32, #tpu.memory_space<hbm>> -> memref<1000000x16xf32, #tpu.memory_space<hbm>>
        tpu.enqueue_indirect_dma source(%dma_start3A_982 : memref<1000000x16xf32, #tpu.memory_space<hbm>>) target(%dma_start3A_977 : memref<128x16xf32, #tpu.memory_space<vmem>>) offsets(%dma_start3A_979 : memref<128xi32, #tpu.memory_space<vmem>>) semaphore(%arg24 : memref<!tpu.dma_semaphore, #tpu.memory_space<semaphore_mem>>)
        %dma_start3A_983 = arith.constant 1536 : i32
        %dma_start3A_984 = arith.constant 0 : i32
        %dma_start3A_985 = tpu.memref_slice %arg14[%dma_start3A_983, %dma_start3A_984] : memref<1664x16xf32, #tpu.memory_space<vmem>> -> memref<128x16xf32, #tpu.memory_space<vmem>>
        %dma_start3A_986 = arith.constant 1536 : i32
        %dma_start3A_987 = tpu.memref_slice %arg8[%dma_start3A_986] : memref<1664xi32, #tpu.memory_space<vmem>> -> memref<128xi32, #tpu.memory_space<vmem>>
        %dma_start3A_988 = arith.constant 0 : i32
        %dma_start3A_989 = arith.constant 0 : i32
        %dma_start3A_990 = tpu.memref_slice %arg5[%dma_start3A_988, %dma_start3A_989] : memref<1000000x16xf32, #tpu.memory_space<hbm>> -> memref<1000000x16xf32, #tpu.memory_space<hbm>>
        tpu.enqueue_indirect_dma source(%dma_start3A_990 : memref<1000000x16xf32, #tpu.memory_space<hbm>>) target(%dma_start3A_985 : memref<128x16xf32, #tpu.memory_space<vmem>>) offsets(%dma_start3A_987 : memref<128xi32, #tpu.memory_space<vmem>>) semaphore(%arg24 : memref<!tpu.dma_semaphore, #tpu.memory_space<semaphore_mem>>)
        %dma_start3A_991 = arith.constant 1536 : i32
        %dma_start3A_992 = arith.constant 0 : i32
        %dma_start3A_993 = tpu.memref_slice %arg16[%dma_start3A_991, %dma_start3A_992] : memref<1664x16xf32, #tpu.memory_space<vmem>> -> memref<128x16xf32, #tpu.memory_space<vmem>>
        %dma_start3A_994 = arith.constant 1536 : i32
        %dma_start3A_995 = tpu.memref_slice %arg10[%dma_start3A_994] : memref<1664xi32, #tpu.memory_space<vmem>> -> memref<128xi32, #tpu.memory_space<vmem>>
        %dma_start3A_996 = arith.constant 0 : i32
        %dma_start3A_997 = arith.constant 0 : i32
        %dma_start3A_998 = tpu.memref_slice %arg5[%dma_start3A_996, %dma_start3A_997] : memref<1000000x16xf32, #tpu.memory_space<hbm>> -> memref<1000000x16xf32, #tpu.memory_space<hbm>>
        tpu.enqueue_indirect_dma source(%dma_start3A_998 : memref<1000000x16xf32, #tpu.memory_space<hbm>>) target(%dma_start3A_993 : memref<128x16xf32, #tpu.memory_space<vmem>>) offsets(%dma_start3A_995 : memref<128xi32, #tpu.memory_space<vmem>>) semaphore(%arg24 : memref<!tpu.dma_semaphore, #tpu.memory_space<semaphore_mem>>)
      } else {
      }
      %ge3A_743 = arith.constant 2 : i32
      %ge3A_744 = arith.cmpi sge, %add3A_527, %ge3A_743 : i32
      %convert_element_type3A_745 = arith.extui %ge3A_744 : i1 to i32
      %cond3A_746 = arith.constant 0 : i32
      %cond3A_747 = arith.cmpi ne, %convert_element_type3A_745, %cond3A_746 : i32
      scf.if %cond3A_747 {
        %mul3A_775 = arith.constant 512 : i32
        %mul3A_776 = arith.muli %add3A, %mul3A_775 : i32
        %mul3A_777 = arith.constant 64 : i32
        %mul3A_778 = arith.muli %add3A_527, %mul3A_777 : i32
        %add3A_779 = arith.addi %mul3A_776, %mul3A_778 : i32
        %multiple_of3A_780 = tpu.assume_multiple %add3A_779, 64 : i32
        %dma_wait3A_781 = arith.constant 0 : i32
        %dma_wait3A_782 = tpu.memref_slice %arg6[%multiple_of3A_780, %dma_wait3A_781] : memref<16384x16xf32, #tpu.memory_space<hbm>> -> memref<64x16xf32, #tpu.memory_space<hbm>>
        %dma_wait3A_783 = arith.constant 0 : i32
        %dma_wait3A_784 = tpu.memref_slice %arg6[%multiple_of3A_780, %dma_wait3A_783] : memref<16384x16xf32, #tpu.memory_space<hbm>> -> memref<64x16xf32, #tpu.memory_space<hbm>>
        tpu.wait_dma2 semaphore(%arg27 : memref<!tpu.dma_semaphore, #tpu.memory_space<semaphore_mem>>) src(%arg19 : memref<64x16xf32, #tpu.memory_space<vmem>>) dst(%dma_wait3A_784 : memref<64x16xf32, #tpu.memory_space<hbm>>)
        %dma_wait3A_785 = arith.constant 0 : i32
        %dma_wait3A_786 = tpu.memref_slice %arg7[%multiple_of3A_780, %dma_wait3A_785] : memref<16384x16xf32, #tpu.memory_space<hbm>> -> memref<64x16xf32, #tpu.memory_space<hbm>>
        %dma_wait3A_787 = arith.constant 0 : i32
        %dma_wait3A_788 = tpu.memref_slice %arg7[%multiple_of3A_780, %dma_wait3A_787] : memref<16384x16xf32, #tpu.memory_space<hbm>> -> memref<64x16xf32, #tpu.memory_space<hbm>>
        tpu.wait_dma2 semaphore(%arg27 : memref<!tpu.dma_semaphore, #tpu.memory_space<semaphore_mem>>) src(%arg21 : memref<64x16xf32, #tpu.memory_space<vmem>>) dst(%dma_wait3A_788 : memref<64x16xf32, #tpu.memory_space<hbm>>)
      } else {
      }
      %scan3A_748 = arith.constant 0 : i32
      %scan3A_749 = arith.constant 0 : i32
      %scan3A_750 = arith.constant 64 : i32
      %scan3A_751 = arith.addi %scan3A_749, %scan3A_750 : i32
      %scan3A_752 = arith.constant 1 : i32
      scf.for %scan3A_775 = %scan3A_749 to %scan3A_751 step %scan3A_752  : i32 {
        %mul3A_776 = arith.constant 26 : i32
        %mul3A_777 = arith.muli %scan3A_775, %mul3A_776 : i32
        %get3A = arith.index_cast %mul3A_777 : i32 to index
        %get3A_778 = tpu.vector_load %arg13[%get3A] {strides = array<i32>} : memref<1664xf32, #tpu.memory_space<vmem>>, vector<16xf32>,
        %add3A_779 = arith.constant 16 : i32
        %add3A_780 = arith.addi %mul3A_777, %add3A_779 : i32
        %get3A_781 = arith.index_cast %add3A_780 : i32 to index
        %get3A_782 = tpu.vector_load %arg13[%get3A_781] {strides = array<i32>} : memref<1664xf32, #tpu.memory_space<vmem>>, vector<16xf32>,
        %broadcast_in_dim3A = arith.constant 0.000000e+00 : f32
        %broadcast_in_dim3A_783 = vector.broadcast %broadcast_in_dim3A : f32 to vector<16xf32>
        %broadcast_in_dim3A_784 = arith.constant 0.000000e+00 : f32
        %broadcast_in_dim3A_785 = vector.broadcast %broadcast_in_dim3A_784 : f32 to vector<16xf32>
        %slice3A = vector.extract_strided_slice %get3A_778 {offsets = [0], sizes = [1], strides = [1]} : vector<16xf32> to vector<1xf32>
        %squeeze3A = vector.extract %slice3A[0] : f32 from vector<1xf32>
        %add3A_786 = arith.constant 0 : i32
        %add3A_787 = arith.addi %mul3A_777, %add3A_786 : i32
        %get3A_788 = arith.index_cast %add3A_787 : i32 to index
        %get3A_789 = arith.constant 0 : index
        %get3A_790 = tpu.vector_load %arg15[%get3A_788, %get3A_789] {strides = array<i32>} : memref<1664x16xf32, #tpu.memory_space<vmem>>, vector<16xf32>,
        %mul3A_791 = vector.broadcast %squeeze3A : f32 to vector<16xf32>
        %mul3A_792 = arith.mulf %get3A_790, %mul3A_791 : vector<16xf32>
        %add3A_793 = arith.addf %broadcast_in_dim3A_783, %mul3A_792 : vector<16xf32>
        %add3A_794 = arith.constant 0 : i32
        %add3A_795 = arith.addi %mul3A_777, %add3A_794 : i32
        %get3A_796 = arith.index_cast %add3A_795 : i32 to index
        %get3A_797 = arith.constant 0 : index
        %get3A_798 = tpu.vector_load %arg17[%get3A_796, %get3A_797] {strides = array<i32>} : memref<1664x16xf32, #tpu.memory_space<vmem>>, vector<16xf32>,
        %add3A_799 = arith.addf %broadcast_in_dim3A_785, %get3A_798 : vector<16xf32>
        %slice3A_800 = vector.extract_strided_slice %get3A_778 {offsets = [1], sizes = [1], strides = [1]} : vector<16xf32> to vector<1xf32>
        %squeeze3A_801 = vector.extract %slice3A_800[0] : f32 from vector<1xf32>
        %add3A_802 = arith.constant 1 : i32
        %add3A_803 = arith.addi %mul3A_777, %add3A_802 : i32
        %get3A_804 = arith.index_cast %add3A_803 : i32 to index
        %get3A_805 = arith.constant 0 : index
        %get3A_806 = tpu.vector_load %arg15[%get3A_804, %get3A_805] {strides = array<i32>} : memref<1664x16xf32, #tpu.memory_space<vmem>>, vector<16xf32>,
        %mul3A_807 = vector.broadcast %squeeze3A_801 : f32 to vector<16xf32>
        %mul3A_808 = arith.mulf %get3A_806, %mul3A_807 : vector<16xf32>
        %add3A_809 = arith.addf %add3A_793, %mul3A_808 : vector<16xf32>
        %add3A_810 = arith.constant 1 : i32
        %add3A_811 = arith.addi %mul3A_777, %add3A_810 : i32
        %get3A_812 = arith.index_cast %add3A_811 : i32 to index
        %get3A_813 = arith.constant 0 : index
        %get3A_814 = tpu.vector_load %arg17[%get3A_812, %get3A_813] {strides = array<i32>} : memref<1664x16xf32, #tpu.memory_space<vmem>>, vector<16xf32>,
        %add3A_815 = arith.addf %add3A_799, %get3A_814 : vector<16xf32>
        %slice3A_816 = vector.extract_strided_slice %get3A_778 {offsets = [2], sizes = [1], strides = [1]} : vector<16xf32> to vector<1xf32>
        %squeeze3A_817 = vector.extract %slice3A_816[0] : f32 from vector<1xf32>
        %add3A_818 = arith.constant 2 : i32
        %add3A_819 = arith.addi %mul3A_777, %add3A_818 : i32
        %get3A_820 = arith.index_cast %add3A_819 : i32 to index
        %get3A_821 = arith.constant 0 : index
        %get3A_822 = tpu.vector_load %arg15[%get3A_820, %get3A_821] {strides = array<i32>} : memref<1664x16xf32, #tpu.memory_space<vmem>>, vector<16xf32>,
        %mul3A_823 = vector.broadcast %squeeze3A_817 : f32 to vector<16xf32>
        %mul3A_824 = arith.mulf %get3A_822, %mul3A_823 : vector<16xf32>
        %add3A_825 = arith.addf %add3A_809, %mul3A_824 : vector<16xf32>
        %add3A_826 = arith.constant 2 : i32
        %add3A_827 = arith.addi %mul3A_777, %add3A_826 : i32
        %get3A_828 = arith.index_cast %add3A_827 : i32 to index
        %get3A_829 = arith.constant 0 : index
        %get3A_830 = tpu.vector_load %arg17[%get3A_828, %get3A_829] {strides = array<i32>} : memref<1664x16xf32, #tpu.memory_space<vmem>>, vector<16xf32>,
        %add3A_831 = arith.addf %add3A_815, %get3A_830 : vector<16xf32>
        %slice3A_832 = vector.extract_strided_slice %get3A_778 {offsets = [3], sizes = [1], strides = [1]} : vector<16xf32> to vector<1xf32>
        %squeeze3A_833 = vector.extract %slice3A_832[0] : f32 from vector<1xf32>
        %add3A_834 = arith.constant 3 : i32
        %add3A_835 = arith.addi %mul3A_777, %add3A_834 : i32
        %get3A_836 = arith.index_cast %add3A_835 : i32 to index
        %get3A_837 = arith.constant 0 : index
        %get3A_838 = tpu.vector_load %arg15[%get3A_836, %get3A_837] {strides = array<i32>} : memref<1664x16xf32, #tpu.memory_space<vmem>>, vector<16xf32>,
        %mul3A_839 = vector.broadcast %squeeze3A_833 : f32 to vector<16xf32>
        %mul3A_840 = arith.mulf %get3A_838, %mul3A_839 : vector<16xf32>
        %add3A_841 = arith.addf %add3A_825, %mul3A_840 : vector<16xf32>
        %add3A_842 = arith.constant 3 : i32
        %add3A_843 = arith.addi %mul3A_777, %add3A_842 : i32
        %get3A_844 = arith.index_cast %add3A_843 : i32 to index
        %get3A_845 = arith.constant 0 : index
        %get3A_846 = tpu.vector_load %arg17[%get3A_844, %get3A_845] {strides = array<i32>} : memref<1664x16xf32, #tpu.memory_space<vmem>>, vector<16xf32>,
        %add3A_847 = arith.addf %add3A_831, %get3A_846 : vector<16xf32>
        %slice3A_848 = vector.extract_strided_slice %get3A_778 {offsets = [4], sizes = [1], strides = [1]} : vector<16xf32> to vector<1xf32>
        %squeeze3A_849 = vector.extract %slice3A_848[0] : f32 from vector<1xf32>
        %add3A_850 = arith.constant 4 : i32
        %add3A_851 = arith.addi %mul3A_777, %add3A_850 : i32
        %get3A_852 = arith.index_cast %add3A_851 : i32 to index
        %get3A_853 = arith.constant 0 : index
        %get3A_854 = tpu.vector_load %arg15[%get3A_852, %get3A_853] {strides = array<i32>} : memref<1664x16xf32, #tpu.memory_space<vmem>>, vector<16xf32>,
        %mul3A_855 = vector.broadcast %squeeze3A_849 : f32 to vector<16xf32>
        %mul3A_856 = arith.mulf %get3A_854, %mul3A_855 : vector<16xf32>
        %add3A_857 = arith.addf %add3A_841, %mul3A_856 : vector<16xf32>
        %add3A_858 = arith.constant 4 : i32
        %add3A_859 = arith.addi %mul3A_777, %add3A_858 : i32
        %get3A_860 = arith.index_cast %add3A_859 : i32 to index
        %get3A_861 = arith.constant 0 : index
        %get3A_862 = tpu.vector_load %arg17[%get3A_860, %get3A_861] {strides = array<i32>} : memref<1664x16xf32, #tpu.memory_space<vmem>>, vector<16xf32>,
        %add3A_863 = arith.addf %add3A_847, %get3A_862 : vector<16xf32>
        %slice3A_864 = vector.extract_strided_slice %get3A_778 {offsets = [5], sizes = [1], strides = [1]} : vector<16xf32> to vector<1xf32>
        %squeeze3A_865 = vector.extract %slice3A_864[0] : f32 from vector<1xf32>
        %add3A_866 = arith.constant 5 : i32
        %add3A_867 = arith.addi %mul3A_777, %add3A_866 : i32
        %get3A_868 = arith.index_cast %add3A_867 : i32 to index
        %get3A_869 = arith.constant 0 : index
        %get3A_870 = tpu.vector_load %arg15[%get3A_868, %get3A_869] {strides = array<i32>} : memref<1664x16xf32, #tpu.memory_space<vmem>>, vector<16xf32>,
        %mul3A_871 = vector.broadcast %squeeze3A_865 : f32 to vector<16xf32>
        %mul3A_872 = arith.mulf %get3A_870, %mul3A_871 : vector<16xf32>
        %add3A_873 = arith.addf %add3A_857, %mul3A_872 : vector<16xf32>
        %add3A_874 = arith.constant 5 : i32
        %add3A_875 = arith.addi %mul3A_777, %add3A_874 : i32
        %get3A_876 = arith.index_cast %add3A_875 : i32 to index
        %get3A_877 = arith.constant 0 : index
        %get3A_878 = tpu.vector_load %arg17[%get3A_876, %get3A_877] {strides = array<i32>} : memref<1664x16xf32, #tpu.memory_space<vmem>>, vector<16xf32>,
        %add3A_879 = arith.addf %add3A_863, %get3A_878 : vector<16xf32>
        %slice3A_880 = vector.extract_strided_slice %get3A_778 {offsets = [6], sizes = [1], strides = [1]} : vector<16xf32> to vector<1xf32>
        %squeeze3A_881 = vector.extract %slice3A_880[0] : f32 from vector<1xf32>
        %add3A_882 = arith.constant 6 : i32
        %add3A_883 = arith.addi %mul3A_777, %add3A_882 : i32
        %get3A_884 = arith.index_cast %add3A_883 : i32 to index
        %get3A_885 = arith.constant 0 : index
        %get3A_886 = tpu.vector_load %arg15[%get3A_884, %get3A_885] {strides = array<i32>} : memref<1664x16xf32, #tpu.memory_space<vmem>>, vector<16xf32>,
        %mul3A_887 = vector.broadcast %squeeze3A_881 : f32 to vector<16xf32>
        %mul3A_888 = arith.mulf %get3A_886, %mul3A_887 : vector<16xf32>
        %add3A_889 = arith.addf %add3A_873, %mul3A_888 : vector<16xf32>
        %add3A_890 = arith.constant 6 : i32
        %add3A_891 = arith.addi %mul3A_777, %add3A_890 : i32
        %get3A_892 = arith.index_cast %add3A_891 : i32 to index
        %get3A_893 = arith.constant 0 : index
        %get3A_894 = tpu.vector_load %arg17[%get3A_892, %get3A_893] {strides = array<i32>} : memref<1664x16xf32, #tpu.memory_space<vmem>>, vector<16xf32>,
        %add3A_895 = arith.addf %add3A_879, %get3A_894 : vector<16xf32>
        %slice3A_896 = vector.extract_strided_slice %get3A_778 {offsets = [7], sizes = [1], strides = [1]} : vector<16xf32> to vector<1xf32>
        %squeeze3A_897 = vector.extract %slice3A_896[0] : f32 from vector<1xf32>
        %add3A_898 = arith.constant 7 : i32
        %add3A_899 = arith.addi %mul3A_777, %add3A_898 : i32
        %get3A_900 = arith.index_cast %add3A_899 : i32 to index
        %get3A_901 = arith.constant 0 : index
        %get3A_902 = tpu.vector_load %arg15[%get3A_900, %get3A_901] {strides = array<i32>} : memref<1664x16xf32, #tpu.memory_space<vmem>>, vector<16xf32>,
        %mul3A_903 = vector.broadcast %squeeze3A_897 : f32 to vector<16xf32>
        %mul3A_904 = arith.mulf %get3A_902, %mul3A_903 : vector<16xf32>
        %add3A_905 = arith.addf %add3A_889, %mul3A_904 : vector<16xf32>
        %add3A_906 = arith.constant 7 : i32
        %add3A_907 = arith.addi %mul3A_777, %add3A_906 : i32
        %get3A_908 = arith.index_cast %add3A_907 : i32 to index
        %get3A_909 = arith.constant 0 : index
        %get3A_910 = tpu.vector_load %arg17[%get3A_908, %get3A_909] {strides = array<i32>} : memref<1664x16xf32, #tpu.memory_space<vmem>>, vector<16xf32>,
        %add3A_911 = arith.addf %add3A_895, %get3A_910 : vector<16xf32>
        %slice3A_912 = vector.extract_strided_slice %get3A_778 {offsets = [8], sizes = [1], strides = [1]} : vector<16xf32> to vector<1xf32>
        %squeeze3A_913 = vector.extract %slice3A_912[0] : f32 from vector<1xf32>
        %add3A_914 = arith.constant 8 : i32
        %add3A_915 = arith.addi %mul3A_777, %add3A_914 : i32
        %get3A_916 = arith.index_cast %add3A_915 : i32 to index
        %get3A_917 = arith.constant 0 : index
        %get3A_918 = tpu.vector_load %arg15[%get3A_916, %get3A_917] {strides = array<i32>} : memref<1664x16xf32, #tpu.memory_space<vmem>>, vector<16xf32>,
        %mul3A_919 = vector.broadcast %squeeze3A_913 : f32 to vector<16xf32>
        %mul3A_920 = arith.mulf %get3A_918, %mul3A_919 : vector<16xf32>
        %add3A_921 = arith.addf %add3A_905, %mul3A_920 : vector<16xf32>
        %add3A_922 = arith.constant 8 : i32
        %add3A_923 = arith.addi %mul3A_777, %add3A_922 : i32
        %get3A_924 = arith.index_cast %add3A_923 : i32 to index
        %get3A_925 = arith.constant 0 : index
        %get3A_926 = tpu.vector_load %arg17[%get3A_924, %get3A_925] {strides = array<i32>} : memref<1664x16xf32, #tpu.memory_space<vmem>>, vector<16xf32>,
        %add3A_927 = arith.addf %add3A_911, %get3A_926 : vector<16xf32>
        %slice3A_928 = vector.extract_strided_slice %get3A_778 {offsets = [9], sizes = [1], strides = [1]} : vector<16xf32> to vector<1xf32>
        %squeeze3A_929 = vector.extract %slice3A_928[0] : f32 from vector<1xf32>
        %add3A_930 = arith.constant 9 : i32
        %add3A_931 = arith.addi %mul3A_777, %add3A_930 : i32
        %get3A_932 = arith.index_cast %add3A_931 : i32 to index
        %get3A_933 = arith.constant 0 : index
        %get3A_934 = tpu.vector_load %arg15[%get3A_932, %get3A_933] {strides = array<i32>} : memref<1664x16xf32, #tpu.memory_space<vmem>>, vector<16xf32>,
        %mul3A_935 = vector.broadcast %squeeze3A_929 : f32 to vector<16xf32>
        %mul3A_936 = arith.mulf %get3A_934, %mul3A_935 : vector<16xf32>
        %add3A_937 = arith.addf %add3A_921, %mul3A_936 : vector<16xf32>
        %add3A_938 = arith.constant 9 : i32
        %add3A_939 = arith.addi %mul3A_777, %add3A_938 : i32
        %get3A_940 = arith.index_cast %add3A_939 : i32 to index
        %get3A_941 = arith.constant 0 : index
        %get3A_942 = tpu.vector_load %arg17[%get3A_940, %get3A_941] {strides = array<i32>} : memref<1664x16xf32, #tpu.memory_space<vmem>>, vector<16xf32>,
        %add3A_943 = arith.addf %add3A_927, %get3A_942 : vector<16xf32>
        %slice3A_944 = vector.extract_strided_slice %get3A_778 {offsets = [10], sizes = [1], strides = [1]} : vector<16xf32> to vector<1xf32>
        %squeeze3A_945 = vector.extract %slice3A_944[0] : f32 from vector<1xf32>
        %add3A_946 = arith.constant 10 : i32
        %add3A_947 = arith.addi %mul3A_777, %add3A_946 : i32
        %get3A_948 = arith.index_cast %add3A_947 : i32 to index
        %get3A_949 = arith.constant 0 : index
        %get3A_950 = tpu.vector_load %arg15[%get3A_948, %get3A_949] {strides = array<i32>} : memref<1664x16xf32, #tpu.memory_space<vmem>>, vector<16xf32>,
        %mul3A_951 = vector.broadcast %squeeze3A_945 : f32 to vector<16xf32>
        %mul3A_952 = arith.mulf %get3A_950, %mul3A_951 : vector<16xf32>
        %add3A_953 = arith.addf %add3A_937, %mul3A_952 : vector<16xf32>
        %add3A_954 = arith.constant 10 : i32
        %add3A_955 = arith.addi %mul3A_777, %add3A_954 : i32
        %get3A_956 = arith.index_cast %add3A_955 : i32 to index
        %get3A_957 = arith.constant 0 : index
        %get3A_958 = tpu.vector_load %arg17[%get3A_956, %get3A_957] {strides = array<i32>} : memref<1664x16xf32, #tpu.memory_space<vmem>>, vector<16xf32>,
        %add3A_959 = arith.addf %add3A_943, %get3A_958 : vector<16xf32>
        %slice3A_960 = vector.extract_strided_slice %get3A_778 {offsets = [11], sizes = [1], strides = [1]} : vector<16xf32> to vector<1xf32>
        %squeeze3A_961 = vector.extract %slice3A_960[0] : f32 from vector<1xf32>
        %add3A_962 = arith.constant 11 : i32
        %add3A_963 = arith.addi %mul3A_777, %add3A_962 : i32
        %get3A_964 = arith.index_cast %add3A_963 : i32 to index
        %get3A_965 = arith.constant 0 : index
        %get3A_966 = tpu.vector_load %arg15[%get3A_964, %get3A_965] {strides = array<i32>} : memref<1664x16xf32, #tpu.memory_space<vmem>>, vector<16xf32>,
        %mul3A_967 = vector.broadcast %squeeze3A_961 : f32 to vector<16xf32>
        %mul3A_968 = arith.mulf %get3A_966, %mul3A_967 : vector<16xf32>
        %add3A_969 = arith.addf %add3A_953, %mul3A_968 : vector<16xf32>
        %add3A_970 = arith.constant 11 : i32
        %add3A_971 = arith.addi %mul3A_777, %add3A_970 : i32
        %get3A_972 = arith.index_cast %add3A_971 : i32 to index
        %get3A_973 = arith.constant 0 : index
        %get3A_974 = tpu.vector_load %arg17[%get3A_972, %get3A_973] {strides = array<i32>} : memref<1664x16xf32, #tpu.memory_space<vmem>>, vector<16xf32>,
        %add3A_975 = arith.addf %add3A_959, %get3A_974 : vector<16xf32>
        %slice3A_976 = vector.extract_strided_slice %get3A_778 {offsets = [12], sizes = [1], strides = [1]} : vector<16xf32> to vector<1xf32>
        %squeeze3A_977 = vector.extract %slice3A_976[0] : f32 from vector<1xf32>
        %add3A_978 = arith.constant 12 : i32
        %add3A_979 = arith.addi %mul3A_777, %add3A_978 : i32
        %get3A_980 = arith.index_cast %add3A_979 : i32 to index
        %get3A_981 = arith.constant 0 : index
        %get3A_982 = tpu.vector_load %arg15[%get3A_980, %get3A_981] {strides = array<i32>} : memref<1664x16xf32, #tpu.memory_space<vmem>>, vector<16xf32>,
        %mul3A_983 = vector.broadcast %squeeze3A_977 : f32 to vector<16xf32>
        %mul3A_984 = arith.mulf %get3A_982, %mul3A_983 : vector<16xf32>
        %add3A_985 = arith.addf %add3A_969, %mul3A_984 : vector<16xf32>
        %add3A_986 = arith.constant 12 : i32
        %add3A_987 = arith.addi %mul3A_777, %add3A_986 : i32
        %get3A_988 = arith.index_cast %add3A_987 : i32 to index
        %get3A_989 = arith.constant 0 : index
        %get3A_990 = tpu.vector_load %arg17[%get3A_988, %get3A_989] {strides = array<i32>} : memref<1664x16xf32, #tpu.memory_space<vmem>>, vector<16xf32>,
        %add3A_991 = arith.addf %add3A_975, %get3A_990 : vector<16xf32>
        %slice3A_992 = vector.extract_strided_slice %get3A_778 {offsets = [13], sizes = [1], strides = [1]} : vector<16xf32> to vector<1xf32>
        %squeeze3A_993 = vector.extract %slice3A_992[0] : f32 from vector<1xf32>
        %add3A_994 = arith.constant 13 : i32
        %add3A_995 = arith.addi %mul3A_777, %add3A_994 : i32
        %get3A_996 = arith.index_cast %add3A_995 : i32 to index
        %get3A_997 = arith.constant 0 : index
        %get3A_998 = tpu.vector_load %arg15[%get3A_996, %get3A_997] {strides = array<i32>} : memref<1664x16xf32, #tpu.memory_space<vmem>>, vector<16xf32>,
        %mul3A_999 = vector.broadcast %squeeze3A_993 : f32 to vector<16xf32>
        %mul3A_1000 = arith.mulf %get3A_998, %mul3A_999 : vector<16xf32>
        %add3A_1001 = arith.addf %add3A_985, %mul3A_1000 : vector<16xf32>
        %add3A_1002 = arith.constant 13 : i32
        %add3A_1003 = arith.addi %mul3A_777, %add3A_1002 : i32
        %get3A_1004 = arith.index_cast %add3A_1003 : i32 to index
        %get3A_1005 = arith.constant 0 : index
        %get3A_1006 = tpu.vector_load %arg17[%get3A_1004, %get3A_1005] {strides = array<i32>} : memref<1664x16xf32, #tpu.memory_space<vmem>>, vector<16xf32>,
        %add3A_1007 = arith.addf %add3A_991, %get3A_1006 : vector<16xf32>
        %slice3A_1008 = vector.extract_strided_slice %get3A_778 {offsets = [14], sizes = [1], strides = [1]} : vector<16xf32> to vector<1xf32>
        %squeeze3A_1009 = vector.extract %slice3A_1008[0] : f32 from vector<1xf32>
        %add3A_1010 = arith.constant 14 : i32
        %add3A_1011 = arith.addi %mul3A_777, %add3A_1010 : i32
        %get3A_1012 = arith.index_cast %add3A_1011 : i32 to index
        %get3A_1013 = arith.constant 0 : index
        %get3A_1014 = tpu.vector_load %arg15[%get3A_1012, %get3A_1013] {strides = array<i32>} : memref<1664x16xf32, #tpu.memory_space<vmem>>, vector<16xf32>,
        %mul3A_1015 = vector.broadcast %squeeze3A_1009 : f32 to vector<16xf32>
        %mul3A_1016 = arith.mulf %get3A_1014, %mul3A_1015 : vector<16xf32>
        %add3A_1017 = arith.addf %add3A_1001, %mul3A_1016 : vector<16xf32>
        %add3A_1018 = arith.constant 14 : i32
        %add3A_1019 = arith.addi %mul3A_777, %add3A_1018 : i32
        %get3A_1020 = arith.index_cast %add3A_1019 : i32 to index
        %get3A_1021 = arith.constant 0 : index
        %get3A_1022 = tpu.vector_load %arg17[%get3A_1020, %get3A_1021] {strides = array<i32>} : memref<1664x16xf32, #tpu.memory_space<vmem>>, vector<16xf32>,
        %add3A_1023 = arith.addf %add3A_1007, %get3A_1022 : vector<16xf32>
        %slice3A_1024 = vector.extract_strided_slice %get3A_778 {offsets = [15], sizes = [1], strides = [1]} : vector<16xf32> to vector<1xf32>
        %squeeze3A_1025 = vector.extract %slice3A_1024[0] : f32 from vector<1xf32>
        %add3A_1026 = arith.constant 15 : i32
        %add3A_1027 = arith.addi %mul3A_777, %add3A_1026 : i32
        %get3A_1028 = arith.index_cast %add3A_1027 : i32 to index
        %get3A_1029 = arith.constant 0 : index
        %get3A_1030 = tpu.vector_load %arg15[%get3A_1028, %get3A_1029] {strides = array<i32>} : memref<1664x16xf32, #tpu.memory_space<vmem>>, vector<16xf32>,
        %mul3A_1031 = vector.broadcast %squeeze3A_1025 : f32 to vector<16xf32>
        %mul3A_1032 = arith.mulf %get3A_1030, %mul3A_1031 : vector<16xf32>
        %add3A_1033 = arith.addf %add3A_1017, %mul3A_1032 : vector<16xf32>
        %add3A_1034 = arith.constant 15 : i32
        %add3A_1035 = arith.addi %mul3A_777, %add3A_1034 : i32
        %get3A_1036 = arith.index_cast %add3A_1035 : i32 to index
        %get3A_1037 = arith.constant 0 : index
        %get3A_1038 = tpu.vector_load %arg17[%get3A_1036, %get3A_1037] {strides = array<i32>} : memref<1664x16xf32, #tpu.memory_space<vmem>>, vector<16xf32>,
        %add3A_1039 = arith.addf %add3A_1023, %get3A_1038 : vector<16xf32>
        %slice3A_1040 = vector.extract_strided_slice %get3A_782 {offsets = [0], sizes = [1], strides = [1]} : vector<16xf32> to vector<1xf32>
        %squeeze3A_1041 = vector.extract %slice3A_1040[0] : f32 from vector<1xf32>
        %add3A_1042 = arith.constant 16 : i32
        %add3A_1043 = arith.addi %mul3A_777, %add3A_1042 : i32
        %get3A_1044 = arith.index_cast %add3A_1043 : i32 to index
        %get3A_1045 = arith.constant 0 : index
        %get3A_1046 = tpu.vector_load %arg15[%get3A_1044, %get3A_1045] {strides = array<i32>} : memref<1664x16xf32, #tpu.memory_space<vmem>>, vector<16xf32>,
        %mul3A_1047 = vector.broadcast %squeeze3A_1041 : f32 to vector<16xf32>
        %mul3A_1048 = arith.mulf %get3A_1046, %mul3A_1047 : vector<16xf32>
        %add3A_1049 = arith.addf %add3A_1033, %mul3A_1048 : vector<16xf32>
        %add3A_1050 = arith.constant 16 : i32
        %add3A_1051 = arith.addi %mul3A_777, %add3A_1050 : i32
        %get3A_1052 = arith.index_cast %add3A_1051 : i32 to index
        %get3A_1053 = arith.constant 0 : index
        %get3A_1054 = tpu.vector_load %arg17[%get3A_1052, %get3A_1053] {strides = array<i32>} : memref<1664x16xf32, #tpu.memory_space<vmem>>, vector<16xf32>,
        %add3A_1055 = arith.addf %add3A_1039, %get3A_1054 : vector<16xf32>
        %slice3A_1056 = vector.extract_strided_slice %get3A_782 {offsets = [1], sizes = [1], strides = [1]} : vector<16xf32> to vector<1xf32>
        %squeeze3A_1057 = vector.extract %slice3A_1056[0] : f32 from vector<1xf32>
        %add3A_1058 = arith.constant 17 : i32
        %add3A_1059 = arith.addi %mul3A_777, %add3A_1058 : i32
        %get3A_1060 = arith.index_cast %add3A_1059 : i32 to index
        %get3A_1061 = arith.constant 0 : index
        %get3A_1062 = tpu.vector_load %arg15[%get3A_1060, %get3A_1061] {strides = array<i32>} : memref<1664x16xf32, #tpu.memory_space<vmem>>, vector<16xf32>,
        %mul3A_1063 = vector.broadcast %squeeze3A_1057 : f32 to vector<16xf32>
        %mul3A_1064 = arith.mulf %get3A_1062, %mul3A_1063 : vector<16xf32>
        %add3A_1065 = arith.addf %add3A_1049, %mul3A_1064 : vector<16xf32>
        %add3A_1066 = arith.constant 17 : i32
        %add3A_1067 = arith.addi %mul3A_777, %add3A_1066 : i32
        %get3A_1068 = arith.index_cast %add3A_1067 : i32 to index
        %get3A_1069 = arith.constant 0 : index
        %get3A_1070 = tpu.vector_load %arg17[%get3A_1068, %get3A_1069] {strides = array<i32>} : memref<1664x16xf32, #tpu.memory_space<vmem>>, vector<16xf32>,
        %add3A_1071 = arith.addf %add3A_1055, %get3A_1070 : vector<16xf32>
        %slice3A_1072 = vector.extract_strided_slice %get3A_782 {offsets = [2], sizes = [1], strides = [1]} : vector<16xf32> to vector<1xf32>
        %squeeze3A_1073 = vector.extract %slice3A_1072[0] : f32 from vector<1xf32>
        %add3A_1074 = arith.constant 18 : i32
        %add3A_1075 = arith.addi %mul3A_777, %add3A_1074 : i32
        %get3A_1076 = arith.index_cast %add3A_1075 : i32 to index
        %get3A_1077 = arith.constant 0 : index
        %get3A_1078 = tpu.vector_load %arg15[%get3A_1076, %get3A_1077] {strides = array<i32>} : memref<1664x16xf32, #tpu.memory_space<vmem>>, vector<16xf32>,
        %mul3A_1079 = vector.broadcast %squeeze3A_1073 : f32 to vector<16xf32>
        %mul3A_1080 = arith.mulf %get3A_1078, %mul3A_1079 : vector<16xf32>
        %add3A_1081 = arith.addf %add3A_1065, %mul3A_1080 : vector<16xf32>
        %add3A_1082 = arith.constant 18 : i32
        %add3A_1083 = arith.addi %mul3A_777, %add3A_1082 : i32
        %get3A_1084 = arith.index_cast %add3A_1083 : i32 to index
        %get3A_1085 = arith.constant 0 : index
        %get3A_1086 = tpu.vector_load %arg17[%get3A_1084, %get3A_1085] {strides = array<i32>} : memref<1664x16xf32, #tpu.memory_space<vmem>>, vector<16xf32>,
        %add3A_1087 = arith.addf %add3A_1071, %get3A_1086 : vector<16xf32>
        %slice3A_1088 = vector.extract_strided_slice %get3A_782 {offsets = [3], sizes = [1], strides = [1]} : vector<16xf32> to vector<1xf32>
        %squeeze3A_1089 = vector.extract %slice3A_1088[0] : f32 from vector<1xf32>
        %add3A_1090 = arith.constant 19 : i32
        %add3A_1091 = arith.addi %mul3A_777, %add3A_1090 : i32
        %get3A_1092 = arith.index_cast %add3A_1091 : i32 to index
        %get3A_1093 = arith.constant 0 : index
        %get3A_1094 = tpu.vector_load %arg15[%get3A_1092, %get3A_1093] {strides = array<i32>} : memref<1664x16xf32, #tpu.memory_space<vmem>>, vector<16xf32>,
        %mul3A_1095 = vector.broadcast %squeeze3A_1089 : f32 to vector<16xf32>
        %mul3A_1096 = arith.mulf %get3A_1094, %mul3A_1095 : vector<16xf32>
        %add3A_1097 = arith.addf %add3A_1081, %mul3A_1096 : vector<16xf32>
        %add3A_1098 = arith.constant 19 : i32
        %add3A_1099 = arith.addi %mul3A_777, %add3A_1098 : i32
        %get3A_1100 = arith.index_cast %add3A_1099 : i32 to index
        %get3A_1101 = arith.constant 0 : index
        %get3A_1102 = tpu.vector_load %arg17[%get3A_1100, %get3A_1101] {strides = array<i32>} : memref<1664x16xf32, #tpu.memory_space<vmem>>, vector<16xf32>,
        %add3A_1103 = arith.addf %add3A_1087, %get3A_1102 : vector<16xf32>
        %slice3A_1104 = vector.extract_strided_slice %get3A_782 {offsets = [4], sizes = [1], strides = [1]} : vector<16xf32> to vector<1xf32>
        %squeeze3A_1105 = vector.extract %slice3A_1104[0] : f32 from vector<1xf32>
        %add3A_1106 = arith.constant 20 : i32
        %add3A_1107 = arith.addi %mul3A_777, %add3A_1106 : i32
        %get3A_1108 = arith.index_cast %add3A_1107 : i32 to index
        %get3A_1109 = arith.constant 0 : index
        %get3A_1110 = tpu.vector_load %arg15[%get3A_1108, %get3A_1109] {strides = array<i32>} : memref<1664x16xf32, #tpu.memory_space<vmem>>, vector<16xf32>,
        %mul3A_1111 = vector.broadcast %squeeze3A_1105 : f32 to vector<16xf32>
        %mul3A_1112 = arith.mulf %get3A_1110, %mul3A_1111 : vector<16xf32>
        %add3A_1113 = arith.addf %add3A_1097, %mul3A_1112 : vector<16xf32>
        %add3A_1114 = arith.constant 20 : i32
        %add3A_1115 = arith.addi %mul3A_777, %add3A_1114 : i32
        %get3A_1116 = arith.index_cast %add3A_1115 : i32 to index
        %get3A_1117 = arith.constant 0 : index
        %get3A_1118 = tpu.vector_load %arg17[%get3A_1116, %get3A_1117] {strides = array<i32>} : memref<1664x16xf32, #tpu.memory_space<vmem>>, vector<16xf32>,
        %add3A_1119 = arith.addf %add3A_1103, %get3A_1118 : vector<16xf32>
        %slice3A_1120 = vector.extract_strided_slice %get3A_782 {offsets = [5], sizes = [1], strides = [1]} : vector<16xf32> to vector<1xf32>
        %squeeze3A_1121 = vector.extract %slice3A_1120[0] : f32 from vector<1xf32>
        %add3A_1122 = arith.constant 21 : i32
        %add3A_1123 = arith.addi %mul3A_777, %add3A_1122 : i32
        %get3A_1124 = arith.index_cast %add3A_1123 : i32 to index
        %get3A_1125 = arith.constant 0 : index
        %get3A_1126 = tpu.vector_load %arg15[%get3A_1124, %get3A_1125] {strides = array<i32>} : memref<1664x16xf32, #tpu.memory_space<vmem>>, vector<16xf32>,
        %mul3A_1127 = vector.broadcast %squeeze3A_1121 : f32 to vector<16xf32>
        %mul3A_1128 = arith.mulf %get3A_1126, %mul3A_1127 : vector<16xf32>
        %add3A_1129 = arith.addf %add3A_1113, %mul3A_1128 : vector<16xf32>
        %add3A_1130 = arith.constant 21 : i32
        %add3A_1131 = arith.addi %mul3A_777, %add3A_1130 : i32
        %get3A_1132 = arith.index_cast %add3A_1131 : i32 to index
        %get3A_1133 = arith.constant 0 : index
        %get3A_1134 = tpu.vector_load %arg17[%get3A_1132, %get3A_1133] {strides = array<i32>} : memref<1664x16xf32, #tpu.memory_space<vmem>>, vector<16xf32>,
        %add3A_1135 = arith.addf %add3A_1119, %get3A_1134 : vector<16xf32>
        %slice3A_1136 = vector.extract_strided_slice %get3A_782 {offsets = [6], sizes = [1], strides = [1]} : vector<16xf32> to vector<1xf32>
        %squeeze3A_1137 = vector.extract %slice3A_1136[0] : f32 from vector<1xf32>
        %add3A_1138 = arith.constant 22 : i32
        %add3A_1139 = arith.addi %mul3A_777, %add3A_1138 : i32
        %get3A_1140 = arith.index_cast %add3A_1139 : i32 to index
        %get3A_1141 = arith.constant 0 : index
        %get3A_1142 = tpu.vector_load %arg15[%get3A_1140, %get3A_1141] {strides = array<i32>} : memref<1664x16xf32, #tpu.memory_space<vmem>>, vector<16xf32>,
        %mul3A_1143 = vector.broadcast %squeeze3A_1137 : f32 to vector<16xf32>
        %mul3A_1144 = arith.mulf %get3A_1142, %mul3A_1143 : vector<16xf32>
        %add3A_1145 = arith.addf %add3A_1129, %mul3A_1144 : vector<16xf32>
        %add3A_1146 = arith.constant 22 : i32
        %add3A_1147 = arith.addi %mul3A_777, %add3A_1146 : i32
        %get3A_1148 = arith.index_cast %add3A_1147 : i32 to index
        %get3A_1149 = arith.constant 0 : index
        %get3A_1150 = tpu.vector_load %arg17[%get3A_1148, %get3A_1149] {strides = array<i32>} : memref<1664x16xf32, #tpu.memory_space<vmem>>, vector<16xf32>,
        %add3A_1151 = arith.addf %add3A_1135, %get3A_1150 : vector<16xf32>
        %slice3A_1152 = vector.extract_strided_slice %get3A_782 {offsets = [7], sizes = [1], strides = [1]} : vector<16xf32> to vector<1xf32>
        %squeeze3A_1153 = vector.extract %slice3A_1152[0] : f32 from vector<1xf32>
        %add3A_1154 = arith.constant 23 : i32
        %add3A_1155 = arith.addi %mul3A_777, %add3A_1154 : i32
        %get3A_1156 = arith.index_cast %add3A_1155 : i32 to index
        %get3A_1157 = arith.constant 0 : index
        %get3A_1158 = tpu.vector_load %arg15[%get3A_1156, %get3A_1157] {strides = array<i32>} : memref<1664x16xf32, #tpu.memory_space<vmem>>, vector<16xf32>,
        %mul3A_1159 = vector.broadcast %squeeze3A_1153 : f32 to vector<16xf32>
        %mul3A_1160 = arith.mulf %get3A_1158, %mul3A_1159 : vector<16xf32>
        %add3A_1161 = arith.addf %add3A_1145, %mul3A_1160 : vector<16xf32>
        %add3A_1162 = arith.constant 23 : i32
        %add3A_1163 = arith.addi %mul3A_777, %add3A_1162 : i32
        %get3A_1164 = arith.index_cast %add3A_1163 : i32 to index
        %get3A_1165 = arith.constant 0 : index
        %get3A_1166 = tpu.vector_load %arg17[%get3A_1164, %get3A_1165] {strides = array<i32>} : memref<1664x16xf32, #tpu.memory_space<vmem>>, vector<16xf32>,
        %add3A_1167 = arith.addf %add3A_1151, %get3A_1166 : vector<16xf32>
        %slice3A_1168 = vector.extract_strided_slice %get3A_782 {offsets = [8], sizes = [1], strides = [1]} : vector<16xf32> to vector<1xf32>
        %squeeze3A_1169 = vector.extract %slice3A_1168[0] : f32 from vector<1xf32>
        %add3A_1170 = arith.constant 24 : i32
        %add3A_1171 = arith.addi %mul3A_777, %add3A_1170 : i32
        %get3A_1172 = arith.index_cast %add3A_1171 : i32 to index
        %get3A_1173 = arith.constant 0 : index
        %get3A_1174 = tpu.vector_load %arg15[%get3A_1172, %get3A_1173] {strides = array<i32>} : memref<1664x16xf32, #tpu.memory_space<vmem>>, vector<16xf32>,
        %mul3A_1175 = vector.broadcast %squeeze3A_1169 : f32 to vector<16xf32>
        %mul3A_1176 = arith.mulf %get3A_1174, %mul3A_1175 : vector<16xf32>
        %add3A_1177 = arith.addf %add3A_1161, %mul3A_1176 : vector<16xf32>
        %add3A_1178 = arith.constant 24 : i32
        %add3A_1179 = arith.addi %mul3A_777, %add3A_1178 : i32
        %get3A_1180 = arith.index_cast %add3A_1179 : i32 to index
        %get3A_1181 = arith.constant 0 : index
        %get3A_1182 = tpu.vector_load %arg17[%get3A_1180, %get3A_1181] {strides = array<i32>} : memref<1664x16xf32, #tpu.memory_space<vmem>>, vector<16xf32>,
        %add3A_1183 = arith.addf %add3A_1167, %get3A_1182 : vector<16xf32>
        %slice3A_1184 = vector.extract_strided_slice %get3A_782 {offsets = [9], sizes = [1], strides = [1]} : vector<16xf32> to vector<1xf32>
        %squeeze3A_1185 = vector.extract %slice3A_1184[0] : f32 from vector<1xf32>
        %add3A_1186 = arith.constant 25 : i32
        %add3A_1187 = arith.addi %mul3A_777, %add3A_1186 : i32
        %get3A_1188 = arith.index_cast %add3A_1187 : i32 to index
        %get3A_1189 = arith.constant 0 : index
        %get3A_1190 = tpu.vector_load %arg15[%get3A_1188, %get3A_1189] {strides = array<i32>} : memref<1664x16xf32, #tpu.memory_space<vmem>>, vector<16xf32>,
        %mul3A_1191 = vector.broadcast %squeeze3A_1185 : f32 to vector<16xf32>
        %mul3A_1192 = arith.mulf %get3A_1190, %mul3A_1191 : vector<16xf32>
        %add3A_1193 = arith.addf %add3A_1177, %mul3A_1192 : vector<16xf32>
        %add3A_1194 = arith.constant 25 : i32
        %add3A_1195 = arith.addi %mul3A_777, %add3A_1194 : i32
        %get3A_1196 = arith.index_cast %add3A_1195 : i32 to index
        %get3A_1197 = arith.constant 0 : index
        %get3A_1198 = tpu.vector_load %arg17[%get3A_1196, %get3A_1197] {strides = array<i32>} : memref<1664x16xf32, #tpu.memory_space<vmem>>, vector<16xf32>,
        %add3A_1199 = arith.addf %add3A_1183, %get3A_1198 : vector<16xf32>
        %swap3A = arith.index_cast %scan3A_775 : i32 to index
        %swap3A_1200 = arith.constant 0 : index
        %swap3A_1201 = tpu.vector_load %arg19[%swap3A, %swap3A_1200] {strides = array<i32>} : memref<64x16xf32, #tpu.memory_space<vmem>>, vector<16xf32>,
        tpu.vector_store %arg19[%swap3A, %swap3A_1200], %add3A_1193 {strides = array<i32>} : memref<64x16xf32, #tpu.memory_space<vmem>>, vector<16xf32>,
        %swap3A_1202 = arith.index_cast %scan3A_775 : i32 to index
        %swap3A_1203 = arith.constant 0 : index
        %swap3A_1204 = tpu.vector_load %arg21[%swap3A_1202, %swap3A_1203] {strides = array<i32>} : memref<64x16xf32, #tpu.memory_space<vmem>>, vector<16xf32>,
        tpu.vector_store %arg21[%swap3A_1202, %swap3A_1203], %add3A_1199 {strides = array<i32>} : memref<64x16xf32, #tpu.memory_space<vmem>>, vector<16xf32>,
      }
      %scan3A_753 = arith.constant 64 : i32
      %mul3A_754 = arith.constant 512 : i32
      %mul3A_755 = arith.muli %add3A, %mul3A_754 : i32
      %mul3A_756 = arith.constant 64 : i32
      %mul3A_757 = arith.muli %add3A_527, %mul3A_756 : i32
      %add3A_758 = arith.addi %mul3A_755, %mul3A_757 : i32
      %multiple_of3A_759 = tpu.assume_multiple %add3A_758, 64 : i32
      %dma_start3A_760 = arith.constant 0 : i32
      %dma_start3A_761 = tpu.memref_slice %arg6[%multiple_of3A_759, %dma_start3A_760] : memref<16384x16xf32, #tpu.memory_space<hbm>> -> memref<64x16xf32, #tpu.memory_space<hbm>>
      %dma_start3A_762 = arith.constant 0 : i32
      %dma_start3A_763 = tpu.memref_slice %arg6[%multiple_of3A_759, %dma_start3A_762] : memref<16384x16xf32, #tpu.memory_space<hbm>> -> memref<64x16xf32, #tpu.memory_space<hbm>>
      tpu.enqueue_dma source(%arg19 : memref<64x16xf32, #tpu.memory_space<vmem>>) target(%dma_start3A_763 : memref<64x16xf32, #tpu.memory_space<hbm>>) target_semaphore(%arg27 : memref<!tpu.dma_semaphore, #tpu.memory_space<semaphore_mem>>)
      %dma_start3A_764 = arith.constant 0 : i32
      %dma_start3A_765 = tpu.memref_slice %arg7[%multiple_of3A_759, %dma_start3A_764] : memref<16384x16xf32, #tpu.memory_space<hbm>> -> memref<64x16xf32, #tpu.memory_space<hbm>>
      %dma_start3A_766 = arith.constant 0 : i32
      %dma_start3A_767 = tpu.memref_slice %arg7[%multiple_of3A_759, %dma_start3A_766] : memref<16384x16xf32, #tpu.memory_space<hbm>> -> memref<64x16xf32, #tpu.memory_space<hbm>>
      tpu.enqueue_dma source(%arg21 : memref<64x16xf32, #tpu.memory_space<vmem>>) target(%dma_start3A_767 : memref<64x16xf32, #tpu.memory_space<hbm>>) target_semaphore(%arg27 : memref<!tpu.dma_semaphore, #tpu.memory_space<semaphore_mem>>)
      %add3A_768 = arith.constant 2 : i32
      %add3A_769 = arith.addi %add3A_527, %add3A_768 : i32
      %lt3A_770 = arith.constant 8 : i32
      %lt3A_771 = arith.cmpi slt, %add3A_769, %lt3A_770 : i32
      %convert_element_type3A_772 = arith.extui %lt3A_771 : i1 to i32
      %cond3A_773 = arith.constant 0 : i32
      %cond3A_774 = arith.cmpi ne, %convert_element_type3A_772, %cond3A_773 : i32
      scf.if %cond3A_774 {
        %add3A_775 = arith.constant 2 : i32
        %add3A_776 = arith.addi %add3A_527, %add3A_775 : i32
        %mul3A_777 = arith.constant 512 : i32
        %mul3A_778 = arith.muli %add3A, %mul3A_777 : i32
        %mul3A_779 = arith.constant 64 : i32
        %mul3A_780 = arith.muli %add3A_776, %mul3A_779 : i32
        %add3A_781 = arith.addi %mul3A_778, %mul3A_780 : i32
        %mul3A_782 = arith.constant 26 : i32
        %mul3A_783 = arith.muli %add3A_781, %mul3A_782 : i32
        %multiple_of3A_784 = tpu.assume_multiple %mul3A_783, 1664 : i32
        %dma_start3A_785 = tpu.memref_slice %arg2[%multiple_of3A_784] : memref<425984xi32, #tpu.memory_space<hbm>> -> memref<1664xi32, #tpu.memory_space<hbm>>
        %dma_start3A_786 = tpu.memref_slice %arg2[%multiple_of3A_784] : memref<425984xi32, #tpu.memory_space<hbm>> -> memref<1664xi32, #tpu.memory_space<hbm>>
        tpu.enqueue_dma source(%dma_start3A_786 : memref<1664xi32, #tpu.memory_space<hbm>>) target(%arg9 : memref<1664xi32, #tpu.memory_space<vmem>>) target_semaphore(%arg23 : memref<!tpu.dma_semaphore, #tpu.memory_space<semaphore_mem>>)
        %dma_start3A_787 = tpu.memref_slice %arg3[%multiple_of3A_784] : memref<425984xi32, #tpu.memory_space<hbm>> -> memref<1664xi32, #tpu.memory_space<hbm>>
        %dma_start3A_788 = tpu.memref_slice %arg3[%multiple_of3A_784] : memref<425984xi32, #tpu.memory_space<hbm>> -> memref<1664xi32, #tpu.memory_space<hbm>>
        tpu.enqueue_dma source(%dma_start3A_788 : memref<1664xi32, #tpu.memory_space<hbm>>) target(%arg11 : memref<1664xi32, #tpu.memory_space<vmem>>) target_semaphore(%arg23 : memref<!tpu.dma_semaphore, #tpu.memory_space<semaphore_mem>>)
        %dma_start3A_789 = tpu.memref_slice %arg4[%multiple_of3A_784] : memref<425984xf32, #tpu.memory_space<hbm>> -> memref<1664xf32, #tpu.memory_space<hbm>>
        %dma_start3A_790 = tpu.memref_slice %arg4[%multiple_of3A_784] : memref<425984xf32, #tpu.memory_space<hbm>> -> memref<1664xf32, #tpu.memory_space<hbm>>
        tpu.enqueue_dma source(%dma_start3A_790 : memref<1664xf32, #tpu.memory_space<hbm>>) target(%arg13 : memref<1664xf32, #tpu.memory_space<vmem>>) target_semaphore(%arg23 : memref<!tpu.dma_semaphore, #tpu.memory_space<semaphore_mem>>)
      } else {
      }
    }
    %scan3A_249 = arith.constant 4 : i32
    %mul3A_250 = arith.constant 512 : i32
    %mul3A_251 = arith.muli %add3A, %mul3A_250 : i32
    %add3A_252 = arith.constant 0 : i32
    %add3A_253 = arith.addi %mul3A_251, %add3A_252 : i32
    %multiple_of3A_254 = tpu.assume_multiple %add3A_253, 64 : i32
    %dma_wait3A_255 = arith.constant 0 : i32
    %dma_wait3A_256 = tpu.memref_slice %arg6[%multiple_of3A_254, %dma_wait3A_255] : memref<16384x16xf32, #tpu.memory_space<hbm>> -> memref<64x16xf32, #tpu.memory_space<hbm>>
    %dma_wait3A_257 = arith.constant 0 : i32
    %dma_wait3A_258 = tpu.memref_slice %arg6[%multiple_of3A_254, %dma_wait3A_257] : memref<16384x16xf32, #tpu.memory_space<hbm>> -> memref<64x16xf32, #tpu.memory_space<hbm>>
    tpu.wait_dma2 semaphore(%arg26 : memref<!tpu.dma_semaphore, #tpu.memory_space<semaphore_mem>>) src(%arg18 : memref<64x16xf32, #tpu.memory_space<vmem>>) dst(%dma_wait3A_258 : memref<64x16xf32, #tpu.memory_space<hbm>>)
    %dma_wait3A_259 = arith.constant 0 : i32
    %dma_wait3A_260 = tpu.memref_slice %arg7[%multiple_of3A_254, %dma_wait3A_259] : memref<16384x16xf32, #tpu.memory_space<hbm>> -> memref<64x16xf32, #tpu.memory_space<hbm>>
    %dma_wait3A_261 = arith.constant 0 : i32
    %dma_wait3A_262 = tpu.memref_slice %arg7[%multiple_of3A_254, %dma_wait3A_261] : memref<16384x16xf32, #tpu.memory_space<hbm>> -> memref<64x16xf32, #tpu.memory_space<hbm>>
    tpu.wait_dma2 semaphore(%arg26 : memref<!tpu.dma_semaphore, #tpu.memory_space<semaphore_mem>>) src(%arg20 : memref<64x16xf32, #tpu.memory_space<vmem>>) dst(%dma_wait3A_262 : memref<64x16xf32, #tpu.memory_space<hbm>>)
    %mul3A_263 = arith.constant 512 : i32
    %mul3A_264 = arith.muli %add3A, %mul3A_263 : i32
    %add3A_265 = arith.constant 0 : i32
    %add3A_266 = arith.addi %mul3A_264, %add3A_265 : i32
    %multiple_of3A_267 = tpu.assume_multiple %add3A_266, 64 : i32
    %dma_wait3A_268 = arith.constant 0 : i32
    %dma_wait3A_269 = tpu.memref_slice %arg6[%multiple_of3A_267, %dma_wait3A_268] : memref<16384x16xf32, #tpu.memory_space<hbm>> -> memref<64x16xf32, #tpu.memory_space<hbm>>
    %dma_wait3A_270 = arith.constant 0 : i32
    %dma_wait3A_271 = tpu.memref_slice %arg6[%multiple_of3A_267, %dma_wait3A_270] : memref<16384x16xf32, #tpu.memory_space<hbm>> -> memref<64x16xf32, #tpu.memory_space<hbm>>
    tpu.wait_dma2 semaphore(%arg27 : memref<!tpu.dma_semaphore, #tpu.memory_space<semaphore_mem>>) src(%arg19 : memref<64x16xf32, #tpu.memory_space<vmem>>) dst(%dma_wait3A_271 : memref<64x16xf32, #tpu.memory_space<hbm>>)
    %dma_wait3A_272 = arith.constant 0 : i32
    %dma_wait3A_273 = tpu.memref_slice %arg7[%multiple_of3A_267, %dma_wait3A_272] : memref<16384x16xf32, #tpu.memory_space<hbm>> -> memref<64x16xf32, #tpu.memory_space<hbm>>
    %dma_wait3A_274 = arith.constant 0 : i32
    %dma_wait3A_275 = tpu.memref_slice %arg7[%multiple_of3A_267, %dma_wait3A_274] : memref<16384x16xf32, #tpu.memory_space<hbm>> -> memref<64x16xf32, #tpu.memory_space<hbm>>
    tpu.wait_dma2 semaphore(%arg27 : memref<!tpu.dma_semaphore, #tpu.memory_space<semaphore_mem>>) src(%arg21 : memref<64x16xf32, #tpu.memory_space<vmem>>) dst(%dma_wait3A_275 : memref<64x16xf32, #tpu.memory_space<hbm>>)
    return
  }
}

#map = affine_map<(d0, d1) -> (0, 0, 0)>
#map1 = affine_map<(d0, d1) -> (0)>
module attributes {stable_mosaic.version = 14 : i64} {
  func.func @sc_detile(%arg0: i32, %arg1: i32, %arg2: memref<2x8x1000000xf32, #tpu.memory_space<hbm>>, %arg3: memref<16000000xf32, #tpu.memory_space<hbm>>, %arg4: memref<8x768xf32, #tpu.memory_space<vmem>>, %arg5: memref<8x768xf32, #tpu.memory_space<vmem>>, %arg6: memref<8x768xf32, #tpu.memory_space<vmem>>, %arg7: memref<8x768xf32, #tpu.memory_space<vmem>>, %arg8: memref<12288xf32, #tpu.memory_space<vmem>>, %arg9: memref<12288xf32, #tpu.memory_space<vmem>>, %arg10: memref<8x64xf32, #tpu.memory_space<vmem>>, %arg11: memref<8x64xf32, #tpu.memory_space<vmem>>, %arg12: memref<!tpu.dma_semaphore, #tpu.memory_space<semaphore_mem>>, %arg13: memref<!tpu.dma_semaphore, #tpu.memory_space<semaphore_mem>>, %arg14: memref<!tpu.dma_semaphore, #tpu.memory_space<semaphore_mem>>, %arg15: memref<!tpu.dma_semaphore, #tpu.memory_space<semaphore_mem>>) attributes {dimension_semantics = [#tpu.dimension_semantics<core_parallel>, #tpu.dimension_semantics<subcore_parallel>], iteration_bounds = array<i64: 2, 16>, scalar_prefetch = 0 : i64, scratch_operands = 12 : i64, tpu.core_type = #tpu.core_type<sc_vector_subcore>, window_params = [{transform_indices = #map}, {transform_indices = #map1}]} {
    %mul3A = arith.constant 2 : i32
    %mul3A_0 = arith.muli %arg1, %mul3A : i32
    %add3A = arith.addi %mul3A_0, %arg0 : i32
    %iota3A = tpu.iota {dimensions = array<i32: 0>} : vector<16xi32>
    %mul3A_1 = arith.constant 768 : i32
    %mul3A_2 = arith.muli %add3A, %mul3A_1 : i32
    %multiple_of3A = tpu.assume_multiple %mul3A_2, 768 : i32
    %dma_start3A = arith.constant 0 : i32
    %dma_start3A_3 = arith.constant 0 : i32
    %dma_start3A_4 = tpu.memref_slice %arg2[%dma_start3A, %dma_start3A_3, %multiple_of3A] : memref<2x8x1000000xf32, #tpu.memory_space<hbm>> -> memref<1x8x768xf32, #tpu.memory_space<hbm>>
    %dma_start3A_5 = tpu.memref_squeeze %dma_start3A_4 : memref<1x8x768xf32, #tpu.memory_space<hbm>> -> memref<8x768xf32, #tpu.memory_space<hbm>>
    %dma_start3A_6 = arith.constant 0 : i32
    %dma_start3A_7 = tpu.memref_slice %arg2[%dma_start3A, %dma_start3A_6, %multiple_of3A] : memref<2x8x1000000xf32, #tpu.memory_space<hbm>> -> memref<1x8x768xf32, #tpu.memory_space<hbm>>
    %dma_start3A_8 = tpu.memref_squeeze %dma_start3A_7 : memref<1x8x768xf32, #tpu.memory_space<hbm>> -> memref<8x768xf32, #tpu.memory_space<hbm>>
    tpu.enqueue_dma source(%dma_start3A_8 : memref<8x768xf32, #tpu.memory_space<hbm>>) target(%arg4 : memref<8x768xf32, #tpu.memory_space<vmem>>) target_semaphore(%arg12 : memref<!tpu.dma_semaphore, #tpu.memory_space<semaphore_mem>>)
    %dma_start3A_9 = arith.constant 1 : i32
    %dma_start3A_10 = arith.constant 0 : i32
    %dma_start3A_11 = tpu.memref_slice %arg2[%dma_start3A_9, %dma_start3A_10, %multiple_of3A] : memref<2x8x1000000xf32, #tpu.memory_space<hbm>> -> memref<1x8x768xf32, #tpu.memory_space<hbm>>
    %dma_start3A_12 = tpu.memref_squeeze %dma_start3A_11 : memref<1x8x768xf32, #tpu.memory_space<hbm>> -> memref<8x768xf32, #tpu.memory_space<hbm>>
    %dma_start3A_13 = arith.constant 0 : i32
    %dma_start3A_14 = tpu.memref_slice %arg2[%dma_start3A_9, %dma_start3A_13, %multiple_of3A] : memref<2x8x1000000xf32, #tpu.memory_space<hbm>> -> memref<1x8x768xf32, #tpu.memory_space<hbm>>
    %dma_start3A_15 = tpu.memref_squeeze %dma_start3A_14 : memref<1x8x768xf32, #tpu.memory_space<hbm>> -> memref<8x768xf32, #tpu.memory_space<hbm>>
    tpu.enqueue_dma source(%dma_start3A_15 : memref<8x768xf32, #tpu.memory_space<hbm>>) target(%arg6 : memref<8x768xf32, #tpu.memory_space<vmem>>) target_semaphore(%arg12 : memref<!tpu.dma_semaphore, #tpu.memory_space<semaphore_mem>>)
    %scan3A = arith.constant 0 : i32
    %scan3A_16 = arith.constant 0 : i32
    %scan3A_17 = arith.constant 21 : i32
    %scan3A_18 = arith.addi %scan3A_16, %scan3A_17 : i32
    %scan3A_19 = arith.constant 1 : i32
    scf.for %scan3A_30 = %scan3A_16 to %scan3A_18 step %scan3A_19  : i32 {
      %mul3A_31 = arith.constant 2 : i32
      %mul3A_32 = arith.muli %scan3A_30, %mul3A_31 : i32
      %add3A_33 = arith.constant 0 : i32
      %add3A_34 = arith.addi %mul3A_32, %add3A_33 : i32
      %mul3A_35 = arith.constant 32 : i32
      %mul3A_36 = arith.muli %add3A_34, %mul3A_35 : i32
      %add3A_37 = arith.addi %mul3A_36, %add3A : i32
      %add3A_38 = arith.constant 32 : i32
      %add3A_39 = arith.addi %add3A_37, %add3A_38 : i32
      %lt3A = arith.constant 1302 : i32
      %lt3A_40 = arith.cmpi slt, %add3A_39, %lt3A : i32
      %convert_element_type3A_41 = arith.extui %lt3A_40 : i1 to i32
      %cond3A_42 = arith.constant 0 : i32
      %cond3A_43 = arith.cmpi ne, %convert_element_type3A_41, %cond3A_42 : i32
      scf.if %cond3A_43 {
        %mul3A_68 = arith.constant 768 : i32
        %mul3A_69 = arith.muli %add3A_39, %mul3A_68 : i32
        %multiple_of3A_70 = tpu.assume_multiple %mul3A_69, 768 : i32
        %dma_start3A_71 = arith.constant 0 : i32
        %dma_start3A_72 = arith.constant 0 : i32
        %dma_start3A_73 = tpu.memref_slice %arg2[%dma_start3A_71, %dma_start3A_72, %multiple_of3A_70] : memref<2x8x1000000xf32, #tpu.memory_space<hbm>> -> memref<1x8x768xf32, #tpu.memory_space<hbm>>
        %dma_start3A_74 = tpu.memref_squeeze %dma_start3A_73 : memref<1x8x768xf32, #tpu.memory_space<hbm>> -> memref<8x768xf32, #tpu.memory_space<hbm>>
        %dma_start3A_75 = arith.constant 0 : i32
        %dma_start3A_76 = tpu.memref_slice %arg2[%dma_start3A_71, %dma_start3A_75, %multiple_of3A_70] : memref<2x8x1000000xf32, #tpu.memory_space<hbm>> -> memref<1x8x768xf32, #tpu.memory_space<hbm>>
        %dma_start3A_77 = tpu.memref_squeeze %dma_start3A_76 : memref<1x8x768xf32, #tpu.memory_space<hbm>> -> memref<8x768xf32, #tpu.memory_space<hbm>>
        tpu.enqueue_dma source(%dma_start3A_77 : memref<8x768xf32, #tpu.memory_space<hbm>>) target(%arg5 : memref<8x768xf32, #tpu.memory_space<vmem>>) target_semaphore(%arg13 : memref<!tpu.dma_semaphore, #tpu.memory_space<semaphore_mem>>)
        %dma_start3A_78 = arith.constant 1 : i32
        %dma_start3A_79 = arith.constant 0 : i32
        %dma_start3A_80 = tpu.memref_slice %arg2[%dma_start3A_78, %dma_start3A_79, %multiple_of3A_70] : memref<2x8x1000000xf32, #tpu.memory_space<hbm>> -> memref<1x8x768xf32, #tpu.memory_space<hbm>>
        %dma_start3A_81 = tpu.memref_squeeze %dma_start3A_80 : memref<1x8x768xf32, #tpu.memory_space<hbm>> -> memref<8x768xf32, #tpu.memory_space<hbm>>
        %dma_start3A_82 = arith.constant 0 : i32
        %dma_start3A_83 = tpu.memref_slice %arg2[%dma_start3A_78, %dma_start3A_82, %multiple_of3A_70] : memref<2x8x1000000xf32, #tpu.memory_space<hbm>> -> memref<1x8x768xf32, #tpu.memory_space<hbm>>
        %dma_start3A_84 = tpu.memref_squeeze %dma_start3A_83 : memref<1x8x768xf32, #tpu.memory_space<hbm>> -> memref<8x768xf32, #tpu.memory_space<hbm>>
        tpu.enqueue_dma source(%dma_start3A_84 : memref<8x768xf32, #tpu.memory_space<hbm>>) target(%arg7 : memref<8x768xf32, #tpu.memory_space<vmem>>) target_semaphore(%arg13 : memref<!tpu.dma_semaphore, #tpu.memory_space<semaphore_mem>>)
      } else {
      }
      %lt3A_44 = arith.constant 1302 : i32
      %lt3A_45 = arith.cmpi slt, %add3A_37, %lt3A_44 : i32
      %convert_element_type3A_46 = arith.extui %lt3A_45 : i1 to i32
      %cond3A_47 = arith.constant 0 : i32
      %cond3A_48 = arith.cmpi ne, %convert_element_type3A_46, %cond3A_47 : i32
      scf.if %cond3A_48 {
        %mul3A_68 = arith.constant 768 : i32
        %mul3A_69 = arith.muli %add3A_37, %mul3A_68 : i32
        %multiple_of3A_70 = tpu.assume_multiple %mul3A_69, 768 : i32
        %dma_wait3A_71 = arith.constant 0 : i32
        %dma_wait3A_72 = arith.constant 0 : i32
        %dma_wait3A_73 = tpu.memref_slice %arg2[%dma_wait3A_71, %dma_wait3A_72, %multiple_of3A_70] : memref<2x8x1000000xf32, #tpu.memory_space<hbm>> -> memref<1x8x768xf32, #tpu.memory_space<hbm>>
        %dma_wait3A_74 = tpu.memref_squeeze %dma_wait3A_73 : memref<1x8x768xf32, #tpu.memory_space<hbm>> -> memref<8x768xf32, #tpu.memory_space<hbm>>
        %dma_wait3A_75 = arith.constant 0 : i32
        %dma_wait3A_76 = tpu.memref_slice %arg2[%dma_wait3A_71, %dma_wait3A_75, %multiple_of3A_70] : memref<2x8x1000000xf32, #tpu.memory_space<hbm>> -> memref<1x8x768xf32, #tpu.memory_space<hbm>>
        %dma_wait3A_77 = tpu.memref_squeeze %dma_wait3A_76 : memref<1x8x768xf32, #tpu.memory_space<hbm>> -> memref<8x768xf32, #tpu.memory_space<hbm>>
        tpu.wait_dma2 semaphore(%arg12 : memref<!tpu.dma_semaphore, #tpu.memory_space<semaphore_mem>>) src(%dma_wait3A_77 : memref<8x768xf32, #tpu.memory_space<hbm>>) dst(%arg4 : memref<8x768xf32, #tpu.memory_space<vmem>>)
        %dma_wait3A_78 = arith.constant 1 : i32
        %dma_wait3A_79 = arith.constant 0 : i32
        %dma_wait3A_80 = tpu.memref_slice %arg2[%dma_wait3A_78, %dma_wait3A_79, %multiple_of3A_70] : memref<2x8x1000000xf32, #tpu.memory_space<hbm>> -> memref<1x8x768xf32, #tpu.memory_space<hbm>>
        %dma_wait3A_81 = tpu.memref_squeeze %dma_wait3A_80 : memref<1x8x768xf32, #tpu.memory_space<hbm>> -> memref<8x768xf32, #tpu.memory_space<hbm>>
        %dma_wait3A_82 = arith.constant 0 : i32
        %dma_wait3A_83 = tpu.memref_slice %arg2[%dma_wait3A_78, %dma_wait3A_82, %multiple_of3A_70] : memref<2x8x1000000xf32, #tpu.memory_space<hbm>> -> memref<1x8x768xf32, #tpu.memory_space<hbm>>
        %dma_wait3A_84 = tpu.memref_squeeze %dma_wait3A_83 : memref<1x8x768xf32, #tpu.memory_space<hbm>> -> memref<8x768xf32, #tpu.memory_space<hbm>>
        tpu.wait_dma2 semaphore(%arg12 : memref<!tpu.dma_semaphore, #tpu.memory_space<semaphore_mem>>) src(%dma_wait3A_84 : memref<8x768xf32, #tpu.memory_space<hbm>>) dst(%arg6 : memref<8x768xf32, #tpu.memory_space<vmem>>)
        %ge3A = arith.constant 2 : i32
        %ge3A_85 = arith.cmpi sge, %add3A_34, %ge3A : i32
        %convert_element_type3A_86 = arith.extui %ge3A_85 : i1 to i32
        %cond3A_87 = arith.constant 0 : i32
        %cond3A_88 = arith.cmpi ne, %convert_element_type3A_86, %cond3A_87 : i32
        scf.if %cond3A_88 {
          %dma_wait3A_105 = arith.constant 0 : i32
          %dma_wait3A_106 = tpu.memref_slice %arg3[%dma_wait3A_105] : memref<16000000xf32, #tpu.memory_space<hbm>> -> memref<12288xf32, #tpu.memory_space<hbm>>
          %dma_wait3A_107 = arith.constant 0 : i32
          %dma_wait3A_108 = tpu.memref_slice %arg3[%dma_wait3A_107] : memref<16000000xf32, #tpu.memory_space<hbm>> -> memref<12288xf32, #tpu.memory_space<hbm>>
          tpu.wait_dma2 semaphore(%arg14 : memref<!tpu.dma_semaphore, #tpu.memory_space<semaphore_mem>>) src(%arg8 : memref<12288xf32, #tpu.memory_space<vmem>>) dst(%dma_wait3A_108 : memref<12288xf32, #tpu.memory_space<hbm>>)
        } else {
        }
        %mul3A_89 = arith.constant 16 : i32
        %mul3A_90 = vector.broadcast %mul3A_89 : i32 to vector<16xi32>
        %mul3A_91 = arith.muli %iota3A, %mul3A_90 : vector<16xi32>
        %scan3A_92 = arith.constant 0 : i32
        %scan3A_93 = arith.constant 0 : i32
        %scan3A_94 = arith.constant 48 : i32
        %scan3A_95 = arith.addi %scan3A_93, %scan3A_94 : i32
        %scan3A_96 = arith.constant 1 : i32
        scf.for %scan3A_105 = %scan3A_93 to %scan3A_95 step %scan3A_96  : i32 {
          %mul3A_106 = arith.constant 16 : i32
          %mul3A_107 = arith.muli %scan3A_105, %mul3A_106 : i32
          %multiple_of3A_108 = tpu.assume_multiple %mul3A_107, 16 : i32
          %mul3A_109 = arith.constant 256 : i32
          %mul3A_110 = arith.muli %scan3A_105, %mul3A_109 : i32
          %get3A = arith.constant 0 : i32
          %get3A_111 = arith.index_cast %get3A : i32 to index
          %get3A_112 = arith.index_cast %multiple_of3A_108 : i32 to index
          %get3A_113 = tpu.vector_load %arg4[%get3A_111, %get3A_112] {strides = array<i32>} : memref<8x768xf32, #tpu.memory_space<vmem>>, vector<16xf32>,
          %add3A_114 = vector.broadcast %mul3A_110 : i32 to vector<16xi32>
          %add3A_115 = arith.addi %mul3A_91, %add3A_114 : vector<16xi32>
          %add3A_116 = arith.constant 0 : i32
          %add3A_117 = vector.broadcast %add3A_116 : i32 to vector<16xi32>
          %add3A_118 = arith.addi %add3A_115, %add3A_117 : vector<16xi32>
          tpu.vector_store_idx %arg8[%add3A_118], %get3A_113 : memref<12288xf32, #tpu.memory_space<vmem>>[vector<16xi32>], vector<16xf32>,
          %get3A_119 = arith.constant 0 : i32
          %get3A_120 = arith.index_cast %get3A_119 : i32 to index
          %get3A_121 = arith.index_cast %multiple_of3A_108 : i32 to index
          %get3A_122 = tpu.vector_load %arg6[%get3A_120, %get3A_121] {strides = array<i32>} : memref<8x768xf32, #tpu.memory_space<vmem>>, vector<16xf32>,
          %add3A_123 = vector.broadcast %mul3A_110 : i32 to vector<16xi32>
          %add3A_124 = arith.addi %mul3A_91, %add3A_123 : vector<16xi32>
          %add3A_125 = arith.constant 8 : i32
          %add3A_126 = vector.broadcast %add3A_125 : i32 to vector<16xi32>
          %add3A_127 = arith.addi %add3A_124, %add3A_126 : vector<16xi32>
          %add3A_128 = arith.constant 0 : i32
          %add3A_129 = vector.broadcast %add3A_128 : i32 to vector<16xi32>
          %add3A_130 = arith.addi %add3A_127, %add3A_129 : vector<16xi32>
          tpu.vector_store_idx %arg8[%add3A_130], %get3A_122 : memref<12288xf32, #tpu.memory_space<vmem>>[vector<16xi32>], vector<16xf32>,
          %get3A_131 = arith.constant 1 : i32
          %get3A_132 = arith.index_cast %get3A_131 : i32 to index
          %get3A_133 = arith.index_cast %multiple_of3A_108 : i32 to index
          %get3A_134 = tpu.vector_load %arg4[%get3A_132, %get3A_133] {strides = array<i32>} : memref<8x768xf32, #tpu.memory_space<vmem>>, vector<16xf32>,
          %add3A_135 = vector.broadcast %mul3A_110 : i32 to vector<16xi32>
          %add3A_136 = arith.addi %mul3A_91, %add3A_135 : vector<16xi32>
          %add3A_137 = arith.constant 1 : i32
          %add3A_138 = vector.broadcast %add3A_137 : i32 to vector<16xi32>
          %add3A_139 = arith.addi %add3A_136, %add3A_138 : vector<16xi32>
          tpu.vector_store_idx %arg8[%add3A_139], %get3A_134 : memref<12288xf32, #tpu.memory_space<vmem>>[vector<16xi32>], vector<16xf32>,
          %get3A_140 = arith.constant 1 : i32
          %get3A_141 = arith.index_cast %get3A_140 : i32 to index
          %get3A_142 = arith.index_cast %multiple_of3A_108 : i32 to index
          %get3A_143 = tpu.vector_load %arg6[%get3A_141, %get3A_142] {strides = array<i32>} : memref<8x768xf32, #tpu.memory_space<vmem>>, vector<16xf32>,
          %add3A_144 = vector.broadcast %mul3A_110 : i32 to vector<16xi32>
          %add3A_145 = arith.addi %mul3A_91, %add3A_144 : vector<16xi32>
          %add3A_146 = arith.constant 8 : i32
          %add3A_147 = vector.broadcast %add3A_146 : i32 to vector<16xi32>
          %add3A_148 = arith.addi %add3A_145, %add3A_147 : vector<16xi32>
          %add3A_149 = arith.constant 1 : i32
          %add3A_150 = vector.broadcast %add3A_149 : i32 to vector<16xi32>
          %add3A_151 = arith.addi %add3A_148, %add3A_150 : vector<16xi32>
          tpu.vector_store_idx %arg8[%add3A_151], %get3A_143 : memref<12288xf32, #tpu.memory_space<vmem>>[vector<16xi32>], vector<16xf32>,
          %get3A_152 = arith.constant 2 : i32
          %get3A_153 = arith.index_cast %get3A_152 : i32 to index
          %get3A_154 = arith.index_cast %multiple_of3A_108 : i32 to index
          %get3A_155 = tpu.vector_load %arg4[%get3A_153, %get3A_154] {strides = array<i32>} : memref<8x768xf32, #tpu.memory_space<vmem>>, vector<16xf32>,
          %add3A_156 = vector.broadcast %mul3A_110 : i32 to vector<16xi32>
          %add3A_157 = arith.addi %mul3A_91, %add3A_156 : vector<16xi32>
          %add3A_158 = arith.constant 2 : i32
          %add3A_159 = vector.broadcast %add3A_158 : i32 to vector<16xi32>
          %add3A_160 = arith.addi %add3A_157, %add3A_159 : vector<16xi32>
          tpu.vector_store_idx %arg8[%add3A_160], %get3A_155 : memref<12288xf32, #tpu.memory_space<vmem>>[vector<16xi32>], vector<16xf32>,
          %get3A_161 = arith.constant 2 : i32
          %get3A_162 = arith.index_cast %get3A_161 : i32 to index
          %get3A_163 = arith.index_cast %multiple_of3A_108 : i32 to index
          %get3A_164 = tpu.vector_load %arg6[%get3A_162, %get3A_163] {strides = array<i32>} : memref<8x768xf32, #tpu.memory_space<vmem>>, vector<16xf32>,
          %add3A_165 = vector.broadcast %mul3A_110 : i32 to vector<16xi32>
          %add3A_166 = arith.addi %mul3A_91, %add3A_165 : vector<16xi32>
          %add3A_167 = arith.constant 8 : i32
          %add3A_168 = vector.broadcast %add3A_167 : i32 to vector<16xi32>
          %add3A_169 = arith.addi %add3A_166, %add3A_168 : vector<16xi32>
          %add3A_170 = arith.constant 2 : i32
          %add3A_171 = vector.broadcast %add3A_170 : i32 to vector<16xi32>
          %add3A_172 = arith.addi %add3A_169, %add3A_171 : vector<16xi32>
          tpu.vector_store_idx %arg8[%add3A_172], %get3A_164 : memref<12288xf32, #tpu.memory_space<vmem>>[vector<16xi32>], vector<16xf32>,
          %get3A_173 = arith.constant 3 : i32
          %get3A_174 = arith.index_cast %get3A_173 : i32 to index
          %get3A_175 = arith.index_cast %multiple_of3A_108 : i32 to index
          %get3A_176 = tpu.vector_load %arg4[%get3A_174, %get3A_175] {strides = array<i32>} : memref<8x768xf32, #tpu.memory_space<vmem>>, vector<16xf32>,
          %add3A_177 = vector.broadcast %mul3A_110 : i32 to vector<16xi32>
          %add3A_178 = arith.addi %mul3A_91, %add3A_177 : vector<16xi32>
          %add3A_179 = arith.constant 3 : i32
          %add3A_180 = vector.broadcast %add3A_179 : i32 to vector<16xi32>
          %add3A_181 = arith.addi %add3A_178, %add3A_180 : vector<16xi32>
          tpu.vector_store_idx %arg8[%add3A_181], %get3A_176 : memref<12288xf32, #tpu.memory_space<vmem>>[vector<16xi32>], vector<16xf32>,
          %get3A_182 = arith.constant 3 : i32
          %get3A_183 = arith.index_cast %get3A_182 : i32 to index
          %get3A_184 = arith.index_cast %multiple_of3A_108 : i32 to index
          %get3A_185 = tpu.vector_load %arg6[%get3A_183, %get3A_184] {strides = array<i32>} : memref<8x768xf32, #tpu.memory_space<vmem>>, vector<16xf32>,
          %add3A_186 = vector.broadcast %mul3A_110 : i32 to vector<16xi32>
          %add3A_187 = arith.addi %mul3A_91, %add3A_186 : vector<16xi32>
          %add3A_188 = arith.constant 8 : i32
          %add3A_189 = vector.broadcast %add3A_188 : i32 to vector<16xi32>
          %add3A_190 = arith.addi %add3A_187, %add3A_189 : vector<16xi32>
          %add3A_191 = arith.constant 3 : i32
          %add3A_192 = vector.broadcast %add3A_191 : i32 to vector<16xi32>
          %add3A_193 = arith.addi %add3A_190, %add3A_192 : vector<16xi32>
          tpu.vector_store_idx %arg8[%add3A_193], %get3A_185 : memref<12288xf32, #tpu.memory_space<vmem>>[vector<16xi32>], vector<16xf32>,
          %get3A_194 = arith.constant 4 : i32
          %get3A_195 = arith.index_cast %get3A_194 : i32 to index
          %get3A_196 = arith.index_cast %multiple_of3A_108 : i32 to index
          %get3A_197 = tpu.vector_load %arg4[%get3A_195, %get3A_196] {strides = array<i32>} : memref<8x768xf32, #tpu.memory_space<vmem>>, vector<16xf32>,
          %add3A_198 = vector.broadcast %mul3A_110 : i32 to vector<16xi32>
          %add3A_199 = arith.addi %mul3A_91, %add3A_198 : vector<16xi32>
          %add3A_200 = arith.constant 4 : i32
          %add3A_201 = vector.broadcast %add3A_200 : i32 to vector<16xi32>
          %add3A_202 = arith.addi %add3A_199, %add3A_201 : vector<16xi32>
          tpu.vector_store_idx %arg8[%add3A_202], %get3A_197 : memref<12288xf32, #tpu.memory_space<vmem>>[vector<16xi32>], vector<16xf32>,
          %get3A_203 = arith.constant 4 : i32
          %get3A_204 = arith.index_cast %get3A_203 : i32 to index
          %get3A_205 = arith.index_cast %multiple_of3A_108 : i32 to index
          %get3A_206 = tpu.vector_load %arg6[%get3A_204, %get3A_205] {strides = array<i32>} : memref<8x768xf32, #tpu.memory_space<vmem>>, vector<16xf32>,
          %add3A_207 = vector.broadcast %mul3A_110 : i32 to vector<16xi32>
          %add3A_208 = arith.addi %mul3A_91, %add3A_207 : vector<16xi32>
          %add3A_209 = arith.constant 8 : i32
          %add3A_210 = vector.broadcast %add3A_209 : i32 to vector<16xi32>
          %add3A_211 = arith.addi %add3A_208, %add3A_210 : vector<16xi32>
          %add3A_212 = arith.constant 4 : i32
          %add3A_213 = vector.broadcast %add3A_212 : i32 to vector<16xi32>
          %add3A_214 = arith.addi %add3A_211, %add3A_213 : vector<16xi32>
          tpu.vector_store_idx %arg8[%add3A_214], %get3A_206 : memref<12288xf32, #tpu.memory_space<vmem>>[vector<16xi32>], vector<16xf32>,
          %get3A_215 = arith.constant 5 : i32
          %get3A_216 = arith.index_cast %get3A_215 : i32 to index
          %get3A_217 = arith.index_cast %multiple_of3A_108 : i32 to index
          %get3A_218 = tpu.vector_load %arg4[%get3A_216, %get3A_217] {strides = array<i32>} : memref<8x768xf32, #tpu.memory_space<vmem>>, vector<16xf32>,
          %add3A_219 = vector.broadcast %mul3A_110 : i32 to vector<16xi32>
          %add3A_220 = arith.addi %mul3A_91, %add3A_219 : vector<16xi32>
          %add3A_221 = arith.constant 5 : i32
          %add3A_222 = vector.broadcast %add3A_221 : i32 to vector<16xi32>
          %add3A_223 = arith.addi %add3A_220, %add3A_222 : vector<16xi32>
          tpu.vector_store_idx %arg8[%add3A_223], %get3A_218 : memref<12288xf32, #tpu.memory_space<vmem>>[vector<16xi32>], vector<16xf32>,
          %get3A_224 = arith.constant 5 : i32
          %get3A_225 = arith.index_cast %get3A_224 : i32 to index
          %get3A_226 = arith.index_cast %multiple_of3A_108 : i32 to index
          %get3A_227 = tpu.vector_load %arg6[%get3A_225, %get3A_226] {strides = array<i32>} : memref<8x768xf32, #tpu.memory_space<vmem>>, vector<16xf32>,
          %add3A_228 = vector.broadcast %mul3A_110 : i32 to vector<16xi32>
          %add3A_229 = arith.addi %mul3A_91, %add3A_228 : vector<16xi32>
          %add3A_230 = arith.constant 8 : i32
          %add3A_231 = vector.broadcast %add3A_230 : i32 to vector<16xi32>
          %add3A_232 = arith.addi %add3A_229, %add3A_231 : vector<16xi32>
          %add3A_233 = arith.constant 5 : i32
          %add3A_234 = vector.broadcast %add3A_233 : i32 to vector<16xi32>
          %add3A_235 = arith.addi %add3A_232, %add3A_234 : vector<16xi32>
          tpu.vector_store_idx %arg8[%add3A_235], %get3A_227 : memref<12288xf32, #tpu.memory_space<vmem>>[vector<16xi32>], vector<16xf32>,
          %get3A_236 = arith.constant 6 : i32
          %get3A_237 = arith.index_cast %get3A_236 : i32 to index
          %get3A_238 = arith.index_cast %multiple_of3A_108 : i32 to index
          %get3A_239 = tpu.vector_load %arg4[%get3A_237, %get3A_238] {strides = array<i32>} : memref<8x768xf32, #tpu.memory_space<vmem>>, vector<16xf32>,
          %add3A_240 = vector.broadcast %mul3A_110 : i32 to vector<16xi32>
          %add3A_241 = arith.addi %mul3A_91, %add3A_240 : vector<16xi32>
          %add3A_242 = arith.constant 6 : i32
          %add3A_243 = vector.broadcast %add3A_242 : i32 to vector<16xi32>
          %add3A_244 = arith.addi %add3A_241, %add3A_243 : vector<16xi32>
          tpu.vector_store_idx %arg8[%add3A_244], %get3A_239 : memref<12288xf32, #tpu.memory_space<vmem>>[vector<16xi32>], vector<16xf32>,
          %get3A_245 = arith.constant 6 : i32
          %get3A_246 = arith.index_cast %get3A_245 : i32 to index
          %get3A_247 = arith.index_cast %multiple_of3A_108 : i32 to index
          %get3A_248 = tpu.vector_load %arg6[%get3A_246, %get3A_247] {strides = array<i32>} : memref<8x768xf32, #tpu.memory_space<vmem>>, vector<16xf32>,
          %add3A_249 = vector.broadcast %mul3A_110 : i32 to vector<16xi32>
          %add3A_250 = arith.addi %mul3A_91, %add3A_249 : vector<16xi32>
          %add3A_251 = arith.constant 8 : i32
          %add3A_252 = vector.broadcast %add3A_251 : i32 to vector<16xi32>
          %add3A_253 = arith.addi %add3A_250, %add3A_252 : vector<16xi32>
          %add3A_254 = arith.constant 6 : i32
          %add3A_255 = vector.broadcast %add3A_254 : i32 to vector<16xi32>
          %add3A_256 = arith.addi %add3A_253, %add3A_255 : vector<16xi32>
          tpu.vector_store_idx %arg8[%add3A_256], %get3A_248 : memref<12288xf32, #tpu.memory_space<vmem>>[vector<16xi32>], vector<16xf32>,
          %get3A_257 = arith.constant 7 : i32
          %get3A_258 = arith.index_cast %get3A_257 : i32 to index
          %get3A_259 = arith.index_cast %multiple_of3A_108 : i32 to index
          %get3A_260 = tpu.vector_load %arg4[%get3A_258, %get3A_259] {strides = array<i32>} : memref<8x768xf32, #tpu.memory_space<vmem>>, vector<16xf32>,
          %add3A_261 = vector.broadcast %mul3A_110 : i32 to vector<16xi32>
          %add3A_262 = arith.addi %mul3A_91, %add3A_261 : vector<16xi32>
          %add3A_263 = arith.constant 7 : i32
          %add3A_264 = vector.broadcast %add3A_263 : i32 to vector<16xi32>
          %add3A_265 = arith.addi %add3A_262, %add3A_264 : vector<16xi32>
          tpu.vector_store_idx %arg8[%add3A_265], %get3A_260 : memref<12288xf32, #tpu.memory_space<vmem>>[vector<16xi32>], vector<16xf32>,
          %get3A_266 = arith.constant 7 : i32
          %get3A_267 = arith.index_cast %get3A_266 : i32 to index
          %get3A_268 = arith.index_cast %multiple_of3A_108 : i32 to index
          %get3A_269 = tpu.vector_load %arg6[%get3A_267, %get3A_268] {strides = array<i32>} : memref<8x768xf32, #tpu.memory_space<vmem>>, vector<16xf32>,
          %add3A_270 = vector.broadcast %mul3A_110 : i32 to vector<16xi32>
          %add3A_271 = arith.addi %mul3A_91, %add3A_270 : vector<16xi32>
          %add3A_272 = arith.constant 8 : i32
          %add3A_273 = vector.broadcast %add3A_272 : i32 to vector<16xi32>
          %add3A_274 = arith.addi %add3A_271, %add3A_273 : vector<16xi32>
          %add3A_275 = arith.constant 7 : i32
          %add3A_276 = vector.broadcast %add3A_275 : i32 to vector<16xi32>
          %add3A_277 = arith.addi %add3A_274, %add3A_276 : vector<16xi32>
          tpu.vector_store_idx %arg8[%add3A_277], %get3A_269 : memref<12288xf32, #tpu.memory_space<vmem>>[vector<16xi32>], vector<16xf32>,
        }
        %scan3A_97 = arith.constant 48 : i32
        %mul3A_98 = arith.constant 768 : i32
        %mul3A_99 = arith.muli %add3A_37, %mul3A_98 : i32
        %multiple_of3A_100 = tpu.assume_multiple %mul3A_99, 768 : i32
        %mul3A_101 = arith.constant 16 : i32
        %mul3A_102 = arith.muli %multiple_of3A_100, %mul3A_101 : i32
        %dma_start3A_103 = tpu.memref_slice %arg3[%mul3A_102] : memref<16000000xf32, #tpu.memory_space<hbm>> -> memref<12288xf32, #tpu.memory_space<hbm>>
        %dma_start3A_104 = tpu.memref_slice %arg3[%mul3A_102] : memref<16000000xf32, #tpu.memory_space<hbm>> -> memref<12288xf32, #tpu.memory_space<hbm>>
        tpu.enqueue_dma source(%arg8 : memref<12288xf32, #tpu.memory_space<vmem>>) target(%dma_start3A_104 : memref<12288xf32, #tpu.memory_space<hbm>>) target_semaphore(%arg14 : memref<!tpu.dma_semaphore, #tpu.memory_space<semaphore_mem>>)
      } else {
      }
      %mul3A_49 = arith.constant 2 : i32
      %mul3A_50 = arith.muli %scan3A_30, %mul3A_49 : i32
      %add3A_51 = arith.constant 1 : i32
      %add3A_52 = arith.addi %mul3A_50, %add3A_51 : i32
      %mul3A_53 = arith.constant 32 : i32
      %mul3A_54 = arith.muli %add3A_52, %mul3A_53 : i32
      %add3A_55 = arith.addi %mul3A_54, %add3A : i32
      %add3A_56 = arith.constant 32 : i32
      %add3A_57 = arith.addi %add3A_55, %add3A_56 : i32
      %lt3A_58 = arith.constant 1302 : i32
      %lt3A_59 = arith.cmpi slt, %add3A_57, %lt3A_58 : i32
      %convert_element_type3A_60 = arith.extui %lt3A_59 : i1 to i32
      %cond3A_61 = arith.constant 0 : i32
      %cond3A_62 = arith.cmpi ne, %convert_element_type3A_60, %cond3A_61 : i32
      scf.if %cond3A_62 {
        %mul3A_68 = arith.constant 768 : i32
        %mul3A_69 = arith.muli %add3A_57, %mul3A_68 : i32
        %multiple_of3A_70 = tpu.assume_multiple %mul3A_69, 768 : i32
        %dma_start3A_71 = arith.constant 0 : i32
        %dma_start3A_72 = arith.constant 0 : i32
        %dma_start3A_73 = tpu.memref_slice %arg2[%dma_start3A_71, %dma_start3A_72, %multiple_of3A_70] : memref<2x8x1000000xf32, #tpu.memory_space<hbm>> -> memref<1x8x768xf32, #tpu.memory_space<hbm>>
        %dma_start3A_74 = tpu.memref_squeeze %dma_start3A_73 : memref<1x8x768xf32, #tpu.memory_space<hbm>> -> memref<8x768xf32, #tpu.memory_space<hbm>>
        %dma_start3A_75 = arith.constant 0 : i32
        %dma_start3A_76 = tpu.memref_slice %arg2[%dma_start3A_71, %dma_start3A_75, %multiple_of3A_70] : memref<2x8x1000000xf32, #tpu.memory_space<hbm>> -> memref<1x8x768xf32, #tpu.memory_space<hbm>>
        %dma_start3A_77 = tpu.memref_squeeze %dma_start3A_76 : memref<1x8x768xf32, #tpu.memory_space<hbm>> -> memref<8x768xf32, #tpu.memory_space<hbm>>
        tpu.enqueue_dma source(%dma_start3A_77 : memref<8x768xf32, #tpu.memory_space<hbm>>) target(%arg4 : memref<8x768xf32, #tpu.memory_space<vmem>>) target_semaphore(%arg12 : memref<!tpu.dma_semaphore, #tpu.memory_space<semaphore_mem>>)
        %dma_start3A_78 = arith.constant 1 : i32
        %dma_start3A_79 = arith.constant 0 : i32
        %dma_start3A_80 = tpu.memref_slice %arg2[%dma_start3A_78, %dma_start3A_79, %multiple_of3A_70] : memref<2x8x1000000xf32, #tpu.memory_space<hbm>> -> memref<1x8x768xf32, #tpu.memory_space<hbm>>
        %dma_start3A_81 = tpu.memref_squeeze %dma_start3A_80 : memref<1x8x768xf32, #tpu.memory_space<hbm>> -> memref<8x768xf32, #tpu.memory_space<hbm>>
        %dma_start3A_82 = arith.constant 0 : i32
        %dma_start3A_83 = tpu.memref_slice %arg2[%dma_start3A_78, %dma_start3A_82, %multiple_of3A_70] : memref<2x8x1000000xf32, #tpu.memory_space<hbm>> -> memref<1x8x768xf32, #tpu.memory_space<hbm>>
        %dma_start3A_84 = tpu.memref_squeeze %dma_start3A_83 : memref<1x8x768xf32, #tpu.memory_space<hbm>> -> memref<8x768xf32, #tpu.memory_space<hbm>>
        tpu.enqueue_dma source(%dma_start3A_84 : memref<8x768xf32, #tpu.memory_space<hbm>>) target(%arg6 : memref<8x768xf32, #tpu.memory_space<vmem>>) target_semaphore(%arg12 : memref<!tpu.dma_semaphore, #tpu.memory_space<semaphore_mem>>)
      } else {
      }
      %lt3A_63 = arith.constant 1302 : i32
      %lt3A_64 = arith.cmpi slt, %add3A_55, %lt3A_63 : i32
      %convert_element_type3A_65 = arith.extui %lt3A_64 : i1 to i32
      %cond3A_66 = arith.constant 0 : i32
      %cond3A_67 = arith.cmpi ne, %convert_element_type3A_65, %cond3A_66 : i32
      scf.if %cond3A_67 {
        %mul3A_68 = arith.constant 768 : i32
        %mul3A_69 = arith.muli %add3A_55, %mul3A_68 : i32
        %multiple_of3A_70 = tpu.assume_multiple %mul3A_69, 768 : i32
        %dma_wait3A_71 = arith.constant 0 : i32
        %dma_wait3A_72 = arith.constant 0 : i32
        %dma_wait3A_73 = tpu.memref_slice %arg2[%dma_wait3A_71, %dma_wait3A_72, %multiple_of3A_70] : memref<2x8x1000000xf32, #tpu.memory_space<hbm>> -> memref<1x8x768xf32, #tpu.memory_space<hbm>>
        %dma_wait3A_74 = tpu.memref_squeeze %dma_wait3A_73 : memref<1x8x768xf32, #tpu.memory_space<hbm>> -> memref<8x768xf32, #tpu.memory_space<hbm>>
        %dma_wait3A_75 = arith.constant 0 : i32
        %dma_wait3A_76 = tpu.memref_slice %arg2[%dma_wait3A_71, %dma_wait3A_75, %multiple_of3A_70] : memref<2x8x1000000xf32, #tpu.memory_space<hbm>> -> memref<1x8x768xf32, #tpu.memory_space<hbm>>
        %dma_wait3A_77 = tpu.memref_squeeze %dma_wait3A_76 : memref<1x8x768xf32, #tpu.memory_space<hbm>> -> memref<8x768xf32, #tpu.memory_space<hbm>>
        tpu.wait_dma2 semaphore(%arg13 : memref<!tpu.dma_semaphore, #tpu.memory_space<semaphore_mem>>) src(%dma_wait3A_77 : memref<8x768xf32, #tpu.memory_space<hbm>>) dst(%arg5 : memref<8x768xf32, #tpu.memory_space<vmem>>)
        %dma_wait3A_78 = arith.constant 1 : i32
        %dma_wait3A_79 = arith.constant 0 : i32
        %dma_wait3A_80 = tpu.memref_slice %arg2[%dma_wait3A_78, %dma_wait3A_79, %multiple_of3A_70] : memref<2x8x1000000xf32, #tpu.memory_space<hbm>> -> memref<1x8x768xf32, #tpu.memory_space<hbm>>
        %dma_wait3A_81 = tpu.memref_squeeze %dma_wait3A_80 : memref<1x8x768xf32, #tpu.memory_space<hbm>> -> memref<8x768xf32, #tpu.memory_space<hbm>>
        %dma_wait3A_82 = arith.constant 0 : i32
        %dma_wait3A_83 = tpu.memref_slice %arg2[%dma_wait3A_78, %dma_wait3A_82, %multiple_of3A_70] : memref<2x8x1000000xf32, #tpu.memory_space<hbm>> -> memref<1x8x768xf32, #tpu.memory_space<hbm>>
        %dma_wait3A_84 = tpu.memref_squeeze %dma_wait3A_83 : memref<1x8x768xf32, #tpu.memory_space<hbm>> -> memref<8x768xf32, #tpu.memory_space<hbm>>
        tpu.wait_dma2 semaphore(%arg13 : memref<!tpu.dma_semaphore, #tpu.memory_space<semaphore_mem>>) src(%dma_wait3A_84 : memref<8x768xf32, #tpu.memory_space<hbm>>) dst(%arg7 : memref<8x768xf32, #tpu.memory_space<vmem>>)
        %ge3A = arith.constant 2 : i32
        %ge3A_85 = arith.cmpi sge, %add3A_52, %ge3A : i32
        %convert_element_type3A_86 = arith.extui %ge3A_85 : i1 to i32
        %cond3A_87 = arith.constant 0 : i32
        %cond3A_88 = arith.cmpi ne, %convert_element_type3A_86, %cond3A_87 : i32
        scf.if %cond3A_88 {
          %dma_wait3A_105 = arith.constant 0 : i32
          %dma_wait3A_106 = tpu.memref_slice %arg3[%dma_wait3A_105] : memref<16000000xf32, #tpu.memory_space<hbm>> -> memref<12288xf32, #tpu.memory_space<hbm>>
          %dma_wait3A_107 = arith.constant 0 : i32
          %dma_wait3A_108 = tpu.memref_slice %arg3[%dma_wait3A_107] : memref<16000000xf32, #tpu.memory_space<hbm>> -> memref<12288xf32, #tpu.memory_space<hbm>>
          tpu.wait_dma2 semaphore(%arg15 : memref<!tpu.dma_semaphore, #tpu.memory_space<semaphore_mem>>) src(%arg9 : memref<12288xf32, #tpu.memory_space<vmem>>) dst(%dma_wait3A_108 : memref<12288xf32, #tpu.memory_space<hbm>>)
        } else {
        }
        %mul3A_89 = arith.constant 16 : i32
        %mul3A_90 = vector.broadcast %mul3A_89 : i32 to vector<16xi32>
        %mul3A_91 = arith.muli %iota3A, %mul3A_90 : vector<16xi32>
        %scan3A_92 = arith.constant 0 : i32
        %scan3A_93 = arith.constant 0 : i32
        %scan3A_94 = arith.constant 48 : i32
        %scan3A_95 = arith.addi %scan3A_93, %scan3A_94 : i32
        %scan3A_96 = arith.constant 1 : i32
        scf.for %scan3A_105 = %scan3A_93 to %scan3A_95 step %scan3A_96  : i32 {
          %mul3A_106 = arith.constant 16 : i32
          %mul3A_107 = arith.muli %scan3A_105, %mul3A_106 : i32
          %multiple_of3A_108 = tpu.assume_multiple %mul3A_107, 16 : i32
          %mul3A_109 = arith.constant 256 : i32
          %mul3A_110 = arith.muli %scan3A_105, %mul3A_109 : i32
          %get3A = arith.constant 0 : i32
          %get3A_111 = arith.index_cast %get3A : i32 to index
          %get3A_112 = arith.index_cast %multiple_of3A_108 : i32 to index
          %get3A_113 = tpu.vector_load %arg5[%get3A_111, %get3A_112] {strides = array<i32>} : memref<8x768xf32, #tpu.memory_space<vmem>>, vector<16xf32>,
          %add3A_114 = vector.broadcast %mul3A_110 : i32 to vector<16xi32>
          %add3A_115 = arith.addi %mul3A_91, %add3A_114 : vector<16xi32>
          %add3A_116 = arith.constant 0 : i32
          %add3A_117 = vector.broadcast %add3A_116 : i32 to vector<16xi32>
          %add3A_118 = arith.addi %add3A_115, %add3A_117 : vector<16xi32>
          tpu.vector_store_idx %arg9[%add3A_118], %get3A_113 : memref<12288xf32, #tpu.memory_space<vmem>>[vector<16xi32>], vector<16xf32>,
          %get3A_119 = arith.constant 0 : i32
          %get3A_120 = arith.index_cast %get3A_119 : i32 to index
          %get3A_121 = arith.index_cast %multiple_of3A_108 : i32 to index
          %get3A_122 = tpu.vector_load %arg7[%get3A_120, %get3A_121] {strides = array<i32>} : memref<8x768xf32, #tpu.memory_space<vmem>>, vector<16xf32>,
          %add3A_123 = vector.broadcast %mul3A_110 : i32 to vector<16xi32>
          %add3A_124 = arith.addi %mul3A_91, %add3A_123 : vector<16xi32>
          %add3A_125 = arith.constant 8 : i32
          %add3A_126 = vector.broadcast %add3A_125 : i32 to vector<16xi32>
          %add3A_127 = arith.addi %add3A_124, %add3A_126 : vector<16xi32>
          %add3A_128 = arith.constant 0 : i32
          %add3A_129 = vector.broadcast %add3A_128 : i32 to vector<16xi32>
          %add3A_130 = arith.addi %add3A_127, %add3A_129 : vector<16xi32>
          tpu.vector_store_idx %arg9[%add3A_130], %get3A_122 : memref<12288xf32, #tpu.memory_space<vmem>>[vector<16xi32>], vector<16xf32>,
          %get3A_131 = arith.constant 1 : i32
          %get3A_132 = arith.index_cast %get3A_131 : i32 to index
          %get3A_133 = arith.index_cast %multiple_of3A_108 : i32 to index
          %get3A_134 = tpu.vector_load %arg5[%get3A_132, %get3A_133] {strides = array<i32>} : memref<8x768xf32, #tpu.memory_space<vmem>>, vector<16xf32>,
          %add3A_135 = vector.broadcast %mul3A_110 : i32 to vector<16xi32>
          %add3A_136 = arith.addi %mul3A_91, %add3A_135 : vector<16xi32>
          %add3A_137 = arith.constant 1 : i32
          %add3A_138 = vector.broadcast %add3A_137 : i32 to vector<16xi32>
          %add3A_139 = arith.addi %add3A_136, %add3A_138 : vector<16xi32>
          tpu.vector_store_idx %arg9[%add3A_139], %get3A_134 : memref<12288xf32, #tpu.memory_space<vmem>>[vector<16xi32>], vector<16xf32>,
          %get3A_140 = arith.constant 1 : i32
          %get3A_141 = arith.index_cast %get3A_140 : i32 to index
          %get3A_142 = arith.index_cast %multiple_of3A_108 : i32 to index
          %get3A_143 = tpu.vector_load %arg7[%get3A_141, %get3A_142] {strides = array<i32>} : memref<8x768xf32, #tpu.memory_space<vmem>>, vector<16xf32>,
          %add3A_144 = vector.broadcast %mul3A_110 : i32 to vector<16xi32>
          %add3A_145 = arith.addi %mul3A_91, %add3A_144 : vector<16xi32>
          %add3A_146 = arith.constant 8 : i32
          %add3A_147 = vector.broadcast %add3A_146 : i32 to vector<16xi32>
          %add3A_148 = arith.addi %add3A_145, %add3A_147 : vector<16xi32>
          %add3A_149 = arith.constant 1 : i32
          %add3A_150 = vector.broadcast %add3A_149 : i32 to vector<16xi32>
          %add3A_151 = arith.addi %add3A_148, %add3A_150 : vector<16xi32>
          tpu.vector_store_idx %arg9[%add3A_151], %get3A_143 : memref<12288xf32, #tpu.memory_space<vmem>>[vector<16xi32>], vector<16xf32>,
          %get3A_152 = arith.constant 2 : i32
          %get3A_153 = arith.index_cast %get3A_152 : i32 to index
          %get3A_154 = arith.index_cast %multiple_of3A_108 : i32 to index
          %get3A_155 = tpu.vector_load %arg5[%get3A_153, %get3A_154] {strides = array<i32>} : memref<8x768xf32, #tpu.memory_space<vmem>>, vector<16xf32>,
          %add3A_156 = vector.broadcast %mul3A_110 : i32 to vector<16xi32>
          %add3A_157 = arith.addi %mul3A_91, %add3A_156 : vector<16xi32>
          %add3A_158 = arith.constant 2 : i32
          %add3A_159 = vector.broadcast %add3A_158 : i32 to vector<16xi32>
          %add3A_160 = arith.addi %add3A_157, %add3A_159 : vector<16xi32>
          tpu.vector_store_idx %arg9[%add3A_160], %get3A_155 : memref<12288xf32, #tpu.memory_space<vmem>>[vector<16xi32>], vector<16xf32>,
          %get3A_161 = arith.constant 2 : i32
          %get3A_162 = arith.index_cast %get3A_161 : i32 to index
          %get3A_163 = arith.index_cast %multiple_of3A_108 : i32 to index
          %get3A_164 = tpu.vector_load %arg7[%get3A_162, %get3A_163] {strides = array<i32>} : memref<8x768xf32, #tpu.memory_space<vmem>>, vector<16xf32>,
          %add3A_165 = vector.broadcast %mul3A_110 : i32 to vector<16xi32>
          %add3A_166 = arith.addi %mul3A_91, %add3A_165 : vector<16xi32>
          %add3A_167 = arith.constant 8 : i32
          %add3A_168 = vector.broadcast %add3A_167 : i32 to vector<16xi32>
          %add3A_169 = arith.addi %add3A_166, %add3A_168 : vector<16xi32>
          %add3A_170 = arith.constant 2 : i32
          %add3A_171 = vector.broadcast %add3A_170 : i32 to vector<16xi32>
          %add3A_172 = arith.addi %add3A_169, %add3A_171 : vector<16xi32>
          tpu.vector_store_idx %arg9[%add3A_172], %get3A_164 : memref<12288xf32, #tpu.memory_space<vmem>>[vector<16xi32>], vector<16xf32>,
          %get3A_173 = arith.constant 3 : i32
          %get3A_174 = arith.index_cast %get3A_173 : i32 to index
          %get3A_175 = arith.index_cast %multiple_of3A_108 : i32 to index
          %get3A_176 = tpu.vector_load %arg5[%get3A_174, %get3A_175] {strides = array<i32>} : memref<8x768xf32, #tpu.memory_space<vmem>>, vector<16xf32>,
          %add3A_177 = vector.broadcast %mul3A_110 : i32 to vector<16xi32>
          %add3A_178 = arith.addi %mul3A_91, %add3A_177 : vector<16xi32>
          %add3A_179 = arith.constant 3 : i32
          %add3A_180 = vector.broadcast %add3A_179 : i32 to vector<16xi32>
          %add3A_181 = arith.addi %add3A_178, %add3A_180 : vector<16xi32>
          tpu.vector_store_idx %arg9[%add3A_181], %get3A_176 : memref<12288xf32, #tpu.memory_space<vmem>>[vector<16xi32>], vector<16xf32>,
          %get3A_182 = arith.constant 3 : i32
          %get3A_183 = arith.index_cast %get3A_182 : i32 to index
          %get3A_184 = arith.index_cast %multiple_of3A_108 : i32 to index
          %get3A_185 = tpu.vector_load %arg7[%get3A_183, %get3A_184] {strides = array<i32>} : memref<8x768xf32, #tpu.memory_space<vmem>>, vector<16xf32>,
          %add3A_186 = vector.broadcast %mul3A_110 : i32 to vector<16xi32>
          %add3A_187 = arith.addi %mul3A_91, %add3A_186 : vector<16xi32>
          %add3A_188 = arith.constant 8 : i32
          %add3A_189 = vector.broadcast %add3A_188 : i32 to vector<16xi32>
          %add3A_190 = arith.addi %add3A_187, %add3A_189 : vector<16xi32>
          %add3A_191 = arith.constant 3 : i32
          %add3A_192 = vector.broadcast %add3A_191 : i32 to vector<16xi32>
          %add3A_193 = arith.addi %add3A_190, %add3A_192 : vector<16xi32>
          tpu.vector_store_idx %arg9[%add3A_193], %get3A_185 : memref<12288xf32, #tpu.memory_space<vmem>>[vector<16xi32>], vector<16xf32>,
          %get3A_194 = arith.constant 4 : i32
          %get3A_195 = arith.index_cast %get3A_194 : i32 to index
          %get3A_196 = arith.index_cast %multiple_of3A_108 : i32 to index
          %get3A_197 = tpu.vector_load %arg5[%get3A_195, %get3A_196] {strides = array<i32>} : memref<8x768xf32, #tpu.memory_space<vmem>>, vector<16xf32>,
          %add3A_198 = vector.broadcast %mul3A_110 : i32 to vector<16xi32>
          %add3A_199 = arith.addi %mul3A_91, %add3A_198 : vector<16xi32>
          %add3A_200 = arith.constant 4 : i32
          %add3A_201 = vector.broadcast %add3A_200 : i32 to vector<16xi32>
          %add3A_202 = arith.addi %add3A_199, %add3A_201 : vector<16xi32>
          tpu.vector_store_idx %arg9[%add3A_202], %get3A_197 : memref<12288xf32, #tpu.memory_space<vmem>>[vector<16xi32>], vector<16xf32>,
          %get3A_203 = arith.constant 4 : i32
          %get3A_204 = arith.index_cast %get3A_203 : i32 to index
          %get3A_205 = arith.index_cast %multiple_of3A_108 : i32 to index
          %get3A_206 = tpu.vector_load %arg7[%get3A_204, %get3A_205] {strides = array<i32>} : memref<8x768xf32, #tpu.memory_space<vmem>>, vector<16xf32>,
          %add3A_207 = vector.broadcast %mul3A_110 : i32 to vector<16xi32>
          %add3A_208 = arith.addi %mul3A_91, %add3A_207 : vector<16xi32>
          %add3A_209 = arith.constant 8 : i32
          %add3A_210 = vector.broadcast %add3A_209 : i32 to vector<16xi32>
          %add3A_211 = arith.addi %add3A_208, %add3A_210 : vector<16xi32>
          %add3A_212 = arith.constant 4 : i32
          %add3A_213 = vector.broadcast %add3A_212 : i32 to vector<16xi32>
          %add3A_214 = arith.addi %add3A_211, %add3A_213 : vector<16xi32>
          tpu.vector_store_idx %arg9[%add3A_214], %get3A_206 : memref<12288xf32, #tpu.memory_space<vmem>>[vector<16xi32>], vector<16xf32>,
          %get3A_215 = arith.constant 5 : i32
          %get3A_216 = arith.index_cast %get3A_215 : i32 to index
          %get3A_217 = arith.index_cast %multiple_of3A_108 : i32 to index
          %get3A_218 = tpu.vector_load %arg5[%get3A_216, %get3A_217] {strides = array<i32>} : memref<8x768xf32, #tpu.memory_space<vmem>>, vector<16xf32>,
          %add3A_219 = vector.broadcast %mul3A_110 : i32 to vector<16xi32>
          %add3A_220 = arith.addi %mul3A_91, %add3A_219 : vector<16xi32>
          %add3A_221 = arith.constant 5 : i32
          %add3A_222 = vector.broadcast %add3A_221 : i32 to vector<16xi32>
          %add3A_223 = arith.addi %add3A_220, %add3A_222 : vector<16xi32>
          tpu.vector_store_idx %arg9[%add3A_223], %get3A_218 : memref<12288xf32, #tpu.memory_space<vmem>>[vector<16xi32>], vector<16xf32>,
          %get3A_224 = arith.constant 5 : i32
          %get3A_225 = arith.index_cast %get3A_224 : i32 to index
          %get3A_226 = arith.index_cast %multiple_of3A_108 : i32 to index
          %get3A_227 = tpu.vector_load %arg7[%get3A_225, %get3A_226] {strides = array<i32>} : memref<8x768xf32, #tpu.memory_space<vmem>>, vector<16xf32>,
          %add3A_228 = vector.broadcast %mul3A_110 : i32 to vector<16xi32>
          %add3A_229 = arith.addi %mul3A_91, %add3A_228 : vector<16xi32>
          %add3A_230 = arith.constant 8 : i32
          %add3A_231 = vector.broadcast %add3A_230 : i32 to vector<16xi32>
          %add3A_232 = arith.addi %add3A_229, %add3A_231 : vector<16xi32>
          %add3A_233 = arith.constant 5 : i32
          %add3A_234 = vector.broadcast %add3A_233 : i32 to vector<16xi32>
          %add3A_235 = arith.addi %add3A_232, %add3A_234 : vector<16xi32>
          tpu.vector_store_idx %arg9[%add3A_235], %get3A_227 : memref<12288xf32, #tpu.memory_space<vmem>>[vector<16xi32>], vector<16xf32>,
          %get3A_236 = arith.constant 6 : i32
          %get3A_237 = arith.index_cast %get3A_236 : i32 to index
          %get3A_238 = arith.index_cast %multiple_of3A_108 : i32 to index
          %get3A_239 = tpu.vector_load %arg5[%get3A_237, %get3A_238] {strides = array<i32>} : memref<8x768xf32, #tpu.memory_space<vmem>>, vector<16xf32>,
          %add3A_240 = vector.broadcast %mul3A_110 : i32 to vector<16xi32>
          %add3A_241 = arith.addi %mul3A_91, %add3A_240 : vector<16xi32>
          %add3A_242 = arith.constant 6 : i32
          %add3A_243 = vector.broadcast %add3A_242 : i32 to vector<16xi32>
          %add3A_244 = arith.addi %add3A_241, %add3A_243 : vector<16xi32>
          tpu.vector_store_idx %arg9[%add3A_244], %get3A_239 : memref<12288xf32, #tpu.memory_space<vmem>>[vector<16xi32>], vector<16xf32>,
          %get3A_245 = arith.constant 6 : i32
          %get3A_246 = arith.index_cast %get3A_245 : i32 to index
          %get3A_247 = arith.index_cast %multiple_of3A_108 : i32 to index
          %get3A_248 = tpu.vector_load %arg7[%get3A_246, %get3A_247] {strides = array<i32>} : memref<8x768xf32, #tpu.memory_space<vmem>>, vector<16xf32>,
          %add3A_249 = vector.broadcast %mul3A_110 : i32 to vector<16xi32>
          %add3A_250 = arith.addi %mul3A_91, %add3A_249 : vector<16xi32>
          %add3A_251 = arith.constant 8 : i32
          %add3A_252 = vector.broadcast %add3A_251 : i32 to vector<16xi32>
          %add3A_253 = arith.addi %add3A_250, %add3A_252 : vector<16xi32>
          %add3A_254 = arith.constant 6 : i32
          %add3A_255 = vector.broadcast %add3A_254 : i32 to vector<16xi32>
          %add3A_256 = arith.addi %add3A_253, %add3A_255 : vector<16xi32>
          tpu.vector_store_idx %arg9[%add3A_256], %get3A_248 : memref<12288xf32, #tpu.memory_space<vmem>>[vector<16xi32>], vector<16xf32>,
          %get3A_257 = arith.constant 7 : i32
          %get3A_258 = arith.index_cast %get3A_257 : i32 to index
          %get3A_259 = arith.index_cast %multiple_of3A_108 : i32 to index
          %get3A_260 = tpu.vector_load %arg5[%get3A_258, %get3A_259] {strides = array<i32>} : memref<8x768xf32, #tpu.memory_space<vmem>>, vector<16xf32>,
          %add3A_261 = vector.broadcast %mul3A_110 : i32 to vector<16xi32>
          %add3A_262 = arith.addi %mul3A_91, %add3A_261 : vector<16xi32>
          %add3A_263 = arith.constant 7 : i32
          %add3A_264 = vector.broadcast %add3A_263 : i32 to vector<16xi32>
          %add3A_265 = arith.addi %add3A_262, %add3A_264 : vector<16xi32>
          tpu.vector_store_idx %arg9[%add3A_265], %get3A_260 : memref<12288xf32, #tpu.memory_space<vmem>>[vector<16xi32>], vector<16xf32>,
          %get3A_266 = arith.constant 7 : i32
          %get3A_267 = arith.index_cast %get3A_266 : i32 to index
          %get3A_268 = arith.index_cast %multiple_of3A_108 : i32 to index
          %get3A_269 = tpu.vector_load %arg7[%get3A_267, %get3A_268] {strides = array<i32>} : memref<8x768xf32, #tpu.memory_space<vmem>>, vector<16xf32>,
          %add3A_270 = vector.broadcast %mul3A_110 : i32 to vector<16xi32>
          %add3A_271 = arith.addi %mul3A_91, %add3A_270 : vector<16xi32>
          %add3A_272 = arith.constant 8 : i32
          %add3A_273 = vector.broadcast %add3A_272 : i32 to vector<16xi32>
          %add3A_274 = arith.addi %add3A_271, %add3A_273 : vector<16xi32>
          %add3A_275 = arith.constant 7 : i32
          %add3A_276 = vector.broadcast %add3A_275 : i32 to vector<16xi32>
          %add3A_277 = arith.addi %add3A_274, %add3A_276 : vector<16xi32>
          tpu.vector_store_idx %arg9[%add3A_277], %get3A_269 : memref<12288xf32, #tpu.memory_space<vmem>>[vector<16xi32>], vector<16xf32>,
        }
        %scan3A_97 = arith.constant 48 : i32
        %mul3A_98 = arith.constant 768 : i32
        %mul3A_99 = arith.muli %add3A_55, %mul3A_98 : i32
        %multiple_of3A_100 = tpu.assume_multiple %mul3A_99, 768 : i32
        %mul3A_101 = arith.constant 16 : i32
        %mul3A_102 = arith.muli %multiple_of3A_100, %mul3A_101 : i32
        %dma_start3A_103 = tpu.memref_slice %arg3[%mul3A_102] : memref<16000000xf32, #tpu.memory_space<hbm>> -> memref<12288xf32, #tpu.memory_space<hbm>>
        %dma_start3A_104 = tpu.memref_slice %arg3[%mul3A_102] : memref<16000000xf32, #tpu.memory_space<hbm>> -> memref<12288xf32, #tpu.memory_space<hbm>>
        tpu.enqueue_dma source(%arg9 : memref<12288xf32, #tpu.memory_space<vmem>>) target(%dma_start3A_104 : memref<12288xf32, #tpu.memory_space<hbm>>) target_semaphore(%arg15 : memref<!tpu.dma_semaphore, #tpu.memory_space<semaphore_mem>>)
      } else {
      }
    }
    %scan3A_20 = arith.constant 21 : i32
    %dma_wait3A = arith.constant 0 : i32
    %dma_wait3A_21 = tpu.memref_slice %arg3[%dma_wait3A] : memref<16000000xf32, #tpu.memory_space<hbm>> -> memref<12288xf32, #tpu.memory_space<hbm>>
    %dma_wait3A_22 = arith.constant 0 : i32
    %dma_wait3A_23 = tpu.memref_slice %arg3[%dma_wait3A_22] : memref<16000000xf32, #tpu.memory_space<hbm>> -> memref<12288xf32, #tpu.memory_space<hbm>>
    tpu.wait_dma2 semaphore(%arg14 : memref<!tpu.dma_semaphore, #tpu.memory_space<semaphore_mem>>) src(%arg8 : memref<12288xf32, #tpu.memory_space<vmem>>) dst(%dma_wait3A_23 : memref<12288xf32, #tpu.memory_space<hbm>>)
    %dma_wait3A_24 = arith.constant 0 : i32
    %dma_wait3A_25 = tpu.memref_slice %arg3[%dma_wait3A_24] : memref<16000000xf32, #tpu.memory_space<hbm>> -> memref<12288xf32, #tpu.memory_space<hbm>>
    %dma_wait3A_26 = arith.constant 0 : i32
    %dma_wait3A_27 = tpu.memref_slice %arg3[%dma_wait3A_26] : memref<16000000xf32, #tpu.memory_space<hbm>> -> memref<12288xf32, #tpu.memory_space<hbm>>
    tpu.wait_dma2 semaphore(%arg15 : memref<!tpu.dma_semaphore, #tpu.memory_space<semaphore_mem>>) src(%arg9 : memref<12288xf32, #tpu.memory_space<vmem>>) dst(%dma_wait3A_27 : memref<12288xf32, #tpu.memory_space<hbm>>)
    %eq3A = arith.constant 0 : i32
    %eq3A_28 = arith.cmpi eq, %add3A, %eq3A : i32
    %convert_element_type3A = arith.extui %eq3A_28 : i1 to i32
    %cond3A = arith.constant 0 : i32
    %cond3A_29 = arith.cmpi ne, %convert_element_type3A, %cond3A : i32
    scf.if %cond3A_29 {
      %dma_start3A_30 = arith.constant 0 : i32
      %dma_start3A_31 = arith.constant 0 : i32
      %dma_start3A_32 = arith.constant 999936 : i32
      %dma_start3A_33 = tpu.memref_slice %arg2[%dma_start3A_30, %dma_start3A_31, %dma_start3A_32] : memref<2x8x1000000xf32, #tpu.memory_space<hbm>> -> memref<1x8x64xf32, #tpu.memory_space<hbm>>
      %dma_start3A_34 = tpu.memref_squeeze %dma_start3A_33 : memref<1x8x64xf32, #tpu.memory_space<hbm>> -> memref<8x64xf32, #tpu.memory_space<hbm>>
      %dma_start3A_35 = arith.constant 0 : i32
      %dma_start3A_36 = arith.constant 999936 : i32
      %dma_start3A_37 = tpu.memref_slice %arg2[%dma_start3A_30, %dma_start3A_35, %dma_start3A_36] : memref<2x8x1000000xf32, #tpu.memory_space<hbm>> -> memref<1x8x64xf32, #tpu.memory_space<hbm>>
      %dma_start3A_38 = tpu.memref_squeeze %dma_start3A_37 : memref<1x8x64xf32, #tpu.memory_space<hbm>> -> memref<8x64xf32, #tpu.memory_space<hbm>>
      tpu.enqueue_dma source(%dma_start3A_38 : memref<8x64xf32, #tpu.memory_space<hbm>>) target(%arg10 : memref<8x64xf32, #tpu.memory_space<vmem>>) target_semaphore(%arg12 : memref<!tpu.dma_semaphore, #tpu.memory_space<semaphore_mem>>)
      %dma_start3A_39 = arith.constant 1 : i32
      %dma_start3A_40 = arith.constant 0 : i32
      %dma_start3A_41 = arith.constant 999936 : i32
      %dma_start3A_42 = tpu.memref_slice %arg2[%dma_start3A_39, %dma_start3A_40, %dma_start3A_41] : memref<2x8x1000000xf32, #tpu.memory_space<hbm>> -> memref<1x8x64xf32, #tpu.memory_space<hbm>>
      %dma_start3A_43 = tpu.memref_squeeze %dma_start3A_42 : memref<1x8x64xf32, #tpu.memory_space<hbm>> -> memref<8x64xf32, #tpu.memory_space<hbm>>
      %dma_start3A_44 = arith.constant 0 : i32
      %dma_start3A_45 = arith.constant 999936 : i32
      %dma_start3A_46 = tpu.memref_slice %arg2[%dma_start3A_39, %dma_start3A_44, %dma_start3A_45] : memref<2x8x1000000xf32, #tpu.memory_space<hbm>> -> memref<1x8x64xf32, #tpu.memory_space<hbm>>
      %dma_start3A_47 = tpu.memref_squeeze %dma_start3A_46 : memref<1x8x64xf32, #tpu.memory_space<hbm>> -> memref<8x64xf32, #tpu.memory_space<hbm>>
      tpu.enqueue_dma source(%dma_start3A_47 : memref<8x64xf32, #tpu.memory_space<hbm>>) target(%arg11 : memref<8x64xf32, #tpu.memory_space<vmem>>) target_semaphore(%arg12 : memref<!tpu.dma_semaphore, #tpu.memory_space<semaphore_mem>>)
      %dma_wait3A_48 = arith.constant 0 : i32
      %dma_wait3A_49 = arith.constant 0 : i32
      %dma_wait3A_50 = arith.constant 999936 : i32
      %dma_wait3A_51 = tpu.memref_slice %arg2[%dma_wait3A_48, %dma_wait3A_49, %dma_wait3A_50] : memref<2x8x1000000xf32, #tpu.memory_space<hbm>> -> memref<1x8x64xf32, #tpu.memory_space<hbm>>
      %dma_wait3A_52 = tpu.memref_squeeze %dma_wait3A_51 : memref<1x8x64xf32, #tpu.memory_space<hbm>> -> memref<8x64xf32, #tpu.memory_space<hbm>>
      %dma_wait3A_53 = arith.constant 0 : i32
      %dma_wait3A_54 = arith.constant 999936 : i32
      %dma_wait3A_55 = tpu.memref_slice %arg2[%dma_wait3A_48, %dma_wait3A_53, %dma_wait3A_54] : memref<2x8x1000000xf32, #tpu.memory_space<hbm>> -> memref<1x8x64xf32, #tpu.memory_space<hbm>>
      %dma_wait3A_56 = tpu.memref_squeeze %dma_wait3A_55 : memref<1x8x64xf32, #tpu.memory_space<hbm>> -> memref<8x64xf32, #tpu.memory_space<hbm>>
      tpu.wait_dma2 semaphore(%arg12 : memref<!tpu.dma_semaphore, #tpu.memory_space<semaphore_mem>>) src(%dma_wait3A_56 : memref<8x64xf32, #tpu.memory_space<hbm>>) dst(%arg10 : memref<8x64xf32, #tpu.memory_space<vmem>>)
      %dma_wait3A_57 = arith.constant 1 : i32
      %dma_wait3A_58 = arith.constant 0 : i32
      %dma_wait3A_59 = arith.constant 999936 : i32
      %dma_wait3A_60 = tpu.memref_slice %arg2[%dma_wait3A_57, %dma_wait3A_58, %dma_wait3A_59] : memref<2x8x1000000xf32, #tpu.memory_space<hbm>> -> memref<1x8x64xf32, #tpu.memory_space<hbm>>
      %dma_wait3A_61 = tpu.memref_squeeze %dma_wait3A_60 : memref<1x8x64xf32, #tpu.memory_space<hbm>> -> memref<8x64xf32, #tpu.memory_space<hbm>>
      %dma_wait3A_62 = arith.constant 0 : i32
      %dma_wait3A_63 = arith.constant 999936 : i32
      %dma_wait3A_64 = tpu.memref_slice %arg2[%dma_wait3A_57, %dma_wait3A_62, %dma_wait3A_63] : memref<2x8x1000000xf32, #tpu.memory_space<hbm>> -> memref<1x8x64xf32, #tpu.memory_space<hbm>>
      %dma_wait3A_65 = tpu.memref_squeeze %dma_wait3A_64 : memref<1x8x64xf32, #tpu.memory_space<hbm>> -> memref<8x64xf32, #tpu.memory_space<hbm>>
      tpu.wait_dma2 semaphore(%arg12 : memref<!tpu.dma_semaphore, #tpu.memory_space<semaphore_mem>>) src(%dma_wait3A_65 : memref<8x64xf32, #tpu.memory_space<hbm>>) dst(%arg11 : memref<8x64xf32, #tpu.memory_space<vmem>>)
      %mul3A_66 = arith.constant 16 : i32
      %mul3A_67 = vector.broadcast %mul3A_66 : i32 to vector<16xi32>
      %mul3A_68 = arith.muli %iota3A, %mul3A_67 : vector<16xi32>
      %get3A = arith.constant 0 : i32
      %get3A_69 = arith.index_cast %get3A : i32 to index
      %get3A_70 = arith.constant 0 : index
      %get3A_71 = tpu.vector_load %arg10[%get3A_69, %get3A_70] {strides = array<i32>} : memref<8x64xf32, #tpu.memory_space<vmem>>, vector<16xf32>,
      %add3A_72 = arith.constant 0 : i32
      %add3A_73 = vector.broadcast %add3A_72 : i32 to vector<16xi32>
      %add3A_74 = arith.addi %mul3A_68, %add3A_73 : vector<16xi32>
      %add3A_75 = arith.constant 0 : i32
      %add3A_76 = vector.broadcast %add3A_75 : i32 to vector<16xi32>
      %add3A_77 = arith.addi %add3A_74, %add3A_76 : vector<16xi32>
      tpu.vector_store_idx %arg8[%add3A_77], %get3A_71 : memref<12288xf32, #tpu.memory_space<vmem>>[vector<16xi32>], vector<16xf32>,
      %get3A_78 = arith.constant 0 : i32
      %get3A_79 = arith.index_cast %get3A_78 : i32 to index
      %get3A_80 = arith.constant 0 : index
      %get3A_81 = tpu.vector_load %arg11[%get3A_79, %get3A_80] {strides = array<i32>} : memref<8x64xf32, #tpu.memory_space<vmem>>, vector<16xf32>,
      %add3A_82 = arith.constant 0 : i32
      %add3A_83 = vector.broadcast %add3A_82 : i32 to vector<16xi32>
      %add3A_84 = arith.addi %mul3A_68, %add3A_83 : vector<16xi32>
      %add3A_85 = arith.constant 8 : i32
      %add3A_86 = vector.broadcast %add3A_85 : i32 to vector<16xi32>
      %add3A_87 = arith.addi %add3A_84, %add3A_86 : vector<16xi32>
      %add3A_88 = arith.constant 0 : i32
      %add3A_89 = vector.broadcast %add3A_88 : i32 to vector<16xi32>
      %add3A_90 = arith.addi %add3A_87, %add3A_89 : vector<16xi32>
      tpu.vector_store_idx %arg8[%add3A_90], %get3A_81 : memref<12288xf32, #tpu.memory_space<vmem>>[vector<16xi32>], vector<16xf32>,
      %get3A_91 = arith.constant 1 : i32
      %get3A_92 = arith.index_cast %get3A_91 : i32 to index
      %get3A_93 = arith.constant 0 : index
      %get3A_94 = tpu.vector_load %arg10[%get3A_92, %get3A_93] {strides = array<i32>} : memref<8x64xf32, #tpu.memory_space<vmem>>, vector<16xf32>,
      %add3A_95 = arith.constant 0 : i32
      %add3A_96 = vector.broadcast %add3A_95 : i32 to vector<16xi32>
      %add3A_97 = arith.addi %mul3A_68, %add3A_96 : vector<16xi32>
      %add3A_98 = arith.constant 1 : i32
      %add3A_99 = vector.broadcast %add3A_98 : i32 to vector<16xi32>
      %add3A_100 = arith.addi %add3A_97, %add3A_99 : vector<16xi32>
      tpu.vector_store_idx %arg8[%add3A_100], %get3A_94 : memref<12288xf32, #tpu.memory_space<vmem>>[vector<16xi32>], vector<16xf32>,
      %get3A_101 = arith.constant 1 : i32
      %get3A_102 = arith.index_cast %get3A_101 : i32 to index
      %get3A_103 = arith.constant 0 : index
      %get3A_104 = tpu.vector_load %arg11[%get3A_102, %get3A_103] {strides = array<i32>} : memref<8x64xf32, #tpu.memory_space<vmem>>, vector<16xf32>,
      %add3A_105 = arith.constant 0 : i32
      %add3A_106 = vector.broadcast %add3A_105 : i32 to vector<16xi32>
      %add3A_107 = arith.addi %mul3A_68, %add3A_106 : vector<16xi32>
      %add3A_108 = arith.constant 8 : i32
      %add3A_109 = vector.broadcast %add3A_108 : i32 to vector<16xi32>
      %add3A_110 = arith.addi %add3A_107, %add3A_109 : vector<16xi32>
      %add3A_111 = arith.constant 1 : i32
      %add3A_112 = vector.broadcast %add3A_111 : i32 to vector<16xi32>
      %add3A_113 = arith.addi %add3A_110, %add3A_112 : vector<16xi32>
      tpu.vector_store_idx %arg8[%add3A_113], %get3A_104 : memref<12288xf32, #tpu.memory_space<vmem>>[vector<16xi32>], vector<16xf32>,
      %get3A_114 = arith.constant 2 : i32
      %get3A_115 = arith.index_cast %get3A_114 : i32 to index
      %get3A_116 = arith.constant 0 : index
      %get3A_117 = tpu.vector_load %arg10[%get3A_115, %get3A_116] {strides = array<i32>} : memref<8x64xf32, #tpu.memory_space<vmem>>, vector<16xf32>,
      %add3A_118 = arith.constant 0 : i32
      %add3A_119 = vector.broadcast %add3A_118 : i32 to vector<16xi32>
      %add3A_120 = arith.addi %mul3A_68, %add3A_119 : vector<16xi32>
      %add3A_121 = arith.constant 2 : i32
      %add3A_122 = vector.broadcast %add3A_121 : i32 to vector<16xi32>
      %add3A_123 = arith.addi %add3A_120, %add3A_122 : vector<16xi32>
      tpu.vector_store_idx %arg8[%add3A_123], %get3A_117 : memref<12288xf32, #tpu.memory_space<vmem>>[vector<16xi32>], vector<16xf32>,
      %get3A_124 = arith.constant 2 : i32
      %get3A_125 = arith.index_cast %get3A_124 : i32 to index
      %get3A_126 = arith.constant 0 : index
      %get3A_127 = tpu.vector_load %arg11[%get3A_125, %get3A_126] {strides = array<i32>} : memref<8x64xf32, #tpu.memory_space<vmem>>, vector<16xf32>,
      %add3A_128 = arith.constant 0 : i32
      %add3A_129 = vector.broadcast %add3A_128 : i32 to vector<16xi32>
      %add3A_130 = arith.addi %mul3A_68, %add3A_129 : vector<16xi32>
      %add3A_131 = arith.constant 8 : i32
      %add3A_132 = vector.broadcast %add3A_131 : i32 to vector<16xi32>
      %add3A_133 = arith.addi %add3A_130, %add3A_132 : vector<16xi32>
      %add3A_134 = arith.constant 2 : i32
      %add3A_135 = vector.broadcast %add3A_134 : i32 to vector<16xi32>
      %add3A_136 = arith.addi %add3A_133, %add3A_135 : vector<16xi32>
      tpu.vector_store_idx %arg8[%add3A_136], %get3A_127 : memref<12288xf32, #tpu.memory_space<vmem>>[vector<16xi32>], vector<16xf32>,
      %get3A_137 = arith.constant 3 : i32
      %get3A_138 = arith.index_cast %get3A_137 : i32 to index
      %get3A_139 = arith.constant 0 : index
      %get3A_140 = tpu.vector_load %arg10[%get3A_138, %get3A_139] {strides = array<i32>} : memref<8x64xf32, #tpu.memory_space<vmem>>, vector<16xf32>,
      %add3A_141 = arith.constant 0 : i32
      %add3A_142 = vector.broadcast %add3A_141 : i32 to vector<16xi32>
      %add3A_143 = arith.addi %mul3A_68, %add3A_142 : vector<16xi32>
      %add3A_144 = arith.constant 3 : i32
      %add3A_145 = vector.broadcast %add3A_144 : i32 to vector<16xi32>
      %add3A_146 = arith.addi %add3A_143, %add3A_145 : vector<16xi32>
      tpu.vector_store_idx %arg8[%add3A_146], %get3A_140 : memref<12288xf32, #tpu.memory_space<vmem>>[vector<16xi32>], vector<16xf32>,
      %get3A_147 = arith.constant 3 : i32
      %get3A_148 = arith.index_cast %get3A_147 : i32 to index
      %get3A_149 = arith.constant 0 : index
      %get3A_150 = tpu.vector_load %arg11[%get3A_148, %get3A_149] {strides = array<i32>} : memref<8x64xf32, #tpu.memory_space<vmem>>, vector<16xf32>,
      %add3A_151 = arith.constant 0 : i32
      %add3A_152 = vector.broadcast %add3A_151 : i32 to vector<16xi32>
      %add3A_153 = arith.addi %mul3A_68, %add3A_152 : vector<16xi32>
      %add3A_154 = arith.constant 8 : i32
      %add3A_155 = vector.broadcast %add3A_154 : i32 to vector<16xi32>
      %add3A_156 = arith.addi %add3A_153, %add3A_155 : vector<16xi32>
      %add3A_157 = arith.constant 3 : i32
      %add3A_158 = vector.broadcast %add3A_157 : i32 to vector<16xi32>
      %add3A_159 = arith.addi %add3A_156, %add3A_158 : vector<16xi32>
      tpu.vector_store_idx %arg8[%add3A_159], %get3A_150 : memref<12288xf32, #tpu.memory_space<vmem>>[vector<16xi32>], vector<16xf32>,
      %get3A_160 = arith.constant 4 : i32
      %get3A_161 = arith.index_cast %get3A_160 : i32 to index
      %get3A_162 = arith.constant 0 : index
      %get3A_163 = tpu.vector_load %arg10[%get3A_161, %get3A_162] {strides = array<i32>} : memref<8x64xf32, #tpu.memory_space<vmem>>, vector<16xf32>,
      %add3A_164 = arith.constant 0 : i32
      %add3A_165 = vector.broadcast %add3A_164 : i32 to vector<16xi32>
      %add3A_166 = arith.addi %mul3A_68, %add3A_165 : vector<16xi32>
      %add3A_167 = arith.constant 4 : i32
      %add3A_168 = vector.broadcast %add3A_167 : i32 to vector<16xi32>
      %add3A_169 = arith.addi %add3A_166, %add3A_168 : vector<16xi32>
      tpu.vector_store_idx %arg8[%add3A_169], %get3A_163 : memref<12288xf32, #tpu.memory_space<vmem>>[vector<16xi32>], vector<16xf32>,
      %get3A_170 = arith.constant 4 : i32
      %get3A_171 = arith.index_cast %get3A_170 : i32 to index
      %get3A_172 = arith.constant 0 : index
      %get3A_173 = tpu.vector_load %arg11[%get3A_171, %get3A_172] {strides = array<i32>} : memref<8x64xf32, #tpu.memory_space<vmem>>, vector<16xf32>,
      %add3A_174 = arith.constant 0 : i32
      %add3A_175 = vector.broadcast %add3A_174 : i32 to vector<16xi32>
      %add3A_176 = arith.addi %mul3A_68, %add3A_175 : vector<16xi32>
      %add3A_177 = arith.constant 8 : i32
      %add3A_178 = vector.broadcast %add3A_177 : i32 to vector<16xi32>
      %add3A_179 = arith.addi %add3A_176, %add3A_178 : vector<16xi32>
      %add3A_180 = arith.constant 4 : i32
      %add3A_181 = vector.broadcast %add3A_180 : i32 to vector<16xi32>
      %add3A_182 = arith.addi %add3A_179, %add3A_181 : vector<16xi32>
      tpu.vector_store_idx %arg8[%add3A_182], %get3A_173 : memref<12288xf32, #tpu.memory_space<vmem>>[vector<16xi32>], vector<16xf32>,
      %get3A_183 = arith.constant 5 : i32
      %get3A_184 = arith.index_cast %get3A_183 : i32 to index
      %get3A_185 = arith.constant 0 : index
      %get3A_186 = tpu.vector_load %arg10[%get3A_184, %get3A_185] {strides = array<i32>} : memref<8x64xf32, #tpu.memory_space<vmem>>, vector<16xf32>,
      %add3A_187 = arith.constant 0 : i32
      %add3A_188 = vector.broadcast %add3A_187 : i32 to vector<16xi32>
      %add3A_189 = arith.addi %mul3A_68, %add3A_188 : vector<16xi32>
      %add3A_190 = arith.constant 5 : i32
      %add3A_191 = vector.broadcast %add3A_190 : i32 to vector<16xi32>
      %add3A_192 = arith.addi %add3A_189, %add3A_191 : vector<16xi32>
      tpu.vector_store_idx %arg8[%add3A_192], %get3A_186 : memref<12288xf32, #tpu.memory_space<vmem>>[vector<16xi32>], vector<16xf32>,
      %get3A_193 = arith.constant 5 : i32
      %get3A_194 = arith.index_cast %get3A_193 : i32 to index
      %get3A_195 = arith.constant 0 : index
      %get3A_196 = tpu.vector_load %arg11[%get3A_194, %get3A_195] {strides = array<i32>} : memref<8x64xf32, #tpu.memory_space<vmem>>, vector<16xf32>,
      %add3A_197 = arith.constant 0 : i32
      %add3A_198 = vector.broadcast %add3A_197 : i32 to vector<16xi32>
      %add3A_199 = arith.addi %mul3A_68, %add3A_198 : vector<16xi32>
      %add3A_200 = arith.constant 8 : i32
      %add3A_201 = vector.broadcast %add3A_200 : i32 to vector<16xi32>
      %add3A_202 = arith.addi %add3A_199, %add3A_201 : vector<16xi32>
      %add3A_203 = arith.constant 5 : i32
      %add3A_204 = vector.broadcast %add3A_203 : i32 to vector<16xi32>
      %add3A_205 = arith.addi %add3A_202, %add3A_204 : vector<16xi32>
      tpu.vector_store_idx %arg8[%add3A_205], %get3A_196 : memref<12288xf32, #tpu.memory_space<vmem>>[vector<16xi32>], vector<16xf32>,
      %get3A_206 = arith.constant 6 : i32
      %get3A_207 = arith.index_cast %get3A_206 : i32 to index
      %get3A_208 = arith.constant 0 : index
      %get3A_209 = tpu.vector_load %arg10[%get3A_207, %get3A_208] {strides = array<i32>} : memref<8x64xf32, #tpu.memory_space<vmem>>, vector<16xf32>,
      %add3A_210 = arith.constant 0 : i32
      %add3A_211 = vector.broadcast %add3A_210 : i32 to vector<16xi32>
      %add3A_212 = arith.addi %mul3A_68, %add3A_211 : vector<16xi32>
      %add3A_213 = arith.constant 6 : i32
      %add3A_214 = vector.broadcast %add3A_213 : i32 to vector<16xi32>
      %add3A_215 = arith.addi %add3A_212, %add3A_214 : vector<16xi32>
      tpu.vector_store_idx %arg8[%add3A_215], %get3A_209 : memref<12288xf32, #tpu.memory_space<vmem>>[vector<16xi32>], vector<16xf32>,
      %get3A_216 = arith.constant 6 : i32
      %get3A_217 = arith.index_cast %get3A_216 : i32 to index
      %get3A_218 = arith.constant 0 : index
      %get3A_219 = tpu.vector_load %arg11[%get3A_217, %get3A_218] {strides = array<i32>} : memref<8x64xf32, #tpu.memory_space<vmem>>, vector<16xf32>,
      %add3A_220 = arith.constant 0 : i32
      %add3A_221 = vector.broadcast %add3A_220 : i32 to vector<16xi32>
      %add3A_222 = arith.addi %mul3A_68, %add3A_221 : vector<16xi32>
      %add3A_223 = arith.constant 8 : i32
      %add3A_224 = vector.broadcast %add3A_223 : i32 to vector<16xi32>
      %add3A_225 = arith.addi %add3A_222, %add3A_224 : vector<16xi32>
      %add3A_226 = arith.constant 6 : i32
      %add3A_227 = vector.broadcast %add3A_226 : i32 to vector<16xi32>
      %add3A_228 = arith.addi %add3A_225, %add3A_227 : vector<16xi32>
      tpu.vector_store_idx %arg8[%add3A_228], %get3A_219 : memref<12288xf32, #tpu.memory_space<vmem>>[vector<16xi32>], vector<16xf32>,
      %get3A_229 = arith.constant 7 : i32
      %get3A_230 = arith.index_cast %get3A_229 : i32 to index
      %get3A_231 = arith.constant 0 : index
      %get3A_232 = tpu.vector_load %arg10[%get3A_230, %get3A_231] {strides = array<i32>} : memref<8x64xf32, #tpu.memory_space<vmem>>, vector<16xf32>,
      %add3A_233 = arith.constant 0 : i32
      %add3A_234 = vector.broadcast %add3A_233 : i32 to vector<16xi32>
      %add3A_235 = arith.addi %mul3A_68, %add3A_234 : vector<16xi32>
      %add3A_236 = arith.constant 7 : i32
      %add3A_237 = vector.broadcast %add3A_236 : i32 to vector<16xi32>
      %add3A_238 = arith.addi %add3A_235, %add3A_237 : vector<16xi32>
      tpu.vector_store_idx %arg8[%add3A_238], %get3A_232 : memref<12288xf32, #tpu.memory_space<vmem>>[vector<16xi32>], vector<16xf32>,
      %get3A_239 = arith.constant 7 : i32
      %get3A_240 = arith.index_cast %get3A_239 : i32 to index
      %get3A_241 = arith.constant 0 : index
      %get3A_242 = tpu.vector_load %arg11[%get3A_240, %get3A_241] {strides = array<i32>} : memref<8x64xf32, #tpu.memory_space<vmem>>, vector<16xf32>,
      %add3A_243 = arith.constant 0 : i32
      %add3A_244 = vector.broadcast %add3A_243 : i32 to vector<16xi32>
      %add3A_245 = arith.addi %mul3A_68, %add3A_244 : vector<16xi32>
      %add3A_246 = arith.constant 8 : i32
      %add3A_247 = vector.broadcast %add3A_246 : i32 to vector<16xi32>
      %add3A_248 = arith.addi %add3A_245, %add3A_247 : vector<16xi32>
      %add3A_249 = arith.constant 7 : i32
      %add3A_250 = vector.broadcast %add3A_249 : i32 to vector<16xi32>
      %add3A_251 = arith.addi %add3A_248, %add3A_250 : vector<16xi32>
      tpu.vector_store_idx %arg8[%add3A_251], %get3A_242 : memref<12288xf32, #tpu.memory_space<vmem>>[vector<16xi32>], vector<16xf32>,
      %get3A_252 = arith.constant 0 : i32
      %get3A_253 = arith.index_cast %get3A_252 : i32 to index
      %get3A_254 = arith.constant 16 : index
      %get3A_255 = tpu.vector_load %arg10[%get3A_253, %get3A_254] {strides = array<i32>} : memref<8x64xf32, #tpu.memory_space<vmem>>, vector<16xf32>,
      %add3A_256 = arith.constant 256 : i32
      %add3A_257 = vector.broadcast %add3A_256 : i32 to vector<16xi32>
      %add3A_258 = arith.addi %mul3A_68, %add3A_257 : vector<16xi32>
      %add3A_259 = arith.constant 0 : i32
      %add3A_260 = vector.broadcast %add3A_259 : i32 to vector<16xi32>
      %add3A_261 = arith.addi %add3A_258, %add3A_260 : vector<16xi32>
      tpu.vector_store_idx %arg8[%add3A_261], %get3A_255 : memref<12288xf32, #tpu.memory_space<vmem>>[vector<16xi32>], vector<16xf32>,
      %get3A_262 = arith.constant 0 : i32
      %get3A_263 = arith.index_cast %get3A_262 : i32 to index
      %get3A_264 = arith.constant 16 : index
      %get3A_265 = tpu.vector_load %arg11[%get3A_263, %get3A_264] {strides = array<i32>} : memref<8x64xf32, #tpu.memory_space<vmem>>, vector<16xf32>,
      %add3A_266 = arith.constant 256 : i32
      %add3A_267 = vector.broadcast %add3A_266 : i32 to vector<16xi32>
      %add3A_268 = arith.addi %mul3A_68, %add3A_267 : vector<16xi32>
      %add3A_269 = arith.constant 8 : i32
      %add3A_270 = vector.broadcast %add3A_269 : i32 to vector<16xi32>
      %add3A_271 = arith.addi %add3A_268, %add3A_270 : vector<16xi32>
      %add3A_272 = arith.constant 0 : i32
      %add3A_273 = vector.broadcast %add3A_272 : i32 to vector<16xi32>
      %add3A_274 = arith.addi %add3A_271, %add3A_273 : vector<16xi32>
      tpu.vector_store_idx %arg8[%add3A_274], %get3A_265 : memref<12288xf32, #tpu.memory_space<vmem>>[vector<16xi32>], vector<16xf32>,
      %get3A_275 = arith.constant 1 : i32
      %get3A_276 = arith.index_cast %get3A_275 : i32 to index
      %get3A_277 = arith.constant 16 : index
      %get3A_278 = tpu.vector_load %arg10[%get3A_276, %get3A_277] {strides = array<i32>} : memref<8x64xf32, #tpu.memory_space<vmem>>, vector<16xf32>,
      %add3A_279 = arith.constant 256 : i32
      %add3A_280 = vector.broadcast %add3A_279 : i32 to vector<16xi32>
      %add3A_281 = arith.addi %mul3A_68, %add3A_280 : vector<16xi32>
      %add3A_282 = arith.constant 1 : i32
      %add3A_283 = vector.broadcast %add3A_282 : i32 to vector<16xi32>
      %add3A_284 = arith.addi %add3A_281, %add3A_283 : vector<16xi32>
      tpu.vector_store_idx %arg8[%add3A_284], %get3A_278 : memref<12288xf32, #tpu.memory_space<vmem>>[vector<16xi32>], vector<16xf32>,
      %get3A_285 = arith.constant 1 : i32
      %get3A_286 = arith.index_cast %get3A_285 : i32 to index
      %get3A_287 = arith.constant 16 : index
      %get3A_288 = tpu.vector_load %arg11[%get3A_286, %get3A_287] {strides = array<i32>} : memref<8x64xf32, #tpu.memory_space<vmem>>, vector<16xf32>,
      %add3A_289 = arith.constant 256 : i32
      %add3A_290 = vector.broadcast %add3A_289 : i32 to vector<16xi32>
      %add3A_291 = arith.addi %mul3A_68, %add3A_290 : vector<16xi32>
      %add3A_292 = arith.constant 8 : i32
      %add3A_293 = vector.broadcast %add3A_292 : i32 to vector<16xi32>
      %add3A_294 = arith.addi %add3A_291, %add3A_293 : vector<16xi32>
      %add3A_295 = arith.constant 1 : i32
      %add3A_296 = vector.broadcast %add3A_295 : i32 to vector<16xi32>
      %add3A_297 = arith.addi %add3A_294, %add3A_296 : vector<16xi32>
      tpu.vector_store_idx %arg8[%add3A_297], %get3A_288 : memref<12288xf32, #tpu.memory_space<vmem>>[vector<16xi32>], vector<16xf32>,
      %get3A_298 = arith.constant 2 : i32
      %get3A_299 = arith.index_cast %get3A_298 : i32 to index
      %get3A_300 = arith.constant 16 : index
      %get3A_301 = tpu.vector_load %arg10[%get3A_299, %get3A_300] {strides = array<i32>} : memref<8x64xf32, #tpu.memory_space<vmem>>, vector<16xf32>,
      %add3A_302 = arith.constant 256 : i32
      %add3A_303 = vector.broadcast %add3A_302 : i32 to vector<16xi32>
      %add3A_304 = arith.addi %mul3A_68, %add3A_303 : vector<16xi32>
      %add3A_305 = arith.constant 2 : i32
      %add3A_306 = vector.broadcast %add3A_305 : i32 to vector<16xi32>
      %add3A_307 = arith.addi %add3A_304, %add3A_306 : vector<16xi32>
      tpu.vector_store_idx %arg8[%add3A_307], %get3A_301 : memref<12288xf32, #tpu.memory_space<vmem>>[vector<16xi32>], vector<16xf32>,
      %get3A_308 = arith.constant 2 : i32
      %get3A_309 = arith.index_cast %get3A_308 : i32 to index
      %get3A_310 = arith.constant 16 : index
      %get3A_311 = tpu.vector_load %arg11[%get3A_309, %get3A_310] {strides = array<i32>} : memref<8x64xf32, #tpu.memory_space<vmem>>, vector<16xf32>,
      %add3A_312 = arith.constant 256 : i32
      %add3A_313 = vector.broadcast %add3A_312 : i32 to vector<16xi32>
      %add3A_314 = arith.addi %mul3A_68, %add3A_313 : vector<16xi32>
      %add3A_315 = arith.constant 8 : i32
      %add3A_316 = vector.broadcast %add3A_315 : i32 to vector<16xi32>
      %add3A_317 = arith.addi %add3A_314, %add3A_316 : vector<16xi32>
      %add3A_318 = arith.constant 2 : i32
      %add3A_319 = vector.broadcast %add3A_318 : i32 to vector<16xi32>
      %add3A_320 = arith.addi %add3A_317, %add3A_319 : vector<16xi32>
      tpu.vector_store_idx %arg8[%add3A_320], %get3A_311 : memref<12288xf32, #tpu.memory_space<vmem>>[vector<16xi32>], vector<16xf32>,
      %get3A_321 = arith.constant 3 : i32
      %get3A_322 = arith.index_cast %get3A_321 : i32 to index
      %get3A_323 = arith.constant 16 : index
      %get3A_324 = tpu.vector_load %arg10[%get3A_322, %get3A_323] {strides = array<i32>} : memref<8x64xf32, #tpu.memory_space<vmem>>, vector<16xf32>,
      %add3A_325 = arith.constant 256 : i32
      %add3A_326 = vector.broadcast %add3A_325 : i32 to vector<16xi32>
      %add3A_327 = arith.addi %mul3A_68, %add3A_326 : vector<16xi32>
      %add3A_328 = arith.constant 3 : i32
      %add3A_329 = vector.broadcast %add3A_328 : i32 to vector<16xi32>
      %add3A_330 = arith.addi %add3A_327, %add3A_329 : vector<16xi32>
      tpu.vector_store_idx %arg8[%add3A_330], %get3A_324 : memref<12288xf32, #tpu.memory_space<vmem>>[vector<16xi32>], vector<16xf32>,
      %get3A_331 = arith.constant 3 : i32
      %get3A_332 = arith.index_cast %get3A_331 : i32 to index
      %get3A_333 = arith.constant 16 : index
      %get3A_334 = tpu.vector_load %arg11[%get3A_332, %get3A_333] {strides = array<i32>} : memref<8x64xf32, #tpu.memory_space<vmem>>, vector<16xf32>,
      %add3A_335 = arith.constant 256 : i32
      %add3A_336 = vector.broadcast %add3A_335 : i32 to vector<16xi32>
      %add3A_337 = arith.addi %mul3A_68, %add3A_336 : vector<16xi32>
      %add3A_338 = arith.constant 8 : i32
      %add3A_339 = vector.broadcast %add3A_338 : i32 to vector<16xi32>
      %add3A_340 = arith.addi %add3A_337, %add3A_339 : vector<16xi32>
      %add3A_341 = arith.constant 3 : i32
      %add3A_342 = vector.broadcast %add3A_341 : i32 to vector<16xi32>
      %add3A_343 = arith.addi %add3A_340, %add3A_342 : vector<16xi32>
      tpu.vector_store_idx %arg8[%add3A_343], %get3A_334 : memref<12288xf32, #tpu.memory_space<vmem>>[vector<16xi32>], vector<16xf32>,
      %get3A_344 = arith.constant 4 : i32
      %get3A_345 = arith.index_cast %get3A_344 : i32 to index
      %get3A_346 = arith.constant 16 : index
      %get3A_347 = tpu.vector_load %arg10[%get3A_345, %get3A_346] {strides = array<i32>} : memref<8x64xf32, #tpu.memory_space<vmem>>, vector<16xf32>,
      %add3A_348 = arith.constant 256 : i32
      %add3A_349 = vector.broadcast %add3A_348 : i32 to vector<16xi32>
      %add3A_350 = arith.addi %mul3A_68, %add3A_349 : vector<16xi32>
      %add3A_351 = arith.constant 4 : i32
      %add3A_352 = vector.broadcast %add3A_351 : i32 to vector<16xi32>
      %add3A_353 = arith.addi %add3A_350, %add3A_352 : vector<16xi32>
      tpu.vector_store_idx %arg8[%add3A_353], %get3A_347 : memref<12288xf32, #tpu.memory_space<vmem>>[vector<16xi32>], vector<16xf32>,
      %get3A_354 = arith.constant 4 : i32
      %get3A_355 = arith.index_cast %get3A_354 : i32 to index
      %get3A_356 = arith.constant 16 : index
      %get3A_357 = tpu.vector_load %arg11[%get3A_355, %get3A_356] {strides = array<i32>} : memref<8x64xf32, #tpu.memory_space<vmem>>, vector<16xf32>,
      %add3A_358 = arith.constant 256 : i32
      %add3A_359 = vector.broadcast %add3A_358 : i32 to vector<16xi32>
      %add3A_360 = arith.addi %mul3A_68, %add3A_359 : vector<16xi32>
      %add3A_361 = arith.constant 8 : i32
      %add3A_362 = vector.broadcast %add3A_361 : i32 to vector<16xi32>
      %add3A_363 = arith.addi %add3A_360, %add3A_362 : vector<16xi32>
      %add3A_364 = arith.constant 4 : i32
      %add3A_365 = vector.broadcast %add3A_364 : i32 to vector<16xi32>
      %add3A_366 = arith.addi %add3A_363, %add3A_365 : vector<16xi32>
      tpu.vector_store_idx %arg8[%add3A_366], %get3A_357 : memref<12288xf32, #tpu.memory_space<vmem>>[vector<16xi32>], vector<16xf32>,
      %get3A_367 = arith.constant 5 : i32
      %get3A_368 = arith.index_cast %get3A_367 : i32 to index
      %get3A_369 = arith.constant 16 : index
      %get3A_370 = tpu.vector_load %arg10[%get3A_368, %get3A_369] {strides = array<i32>} : memref<8x64xf32, #tpu.memory_space<vmem>>, vector<16xf32>,
      %add3A_371 = arith.constant 256 : i32
      %add3A_372 = vector.broadcast %add3A_371 : i32 to vector<16xi32>
      %add3A_373 = arith.addi %mul3A_68, %add3A_372 : vector<16xi32>
      %add3A_374 = arith.constant 5 : i32
      %add3A_375 = vector.broadcast %add3A_374 : i32 to vector<16xi32>
      %add3A_376 = arith.addi %add3A_373, %add3A_375 : vector<16xi32>
      tpu.vector_store_idx %arg8[%add3A_376], %get3A_370 : memref<12288xf32, #tpu.memory_space<vmem>>[vector<16xi32>], vector<16xf32>,
      %get3A_377 = arith.constant 5 : i32
      %get3A_378 = arith.index_cast %get3A_377 : i32 to index
      %get3A_379 = arith.constant 16 : index
      %get3A_380 = tpu.vector_load %arg11[%get3A_378, %get3A_379] {strides = array<i32>} : memref<8x64xf32, #tpu.memory_space<vmem>>, vector<16xf32>,
      %add3A_381 = arith.constant 256 : i32
      %add3A_382 = vector.broadcast %add3A_381 : i32 to vector<16xi32>
      %add3A_383 = arith.addi %mul3A_68, %add3A_382 : vector<16xi32>
      %add3A_384 = arith.constant 8 : i32
      %add3A_385 = vector.broadcast %add3A_384 : i32 to vector<16xi32>
      %add3A_386 = arith.addi %add3A_383, %add3A_385 : vector<16xi32>
      %add3A_387 = arith.constant 5 : i32
      %add3A_388 = vector.broadcast %add3A_387 : i32 to vector<16xi32>
      %add3A_389 = arith.addi %add3A_386, %add3A_388 : vector<16xi32>
      tpu.vector_store_idx %arg8[%add3A_389], %get3A_380 : memref<12288xf32, #tpu.memory_space<vmem>>[vector<16xi32>], vector<16xf32>,
      %get3A_390 = arith.constant 6 : i32
      %get3A_391 = arith.index_cast %get3A_390 : i32 to index
      %get3A_392 = arith.constant 16 : index
      %get3A_393 = tpu.vector_load %arg10[%get3A_391, %get3A_392] {strides = array<i32>} : memref<8x64xf32, #tpu.memory_space<vmem>>, vector<16xf32>,
      %add3A_394 = arith.constant 256 : i32
      %add3A_395 = vector.broadcast %add3A_394 : i32 to vector<16xi32>
      %add3A_396 = arith.addi %mul3A_68, %add3A_395 : vector<16xi32>
      %add3A_397 = arith.constant 6 : i32
      %add3A_398 = vector.broadcast %add3A_397 : i32 to vector<16xi32>
      %add3A_399 = arith.addi %add3A_396, %add3A_398 : vector<16xi32>
      tpu.vector_store_idx %arg8[%add3A_399], %get3A_393 : memref<12288xf32, #tpu.memory_space<vmem>>[vector<16xi32>], vector<16xf32>,
      %get3A_400 = arith.constant 6 : i32
      %get3A_401 = arith.index_cast %get3A_400 : i32 to index
      %get3A_402 = arith.constant 16 : index
      %get3A_403 = tpu.vector_load %arg11[%get3A_401, %get3A_402] {strides = array<i32>} : memref<8x64xf32, #tpu.memory_space<vmem>>, vector<16xf32>,
      %add3A_404 = arith.constant 256 : i32
      %add3A_405 = vector.broadcast %add3A_404 : i32 to vector<16xi32>
      %add3A_406 = arith.addi %mul3A_68, %add3A_405 : vector<16xi32>
      %add3A_407 = arith.constant 8 : i32
      %add3A_408 = vector.broadcast %add3A_407 : i32 to vector<16xi32>
      %add3A_409 = arith.addi %add3A_406, %add3A_408 : vector<16xi32>
      %add3A_410 = arith.constant 6 : i32
      %add3A_411 = vector.broadcast %add3A_410 : i32 to vector<16xi32>
      %add3A_412 = arith.addi %add3A_409, %add3A_411 : vector<16xi32>
      tpu.vector_store_idx %arg8[%add3A_412], %get3A_403 : memref<12288xf32, #tpu.memory_space<vmem>>[vector<16xi32>], vector<16xf32>,
      %get3A_413 = arith.constant 7 : i32
      %get3A_414 = arith.index_cast %get3A_413 : i32 to index
      %get3A_415 = arith.constant 16 : index
      %get3A_416 = tpu.vector_load %arg10[%get3A_414, %get3A_415] {strides = array<i32>} : memref<8x64xf32, #tpu.memory_space<vmem>>, vector<16xf32>,
      %add3A_417 = arith.constant 256 : i32
      %add3A_418 = vector.broadcast %add3A_417 : i32 to vector<16xi32>
      %add3A_419 = arith.addi %mul3A_68, %add3A_418 : vector<16xi32>
      %add3A_420 = arith.constant 7 : i32
      %add3A_421 = vector.broadcast %add3A_420 : i32 to vector<16xi32>
      %add3A_422 = arith.addi %add3A_419, %add3A_421 : vector<16xi32>
      tpu.vector_store_idx %arg8[%add3A_422], %get3A_416 : memref<12288xf32, #tpu.memory_space<vmem>>[vector<16xi32>], vector<16xf32>,
      %get3A_423 = arith.constant 7 : i32
      %get3A_424 = arith.index_cast %get3A_423 : i32 to index
      %get3A_425 = arith.constant 16 : index
      %get3A_426 = tpu.vector_load %arg11[%get3A_424, %get3A_425] {strides = array<i32>} : memref<8x64xf32, #tpu.memory_space<vmem>>, vector<16xf32>,
      %add3A_427 = arith.constant 256 : i32
      %add3A_428 = vector.broadcast %add3A_427 : i32 to vector<16xi32>
      %add3A_429 = arith.addi %mul3A_68, %add3A_428 : vector<16xi32>
      %add3A_430 = arith.constant 8 : i32
      %add3A_431 = vector.broadcast %add3A_430 : i32 to vector<16xi32>
      %add3A_432 = arith.addi %add3A_429, %add3A_431 : vector<16xi32>
      %add3A_433 = arith.constant 7 : i32
      %add3A_434 = vector.broadcast %add3A_433 : i32 to vector<16xi32>
      %add3A_435 = arith.addi %add3A_432, %add3A_434 : vector<16xi32>
      tpu.vector_store_idx %arg8[%add3A_435], %get3A_426 : memref<12288xf32, #tpu.memory_space<vmem>>[vector<16xi32>], vector<16xf32>,
      %get3A_436 = arith.constant 0 : i32
      %get3A_437 = arith.index_cast %get3A_436 : i32 to index
      %get3A_438 = arith.constant 32 : index
      %get3A_439 = tpu.vector_load %arg10[%get3A_437, %get3A_438] {strides = array<i32>} : memref<8x64xf32, #tpu.memory_space<vmem>>, vector<16xf32>,
      %add3A_440 = arith.constant 512 : i32
      %add3A_441 = vector.broadcast %add3A_440 : i32 to vector<16xi32>
      %add3A_442 = arith.addi %mul3A_68, %add3A_441 : vector<16xi32>
      %add3A_443 = arith.constant 0 : i32
      %add3A_444 = vector.broadcast %add3A_443 : i32 to vector<16xi32>
      %add3A_445 = arith.addi %add3A_442, %add3A_444 : vector<16xi32>
      tpu.vector_store_idx %arg8[%add3A_445], %get3A_439 : memref<12288xf32, #tpu.memory_space<vmem>>[vector<16xi32>], vector<16xf32>,
      %get3A_446 = arith.constant 0 : i32
      %get3A_447 = arith.index_cast %get3A_446 : i32 to index
      %get3A_448 = arith.constant 32 : index
      %get3A_449 = tpu.vector_load %arg11[%get3A_447, %get3A_448] {strides = array<i32>} : memref<8x64xf32, #tpu.memory_space<vmem>>, vector<16xf32>,
      %add3A_450 = arith.constant 512 : i32
      %add3A_451 = vector.broadcast %add3A_450 : i32 to vector<16xi32>
      %add3A_452 = arith.addi %mul3A_68, %add3A_451 : vector<16xi32>
      %add3A_453 = arith.constant 8 : i32
      %add3A_454 = vector.broadcast %add3A_453 : i32 to vector<16xi32>
      %add3A_455 = arith.addi %add3A_452, %add3A_454 : vector<16xi32>
      %add3A_456 = arith.constant 0 : i32
      %add3A_457 = vector.broadcast %add3A_456 : i32 to vector<16xi32>
      %add3A_458 = arith.addi %add3A_455, %add3A_457 : vector<16xi32>
      tpu.vector_store_idx %arg8[%add3A_458], %get3A_449 : memref<12288xf32, #tpu.memory_space<vmem>>[vector<16xi32>], vector<16xf32>,
      %get3A_459 = arith.constant 1 : i32
      %get3A_460 = arith.index_cast %get3A_459 : i32 to index
      %get3A_461 = arith.constant 32 : index
      %get3A_462 = tpu.vector_load %arg10[%get3A_460, %get3A_461] {strides = array<i32>} : memref<8x64xf32, #tpu.memory_space<vmem>>, vector<16xf32>,
      %add3A_463 = arith.constant 512 : i32
      %add3A_464 = vector.broadcast %add3A_463 : i32 to vector<16xi32>
      %add3A_465 = arith.addi %mul3A_68, %add3A_464 : vector<16xi32>
      %add3A_466 = arith.constant 1 : i32
      %add3A_467 = vector.broadcast %add3A_466 : i32 to vector<16xi32>
      %add3A_468 = arith.addi %add3A_465, %add3A_467 : vector<16xi32>
      tpu.vector_store_idx %arg8[%add3A_468], %get3A_462 : memref<12288xf32, #tpu.memory_space<vmem>>[vector<16xi32>], vector<16xf32>,
      %get3A_469 = arith.constant 1 : i32
      %get3A_470 = arith.index_cast %get3A_469 : i32 to index
      %get3A_471 = arith.constant 32 : index
      %get3A_472 = tpu.vector_load %arg11[%get3A_470, %get3A_471] {strides = array<i32>} : memref<8x64xf32, #tpu.memory_space<vmem>>, vector<16xf32>,
      %add3A_473 = arith.constant 512 : i32
      %add3A_474 = vector.broadcast %add3A_473 : i32 to vector<16xi32>
      %add3A_475 = arith.addi %mul3A_68, %add3A_474 : vector<16xi32>
      %add3A_476 = arith.constant 8 : i32
      %add3A_477 = vector.broadcast %add3A_476 : i32 to vector<16xi32>
      %add3A_478 = arith.addi %add3A_475, %add3A_477 : vector<16xi32>
      %add3A_479 = arith.constant 1 : i32
      %add3A_480 = vector.broadcast %add3A_479 : i32 to vector<16xi32>
      %add3A_481 = arith.addi %add3A_478, %add3A_480 : vector<16xi32>
      tpu.vector_store_idx %arg8[%add3A_481], %get3A_472 : memref<12288xf32, #tpu.memory_space<vmem>>[vector<16xi32>], vector<16xf32>,
      %get3A_482 = arith.constant 2 : i32
      %get3A_483 = arith.index_cast %get3A_482 : i32 to index
      %get3A_484 = arith.constant 32 : index
      %get3A_485 = tpu.vector_load %arg10[%get3A_483, %get3A_484] {strides = array<i32>} : memref<8x64xf32, #tpu.memory_space<vmem>>, vector<16xf32>,
      %add3A_486 = arith.constant 512 : i32
      %add3A_487 = vector.broadcast %add3A_486 : i32 to vector<16xi32>
      %add3A_488 = arith.addi %mul3A_68, %add3A_487 : vector<16xi32>
      %add3A_489 = arith.constant 2 : i32
      %add3A_490 = vector.broadcast %add3A_489 : i32 to vector<16xi32>
      %add3A_491 = arith.addi %add3A_488, %add3A_490 : vector<16xi32>
      tpu.vector_store_idx %arg8[%add3A_491], %get3A_485 : memref<12288xf32, #tpu.memory_space<vmem>>[vector<16xi32>], vector<16xf32>,
      %get3A_492 = arith.constant 2 : i32
      %get3A_493 = arith.index_cast %get3A_492 : i32 to index
      %get3A_494 = arith.constant 32 : index
      %get3A_495 = tpu.vector_load %arg11[%get3A_493, %get3A_494] {strides = array<i32>} : memref<8x64xf32, #tpu.memory_space<vmem>>, vector<16xf32>,
      %add3A_496 = arith.constant 512 : i32
      %add3A_497 = vector.broadcast %add3A_496 : i32 to vector<16xi32>
      %add3A_498 = arith.addi %mul3A_68, %add3A_497 : vector<16xi32>
      %add3A_499 = arith.constant 8 : i32
      %add3A_500 = vector.broadcast %add3A_499 : i32 to vector<16xi32>
      %add3A_501 = arith.addi %add3A_498, %add3A_500 : vector<16xi32>
      %add3A_502 = arith.constant 2 : i32
      %add3A_503 = vector.broadcast %add3A_502 : i32 to vector<16xi32>
      %add3A_504 = arith.addi %add3A_501, %add3A_503 : vector<16xi32>
      tpu.vector_store_idx %arg8[%add3A_504], %get3A_495 : memref<12288xf32, #tpu.memory_space<vmem>>[vector<16xi32>], vector<16xf32>,
      %get3A_505 = arith.constant 3 : i32
      %get3A_506 = arith.index_cast %get3A_505 : i32 to index
      %get3A_507 = arith.constant 32 : index
      %get3A_508 = tpu.vector_load %arg10[%get3A_506, %get3A_507] {strides = array<i32>} : memref<8x64xf32, #tpu.memory_space<vmem>>, vector<16xf32>,
      %add3A_509 = arith.constant 512 : i32
      %add3A_510 = vector.broadcast %add3A_509 : i32 to vector<16xi32>
      %add3A_511 = arith.addi %mul3A_68, %add3A_510 : vector<16xi32>
      %add3A_512 = arith.constant 3 : i32
      %add3A_513 = vector.broadcast %add3A_512 : i32 to vector<16xi32>
      %add3A_514 = arith.addi %add3A_511, %add3A_513 : vector<16xi32>
      tpu.vector_store_idx %arg8[%add3A_514], %get3A_508 : memref<12288xf32, #tpu.memory_space<vmem>>[vector<16xi32>], vector<16xf32>,
      %get3A_515 = arith.constant 3 : i32
      %get3A_516 = arith.index_cast %get3A_515 : i32 to index
      %get3A_517 = arith.constant 32 : index
      %get3A_518 = tpu.vector_load %arg11[%get3A_516, %get3A_517] {strides = array<i32>} : memref<8x64xf32, #tpu.memory_space<vmem>>, vector<16xf32>,
      %add3A_519 = arith.constant 512 : i32
      %add3A_520 = vector.broadcast %add3A_519 : i32 to vector<16xi32>
      %add3A_521 = arith.addi %mul3A_68, %add3A_520 : vector<16xi32>
      %add3A_522 = arith.constant 8 : i32
      %add3A_523 = vector.broadcast %add3A_522 : i32 to vector<16xi32>
      %add3A_524 = arith.addi %add3A_521, %add3A_523 : vector<16xi32>
      %add3A_525 = arith.constant 3 : i32
      %add3A_526 = vector.broadcast %add3A_525 : i32 to vector<16xi32>
      %add3A_527 = arith.addi %add3A_524, %add3A_526 : vector<16xi32>
      tpu.vector_store_idx %arg8[%add3A_527], %get3A_518 : memref<12288xf32, #tpu.memory_space<vmem>>[vector<16xi32>], vector<16xf32>,
      %get3A_528 = arith.constant 4 : i32
      %get3A_529 = arith.index_cast %get3A_528 : i32 to index
      %get3A_530 = arith.constant 32 : index
      %get3A_531 = tpu.vector_load %arg10[%get3A_529, %get3A_530] {strides = array<i32>} : memref<8x64xf32, #tpu.memory_space<vmem>>, vector<16xf32>,
      %add3A_532 = arith.constant 512 : i32
      %add3A_533 = vector.broadcast %add3A_532 : i32 to vector<16xi32>
      %add3A_534 = arith.addi %mul3A_68, %add3A_533 : vector<16xi32>
      %add3A_535 = arith.constant 4 : i32
      %add3A_536 = vector.broadcast %add3A_535 : i32 to vector<16xi32>
      %add3A_537 = arith.addi %add3A_534, %add3A_536 : vector<16xi32>
      tpu.vector_store_idx %arg8[%add3A_537], %get3A_531 : memref<12288xf32, #tpu.memory_space<vmem>>[vector<16xi32>], vector<16xf32>,
      %get3A_538 = arith.constant 4 : i32
      %get3A_539 = arith.index_cast %get3A_538 : i32 to index
      %get3A_540 = arith.constant 32 : index
      %get3A_541 = tpu.vector_load %arg11[%get3A_539, %get3A_540] {strides = array<i32>} : memref<8x64xf32, #tpu.memory_space<vmem>>, vector<16xf32>,
      %add3A_542 = arith.constant 512 : i32
      %add3A_543 = vector.broadcast %add3A_542 : i32 to vector<16xi32>
      %add3A_544 = arith.addi %mul3A_68, %add3A_543 : vector<16xi32>
      %add3A_545 = arith.constant 8 : i32
      %add3A_546 = vector.broadcast %add3A_545 : i32 to vector<16xi32>
      %add3A_547 = arith.addi %add3A_544, %add3A_546 : vector<16xi32>
      %add3A_548 = arith.constant 4 : i32
      %add3A_549 = vector.broadcast %add3A_548 : i32 to vector<16xi32>
      %add3A_550 = arith.addi %add3A_547, %add3A_549 : vector<16xi32>
      tpu.vector_store_idx %arg8[%add3A_550], %get3A_541 : memref<12288xf32, #tpu.memory_space<vmem>>[vector<16xi32>], vector<16xf32>,
      %get3A_551 = arith.constant 5 : i32
      %get3A_552 = arith.index_cast %get3A_551 : i32 to index
      %get3A_553 = arith.constant 32 : index
      %get3A_554 = tpu.vector_load %arg10[%get3A_552, %get3A_553] {strides = array<i32>} : memref<8x64xf32, #tpu.memory_space<vmem>>, vector<16xf32>,
      %add3A_555 = arith.constant 512 : i32
      %add3A_556 = vector.broadcast %add3A_555 : i32 to vector<16xi32>
      %add3A_557 = arith.addi %mul3A_68, %add3A_556 : vector<16xi32>
      %add3A_558 = arith.constant 5 : i32
      %add3A_559 = vector.broadcast %add3A_558 : i32 to vector<16xi32>
      %add3A_560 = arith.addi %add3A_557, %add3A_559 : vector<16xi32>
      tpu.vector_store_idx %arg8[%add3A_560], %get3A_554 : memref<12288xf32, #tpu.memory_space<vmem>>[vector<16xi32>], vector<16xf32>,
      %get3A_561 = arith.constant 5 : i32
      %get3A_562 = arith.index_cast %get3A_561 : i32 to index
      %get3A_563 = arith.constant 32 : index
      %get3A_564 = tpu.vector_load %arg11[%get3A_562, %get3A_563] {strides = array<i32>} : memref<8x64xf32, #tpu.memory_space<vmem>>, vector<16xf32>,
      %add3A_565 = arith.constant 512 : i32
      %add3A_566 = vector.broadcast %add3A_565 : i32 to vector<16xi32>
      %add3A_567 = arith.addi %mul3A_68, %add3A_566 : vector<16xi32>
      %add3A_568 = arith.constant 8 : i32
      %add3A_569 = vector.broadcast %add3A_568 : i32 to vector<16xi32>
      %add3A_570 = arith.addi %add3A_567, %add3A_569 : vector<16xi32>
      %add3A_571 = arith.constant 5 : i32
      %add3A_572 = vector.broadcast %add3A_571 : i32 to vector<16xi32>
      %add3A_573 = arith.addi %add3A_570, %add3A_572 : vector<16xi32>
      tpu.vector_store_idx %arg8[%add3A_573], %get3A_564 : memref<12288xf32, #tpu.memory_space<vmem>>[vector<16xi32>], vector<16xf32>,
      %get3A_574 = arith.constant 6 : i32
      %get3A_575 = arith.index_cast %get3A_574 : i32 to index
      %get3A_576 = arith.constant 32 : index
      %get3A_577 = tpu.vector_load %arg10[%get3A_575, %get3A_576] {strides = array<i32>} : memref<8x64xf32, #tpu.memory_space<vmem>>, vector<16xf32>,
      %add3A_578 = arith.constant 512 : i32
      %add3A_579 = vector.broadcast %add3A_578 : i32 to vector<16xi32>
      %add3A_580 = arith.addi %mul3A_68, %add3A_579 : vector<16xi32>
      %add3A_581 = arith.constant 6 : i32
      %add3A_582 = vector.broadcast %add3A_581 : i32 to vector<16xi32>
      %add3A_583 = arith.addi %add3A_580, %add3A_582 : vector<16xi32>
      tpu.vector_store_idx %arg8[%add3A_583], %get3A_577 : memref<12288xf32, #tpu.memory_space<vmem>>[vector<16xi32>], vector<16xf32>,
      %get3A_584 = arith.constant 6 : i32
      %get3A_585 = arith.index_cast %get3A_584 : i32 to index
      %get3A_586 = arith.constant 32 : index
      %get3A_587 = tpu.vector_load %arg11[%get3A_585, %get3A_586] {strides = array<i32>} : memref<8x64xf32, #tpu.memory_space<vmem>>, vector<16xf32>,
      %add3A_588 = arith.constant 512 : i32
      %add3A_589 = vector.broadcast %add3A_588 : i32 to vector<16xi32>
      %add3A_590 = arith.addi %mul3A_68, %add3A_589 : vector<16xi32>
      %add3A_591 = arith.constant 8 : i32
      %add3A_592 = vector.broadcast %add3A_591 : i32 to vector<16xi32>
      %add3A_593 = arith.addi %add3A_590, %add3A_592 : vector<16xi32>
      %add3A_594 = arith.constant 6 : i32
      %add3A_595 = vector.broadcast %add3A_594 : i32 to vector<16xi32>
      %add3A_596 = arith.addi %add3A_593, %add3A_595 : vector<16xi32>
      tpu.vector_store_idx %arg8[%add3A_596], %get3A_587 : memref<12288xf32, #tpu.memory_space<vmem>>[vector<16xi32>], vector<16xf32>,
      %get3A_597 = arith.constant 7 : i32
      %get3A_598 = arith.index_cast %get3A_597 : i32 to index
      %get3A_599 = arith.constant 32 : index
      %get3A_600 = tpu.vector_load %arg10[%get3A_598, %get3A_599] {strides = array<i32>} : memref<8x64xf32, #tpu.memory_space<vmem>>, vector<16xf32>,
      %add3A_601 = arith.constant 512 : i32
      %add3A_602 = vector.broadcast %add3A_601 : i32 to vector<16xi32>
      %add3A_603 = arith.addi %mul3A_68, %add3A_602 : vector<16xi32>
      %add3A_604 = arith.constant 7 : i32
      %add3A_605 = vector.broadcast %add3A_604 : i32 to vector<16xi32>
      %add3A_606 = arith.addi %add3A_603, %add3A_605 : vector<16xi32>
      tpu.vector_store_idx %arg8[%add3A_606], %get3A_600 : memref<12288xf32, #tpu.memory_space<vmem>>[vector<16xi32>], vector<16xf32>,
      %get3A_607 = arith.constant 7 : i32
      %get3A_608 = arith.index_cast %get3A_607 : i32 to index
      %get3A_609 = arith.constant 32 : index
      %get3A_610 = tpu.vector_load %arg11[%get3A_608, %get3A_609] {strides = array<i32>} : memref<8x64xf32, #tpu.memory_space<vmem>>, vector<16xf32>,
      %add3A_611 = arith.constant 512 : i32
      %add3A_612 = vector.broadcast %add3A_611 : i32 to vector<16xi32>
      %add3A_613 = arith.addi %mul3A_68, %add3A_612 : vector<16xi32>
      %add3A_614 = arith.constant 8 : i32
      %add3A_615 = vector.broadcast %add3A_614 : i32 to vector<16xi32>
      %add3A_616 = arith.addi %add3A_613, %add3A_615 : vector<16xi32>
      %add3A_617 = arith.constant 7 : i32
      %add3A_618 = vector.broadcast %add3A_617 : i32 to vector<16xi32>
      %add3A_619 = arith.addi %add3A_616, %add3A_618 : vector<16xi32>
      tpu.vector_store_idx %arg8[%add3A_619], %get3A_610 : memref<12288xf32, #tpu.memory_space<vmem>>[vector<16xi32>], vector<16xf32>,
      %get3A_620 = arith.constant 0 : i32
      %get3A_621 = arith.index_cast %get3A_620 : i32 to index
      %get3A_622 = arith.constant 48 : index
      %get3A_623 = tpu.vector_load %arg10[%get3A_621, %get3A_622] {strides = array<i32>} : memref<8x64xf32, #tpu.memory_space<vmem>>, vector<16xf32>,
      %add3A_624 = arith.constant 768 : i32
      %add3A_625 = vector.broadcast %add3A_624 : i32 to vector<16xi32>
      %add3A_626 = arith.addi %mul3A_68, %add3A_625 : vector<16xi32>
      %add3A_627 = arith.constant 0 : i32
      %add3A_628 = vector.broadcast %add3A_627 : i32 to vector<16xi32>
      %add3A_629 = arith.addi %add3A_626, %add3A_628 : vector<16xi32>
      tpu.vector_store_idx %arg8[%add3A_629], %get3A_623 : memref<12288xf32, #tpu.memory_space<vmem>>[vector<16xi32>], vector<16xf32>,
      %get3A_630 = arith.constant 0 : i32
      %get3A_631 = arith.index_cast %get3A_630 : i32 to index
      %get3A_632 = arith.constant 48 : index
      %get3A_633 = tpu.vector_load %arg11[%get3A_631, %get3A_632] {strides = array<i32>} : memref<8x64xf32, #tpu.memory_space<vmem>>, vector<16xf32>,
      %add3A_634 = arith.constant 768 : i32
      %add3A_635 = vector.broadcast %add3A_634 : i32 to vector<16xi32>
      %add3A_636 = arith.addi %mul3A_68, %add3A_635 : vector<16xi32>
      %add3A_637 = arith.constant 8 : i32
      %add3A_638 = vector.broadcast %add3A_637 : i32 to vector<16xi32>
      %add3A_639 = arith.addi %add3A_636, %add3A_638 : vector<16xi32>
      %add3A_640 = arith.constant 0 : i32
      %add3A_641 = vector.broadcast %add3A_640 : i32 to vector<16xi32>
      %add3A_642 = arith.addi %add3A_639, %add3A_641 : vector<16xi32>
      tpu.vector_store_idx %arg8[%add3A_642], %get3A_633 : memref<12288xf32, #tpu.memory_space<vmem>>[vector<16xi32>], vector<16xf32>,
      %get3A_643 = arith.constant 1 : i32
      %get3A_644 = arith.index_cast %get3A_643 : i32 to index
      %get3A_645 = arith.constant 48 : index
      %get3A_646 = tpu.vector_load %arg10[%get3A_644, %get3A_645] {strides = array<i32>} : memref<8x64xf32, #tpu.memory_space<vmem>>, vector<16xf32>,
      %add3A_647 = arith.constant 768 : i32
      %add3A_648 = vector.broadcast %add3A_647 : i32 to vector<16xi32>
      %add3A_649 = arith.addi %mul3A_68, %add3A_648 : vector<16xi32>
      %add3A_650 = arith.constant 1 : i32
      %add3A_651 = vector.broadcast %add3A_650 : i32 to vector<16xi32>
      %add3A_652 = arith.addi %add3A_649, %add3A_651 : vector<16xi32>
      tpu.vector_store_idx %arg8[%add3A_652], %get3A_646 : memref<12288xf32, #tpu.memory_space<vmem>>[vector<16xi32>], vector<16xf32>,
      %get3A_653 = arith.constant 1 : i32
      %get3A_654 = arith.index_cast %get3A_653 : i32 to index
      %get3A_655 = arith.constant 48 : index
      %get3A_656 = tpu.vector_load %arg11[%get3A_654, %get3A_655] {strides = array<i32>} : memref<8x64xf32, #tpu.memory_space<vmem>>, vector<16xf32>,
      %add3A_657 = arith.constant 768 : i32
      %add3A_658 = vector.broadcast %add3A_657 : i32 to vector<16xi32>
      %add3A_659 = arith.addi %mul3A_68, %add3A_658 : vector<16xi32>
      %add3A_660 = arith.constant 8 : i32
      %add3A_661 = vector.broadcast %add3A_660 : i32 to vector<16xi32>
      %add3A_662 = arith.addi %add3A_659, %add3A_661 : vector<16xi32>
      %add3A_663 = arith.constant 1 : i32
      %add3A_664 = vector.broadcast %add3A_663 : i32 to vector<16xi32>
      %add3A_665 = arith.addi %add3A_662, %add3A_664 : vector<16xi32>
      tpu.vector_store_idx %arg8[%add3A_665], %get3A_656 : memref<12288xf32, #tpu.memory_space<vmem>>[vector<16xi32>], vector<16xf32>,
      %get3A_666 = arith.constant 2 : i32
      %get3A_667 = arith.index_cast %get3A_666 : i32 to index
      %get3A_668 = arith.constant 48 : index
      %get3A_669 = tpu.vector_load %arg10[%get3A_667, %get3A_668] {strides = array<i32>} : memref<8x64xf32, #tpu.memory_space<vmem>>, vector<16xf32>,
      %add3A_670 = arith.constant 768 : i32
      %add3A_671 = vector.broadcast %add3A_670 : i32 to vector<16xi32>
      %add3A_672 = arith.addi %mul3A_68, %add3A_671 : vector<16xi32>
      %add3A_673 = arith.constant 2 : i32
      %add3A_674 = vector.broadcast %add3A_673 : i32 to vector<16xi32>
      %add3A_675 = arith.addi %add3A_672, %add3A_674 : vector<16xi32>
      tpu.vector_store_idx %arg8[%add3A_675], %get3A_669 : memref<12288xf32, #tpu.memory_space<vmem>>[vector<16xi32>], vector<16xf32>,
      %get3A_676 = arith.constant 2 : i32
      %get3A_677 = arith.index_cast %get3A_676 : i32 to index
      %get3A_678 = arith.constant 48 : index
      %get3A_679 = tpu.vector_load %arg11[%get3A_677, %get3A_678] {strides = array<i32>} : memref<8x64xf32, #tpu.memory_space<vmem>>, vector<16xf32>,
      %add3A_680 = arith.constant 768 : i32
      %add3A_681 = vector.broadcast %add3A_680 : i32 to vector<16xi32>
      %add3A_682 = arith.addi %mul3A_68, %add3A_681 : vector<16xi32>
      %add3A_683 = arith.constant 8 : i32
      %add3A_684 = vector.broadcast %add3A_683 : i32 to vector<16xi32>
      %add3A_685 = arith.addi %add3A_682, %add3A_684 : vector<16xi32>
      %add3A_686 = arith.constant 2 : i32
      %add3A_687 = vector.broadcast %add3A_686 : i32 to vector<16xi32>
      %add3A_688 = arith.addi %add3A_685, %add3A_687 : vector<16xi32>
      tpu.vector_store_idx %arg8[%add3A_688], %get3A_679 : memref<12288xf32, #tpu.memory_space<vmem>>[vector<16xi32>], vector<16xf32>,
      %get3A_689 = arith.constant 3 : i32
      %get3A_690 = arith.index_cast %get3A_689 : i32 to index
      %get3A_691 = arith.constant 48 : index
      %get3A_692 = tpu.vector_load %arg10[%get3A_690, %get3A_691] {strides = array<i32>} : memref<8x64xf32, #tpu.memory_space<vmem>>, vector<16xf32>,
      %add3A_693 = arith.constant 768 : i32
      %add3A_694 = vector.broadcast %add3A_693 : i32 to vector<16xi32>
      %add3A_695 = arith.addi %mul3A_68, %add3A_694 : vector<16xi32>
      %add3A_696 = arith.constant 3 : i32
      %add3A_697 = vector.broadcast %add3A_696 : i32 to vector<16xi32>
      %add3A_698 = arith.addi %add3A_695, %add3A_697 : vector<16xi32>
      tpu.vector_store_idx %arg8[%add3A_698], %get3A_692 : memref<12288xf32, #tpu.memory_space<vmem>>[vector<16xi32>], vector<16xf32>,
      %get3A_699 = arith.constant 3 : i32
      %get3A_700 = arith.index_cast %get3A_699 : i32 to index
      %get3A_701 = arith.constant 48 : index
      %get3A_702 = tpu.vector_load %arg11[%get3A_700, %get3A_701] {strides = array<i32>} : memref<8x64xf32, #tpu.memory_space<vmem>>, vector<16xf32>,
      %add3A_703 = arith.constant 768 : i32
      %add3A_704 = vector.broadcast %add3A_703 : i32 to vector<16xi32>
      %add3A_705 = arith.addi %mul3A_68, %add3A_704 : vector<16xi32>
      %add3A_706 = arith.constant 8 : i32
      %add3A_707 = vector.broadcast %add3A_706 : i32 to vector<16xi32>
      %add3A_708 = arith.addi %add3A_705, %add3A_707 : vector<16xi32>
      %add3A_709 = arith.constant 3 : i32
      %add3A_710 = vector.broadcast %add3A_709 : i32 to vector<16xi32>
      %add3A_711 = arith.addi %add3A_708, %add3A_710 : vector<16xi32>
      tpu.vector_store_idx %arg8[%add3A_711], %get3A_702 : memref<12288xf32, #tpu.memory_space<vmem>>[vector<16xi32>], vector<16xf32>,
      %get3A_712 = arith.constant 4 : i32
      %get3A_713 = arith.index_cast %get3A_712 : i32 to index
      %get3A_714 = arith.constant 48 : index
      %get3A_715 = tpu.vector_load %arg10[%get3A_713, %get3A_714] {strides = array<i32>} : memref<8x64xf32, #tpu.memory_space<vmem>>, vector<16xf32>,
      %add3A_716 = arith.constant 768 : i32
      %add3A_717 = vector.broadcast %add3A_716 : i32 to vector<16xi32>
      %add3A_718 = arith.addi %mul3A_68, %add3A_717 : vector<16xi32>
      %add3A_719 = arith.constant 4 : i32
      %add3A_720 = vector.broadcast %add3A_719 : i32 to vector<16xi32>
      %add3A_721 = arith.addi %add3A_718, %add3A_720 : vector<16xi32>
      tpu.vector_store_idx %arg8[%add3A_721], %get3A_715 : memref<12288xf32, #tpu.memory_space<vmem>>[vector<16xi32>], vector<16xf32>,
      %get3A_722 = arith.constant 4 : i32
      %get3A_723 = arith.index_cast %get3A_722 : i32 to index
      %get3A_724 = arith.constant 48 : index
      %get3A_725 = tpu.vector_load %arg11[%get3A_723, %get3A_724] {strides = array<i32>} : memref<8x64xf32, #tpu.memory_space<vmem>>, vector<16xf32>,
      %add3A_726 = arith.constant 768 : i32
      %add3A_727 = vector.broadcast %add3A_726 : i32 to vector<16xi32>
      %add3A_728 = arith.addi %mul3A_68, %add3A_727 : vector<16xi32>
      %add3A_729 = arith.constant 8 : i32
      %add3A_730 = vector.broadcast %add3A_729 : i32 to vector<16xi32>
      %add3A_731 = arith.addi %add3A_728, %add3A_730 : vector<16xi32>
      %add3A_732 = arith.constant 4 : i32
      %add3A_733 = vector.broadcast %add3A_732 : i32 to vector<16xi32>
      %add3A_734 = arith.addi %add3A_731, %add3A_733 : vector<16xi32>
      tpu.vector_store_idx %arg8[%add3A_734], %get3A_725 : memref<12288xf32, #tpu.memory_space<vmem>>[vector<16xi32>], vector<16xf32>,
      %get3A_735 = arith.constant 5 : i32
      %get3A_736 = arith.index_cast %get3A_735 : i32 to index
      %get3A_737 = arith.constant 48 : index
      %get3A_738 = tpu.vector_load %arg10[%get3A_736, %get3A_737] {strides = array<i32>} : memref<8x64xf32, #tpu.memory_space<vmem>>, vector<16xf32>,
      %add3A_739 = arith.constant 768 : i32
      %add3A_740 = vector.broadcast %add3A_739 : i32 to vector<16xi32>
      %add3A_741 = arith.addi %mul3A_68, %add3A_740 : vector<16xi32>
      %add3A_742 = arith.constant 5 : i32
      %add3A_743 = vector.broadcast %add3A_742 : i32 to vector<16xi32>
      %add3A_744 = arith.addi %add3A_741, %add3A_743 : vector<16xi32>
      tpu.vector_store_idx %arg8[%add3A_744], %get3A_738 : memref<12288xf32, #tpu.memory_space<vmem>>[vector<16xi32>], vector<16xf32>,
      %get3A_745 = arith.constant 5 : i32
      %get3A_746 = arith.index_cast %get3A_745 : i32 to index
      %get3A_747 = arith.constant 48 : index
      %get3A_748 = tpu.vector_load %arg11[%get3A_746, %get3A_747] {strides = array<i32>} : memref<8x64xf32, #tpu.memory_space<vmem>>, vector<16xf32>,
      %add3A_749 = arith.constant 768 : i32
      %add3A_750 = vector.broadcast %add3A_749 : i32 to vector<16xi32>
      %add3A_751 = arith.addi %mul3A_68, %add3A_750 : vector<16xi32>
      %add3A_752 = arith.constant 8 : i32
      %add3A_753 = vector.broadcast %add3A_752 : i32 to vector<16xi32>
      %add3A_754 = arith.addi %add3A_751, %add3A_753 : vector<16xi32>
      %add3A_755 = arith.constant 5 : i32
      %add3A_756 = vector.broadcast %add3A_755 : i32 to vector<16xi32>
      %add3A_757 = arith.addi %add3A_754, %add3A_756 : vector<16xi32>
      tpu.vector_store_idx %arg8[%add3A_757], %get3A_748 : memref<12288xf32, #tpu.memory_space<vmem>>[vector<16xi32>], vector<16xf32>,
      %get3A_758 = arith.constant 6 : i32
      %get3A_759 = arith.index_cast %get3A_758 : i32 to index
      %get3A_760 = arith.constant 48 : index
      %get3A_761 = tpu.vector_load %arg10[%get3A_759, %get3A_760] {strides = array<i32>} : memref<8x64xf32, #tpu.memory_space<vmem>>, vector<16xf32>,
      %add3A_762 = arith.constant 768 : i32
      %add3A_763 = vector.broadcast %add3A_762 : i32 to vector<16xi32>
      %add3A_764 = arith.addi %mul3A_68, %add3A_763 : vector<16xi32>
      %add3A_765 = arith.constant 6 : i32
      %add3A_766 = vector.broadcast %add3A_765 : i32 to vector<16xi32>
      %add3A_767 = arith.addi %add3A_764, %add3A_766 : vector<16xi32>
      tpu.vector_store_idx %arg8[%add3A_767], %get3A_761 : memref<12288xf32, #tpu.memory_space<vmem>>[vector<16xi32>], vector<16xf32>,
      %get3A_768 = arith.constant 6 : i32
      %get3A_769 = arith.index_cast %get3A_768 : i32 to index
      %get3A_770 = arith.constant 48 : index
      %get3A_771 = tpu.vector_load %arg11[%get3A_769, %get3A_770] {strides = array<i32>} : memref<8x64xf32, #tpu.memory_space<vmem>>, vector<16xf32>,
      %add3A_772 = arith.constant 768 : i32
      %add3A_773 = vector.broadcast %add3A_772 : i32 to vector<16xi32>
      %add3A_774 = arith.addi %mul3A_68, %add3A_773 : vector<16xi32>
      %add3A_775 = arith.constant 8 : i32
      %add3A_776 = vector.broadcast %add3A_775 : i32 to vector<16xi32>
      %add3A_777 = arith.addi %add3A_774, %add3A_776 : vector<16xi32>
      %add3A_778 = arith.constant 6 : i32
      %add3A_779 = vector.broadcast %add3A_778 : i32 to vector<16xi32>
      %add3A_780 = arith.addi %add3A_777, %add3A_779 : vector<16xi32>
      tpu.vector_store_idx %arg8[%add3A_780], %get3A_771 : memref<12288xf32, #tpu.memory_space<vmem>>[vector<16xi32>], vector<16xf32>,
      %get3A_781 = arith.constant 7 : i32
      %get3A_782 = arith.index_cast %get3A_781 : i32 to index
      %get3A_783 = arith.constant 48 : index
      %get3A_784 = tpu.vector_load %arg10[%get3A_782, %get3A_783] {strides = array<i32>} : memref<8x64xf32, #tpu.memory_space<vmem>>, vector<16xf32>,
      %add3A_785 = arith.constant 768 : i32
      %add3A_786 = vector.broadcast %add3A_785 : i32 to vector<16xi32>
      %add3A_787 = arith.addi %mul3A_68, %add3A_786 : vector<16xi32>
      %add3A_788 = arith.constant 7 : i32
      %add3A_789 = vector.broadcast %add3A_788 : i32 to vector<16xi32>
      %add3A_790 = arith.addi %add3A_787, %add3A_789 : vector<16xi32>
      tpu.vector_store_idx %arg8[%add3A_790], %get3A_784 : memref<12288xf32, #tpu.memory_space<vmem>>[vector<16xi32>], vector<16xf32>,
      %get3A_791 = arith.constant 7 : i32
      %get3A_792 = arith.index_cast %get3A_791 : i32 to index
      %get3A_793 = arith.constant 48 : index
      %get3A_794 = tpu.vector_load %arg11[%get3A_792, %get3A_793] {strides = array<i32>} : memref<8x64xf32, #tpu.memory_space<vmem>>, vector<16xf32>,
      %add3A_795 = arith.constant 768 : i32
      %add3A_796 = vector.broadcast %add3A_795 : i32 to vector<16xi32>
      %add3A_797 = arith.addi %mul3A_68, %add3A_796 : vector<16xi32>
      %add3A_798 = arith.constant 8 : i32
      %add3A_799 = vector.broadcast %add3A_798 : i32 to vector<16xi32>
      %add3A_800 = arith.addi %add3A_797, %add3A_799 : vector<16xi32>
      %add3A_801 = arith.constant 7 : i32
      %add3A_802 = vector.broadcast %add3A_801 : i32 to vector<16xi32>
      %add3A_803 = arith.addi %add3A_800, %add3A_802 : vector<16xi32>
      tpu.vector_store_idx %arg8[%add3A_803], %get3A_794 : memref<12288xf32, #tpu.memory_space<vmem>>[vector<16xi32>], vector<16xf32>,
      "tpu.region"() ({
        %run_scoped3A = tpu.sem_alloc : memref<!tpu.dma_semaphore, #tpu.memory_space<semaphore_mem>>
        %dma_start3A_804 = arith.constant 0 : i32
        %dma_start3A_805 = tpu.memref_slice %arg8[%dma_start3A_804] : memref<12288xf32, #tpu.memory_space<vmem>> -> memref<1024xf32, #tpu.memory_space<vmem>>
        %dma_start3A_806 = arith.constant 15998976 : i32
        %dma_start3A_807 = tpu.memref_slice %arg3[%dma_start3A_806] : memref<16000000xf32, #tpu.memory_space<hbm>> -> memref<1024xf32, #tpu.memory_space<hbm>>
        %dma_start3A_808 = arith.constant 15998976 : i32
        %dma_start3A_809 = tpu.memref_slice %arg3[%dma_start3A_808] : memref<16000000xf32, #tpu.memory_space<hbm>> -> memref<1024xf32, #tpu.memory_space<hbm>>
        %dma_start3A_810 = arith.constant 0 : i32
        %dma_start3A_811 = tpu.memref_slice %arg8[%dma_start3A_810] : memref<12288xf32, #tpu.memory_space<vmem>> -> memref<1024xf32, #tpu.memory_space<vmem>>
        tpu.enqueue_dma source(%dma_start3A_811 : memref<1024xf32, #tpu.memory_space<vmem>>) target(%dma_start3A_809 : memref<1024xf32, #tpu.memory_space<hbm>>) target_semaphore(%run_scoped3A : memref<!tpu.dma_semaphore, #tpu.memory_space<semaphore_mem>>)
        %dma_wait3A_812 = arith.constant 0 : i32
        %dma_wait3A_813 = tpu.memref_slice %arg8[%dma_wait3A_812] : memref<12288xf32, #tpu.memory_space<vmem>> -> memref<1024xf32, #tpu.memory_space<vmem>>
        %dma_wait3A_814 = arith.constant 15998976 : i32
        %dma_wait3A_815 = tpu.memref_slice %arg3[%dma_wait3A_814] : memref<16000000xf32, #tpu.memory_space<hbm>> -> memref<1024xf32, #tpu.memory_space<hbm>>
        %dma_wait3A_816 = arith.constant 15998976 : i32
        %dma_wait3A_817 = tpu.memref_slice %arg3[%dma_wait3A_816] : memref<16000000xf32, #tpu.memory_space<hbm>> -> memref<1024xf32, #tpu.memory_space<hbm>>
        %dma_wait3A_818 = arith.constant 0 : i32
        %dma_wait3A_819 = tpu.memref_slice %arg8[%dma_wait3A_818] : memref<12288xf32, #tpu.memory_space<vmem>> -> memref<1024xf32, #tpu.memory_space<vmem>>
        tpu.wait_dma2 semaphore(%run_scoped3A : memref<!tpu.dma_semaphore, #tpu.memory_space<semaphore_mem>>) src(%dma_wait3A_819 : memref<1024xf32, #tpu.memory_space<vmem>>) dst(%dma_wait3A_817 : memref<1024xf32, #tpu.memory_space<hbm>>)
        tpu.yield
      }) : () -> ()
    } else {
    }
    return
  }
}

module attributes {stable_mosaic.version = 14 : i64} {
  func.func @_tc_finalize_body(%arg0: memref<16384x16xf32, #tpu.memory_space<vmem>>, %arg1: memref<16384x16xf32, #tpu.memory_space<vmem>>, %arg2: memref<16384xf32, #tpu.memory_space<vmem>>) attributes {dimension_semantics = [], scalar_prefetch = 0 : i64, scratch_operands = 0 : i64, tpu.core_type = #tpu.core_type<tc>} {
    %get3A = arith.constant 0 : index
    %get3A_0 = arith.constant 0 : index
    %get3A_1 = vector.load %arg0[%get3A, %get3A_0] : memref<16384x16xf32, #tpu.memory_space<vmem>>, vector<16384x16xf32>
    %get3A_2 = arith.constant 0 : index
    %get3A_3 = arith.constant 0 : index
    %get3A_4 = vector.load %arg1[%get3A_2, %get3A_3] : memref<16384x16xf32, #tpu.memory_space<vmem>>, vector<16384x16xf32>
    %mul3A = arith.mulf %get3A_1, %get3A_4 : vector<16384x16xf32>
    %reduce_sum3A = arith.constant dense<0.000000e+00> : vector<16384xf32>
    %reduce_sum3A_5 = vector.multi_reduction <add>, %mul3A, %reduce_sum3A [1] : vector<16384x16xf32> to vector<16384xf32>
    %logistic3A = arith.negf %reduce_sum3A_5 : vector<16384xf32>
    %logistic3A_6 = math.exp %logistic3A : vector<16384xf32>
    %logistic3A_7 = arith.constant 1.000000e+00 : f32
    %logistic3A_8 = vector.broadcast %logistic3A_7 : f32 to vector<16384xf32>
    %logistic3A_9 = arith.addf %logistic3A_8, %logistic3A_6 : vector<16384xf32>
    %logistic3A_10 = arith.divf %logistic3A_8, %logistic3A_9 : vector<16384xf32>
    %swap3A = arith.constant 0 : index
    %swap3A_11 = vector.load %arg2[%swap3A] : memref<16384xf32, #tpu.memory_space<vmem>>, vector<16384xf32>
    tpu.vector_store %arg2[%swap3A], %logistic3A_10 {strides = array<i32>} : memref<16384xf32, #tpu.memory_space<vmem>>, vector<16384xf32>,
    return
  }
}

</mosaic_0001>

<sc_bundles>
// kernel: kernel.5.cloned.1.call-start
scs
__scs_entry_jumppad:
0x0: {  	(pc) =	sbr.rel $0x88, $3  }
0x1: {  	(tag) =	ssettag $0x0;
	lr =	simm.s32 $0x1  }
0x2: {  	[smem:$0x3F9D] =	sst lr;
	_ =	strace $0xD0000000  }
0x3: {  	_ = 	snop  }
0x4: {  	_ = 	snop  }
0x5: {  	_ = 	snop  }
0x6: {  	_ = 	snop  }
0x7: {  	_ = 	snop  }
__scs_overlays_trampoline_lowered:
0x8: {  	[smem:$0x3FAC] =	sst s0  }
0x9: {  	[smem:$0x3FAD] =	sst s1  }
0xa: {  	[smem:$0x3FAE] =	sst s2  }
0xb: {  	[smem:$0x3FAF] =	sst s3  }
0xc: {  	[smem:$0x3FB0] =	sst s4  }
0xd: {  	[smem:$0x3FB1] =	sst s5  }
0xe: {  	[smem:$0x3FB2] =	sst s6  }
0xf: {  	[smem:$0x3FB3] =	sst s7  }
0x10: {  	[smem:$0x3FB4] =	sst s8  }
0x11: {  	[smem:$0x3FB5] =	sst s9;
	s0 =	simm.s32 @!p0 $0x0  }
0x12: {  	s1 =	sld [smem:$0x3F9B];
	s0 =	simm.s32 @p0 $0x1  }
0x13: {  	[smem:$0x3FB6] =	sst s0;
	s0 =	simm.s32 @!p1 $0x0  }
0x14: {  	s2 =	sld [smem:$0x3F9A];
	s0 =	simm.s32 @p1 $0x1  }
0x15: {  	[smem:$0x3FB7] =	sst s0;
	s0 =	simm.s32 @!p2 $0x0  }
0x16: {  	s3 =	sld [smem:$0x3FDB];
	s0 =	simm.s32 @p2 $0x1  }
0x17: {  	s4 =	simm.s32 $0x1BF5;
	[smem:$0x3FB9] =	sst s0  }
0x18: {  	s0 =	sld [smem:$0x3F9C];
	_ =	swait.ge [sflag:s4], $0x0  }
0x19: {  	s7 =	sld [smem:$0x3F9D]  }
0x1a: {  	s8 =	sadd.s32 $0xFFFFE003, lr  }
0x1b: {  	s9 =	sadd.s32 $0xFFFFFEF7, lr;
	s5 =	simm.s32 $0xFFFFFFFF;
	p2 =	slt.u32 s8, $0xFFFFF086  }
0x1c: {  	p1 =	slt.u32 s9, $0xF7A;
	s5 =	simm.s32 @!p2 $0x0  }
0x1d: {  	s5 =	simm.s32 @p1 $0x1;
	p0 =	seq.s32 s7, s2  }
0x1e: {  	s7 =	smul.u32 @!p0 $0xF7A, s2;
	p2 =	seq.s32 @!p0 s5, $0x0  }
0x1f: {  	s9 =	smul.u32 $0xF7A, s1;
	s8 =	simm.s32 @!p0 $0x1BF5;
	p2 =	por !p2, p0  }
0x20: {  	[sflag:s8] =	ssyncset.s32 @!p0 $0xFFFFF086;
	s6 =	sadd.s32 @!p0 s3, s7;
	s7 =	simm.s32 @!p0 $0x108  }
0x21: {  	s3 =	sadd.s32 s3, s9;
	s6 =	sadd.s32 @!p0 $0x88, s6;
	s7 =	simm.s32 @p2 $0x1082  }
0x22: {  	[simem:s7], [sflag:s8] =	dma.local @!p0 [hbm:s6], $0xF7A  }
0x23: {  	s9 =	sor.u32 $0xD0000000, s2;
	s6 =	simm.s32 $0x108;
	_ =	swait.ge @!p0 [sflag:s8], $0x0  }
0x24: {  	s3 =	sadd.s32 $0x88, s3;
	s6 =	simm.s32 @!p1 $0x1082;
	[sflag:s4] =	ssyncset.s32 $0xFFFFF086  }
0x25: {  	[simem:s6], [sflag:s4] =	dma.local [hbm:s3], $0xF7A  }
0x26: {  	[smem:$0x3F9D] =	sst s1;
	(tag) =	ssettag s2;
	_ =	strace s9  }
0x27: {  	s1 =	sld [smem:$0x3FAD]  }
0x28: {  	s2 =	sld [smem:$0x3FAE]  }
0x29: {  	s4 =	sld [smem:$0x3FB0]  }
0x2a: {  	p0 =	seq.s32 s5, $0x0;
	s5 =	sld [smem:$0x3FB1]  }
0x2b: {  	s6 =	sld [smem:$0x3FB2]  }
0x2c: {  	s7 =	sld [smem:$0x3FB3]  }
0x2d: {  	s3 =	simm.s32 $0x108;
	s8 =	sld [smem:$0x3FB4]  }
0x2e: {  	s3 =	simm.s32 @!p0 $0x1082;
	s9 =	sld [smem:$0x3FB5]  }
0x2f: {  	lr =	sadd.s32 s0, s3;
	s0 =	sld [smem:$0x3FAC]  }
0x30: {  	s3 =	sld [smem:$0x3FAF]  }
0x31: {  	[smem:$0x3FB8] =	sst s10  }
0x32: {  	s10 =	sld [smem:$0x3FB6];
	_ =	sdelay $0x3  }
0x33: {  	p0 =	seq.s32 s10, $0x1;
	s10 =	sld [smem:$0x3FB8];
	_ =	sdelay $0x3  }
0x34: {  	[smem:$0x3FB8] =	sst s10  }
0x35: {  	s10 =	sld [smem:$0x3FB7];
	_ =	sdelay $0x3  }
0x36: {  	p1 =	seq.s32 s10, $0x1;
	s10 =	sld [smem:$0x3FB8];
	_ =	sdelay $0x3  }
0x37: {  	[smem:$0x3FB8] =	sst s10  }
0x38: {  	s10 =	sld [smem:$0x3FB9]  }
0x39: {  	_ = 	snop;
	(pc) =	sbr.ind lr, $3  }
0x3a: {  	_ = 	snop  }
0x3b: {  	_ = 	snop  }
0x3c: {  	p2 =	seq.s32 s10, $0x1;
	s10 =	sld [smem:$0x3FB8]  }
0x3d: {  	_ =	shalt  }
0x3e: {  	_ =	shalt  }
0x3f: {  	_ =	shalt  }
0x40: {  	_ =	shalt  }
0x41: {  	_ =	shalt  }
0x42: {  	_ =	shalt  }
0x43: {  	_ =	shalt  }
0x44: {  	_ =	shalt  }
0x45: {  	_ =	shalt  }
0x46: {  	_ =	shalt  }
0x47: {  	_ =	shalt  }
0x48: {  	_ =	shalt  }
0x49: {  	_ =	shalt  }
0x4a: {  	_ =	shalt  }
0x4b: {  	_ =	shalt  }
0x4c: {  	_ =	shalt  }
0x4d: {  	_ =	shalt  }
0x4e: {  	_ =	shalt  }
0x4f: {  	_ =	shalt  }
0x50: {  	_ =	shalt  }
0x51: {  	_ =	shalt  }
0x52: {  	_ =	shalt  }
0x53: {  	_ =	shalt  }
0x54: {  	_ =	shalt  }
0x55: {  	_ =	shalt  }
0x56: {  	_ =	shalt  }
0x57: {  	_ =	shalt  }
0x58: {  	_ =	shalt  }
0x59: {  	_ =	shalt  }
0x5a: {  	_ =	shalt  }
0x5b: {  	_ =	shalt  }
0x5c: {  	_ =	shalt  }
0x5d: {  	_ =	shalt  }
0x5e: {  	_ =	shalt  }
0x5f: {  	_ =	shalt  }
0x60: {  	_ =	shalt  }
0x61: {  	_ =	shalt  }
0x62: {  	_ =	shalt  }
0x63: {  	_ =	shalt  }
0x64: {  	_ =	shalt  }
0x65: {  	_ =	shalt  }
0x66: {  	_ =	shalt  }
0x67: {  	_ =	shalt  }
0x68: {  	_ =	shalt  }
0x69: {  	_ =	shalt  }
0x6a: {  	_ =	shalt  }
0x6b: {  	_ =	shalt  }
0x6c: {  	_ =	shalt  }
0x6d: {  	_ =	shalt  }
0x6e: {  	_ =	shalt  }
0x6f: {  	_ =	shalt  }
0x70: {  	_ =	shalt  }
0x71: {  	_ =	shalt  }
0x72: {  	_ =	shalt  }
0x73: {  	_ =	shalt  }
0x74: {  	_ =	shalt  }
0x75: {  	_ =	shalt  }
0x76: {  	_ =	shalt  }
0x77: {  	_ =	shalt  }
0x78: {  	_ =	shalt  }
0x79: {  	_ =	shalt  }
0x7a: {  	_ =	shalt  }
0x7b: {  	_ =	shalt  }
0x7c: {  	_ =	shalt  }
0x7d: {  	_ =	shalt  }
0x7e: {  	_ =	shalt  }
0x7f: {  	_ =	shalt  }
0x80: {  	_ =	shalt  }
0x81: {  	_ =	shalt  }
0x82: {  	_ =	shalt  }
0x83: {  	_ =	shalt  }
0x84: {  	_ =	shalt  }
0x85: {  	_ =	shalt  }
0x86: {  	_ =	shalt  }
0x87: {  	_ =	shalt  }
.Lfunc_end0:
.L_simem_size_0:
called_computation_lowered:
.L_overlay_start_0:
0x88: {  	s2 =	sld [smem:$0x3FD9]  }
0x89: {  	s3 =	sld [smem:$0x3FFE];
	_ =	sdelay $0x1  }
0x8a: {  	s1 =	srdreg.scid  }
0x8b: {  	s0 =	sand.u32 $0x1, s1  }
0x8c: {  	s17 =	sshll.u32 s0, $0xA;
	s2 =	sadd.s32 s3, s2  }
0x8d: {  	s2 =	sadd.s32 s2, s17  }
0x8e: {  	[smem:$0x3FC4] =	sst s2  }
0x8f: {  	_ = 	snop  }
0x90: {  	s2 =	sld [smem:$0x3FC6];
	(tm) =	ssettm $0x1  }
0x91: {  	s18 =	sld [smem:$0x3FFB];
	_ =	sdelay $0x3  }
0x92: {  	_ =	strace s18  }
0x93: {  	s3 =	sld [smem:$0x3FFC];
	_ =	sdelay $0x3  }
0x94: {  	_ =	strace s3  }
0x95: {  	s3 =	sld [smem:$0x3FFD];
	_ =	sdelay $0x3  }
0x96: {  	_ =	strace s3  }
0x97: {  	_ =	strace $0x8FFFFFFF  }
0x98: {  	s19 =	sld [smem:$0x3FDB];
	_ =	sdelay $0x1  }
0x99: {  	s4 =	simm.s32 $_scs_section_size  }
0x9a: {  	s5 =	simm.s32 $_size__tile_overlayer_lowered;
	s6 =	simm.s32 $_tile_overlayer_lowered  }
0x9b: {  	s22 =	simm.s32 $0x1BFF;
	s21 =	sshll.u32 s6, $0x1;
	s3 =	sadd.s32 s4, s19  }
0x9c: {  	s7 =	simm.s32 $0x0;
	s20 =	sshll.u32 s5, $0x1;
	s5 =	sadd.s32 s21, s3  }
0x9d: {  	[timem:s7], [sflag:s22] =	dma.local [hbm:s5], s20  }
0x9e: {  	_ =	swait.ge [sflag:s22], s20  }
0x9f: {  	s4 =	ssub.s32 $0x0, s20;
	[sflag:s22] =	ssyncset.done $0x0  }
0xa0: {  	[sflag:s22] =	ssyncadd.s32 s4;
	_ =	sdelay $0x1  }
0xa1: {  	s23 =	simm.s32 $0x1B8B  }
0xa2: {  	_ =	swait.ge [sflag:s23], $0x1  }
0xa3: {  	[sflag:s23] =	ssyncset.done $0x0  }
0xa4: {  	s25 =	simm.s32 $0x1B8E;
	s24 =	sld [smem:$0x3FFE];
	[sflag:s23] =	ssyncadd.s32 $0xFFFFFFFF  }
0xa5: {  	s26 =	simm.s32 $execute0_lowered;
	[smem:$0x3FD2] =	sst s25  }
0xa6: {  	s5 =	sshll.u32 s26, $0x1;
	_ =	strace $0x80000046;
	[dreg:$0x1] =	wrdreg $0xFFFFFFFF  }
0xa7: {  	s28 =	simm.s32 $_size_execute0_lowered;
	s3 =	sadd.s32 s3, s5;
	[dreg:$0x0] =	wrdreg $0x0  }
0xa8: {  	s5 =	sshll.u32 s28, $0x1;
	[dreg:$0x2] =	wrdreg s3  }
0xa9: {  	[dreg:$0x3] =	wrdreg s5  }
0xaa: {  	[dreg:$0x4] =	wrdreg $0xC0  }
0xab: {  	_ =	task [dreg:s7], $0x5FFFF  }
0xac: {  	[dreg:$0x1] =	wrdreg $0xFFFFFFFF  }
0xad: {  	[dreg:$0x0] =	wrdreg $0x60  }
0xae: {  	[dreg:$0x2] =	wrdreg s2  }
0xaf: {  	[dreg:$0x3] =	wrdreg s24  }
0xb0: {  	[dreg:$0x4] =	wrdreg $0x9  }
0xb1: {  	_ =	task.clear_ibuf [dreg:s7], $0x5FFFF;
	_ =	strace $0x90000046  }
0xb2: {  	s29 =	simm.s32 $0x9;
	_ =	strace $0x80000048  }
0xb3: {  	_ =	swait.ge [sflag:s29], $0x1  }
0xb4: {  	[sflag:s29] =	ssyncadd.s32 $0xFFFFFFFF  }
0xb5: {  	_ =	strace $0x90000048  }
0xb6: {  	_ =	sfence  }
0xb7: {  	s30 =	sld [smem:$0x0];
	_ =	sdelay $0x2  }
0xb8: {  	s31 =	sshll.u32 s1, $0xD;
	s1 =	sshrl.u32 s1, $0x2  }
0xb9: {  	s3 =	sand.u32 $0x4000, s31;
	s1 =	sadd.s32 s1, s30  }
0xba: {  	s0 =	sor.u32 s3, s0;
	s1 =	sshll.u32 s1, $0x11  }
0xbb: {  	s0 =	sor.u32 s1, s0  }
0xbc: {  	s0 =	sadd.s32 $0x8F2B, s0  }
0xbd: {  	[sflag:s0] =	ssyncadd.remote.s32 $0x1  }
0xbe: {  	_ =	sfence.sel $0xFFFF  }
0xbf: {  	[dreg:$0x0] =	wrdreg $0xFFFFFFFF;
	(pc) =	sbr.abs _section_cstart, $3  }
0xc0: {  	[dreg:$0x1] =	wrdreg $0xFFFFFFFF  }
0xc1: {  	_ =	task.clear_ibuf [dreg:s7], $0x2FFFF;
	_ =	strace $0x9FFFFFFF  }
0xc2: {  	(tm) =	ssettm $0x7FFFFFFF  }
0xc3: {  	_ =	shalt  }
tec
execute0_lowered:
.L_overlay_start_1:
0x0: {  	(tag) =	ssettag $0x1  }
0x1: {  	v0 =	vlaneseq.u32  }
0x2: {  	v1 =	vand.u32 $0x7, v0;
	v0 =	vmul.u32 $0x10, v0;
	_ =	sdelay $0x1  }
0x3: {  	v3 =	vmul.u32 $0x10, v1;
	v2 =	vor.u32 $0x8, v0  }
0x4: {  	v4 =	vor.u32 $0x1, v0;
	v5 =	vor.u32 $0x9, v0;
	v6 =	vor.u32 $0x2, v0  }
0x5: {  	v7 =	vor.u32 $0xA, v0;
	v8 =	vor.u32 $0x3, v0;
	v9 =	vor.u32 $0xB, v0  }
0x6: {  	v10 =	vor.u32 $0x4, v0;
	v11 =	vor.u32 $0xC, v0;
	v12 =	vor.u32 $0x5, v0  }
0x7: {  	v13 =	vor.u32 $0xD, v0;
	v14 =	vor.u32 $0x6, v0;
	v15 =	vor.u32 $0xE, v0  }
0x8: {  	v16 =	vor.u32 $0x7, v0;
	v17 =	vor.u32 $0xF, v0;
	v18 =	vor.u32 $0x100, v0  }
0x9: {  	v19 =	vor.u32 $0x108, v0;
	v20 =	vor.u32 $0x101, v0;
	v21 =	vor.u32 $0x109, v0  }
0xa: {  	v22 =	vor.u32 $0x102, v0;
	v23 =	vor.u32 $0x10A, v0;
	v24 =	vor.u32 $0x103, v0  }
0xb: {  	v25 =	vor.u32 $0x10B, v0;
	v26 =	vor.u32 $0x104, v0;
	v27 =	vor.u32 $0x10C, v0  }
0xc: {  	s2 =	srdreg.scid;
	s1 =	rddreg [dreg:$0x0];
	v28 =	vor.u32 $0x105, v0;
	v29 =	vor.u32 $0x10D, v0;
	v30 =	vor.u32 $0x106, v0  }
0xd: {  	s0 =	stileid.u32;
	s10 =	rddreg [dreg:$0x1];
	s4 =	simm.s32 $0x0;
	v31 =	vor.u32 $0x10E, v0;
	v32 =	vor.u32 $0x107, v0;
	v33 =	vor.u32 $0x10F, v0  }
0xe: {  	s12 =	simm.s32 $0x3000;
	s13 =	simm.s32 $0x1;
	s14 =	simm.s32 $0x6000;
	v34 =	vor.u32 $0x200, v0;
	v35 =	vor.u32 $0x208, v0;
	v36 =	vor.u32 $0x201, v0  }
0xf: {  	s15 =	simm.s32 $0x2;
	s16 =	simm.s32 $0x9000;
	s17 =	simm.s32 $0x3;
	v37 =	vor.u32 $0x209, v0;
	v38 =	vor.u32 $0x202, v0;
	v39 =	vor.u32 $0x20A, v0  }
0x10: {  	s18 =	simm.s32 $0x4;
	s2 =	sand.u32 $0x1, s2;
	s3 =	sshll.u32 s0, $0x1;
	v40 =	vor.u32 $0x203, v0;
	v41 =	vor.u32 $0x20B, v0;
	v42 =	vor.u32 $0x204, v0  }
0x11: {  	s19 =	simm.s32 $0xC000;
	s20 =	simm.s32 $0xC400;
	s3 =	sor.u32 s2, s3;
	v43 =	vor.u32 $0x20C, v0;
	v44 =	vor.u32 $0x205, v0;
	v45 =	vor.u32 $0x20D, v0  }
0x12: {  	s21 =	simm.s32 $0x5;
	s22 =	simm.s32 $0x0;
	s5 =	smul.u32 $0x1800, s3;
	v46 =	vor.u32 $0x206, v0;
	v47 =	vor.u32 $0x20E, v0;
	v48 =	vor.u32 $0x207, v0  }
.Ltmp0:
0x13: {  	[smem:$0x7FF] =	sst s4;
	s2 =	ssub.s32 $0x2, s2;
	v49 =	vor.u32 $0x20F, v0;
	v50 =	vor.u32 $0x300, v0;
	v51 =	vor.u32 $0x308, v0;
	(pc) =	sbr.rel .LBB2_1-.Ltmp0, $4  }
0x14: {  	s8 =	sadd.s32 $0x1E8480, s1;
	s9 =	sadd.s32 $0xF4200, s1;
	s7 =	sshrl.u32 s2, $0x1;
	v52 =	vor.u32 $0x301, v0;
	v53 =	vor.u32 $0x309, v0;
	v54 =	vor.u32 $0x302, v0  }
0x15: {  	p0 =	sne.s32 s3, $0x0;
	v55 =	vor.u32 $0x30A, v0;
	v56 =	vor.u32 $0x303, v0;
	v57 =	vor.u32 $0x30B, v0;
	[tilespmem:$0x1FFF0] =	vst v18;
	s2 =	ssub.s32 s2, s7;
	s6 =	sshrl.u32 s5, $0x3  }
0x16: {  	v58 =	vor.u32 $0x304, v0;
	v59 =	vor.u32 $0x30C, v0;
	v60 =	vor.u32 $0x305, v0;
	_ =	strace $0x80000047;
	s5 =	sadd.s32 $0x1400, s10;
	s6 =	sadd.s32 s1, s6  }
0x17: {  	v61 =	vor.u32 $0x30D, v0;
	v1 =	vor.u32 $0xFFFFFF80, v3;
	v3 =	vor.u32 $0xFFFFFF88, v3;
	s10 =	sadd.s32 $0x1E9800, s10;
	s11 =	smax.u32 s2, $0x1;
	s7 =	sadd.s32 $0xF4280, s6  }
.LBB2_12:
0x18: {  	_ =	swait.ge [sflag:s17], $0x3000  }
.Ltmp1:
0x19: {  	[sflag:s17] =	ssyncset.done $0x0;
	(pc) =	sbr.rel @!p0 .LBB2_13-.Ltmp1, $4  }
0x1a: {  	[sflag:s17] =	ssyncadd.s32 $0xFFFFD000  }
0x1b: {  	_ =	swait.ge [sflag:s18], $0x3000  }
0x1c: {  	[sflag:s18] =	ssyncset.done $0x0  }
0x1d: {  	[sflag:s18] =	ssyncadd.s32 $0xFFFFD000  }
.LBB2_14:
0x1e: {  	s22 =	sadd.s32 $0x1, s22  }
0x1f: {  	p1 =	sne.s32 s22, s11  }
.Ltmp2:
0x20: {  	_ = 	snop;
	(pc) =	sbr.rel @!p1 .LBB2_15-.Ltmp2, $1  }
0x21: {  	_ =	sdelay $0x3  }
.LBB2_1:
.Ltmp3:
0x22: {  	(pc) =	sbr.rel .LBB2_2-.Ltmp3, $4  }
0x23: {  	_ = 	snop  }
0x24: {  	[tilespmem:s4], [sflag:$0x1] =	stream.linear.gather [hbm4b:s6+s4], $0x1800, $0x38;
	[tilespmem:$0xC800] =	vst v63  }
0x25: {  	s23 =	simm.s32 $0x0  }
0x26: {  	[tilespmem:s12], [sflag:$0x1] =	stream.linear.gather [hbm4b:s7+s4], $0x1800, $0x38;
	[tilespmem:$0xC800] =	vst v63  }
.LBB2_11:
0x27: {  	s23 =	sadd.s32 $0x1, s23  }
0x28: {  	p1 =	sne.s32 s23, $0x15  }
.Ltmp4:
0x29: {  	_ = 	snop;
	(pc) =	sbr.rel @!p1 .LBB2_12-.Ltmp4, $1  }
0x2a: {  	_ =	sdelay $0x3  }
.LBB2_2:
0x2b: {  	s2 =	sshll.u32 s23, $0x6  }
0x2c: {  	s25 =	sor.u32 s3, s2  }
0x2d: {  	s24 =	sor.u32 $0x20, s25  }
0x2e: {  	p2 =	sgt.u32 s24, $0x515  }
0x2f: {  	s2 =	smul.u32 @!p2 $0x1800, s24  }
0x30: {  	p1 =	sgt.u32 s25, $0x515  }
.Ltmp5:
0x31: {  	s2 =	sshrl.u32 @!p2 s2, $0x3;
	(pc) =	sbr.rel @p1 .LBB2_11-.Ltmp5, $4  }
0x32: {  	s26 =	simm.s32 @!p2 $0x0;
	s28 =	simm.s32 @!p2 $0x1800;
	s2 =	sadd.s32 @!p2 s1, s2  }
0x33: {  	[tilespmem:s28], [sflag:$0x2] =	stream.linear.gather @!p2 [hbm4b:s2+s26], $0x1800, $0x38;
	[tilespmem:$0xC800] =	vst v63  }
0x34: {  	s2 =	sadd.s32 @!p2 $0xF4280, s2;
	s28 =	simm.s32 @!p2 $0x4800  }
0x35: {  	[tilespmem:s28], [sflag:$0x2] =	stream.linear.gather @!p2 [hbm4b:s2+s26], $0x1800, $0x38;
	[tilespmem:$0xC800] =	vst v63  }
0x36: {  	_ =	swait.ge [sflag:s13], $0x1800  }
0x37: {  	[sflag:s13] =	ssyncset.done $0x0  }
0x38: {  	[sflag:s13] =	ssyncadd.s32 $0xFFFFE800  }
0x39: {  	_ =	swait.ge [sflag:s13], $0x1800  }
0x3a: {  	p1 =	seq.s32 s23, $0x0;
	[sflag:s13] =	ssyncset.done $0x0  }
0x3b: {  	s2 =	simm.s32 @!p1 $0x3;
	[sflag:s13] =	ssyncadd.s32 $0xFFFFE800  }
0x3c: {  	s30 =	simm.s32 $0x0;
	_ =	swait.ge @!p1 [sflag:s2], $0x3000  }
0x3d: {  	s26 =	sand.u32 $0x70, s30;
	s28 =	sand.u32 $0x1C00, s30;
	[sflag:s2] =	ssyncset.done @!p1 $0x0  }
0x3e: {  	v62 =	vor.u32 s30, v0;
	s26 =	sor.u32 s26, s28;
	[sflag:s2] =	ssyncadd.s32 @!p1 $0xFFFFD000  }
0x3f: {  	v62 =	vand.u32 v1, v62;
	v63 =	vld [tilespmem:s26+$0x0];
	_ =	sdelay $0x4  }
0x40: {  	[tilespmem:v62+s14+$0x0] =	vst.idx.msk $0xffff, v63;
	v62 =	vor.u32 s30, v2  }
0x41: {  	v63 =	vld [tilespmem:s26+$0x3000];
	v62 =	vand.u32 v3, v62;
	_ =	sdelay $0x4  }
0x42: {  	[tilespmem:v62+s14+$0x0] =	vst.idx.msk $0xffff, v63  }
0x43: {  	v63 =	vor.u32 s30, v4;
	v62 =	vld [tilespmem:s26+$0x80];
	_ =	sdelay $0x4  }
0x44: {  	[tilespmem:v63+s14+$0x0] =	vst.idx.msk $0xffff, v62  }
0x45: {  	v63 =	vor.u32 s30, v5;
	v62 =	vld [tilespmem:s26+$0x3080];
	_ =	sdelay $0x4  }
0x46: {  	[tilespmem:v63+s14+$0x0] =	vst.idx.msk $0xffff, v62  }
0x47: {  	v63 =	vor.u32 s30, v6;
	v62 =	vld [tilespmem:s26+$0x100];
	_ =	sdelay $0x4  }
0x48: {  	[tilespmem:v63+s14+$0x0] =	vst.idx.msk $0xffff, v62  }
0x49: {  	v63 =	vor.u32 s30, v7;
	v62 =	vld [tilespmem:s26+$0x3100];
	_ =	sdelay $0x4  }
0x4a: {  	[tilespmem:v63+s14+$0x0] =	vst.idx.msk $0xffff, v62  }
0x4b: {  	v63 =	vor.u32 s30, v8;
	v62 =	vld [tilespmem:s26+$0x180];
	_ =	sdelay $0x4  }
0x4c: {  	[tilespmem:v63+s14+$0x0] =	vst.idx.msk $0xffff, v62  }
0x4d: {  	v63 =	vor.u32 s30, v9;
	v62 =	vld [tilespmem:s26+$0x3180];
	_ =	sdelay $0x4  }
0x4e: {  	[tilespmem:v63+s14+$0x0] =	vst.idx.msk $0xffff, v62  }
0x4f: {  	v63 =	vor.u32 s30, v10;
	v62 =	vld [tilespmem:s26+$0x200];
	_ =	sdelay $0x4  }
0x50: {  	[tilespmem:v63+s14+$0x0] =	vst.idx.msk $0xffff, v62  }
0x51: {  	v63 =	vor.u32 s30, v11;
	v62 =	vld [tilespmem:s26+$0x3200];
	_ =	sdelay $0x4  }
0x52: {  	[tilespmem:v63+s14+$0x0] =	vst.idx.msk $0xffff, v62  }
0x53: {  	v63 =	vor.u32 s30, v12;
	v62 =	vld [tilespmem:s26+$0x280];
	_ =	sdelay $0x4  }
0x54: {  	[tilespmem:v63+s14+$0x0] =	vst.idx.msk $0xffff, v62  }
0x55: {  	v63 =	vor.u32 s30, v13;
	v62 =	vld [tilespmem:s26+$0x3280];
	_ =	sdelay $0x4  }
0x56: {  	[tilespmem:v63+s14+$0x0] =	vst.idx.msk $0xffff, v62  }
0x57: {  	v63 =	vor.u32 s30, v14;
	v62 =	vld [tilespmem:s26+$0x300];
	_ =	sdelay $0x4  }
0x58: {  	[tilespmem:v63+s14+$0x0] =	vst.idx.msk $0xffff, v62  }
0x59: {  	v63 =	vor.u32 s30, v15;
	v62 =	vld [tilespmem:s26+$0x3300];
	_ =	sdelay $0x3  }
0x5a: {  	s26 =	sor.u32 s30, s30  }
0x5b: {  	s2 =	sor.u32 $0x380, s26;
	[tilespmem:v63+s14+$0x0] =	vst.idx.msk $0xffff, v62  }
0x5c: {  	v63 =	vor.u32 s30, v16;
	v62 =	vld [tilespmem:s2+$0x0];
	_ =	sdelay $0x4  }
0x5d: {  	[tilespmem:v63+s14+$0x0] =	vst.idx.msk $0xffff, v62  }
0x5e: {  	v63 =	vor.u32 s30, v17;
	v62 =	vld [tilespmem:s2+$0x3000];
	_ =	sdelay $0x1  }
0x5f: {  	s28 =	simm.s32 $0x10  }
0x60: {  	s29 =	simm.s32 $0x80;
	s31 =	sand.u32 $0x70, s28  }
0x61: {  	s26 =	simm.s32 $0x100;
	s30 =	simm.s32 $0x20;
	s2 =	sand.u32 $0x1C00, s29  }
.LBB2_4:
0x62: {  	p3 =	sne.s32 s30, $0x2F0;
	s31 =	sor.u32 s31, s2;
	v18 =	vor.u32 s26, v0;
	[tilespmem:v63+s14+$0x0] =	vst.idx.msk $0xffff, v62  }
0x63: {  	v62 =	vld [tilespmem:s31+$0x0];
	v18 =	vand.u32 v1, v18;
	_ =	sdelay $0x4  }
0x64: {  	[tilespmem:v18+s14+$0x0] =	vst.idx.msk $0xffff, v62;
	v18 =	vor.u32 s26, v2  }
0x65: {  	v62 =	vld [tilespmem:s31+$0x3000];
	v18 =	vand.u32 v3, v18;
	_ =	sdelay $0x4  }
0x66: {  	[tilespmem:v18+s14+$0x0] =	vst.idx.msk $0xffff, v62  }
0x67: {  	v62 =	vor.u32 s26, v4;
	v18 =	vld [tilespmem:s31+$0x80];
	_ =	sdelay $0x4  }
0x68: {  	[tilespmem:v62+s14+$0x0] =	vst.idx.msk $0xffff, v18  }
0x69: {  	v62 =	vor.u32 s26, v5;
	v18 =	vld [tilespmem:s31+$0x3080];
	_ =	sdelay $0x4  }
0x6a: {  	[tilespmem:v62+s14+$0x0] =	vst.idx.msk $0xffff, v18  }
0x6b: {  	v62 =	vor.u32 s26, v6;
	v18 =	vld [tilespmem:s31+$0x100];
	_ =	sdelay $0x4  }
0x6c: {  	[tilespmem:v62+s14+$0x0] =	vst.idx.msk $0xffff, v18  }
0x6d: {  	v62 =	vor.u32 s26, v7;
	v18 =	vld [tilespmem:s31+$0x3100];
	_ =	sdelay $0x4  }
0x6e: {  	[tilespmem:v62+s14+$0x0] =	vst.idx.msk $0xffff, v18  }
0x6f: {  	v62 =	vor.u32 s26, v8;
	v18 =	vld [tilespmem:s31+$0x180];
	_ =	sdelay $0x4  }
0x70: {  	[tilespmem:v62+s14+$0x0] =	vst.idx.msk $0xffff, v18  }
0x71: {  	v62 =	vor.u32 s26, v9;
	v18 =	vld [tilespmem:s31+$0x3180];
	_ =	sdelay $0x4  }
0x72: {  	[tilespmem:v62+s14+$0x0] =	vst.idx.msk $0xffff, v18  }
0x73: {  	v62 =	vor.u32 s26, v10;
	v18 =	vld [tilespmem:s31+$0x200];
	_ =	sdelay $0x4  }
0x74: {  	[tilespmem:v62+s14+$0x0] =	vst.idx.msk $0xffff, v18  }
0x75: {  	v62 =	vor.u32 s26, v11;
	v18 =	vld [tilespmem:s31+$0x3200];
	_ =	sdelay $0x4  }
0x76: {  	[tilespmem:v62+s14+$0x0] =	vst.idx.msk $0xffff, v18  }
0x77: {  	v62 =	vor.u32 s26, v12;
	v18 =	vld [tilespmem:s31+$0x280];
	_ =	sdelay $0x4  }
0x78: {  	[tilespmem:v62+s14+$0x0] =	vst.idx.msk $0xffff, v18  }
0x79: {  	v62 =	vor.u32 s26, v13;
	v18 =	vld [tilespmem:s31+$0x3280];
	_ =	sdelay $0x4  }
0x7a: {  	[tilespmem:v62+s14+$0x0] =	vst.idx.msk $0xffff, v18  }
0x7b: {  	v62 =	vor.u32 s26, v14;
	v18 =	vld [tilespmem:s31+$0x300];
	_ =	sdelay $0x4  }
0x7c: {  	[tilespmem:v62+s14+$0x0] =	vst.idx.msk $0xffff, v18  }
0x7d: {  	v62 =	vor.u32 s26, v15;
	v18 =	vld [tilespmem:s31+$0x3300];
	_ =	sdelay $0x3  }
0x7e: {  	s2 =	sor.u32 s29, s28;
	s28 =	smov.u32 s30  }
0x7f: {  	s2 =	sor.u32 $0x380, s2;
	[tilespmem:v62+s14+$0x0] =	vst.idx.msk $0xffff, v18  }
0x80: {  	v62 =	vor.u32 s26, v16;
	v18 =	vld [tilespmem:s2+$0x0];
	_ =	sdelay $0x4  }
0x81: {  	[tilespmem:v62+s14+$0x0] =	vst.idx.msk $0xffff, v18  }
.Ltmp6:
0x82: {  	v63 =	vor.u32 s26, v17;
	v62 =	vld [tilespmem:s2+$0x3000];
	(pc) =	sbr.rel @p3 .LBB2_4-.Ltmp6, $3  }
0x83: {  	_ =	sdelay $0x1  }
0x84: {  	s29 =	sadd.s32 $0x80, s29;
	s26 =	sadd.s32 $0x100, s26  }
0x85: {  	s30 =	sadd.s32 $0x10, s30;
	s31 =	sand.u32 $0x70, s28;
	s2 =	sand.u32 $0x1C00, s29  }
0x86: {  	_ =	sdelay $0x3  }
0x87: {  	s2 =	sor.u32 s31, s2;
	v18 =	vor.u32 s26, v0;
	[tilespmem:v63+s14+$0x0] =	vst.idx.msk $0xffff, v62  }
0x88: {  	v62 =	vld [tilespmem:s2+$0x0];
	v18 =	vand.u32 v1, v18;
	_ =	sdelay $0x4  }
0x89: {  	[tilespmem:v18+s14+$0x0] =	vst.idx.msk $0xffff, v62;
	v18 =	vor.u32 s26, v2  }
0x8a: {  	v62 =	vld [tilespmem:s2+$0x3000];
	v18 =	vand.u32 v3, v18;
	_ =	sdelay $0x4  }
0x8b: {  	[tilespmem:v18+s14+$0x0] =	vst.idx.msk $0xffff, v62  }
0x8c: {  	v62 =	vor.u32 s26, v4;
	v18 =	vld [tilespmem:s2+$0x80];
	_ =	sdelay $0x4  }
0x8d: {  	[tilespmem:v62+s14+$0x0] =	vst.idx.msk $0xffff, v18  }
0x8e: {  	v62 =	vor.u32 s26, v5;
	v18 =	vld [tilespmem:s2+$0x3080];
	_ =	sdelay $0x4  }
0x8f: {  	[tilespmem:v62+s14+$0x0] =	vst.idx.msk $0xffff, v18  }
0x90: {  	v62 =	vor.u32 s26, v6;
	v18 =	vld [tilespmem:s2+$0x100];
	_ =	sdelay $0x4  }
0x91: {  	[tilespmem:v62+s14+$0x0] =	vst.idx.msk $0xffff, v18  }
0x92: {  	v62 =	vor.u32 s26, v7;
	v18 =	vld [tilespmem:s2+$0x3100];
	_ =	sdelay $0x4  }
0x93: {  	[tilespmem:v62+s14+$0x0] =	vst.idx.msk $0xffff, v18  }
0x94: {  	v62 =	vor.u32 s26, v8;
	v18 =	vld [tilespmem:s2+$0x180];
	_ =	sdelay $0x4  }
0x95: {  	[tilespmem:v62+s14+$0x0] =	vst.idx.msk $0xffff, v18  }
0x96: {  	v62 =	vor.u32 s26, v9;
	v18 =	vld [tilespmem:s2+$0x3180];
	_ =	sdelay $0x4  }
0x97: {  	[tilespmem:v62+s14+$0x0] =	vst.idx.msk $0xffff, v18  }
0x98: {  	v62 =	vor.u32 s26, v10;
	v18 =	vld [tilespmem:s2+$0x200];
	_ =	sdelay $0x4  }
0x99: {  	[tilespmem:v62+s14+$0x0] =	vst.idx.msk $0xffff, v18  }
0x9a: {  	v62 =	vor.u32 s26, v11;
	v18 =	vld [tilespmem:s2+$0x3200];
	_ =	sdelay $0x4  }
0x9b: {  	[tilespmem:v62+s14+$0x0] =	vst.idx.msk $0xffff, v18  }
0x9c: {  	v62 =	vor.u32 s26, v12;
	v18 =	vld [tilespmem:s2+$0x280];
	_ =	sdelay $0x4  }
0x9d: {  	[tilespmem:v62+s14+$0x0] =	vst.idx.msk $0xffff, v18  }
0x9e: {  	v62 =	vor.u32 s26, v13;
	v18 =	vld [tilespmem:s2+$0x3280];
	_ =	sdelay $0x4  }
0x9f: {  	[tilespmem:v62+s14+$0x0] =	vst.idx.msk $0xffff, v18  }
0xa0: {  	v62 =	vor.u32 s26, v14;
	v18 =	vld [tilespmem:s2+$0x300];
	_ =	sdelay $0x4  }
0xa1: {  	[tilespmem:v62+s14+$0x0] =	vst.idx.msk $0xffff, v18  }
0xa2: {  	v62 =	vor.u32 s26, v15;
	v18 =	vld [tilespmem:s2+$0x3300];
	_ =	sdelay $0x3  }
0xa3: {  	s30 =	sor.u32 s29, s28  }
0xa4: {  	s2 =	sor.u32 $0x380, s30;
	[tilespmem:v62+s14+$0x0] =	vst.idx.msk $0xffff, v18  }
0xa5: {  	v62 =	vor.u32 s26, v16;
	v18 =	vld [tilespmem:s2+$0x0];
	_ =	sdelay $0x4  }
0xa6: {  	[tilespmem:v62+s14+$0x0] =	vst.idx.msk $0xffff, v18  }
0xa7: {  	v62 =	vor.u32 s26, v17;
	v18 =	vld [tilespmem:s2+$0x3000]  }
0xa8: {  	p3 =	sgt.u32 s25, $0x4D5  }
.Ltmp7:
0xa9: {  	_ = 	snop;
	(pc) =	sbr.rel @p3 .LBB2_7-.Ltmp7, $3  }
0xaa: {  	s31 =	smul.u32 $0x600, s25;
	_ =	sdelay $0x1  }
0xab: {  	s2 =	sadd.s32 s5, s31;
	[tilespmem:v62+s14+$0x0] =	vst.idx.msk $0xffff, v18  }
0xac: {  	[hbm4b:s2+s4] =	stream.linear.scatter [tilespmem:s14], [sflag:$0x3], $0x3000, $0x38;
	[tilespmem:$0xC800] =	vst v63  }
0xad: {  	s2 =	smul.u32 $0x1800, s25;
	_ =	sdelay $0x1  }
0xae: {  	s2 =	sshrl.u32 s2, $0x3  }
.Ltmp8:
0xaf: {  	s2 =	sadd.s32 s1, s2;
	(pc) =	sbr.rel .LBB2_8-.Ltmp8, $4  }
0xb0: {  	s31 =	sadd.s32 $0xC000, s2  }
0xb1: {  	[tilespmem:s4], [sflag:$0x1] =	stream.linear.gather [hbm4b:s31+s4], $0x1800, $0x38;
	[tilespmem:$0xC800] =	vst v63  }
0xb2: {  	s2 =	sadd.s32 $0x100280, s2  }
0xb3: {  	[tilespmem:s12], [sflag:$0x1] =	stream.linear.gather [hbm4b:s2+s4], $0x1800, $0x38;
	[tilespmem:$0xC800] =	vst v63  }
.LBB2_7:
.Ltmp9:
0xb4: {  	(pc) =	sbr.rel @p2 .LBB2_11-.Ltmp9, $1  }
0xb5: {  	_ =	sdelay $0x3  }
.LBB2_8:
0xb6: {  	_ =	swait.ge [sflag:s15], $0x1800  }
0xb7: {  	[sflag:s15] =	ssyncset.done $0x0  }
0xb8: {  	[sflag:s15] =	ssyncadd.s32 $0xFFFFE800  }
0xb9: {  	_ =	swait.ge [sflag:s15], $0x1800  }
0xba: {  	[sflag:s15] =	ssyncset.done $0x0  }
0xbb: {  	s2 =	simm.s32 @!p1 $0x4;
	[sflag:s15] =	ssyncadd.s32 $0xFFFFE800  }
0xbc: {  	s29 =	simm.s32 $0x0;
	_ =	swait.ge @!p1 [sflag:s2], $0x3000  }
0xbd: {  	s25 =	sand.u32 $0x70, s29;
	s26 =	sand.u32 $0x1C00, s29;
	[sflag:s2] =	ssyncset.done @!p1 $0x0  }
0xbe: {  	v18 =	vor.u32 s29, v0;
	s26 =	sor.u32 s25, s26;
	[sflag:s2] =	ssyncadd.s32 @!p1 $0xFFFFD000  }
0xbf: {  	v18 =	vand.u32 v1, v18;
	v62 =	vld [tilespmem:s26+$0x1800];
	_ =	sdelay $0x4  }
0xc0: {  	[tilespmem:v18+s16+$0x0] =	vst.idx.msk $0xffff, v62;
	v18 =	vor.u32 s29, v2  }
0xc1: {  	v62 =	vld [tilespmem:s26+$0x4800];
	v18 =	vand.u32 v3, v18;
	_ =	sdelay $0x4  }
0xc2: {  	[tilespmem:v18+s16+$0x0] =	vst.idx.msk $0xffff, v62  }
0xc3: {  	v62 =	vor.u32 s29, v4;
	v18 =	vld [tilespmem:s26+$0x1880];
	_ =	sdelay $0x4  }
0xc4: {  	[tilespmem:v62+s16+$0x0] =	vst.idx.msk $0xffff, v18  }
0xc5: {  	v62 =	vor.u32 s29, v5;
	v18 =	vld [tilespmem:s26+$0x4880];
	_ =	sdelay $0x4  }
0xc6: {  	[tilespmem:v62+s16+$0x0] =	vst.idx.msk $0xffff, v18  }
0xc7: {  	v62 =	vor.u32 s29, v6;
	v18 =	vld [tilespmem:s26+$0x1900];
	_ =	sdelay $0x4  }
0xc8: {  	[tilespmem:v62+s16+$0x0] =	vst.idx.msk $0xffff, v18  }
0xc9: {  	v62 =	vor.u32 s29, v7;
	v18 =	vld [tilespmem:s26+$0x4900];
	_ =	sdelay $0x4  }
0xca: {  	[tilespmem:v62+s16+$0x0] =	vst.idx.msk $0xffff, v18  }
0xcb: {  	v62 =	vor.u32 s29, v8;
	v18 =	vld [tilespmem:s26+$0x1980];
	_ =	sdelay $0x4  }
0xcc: {  	[tilespmem:v62+s16+$0x0] =	vst.idx.msk $0xffff, v18  }
0xcd: {  	v62 =	vor.u32 s29, v9;
	v18 =	vld [tilespmem:s26+$0x4980];
	_ =	sdelay $0x4  }
0xce: {  	[tilespmem:v62+s16+$0x0] =	vst.idx.msk $0xffff, v18  }
0xcf: {  	v62 =	vor.u32 s29, v10;
	v18 =	vld [tilespmem:s26+$0x1A00];
	_ =	sdelay $0x4  }
0xd0: {  	[tilespmem:v62+s16+$0x0] =	vst.idx.msk $0xffff, v18  }
0xd1: {  	v62 =	vor.u32 s29, v11;
	v18 =	vld [tilespmem:s26+$0x4A00];
	_ =	sdelay $0x4  }
0xd2: {  	[tilespmem:v62+s16+$0x0] =	vst.idx.msk $0xffff, v18  }
0xd3: {  	v62 =	vor.u32 s29, v12;
	v18 =	vld [tilespmem:s26+$0x1A80];
	_ =	sdelay $0x4  }
0xd4: {  	[tilespmem:v62+s16+$0x0] =	vst.idx.msk $0xffff, v18  }
0xd5: {  	v62 =	vor.u32 s29, v13;
	v18 =	vld [tilespmem:s26+$0x4A80];
	_ =	sdelay $0x4  }
0xd6: {  	[tilespmem:v62+s16+$0x0] =	vst.idx.msk $0xffff, v18  }
0xd7: {  	v62 =	vor.u32 s29, v14;
	v18 =	vld [tilespmem:s26+$0x1B00];
	_ =	sdelay $0x4  }
0xd8: {  	[tilespmem:v62+s16+$0x0] =	vst.idx.msk $0xffff, v18  }
0xd9: {  	v62 =	vor.u32 s29, v15;
	v18 =	vld [tilespmem:s26+$0x4B00];
	_ =	sdelay $0x3  }
0xda: {  	s31 =	sor.u32 s29, s29  }
0xdb: {  	s2 =	sor.u32 $0x380, s31;
	[tilespmem:v62+s16+$0x0] =	vst.idx.msk $0xffff, v18  }
0xdc: {  	v62 =	vor.u32 s29, v16;
	v18 =	vld [tilespmem:s2+$0x1800];
	_ =	sdelay $0x4  }
0xdd: {  	[tilespmem:v62+s16+$0x0] =	vst.idx.msk $0xffff, v18  }
0xde: {  	v63 =	vor.u32 s29, v17;
	v62 =	vld [tilespmem:s2+$0x4800];
	_ =	sdelay $0x2  }
0xdf: {  	s28 =	simm.s32 $0x80;
	s25 =	simm.s32 $0x100;
	s26 =	simm.s32 $0x10  }
0xe0: {  	s30 =	sand.u32 $0x70, s26;
	s29 =	simm.s32 $0x20;
	s2 =	sand.u32 $0x1C00, s28  }
.LBB2_9:
0xe1: {  	p1 =	sne.s32 s29, $0x2F0;
	s30 =	sor.u32 s30, s2;
	v18 =	vor.u32 s25, v0;
	[tilespmem:v63+s16+$0x0] =	vst.idx.msk $0xffff, v62  }
0xe2: {  	v62 =	vld [tilespmem:s30+$0x1800];
	v18 =	vand.u32 v1, v18;
	_ =	sdelay $0x4  }
0xe3: {  	[tilespmem:v18+s16+$0x0] =	vst.idx.msk $0xffff, v62;
	v18 =	vor.u32 s25, v2  }
0xe4: {  	v62 =	vld [tilespmem:s30+$0x4800];
	v18 =	vand.u32 v3, v18;
	_ =	sdelay $0x4  }
0xe5: {  	[tilespmem:v18+s16+$0x0] =	vst.idx.msk $0xffff, v62  }
0xe6: {  	v62 =	vor.u32 s25, v4;
	v18 =	vld [tilespmem:s30+$0x1880];
	_ =	sdelay $0x4  }
0xe7: {  	[tilespmem:v62+s16+$0x0] =	vst.idx.msk $0xffff, v18  }
0xe8: {  	v62 =	vor.u32 s25, v5;
	v18 =	vld [tilespmem:s30+$0x4880];
	_ =	sdelay $0x4  }
0xe9: {  	[tilespmem:v62+s16+$0x0] =	vst.idx.msk $0xffff, v18  }
0xea: {  	v62 =	vor.u32 s25, v6;
	v18 =	vld [tilespmem:s30+$0x1900];
	_ =	sdelay $0x4  }
0xeb: {  	[tilespmem:v62+s16+$0x0] =	vst.idx.msk $0xffff, v18  }
0xec: {  	v62 =	vor.u32 s25, v7;
	v18 =	vld [tilespmem:s30+$0x4900];
	_ =	sdelay $0x4  }
0xed: {  	[tilespmem:v62+s16+$0x0] =	vst.idx.msk $0xffff, v18  }
0xee: {  	v62 =	vor.u32 s25, v8;
	v18 =	vld [tilespmem:s30+$0x1980];
	_ =	sdelay $0x4  }
0xef: {  	[tilespmem:v62+s16+$0x0] =	vst.idx.msk $0xffff, v18  }
0xf0: {  	v62 =	vor.u32 s25, v9;
	v18 =	vld [tilespmem:s30+$0x4980];
	_ =	sdelay $0x4  }
0xf1: {  	[tilespmem:v62+s16+$0x0] =	vst.idx.msk $0xffff, v18  }
0xf2: {  	v62 =	vor.u32 s25, v10;
	v18 =	vld [tilespmem:s30+$0x1A00];
	_ =	sdelay $0x4  }
0xf3: {  	[tilespmem:v62+s16+$0x0] =	vst.idx.msk $0xffff, v18  }
0xf4: {  	v62 =	vor.u32 s25, v11;
	v18 =	vld [tilespmem:s30+$0x4A00];
	_ =	sdelay $0x4  }
0xf5: {  	[tilespmem:v62+s16+$0x0] =	vst.idx.msk $0xffff, v18  }
0xf6: {  	v62 =	vor.u32 s25, v12;
	v18 =	vld [tilespmem:s30+$0x1A80];
	_ =	sdelay $0x4  }
0xf7: {  	[tilespmem:v62+s16+$0x0] =	vst.idx.msk $0xffff, v18  }
0xf8: {  	v62 =	vor.u32 s25, v13;
	v18 =	vld [tilespmem:s30+$0x4A80];
	_ =	sdelay $0x4  }
0xf9: {  	[tilespmem:v62+s16+$0x0] =	vst.idx.msk $0xffff, v18  }
0xfa: {  	v62 =	vor.u32 s25, v14;
	v18 =	vld [tilespmem:s30+$0x1B00];
	_ =	sdelay $0x4  }
0xfb: {  	[tilespmem:v62+s16+$0x0] =	vst.idx.msk $0xffff, v18  }
0xfc: {  	v62 =	vor.u32 s25, v15;
	v18 =	vld [tilespmem:s30+$0x4B00];
	_ =	sdelay $0x3  }
0xfd: {  	s2 =	sor.u32 s28, s26;
	s26 =	smov.u32 s29  }
0xfe: {  	s2 =	sor.u32 $0x380, s2;
	[tilespmem:v62+s16+$0x0] =	vst.idx.msk $0xffff, v18  }
0xff: {  	v62 =	vor.u32 s25, v16;
	v18 =	vld [tilespmem:s2+$0x1800];
	_ =	sdelay $0x4  }
0x100: {  	[tilespmem:v62+s16+$0x0] =	vst.idx.msk $0xffff, v18  }
.Ltmp10:
0x101: {  	v63 =	vor.u32 s25, v17;
	v62 =	vld [tilespmem:s2+$0x4800];
	(pc) =	sbr.rel @p1 .LBB2_9-.Ltmp10, $3  }
0x102: {  	_ =	sdelay $0x1  }
0x103: {  	s28 =	sadd.s32 $0x80, s28;
	s25 =	sadd.s32 $0x100, s25  }
0x104: {  	s29 =	sadd.s32 $0x10, s29;
	s30 =	sand.u32 $0x70, s26;
	s2 =	sand.u32 $0x1C00, s28  }
0x105: {  	_ =	sdelay $0x3  }
0x106: {  	s2 =	sor.u32 s30, s2;
	v18 =	vor.u32 s25, v0;
	[tilespmem:v63+s16+$0x0] =	vst.idx.msk $0xffff, v62  }
0x107: {  	v62 =	vld [tilespmem:s2+$0x1800];
	v18 =	vand.u32 v1, v18;
	_ =	sdelay $0x4  }
0x108: {  	[tilespmem:v18+s16+$0x0] =	vst.idx.msk $0xffff, v62;
	v18 =	vor.u32 s25, v2  }
0x109: {  	v62 =	vld [tilespmem:s2+$0x4800];
	v18 =	vand.u32 v3, v18;
	_ =	sdelay $0x4  }
0x10a: {  	[tilespmem:v18+s16+$0x0] =	vst.idx.msk $0xffff, v62  }
0x10b: {  	v62 =	vor.u32 s25, v4;
	v18 =	vld [tilespmem:s2+$0x1880];
	_ =	sdelay $0x4  }
0x10c: {  	[tilespmem:v62+s16+$0x0] =	vst.idx.msk $0xffff, v18  }
0x10d: {  	v62 =	vor.u32 s25, v5;
	v18 =	vld [tilespmem:s2+$0x4880];
	_ =	sdelay $0x4  }
0x10e: {  	[tilespmem:v62+s16+$0x0] =	vst.idx.msk $0xffff, v18  }
0x10f: {  	v62 =	vor.u32 s25, v6;
	v18 =	vld [tilespmem:s2+$0x1900];
	_ =	sdelay $0x4  }
0x110: {  	[tilespmem:v62+s16+$0x0] =	vst.idx.msk $0xffff, v18  }
0x111: {  	v62 =	vor.u32 s25, v7;
	v18 =	vld [tilespmem:s2+$0x4900];
	_ =	sdelay $0x4  }
0x112: {  	[tilespmem:v62+s16+$0x0] =	vst.idx.msk $0xffff, v18  }
0x113: {  	v62 =	vor.u32 s25, v8;
	v18 =	vld [tilespmem:s2+$0x1980];
	_ =	sdelay $0x4  }
0x114: {  	[tilespmem:v62+s16+$0x0] =	vst.idx.msk $0xffff, v18  }
0x115: {  	v62 =	vor.u32 s25, v9;
	v18 =	vld [tilespmem:s2+$0x4980];
	_ =	sdelay $0x4  }
0x116: {  	[tilespmem:v62+s16+$0x0] =	vst.idx.msk $0xffff, v18  }
0x117: {  	v62 =	vor.u32 s25, v10;
	v18 =	vld [tilespmem:s2+$0x1A00];
	_ =	sdelay $0x4  }
0x118: {  	[tilespmem:v62+s16+$0x0] =	vst.idx.msk $0xffff, v18  }
0x119: {  	v62 =	vor.u32 s25, v11;
	v18 =	vld [tilespmem:s2+$0x4A00];
	_ =	sdelay $0x4  }
0x11a: {  	[tilespmem:v62+s16+$0x0] =	vst.idx.msk $0xffff, v18  }
0x11b: {  	v62 =	vor.u32 s25, v12;
	v18 =	vld [tilespmem:s2+$0x1A80];
	_ =	sdelay $0x4  }
0x11c: {  	[tilespmem:v62+s16+$0x0] =	vst.idx.msk $0xffff, v18  }
0x11d: {  	v62 =	vor.u32 s25, v13;
	v18 =	vld [tilespmem:s2+$0x4A80];
	_ =	sdelay $0x4  }
0x11e: {  	[tilespmem:v62+s16+$0x0] =	vst.idx.msk $0xffff, v18  }
0x11f: {  	v62 =	vor.u32 s25, v14;
	v18 =	vld [tilespmem:s2+$0x1B00];
	_ =	sdelay $0x4  }
0x120: {  	[tilespmem:v62+s16+$0x0] =	vst.idx.msk $0xffff, v18  }
0x121: {  	v62 =	vor.u32 s25, v15;
	v18 =	vld [tilespmem:s2+$0x4B00];
	_ =	sdelay $0x3  }
0x122: {  	s30 =	sor.u32 s28, s26  }
0x123: {  	s2 =	sor.u32 $0x380, s30;
	[tilespmem:v62+s16+$0x0] =	vst.idx.msk $0xffff, v18  }
0x124: {  	v62 =	vor.u32 s25, v16;
	v18 =	vld [tilespmem:s2+$0x1800];
	_ =	sdelay $0x4  }
0x125: {  	[tilespmem:v62+s16+$0x0] =	vst.idx.msk $0xffff, v18  }
0x126: {  	v62 =	vor.u32 s25, v17;
	v18 =	vld [tilespmem:s2+$0x4800];
	_ =	sdelay $0x1  }
.Ltmp11:
0x127: {  	_ = 	snop;
	(pc) =	sbr.rel .LBB2_11-.Ltmp11, $3  }
0x128: {  	s31 =	smul.u32 $0x600, s24;
	_ =	sdelay $0x1  }
0x129: {  	s2 =	sadd.s32 s5, s31;
	[tilespmem:v62+s16+$0x0] =	vst.idx.msk $0xffff, v18  }
0x12a: {  	[hbm4b:s2+s4] =	stream.linear.scatter [tilespmem:s16], [sflag:$0x4], $0x3000, $0x38;
	[tilespmem:$0xC800] =	vst v63  }
.LBB2_13:
0x12b: {  	[tilespmem:s19], [sflag:$0x1] =	stream.linear.gather [hbm4b:s9+s4], $0x400, $0x38;
	[tilespmem:$0xC800] =	vst v63  }
0x12c: {  	_ = 	snop  }
0x12d: {  	[tilespmem:s20], [sflag:$0x1] =	stream.linear.gather [hbm4b:s8+s4], $0x400, $0x38;
	[tilespmem:$0xC800] =	vst v63  }
0x12e: {  	_ =	swait.ge [sflag:s13], $0x400  }
0x12f: {  	[sflag:s13] =	ssyncset.done $0x0  }
0x130: {  	[sflag:s13] =	ssyncadd.s32 $0xFFFFFC00  }
0x131: {  	_ =	swait.ge [sflag:s13], $0x400  }
0x132: {  	[sflag:s13] =	ssyncset.done $0x0  }
0x133: {  	[sflag:s13] =	ssyncadd.s32 $0xFFFFFC00  }
0x134: {  	v18 =	vld [tilespmem:$0xC000];
	_ =	sdelay $0x4  }
0x135: {  	[tilespmem:v0+s14+$0x0] =	vst.idx.msk $0xffff, v18  }
0x136: {  	v18 =	vld [tilespmem:$0xC400];
	_ =	sdelay $0x4  }
0x137: {  	[tilespmem:v2+s14+$0x0] =	vst.idx.msk $0xffff, v18  }
0x138: {  	v18 =	vld [tilespmem:$0xC080];
	_ =	sdelay $0x4  }
0x139: {  	[tilespmem:v4+s14+$0x0] =	vst.idx.msk $0xffff, v18  }
0x13a: {  	v18 =	vld [tilespmem:$0xC480];
	_ =	sdelay $0x4  }
0x13b: {  	[tilespmem:v5+s14+$0x0] =	vst.idx.msk $0xffff, v18  }
0x13c: {  	v18 =	vld [tilespmem:$0xC100];
	_ =	sdelay $0x4  }
0x13d: {  	[tilespmem:v6+s14+$0x0] =	vst.idx.msk $0xffff, v18  }
0x13e: {  	v18 =	vld [tilespmem:$0xC500];
	_ =	sdelay $0x4  }
0x13f: {  	[tilespmem:v7+s14+$0x0] =	vst.idx.msk $0xffff, v18  }
0x140: {  	v18 =	vld [tilespmem:$0xC180];
	_ =	sdelay $0x4  }
0x141: {  	[tilespmem:v8+s14+$0x0] =	vst.idx.msk $0xffff, v18  }
0x142: {  	v18 =	vld [tilespmem:$0xC580];
	_ =	sdelay $0x4  }
0x143: {  	[tilespmem:v9+s14+$0x0] =	vst.idx.msk $0xffff, v18  }
0x144: {  	v18 =	vld [tilespmem:$0xC200];
	_ =	sdelay $0x4  }
0x145: {  	[tilespmem:v10+s14+$0x0] =	vst.idx.msk $0xffff, v18  }
0x146: {  	v18 =	vld [tilespmem:$0xC600];
	_ =	sdelay $0x4  }
0x147: {  	[tilespmem:v11+s14+$0x0] =	vst.idx.msk $0xffff, v18  }
0x148: {  	v18 =	vld [tilespmem:$0xC280];
	_ =	sdelay $0x4  }
0x149: {  	[tilespmem:v12+s14+$0x0] =	vst.idx.msk $0xffff, v18  }
0x14a: {  	v18 =	vld [tilespmem:$0xC680];
	_ =	sdelay $0x4  }
0x14b: {  	[tilespmem:v13+s14+$0x0] =	vst.idx.msk $0xffff, v18  }
0x14c: {  	v18 =	vld [tilespmem:$0xC300];
	_ =	sdelay $0x4  }
0x14d: {  	[tilespmem:v14+s14+$0x0] =	vst.idx.msk $0xffff, v18  }
0x14e: {  	v18 =	vld [tilespmem:$0xC700];
	_ =	sdelay $0x4  }
0x14f: {  	[tilespmem:v15+s14+$0x0] =	vst.idx.msk $0xffff, v18  }
0x150: {  	v18 =	vld [tilespmem:$0xC380];
	_ =	sdelay $0x4  }
0x151: {  	[tilespmem:v16+s14+$0x0] =	vst.idx.msk $0xffff, v18  }
0x152: {  	v18 =	vld [tilespmem:$0xC780];
	_ =	sdelay $0x2  }
0x153: {  	v62 =	vld [tilespmem:$0x1FFF0];
	_ =	sdelay $0x1  }
0x154: {  	[tilespmem:v17+s14+$0x0] =	vst.idx.msk $0xffff, v18  }
0x155: {  	v18 =	vld [tilespmem:$0xC010];
	_ =	sdelay $0x4  }
0x156: {  	[tilespmem:v62+s14+$0x0] =	vst.idx.msk $0xffff, v18  }
0x157: {  	v18 =	vld [tilespmem:$0xC410];
	_ =	sdelay $0x4  }
0x158: {  	[tilespmem:v19+s14+$0x0] =	vst.idx.msk $0xffff, v18  }
0x159: {  	v18 =	vld [tilespmem:$0xC090];
	_ =	sdelay $0x4  }
0x15a: {  	[tilespmem:v20+s14+$0x0] =	vst.idx.msk $0xffff, v18  }
0x15b: {  	v18 =	vld [tilespmem:$0xC490];
	_ =	sdelay $0x4  }
0x15c: {  	[tilespmem:v21+s14+$0x0] =	vst.idx.msk $0xffff, v18  }
0x15d: {  	v18 =	vld [tilespmem:$0xC110];
	_ =	sdelay $0x4  }
0x15e: {  	[tilespmem:v22+s14+$0x0] =	vst.idx.msk $0xffff, v18  }
0x15f: {  	v18 =	vld [tilespmem:$0xC510];
	_ =	sdelay $0x4  }
0x160: {  	[tilespmem:v23+s14+$0x0] =	vst.idx.msk $0xffff, v18  }
0x161: {  	v18 =	vld [tilespmem:$0xC190];
	_ =	sdelay $0x4  }
0x162: {  	[tilespmem:v24+s14+$0x0] =	vst.idx.msk $0xffff, v18  }
0x163: {  	v18 =	vld [tilespmem:$0xC590];
	_ =	sdelay $0x4  }
0x164: {  	[tilespmem:v25+s14+$0x0] =	vst.idx.msk $0xffff, v18  }
0x165: {  	v18 =	vld [tilespmem:$0xC210];
	_ =	sdelay $0x4  }
0x166: {  	[tilespmem:v26+s14+$0x0] =	vst.idx.msk $0xffff, v18  }
0x167: {  	v18 =	vld [tilespmem:$0xC610];
	_ =	sdelay $0x4  }
0x168: {  	[tilespmem:v27+s14+$0x0] =	vst.idx.msk $0xffff, v18  }
0x169: {  	v18 =	vld [tilespmem:$0xC290];
	_ =	sdelay $0x4  }
0x16a: {  	[tilespmem:v28+s14+$0x0] =	vst.idx.msk $0xffff, v18  }
0x16b: {  	v18 =	vld [tilespmem:$0xC690];
	_ =	sdelay $0x4  }
0x16c: {  	[tilespmem:v29+s14+$0x0] =	vst.idx.msk $0xffff, v18  }
0x16d: {  	v18 =	vld [tilespmem:$0xC310];
	_ =	sdelay $0x4  }
0x16e: {  	[tilespmem:v30+s14+$0x0] =	vst.idx.msk $0xffff, v18  }
0x16f: {  	v18 =	vld [tilespmem:$0xC710];
	_ =	sdelay $0x4  }
0x170: {  	[tilespmem:v31+s14+$0x0] =	vst.idx.msk $0xffff, v18  }
0x171: {  	v18 =	vld [tilespmem:$0xC390];
	_ =	sdelay $0x4  }
0x172: {  	[tilespmem:v32+s14+$0x0] =	vst.idx.msk $0xffff, v18  }
0x173: {  	v18 =	vld [tilespmem:$0xC790];
	_ =	sdelay $0x4  }
0x174: {  	[tilespmem:v33+s14+$0x0] =	vst.idx.msk $0xffff, v18  }
0x175: {  	v18 =	vld [tilespmem:$0xC020];
	_ =	sdelay $0x4  }
0x176: {  	[tilespmem:v34+s14+$0x0] =	vst.idx.msk $0xffff, v18  }
0x177: {  	v18 =	vld [tilespmem:$0xC420];
	_ =	sdelay $0x4  }
0x178: {  	[tilespmem:v35+s14+$0x0] =	vst.idx.msk $0xffff, v18  }
0x179: {  	v18 =	vld [tilespmem:$0xC0A0];
	_ =	sdelay $0x4  }
0x17a: {  	[tilespmem:v36+s14+$0x0] =	vst.idx.msk $0xffff, v18  }
0x17b: {  	v18 =	vld [tilespmem:$0xC4A0];
	_ =	sdelay $0x4  }
0x17c: {  	[tilespmem:v37+s14+$0x0] =	vst.idx.msk $0xffff, v18  }
0x17d: {  	v18 =	vld [tilespmem:$0xC120];
	_ =	sdelay $0x4  }
0x17e: {  	[tilespmem:v38+s14+$0x0] =	vst.idx.msk $0xffff, v18  }
0x17f: {  	v18 =	vld [tilespmem:$0xC520];
	_ =	sdelay $0x4  }
0x180: {  	[tilespmem:v39+s14+$0x0] =	vst.idx.msk $0xffff, v18  }
0x181: {  	v18 =	vld [tilespmem:$0xC1A0];
	_ =	sdelay $0x4  }
0x182: {  	[tilespmem:v40+s14+$0x0] =	vst.idx.msk $0xffff, v18  }
0x183: {  	v18 =	vld [tilespmem:$0xC5A0];
	_ =	sdelay $0x4  }
0x184: {  	[tilespmem:v41+s14+$0x0] =	vst.idx.msk $0xffff, v18  }
0x185: {  	v18 =	vld [tilespmem:$0xC220];
	_ =	sdelay $0x4  }
0x186: {  	[tilespmem:v42+s14+$0x0] =	vst.idx.msk $0xffff, v18  }
0x187: {  	v18 =	vld [tilespmem:$0xC620];
	_ =	sdelay $0x4  }
0x188: {  	[tilespmem:v43+s14+$0x0] =	vst.idx.msk $0xffff, v18  }
0x189: {  	v18 =	vld [tilespmem:$0xC2A0];
	_ =	sdelay $0x4  }
0x18a: {  	[tilespmem:v44+s14+$0x0] =	vst.idx.msk $0xffff, v18  }
0x18b: {  	v18 =	vld [tilespmem:$0xC6A0];
	_ =	sdelay $0x4  }
0x18c: {  	[tilespmem:v45+s14+$0x0] =	vst.idx.msk $0xffff, v18  }
0x18d: {  	v18 =	vld [tilespmem:$0xC320];
	_ =	sdelay $0x4  }
0x18e: {  	[tilespmem:v46+s14+$0x0] =	vst.idx.msk $0xffff, v18  }
0x18f: {  	v18 =	vld [tilespmem:$0xC720];
	_ =	sdelay $0x4  }
0x190: {  	[tilespmem:v47+s14+$0x0] =	vst.idx.msk $0xffff, v18  }
0x191: {  	v18 =	vld [tilespmem:$0xC3A0];
	_ =	sdelay $0x4  }
0x192: {  	[tilespmem:v48+s14+$0x0] =	vst.idx.msk $0xffff, v18  }
0x193: {  	v18 =	vld [tilespmem:$0xC7A0];
	_ =	sdelay $0x4  }
0x194: {  	[tilespmem:v49+s14+$0x0] =	vst.idx.msk $0xffff, v18  }
0x195: {  	v18 =	vld [tilespmem:$0xC030];
	_ =	sdelay $0x4  }
0x196: {  	[tilespmem:v50+s14+$0x0] =	vst.idx.msk $0xffff, v18  }
0x197: {  	v18 =	vld [tilespmem:$0xC430];
	_ =	sdelay $0x4  }
0x198: {  	[tilespmem:v51+s14+$0x0] =	vst.idx.msk $0xffff, v18  }
0x199: {  	v18 =	vld [tilespmem:$0xC0B0];
	_ =	sdelay $0x4  }
0x19a: {  	[tilespmem:v52+s14+$0x0] =	vst.idx.msk $0xffff, v18  }
0x19b: {  	v18 =	vld [tilespmem:$0xC4B0];
	_ =	sdelay $0x4  }
0x19c: {  	[tilespmem:v53+s14+$0x0] =	vst.idx.msk $0xffff, v18  }
0x19d: {  	v18 =	vld [tilespmem:$0xC130];
	_ =	sdelay $0x4  }
0x19e: {  	[tilespmem:v54+s14+$0x0] =	vst.idx.msk $0xffff, v18  }
0x19f: {  	v18 =	vld [tilespmem:$0xC530];
	_ =	sdelay $0x4  }
0x1a0: {  	[tilespmem:v55+s14+$0x0] =	vst.idx.msk $0xffff, v18  }
0x1a1: {  	v18 =	vld [tilespmem:$0xC1B0];
	_ =	sdelay $0x4  }
0x1a2: {  	[tilespmem:v56+s14+$0x0] =	vst.idx.msk $0xffff, v18  }
0x1a3: {  	v18 =	vld [tilespmem:$0xC5B0];
	_ =	sdelay $0x4  }
0x1a4: {  	[tilespmem:v57+s14+$0x0] =	vst.idx.msk $0xffff, v18  }
0x1a5: {  	v18 =	vld [tilespmem:$0xC230];
	_ =	sdelay $0x4  }
0x1a6: {  	[tilespmem:v58+s14+$0x0] =	vst.idx.msk $0xffff, v18  }
0x1a7: {  	v18 =	vld [tilespmem:$0xC630];
	_ =	sdelay $0x4  }
0x1a8: {  	[tilespmem:v59+s14+$0x0] =	vst.idx.msk $0xffff, v18  }
0x1a9: {  	v18 =	vld [tilespmem:$0xC2B0];
	_ =	sdelay $0x4  }
0x1aa: {  	[tilespmem:v60+s14+$0x0] =	vst.idx.msk $0xffff, v18  }
0x1ab: {  	v18 =	vld [tilespmem:$0xC6B0];
	_ =	sdelay $0x4  }
0x1ac: {  	[tilespmem:v61+s14+$0x0] =	vst.idx.msk $0xffff, v18  }
0x1ad: {  	v62 =	vor.u32 $0x306, v0;
	v18 =	vld [tilespmem:$0xC330];
	_ =	sdelay $0x4  }
0x1ae: {  	[tilespmem:v62+s14+$0x0] =	vst.idx.msk $0xffff, v18  }
0x1af: {  	v62 =	vor.u32 $0x30E, v0;
	v18 =	vld [tilespmem:$0xC730];
	_ =	sdelay $0x4  }
0x1b0: {  	[tilespmem:v62+s14+$0x0] =	vst.idx.msk $0xffff, v18  }
0x1b1: {  	v62 =	vor.u32 $0x307, v0;
	v18 =	vld [tilespmem:$0xC3B0];
	_ =	sdelay $0x4  }
0x1b2: {  	[tilespmem:v62+s14+$0x0] =	vst.idx.msk $0xffff, v18  }
0x1b3: {  	v62 =	vor.u32 $0x30F, v0;
	v18 =	vld [tilespmem:$0xC7B0];
	_ =	sdelay $0x4  }
.Ltmp12:
0x1b4: {  	[tilespmem:v62+s14+$0x0] =	vst.idx.msk $0xffff, v18;
	(pc) =	sbr.rel .LBB2_14-.Ltmp12, $4  }
0x1b5: {  	[hbm4b:s10+s4] =	stream.linear.scatter [tilespmem:s14], [sflag:$0x5], $0x400, $0x38;
	[tilespmem:$0xC800] =	vst v63  }
0x1b6: {  	_ =	swait.ge [sflag:s21], $0x400  }
0x1b7: {  	[sflag:s21] =	ssyncset.done $0x0  }
0x1b8: {  	[sflag:s21] =	ssyncadd.s32 $0xFFFFFC00  }
.LBB2_15:
0x1b9: {  	_ =	sfence.sel $0x180000  }
0x1ba: {  	[bflag:$0x0] =	sbarrier.arrive $0xFFFF  }
0x1bb: {  	_ =	strace $0x90000047  }
0x1bc: {  	[bflag:$0x2] =	sbarrier.arrive $0xFFFF  }
0x1bd: {  	p0 =	sne.s32 s0, $0x0;
	s0 =	rddreg [dreg:$0x2]  }
0x1be: {  	s0 =	sadd.s32 @!p0 $0x100000, s0  }
0x1bf: {  	[sflag:s0] =	ssyncadd.tile.s32 @!p0 $0x1;
	_ =	shalt  }
.Lfunc_end2:
_tile_overlayer_lowered:
.L_overlay_start_2:
0x1c0: {  	(tag) =	ssettag $0x2  }
0x1c1: {  	s0 =	rddreg [dreg:$0x0];
	s2 =	stileid.u32  }
0x1c2: {  	s1 =	rddreg [dreg:$0x1];
	p0 =	sne.s32 s2, $0x0  }
0x1c3: {  	s3 =	rddreg [dreg:$0x2];
	[bflag:$0x3] =	sbarrier.arrive $0xFFFF;
	s2 =	simm.s32 @!p0 $0x1C05  }
0x1c4: {  	[timem:s3], [sflag:s2] =	dma.local @!p0 [hbm:s0], s1  }
0x1c5: {  	s0 =	simm.s32 @!p0 $0x5  }
0x1c6: {  	_ =	swait.ge @!p0 [sflag:s0], s1  }
0x1c7: {  	s1 =	ssub.s32 @!p0 $0x0, s1;
	[sflag:s0] =	ssyncset.done @!p0 $0x0  }
0x1c8: {  	[sflag:s0] =	ssyncadd.s32 @!p0 s1  }
0x1c9: {  	[bflag:$0x3] =	sbarrier.arrive $0xFFFF  }
0x1ca: {  	_ =	shalt  }

// kernel: kernel.8.cloned.1.call-start
scs
__scs_entry_jumppad:
0x0: {  	(pc) =	sbr.rel $0x88, $3  }
0x1: {  	(tag) =	ssettag $0x0;
	lr =	simm.s32 $0x1  }
0x2: {  	[smem:$0x3F9D] =	sst lr;
	_ =	strace $0xD0000000  }
0x3: {  	_ = 	snop  }
0x4: {  	_ = 	snop  }
0x5: {  	_ = 	snop  }
0x6: {  	_ = 	snop  }
0x7: {  	_ = 	snop  }
__scs_overlays_trampoline_lowered:
0x8: {  	[smem:$0x3FAC] =	sst s0  }
0x9: {  	[smem:$0x3FAD] =	sst s1  }
0xa: {  	[smem:$0x3FAE] =	sst s2  }
0xb: {  	[smem:$0x3FAF] =	sst s3  }
0xc: {  	[smem:$0x3FB0] =	sst s4  }
0xd: {  	[smem:$0x3FB1] =	sst s5  }
0xe: {  	[smem:$0x3FB2] =	sst s6  }
0xf: {  	[smem:$0x3FB3] =	sst s7  }
0x10: {  	[smem:$0x3FB4] =	sst s8  }
0x11: {  	[smem:$0x3FB5] =	sst s9;
	s0 =	simm.s32 @!p0 $0x0  }
0x12: {  	s1 =	sld [smem:$0x3F9B];
	s0 =	simm.s32 @p0 $0x1  }
0x13: {  	[smem:$0x3FB6] =	sst s0;
	s0 =	simm.s32 @!p1 $0x0  }
0x14: {  	s2 =	sld [smem:$0x3F9A];
	s0 =	simm.s32 @p1 $0x1  }
0x15: {  	[smem:$0x3FB7] =	sst s0;
	s0 =	simm.s32 @!p2 $0x0  }
0x16: {  	s3 =	sld [smem:$0x3FDB];
	s0 =	simm.s32 @p2 $0x1  }
0x17: {  	s4 =	simm.s32 $0x1BF5;
	[smem:$0x3FB9] =	sst s0  }
0x18: {  	s0 =	sld [smem:$0x3F9C];
	_ =	swait.ge [sflag:s4], $0x0  }
0x19: {  	s7 =	sld [smem:$0x3F9D]  }
0x1a: {  	s8 =	sadd.s32 $0xFFFFE003, lr  }
0x1b: {  	s9 =	sadd.s32 $0xFFFFFEF7, lr;
	s5 =	simm.s32 $0xFFFFFFFF;
	p2 =	slt.u32 s8, $0xFFFFF086  }
0x1c: {  	p1 =	slt.u32 s9, $0xF7A;
	s5 =	simm.s32 @!p2 $0x0  }
0x1d: {  	s5 =	simm.s32 @p1 $0x1;
	p0 =	seq.s32 s7, s2  }
0x1e: {  	s7 =	smul.u32 @!p0 $0xF7A, s2;
	p2 =	seq.s32 @!p0 s5, $0x0  }
0x1f: {  	s9 =	smul.u32 $0xF7A, s1;
	s8 =	simm.s32 @!p0 $0x1BF5;
	p2 =	por !p2, p0  }
0x20: {  	[sflag:s8] =	ssyncset.s32 @!p0 $0xFFFFF086;
	s6 =	sadd.s32 @!p0 s3, s7;
	s7 =	simm.s32 @!p0 $0x108  }
0x21: {  	s3 =	sadd.s32 s3, s9;
	s6 =	sadd.s32 @!p0 $0x88, s6;
	s7 =	simm.s32 @p2 $0x1082  }
0x22: {  	[simem:s7], [sflag:s8] =	dma.local @!p0 [hbm:s6], $0xF7A  }
0x23: {  	s9 =	sor.u32 $0xD0000000, s2;
	s6 =	simm.s32 $0x108;
	_ =	swait.ge @!p0 [sflag:s8], $0x0  }
0x24: {  	s3 =	sadd.s32 $0x88, s3;
	s6 =	simm.s32 @!p1 $0x1082;
	[sflag:s4] =	ssyncset.s32 $0xFFFFF086  }
0x25: {  	[simem:s6], [sflag:s4] =	dma.local [hbm:s3], $0xF7A  }
0x26: {  	[smem:$0x3F9D] =	sst s1;
	(tag) =	ssettag s2;
	_ =	strace s9  }
0x27: {  	s1 =	sld [smem:$0x3FAD]  }
0x28: {  	s2 =	sld [smem:$0x3FAE]  }
0x29: {  	s4 =	sld [smem:$0x3FB0]  }
0x2a: {  	p0 =	seq.s32 s5, $0x0;
	s5 =	sld [smem:$0x3FB1]  }
0x2b: {  	s6 =	sld [smem:$0x3FB2]  }
0x2c: {  	s7 =	sld [smem:$0x3FB3]  }
0x2d: {  	s3 =	simm.s32 $0x108;
	s8 =	sld [smem:$0x3FB4]  }
0x2e: {  	s3 =	simm.s32 @!p0 $0x1082;
	s9 =	sld [smem:$0x3FB5]  }
0x2f: {  	lr =	sadd.s32 s0, s3;
	s0 =	sld [smem:$0x3FAC]  }
0x30: {  	s3 =	sld [smem:$0x3FAF]  }
0x31: {  	[smem:$0x3FB8] =	sst s10  }
0x32: {  	s10 =	sld [smem:$0x3FB6];
	_ =	sdelay $0x3  }
0x33: {  	p0 =	seq.s32 s10, $0x1;
	s10 =	sld [smem:$0x3FB8];
	_ =	sdelay $0x3  }
0x34: {  	[smem:$0x3FB8] =	sst s10  }
0x35: {  	s10 =	sld [smem:$0x3FB7];
	_ =	sdelay $0x3  }
0x36: {  	p1 =	seq.s32 s10, $0x1;
	s10 =	sld [smem:$0x3FB8];
	_ =	sdelay $0x3  }
0x37: {  	[smem:$0x3FB8] =	sst s10  }
0x38: {  	s10 =	sld [smem:$0x3FB9]  }
0x39: {  	_ = 	snop;
	(pc) =	sbr.ind lr, $3  }
0x3a: {  	_ = 	snop  }
0x3b: {  	_ = 	snop  }
0x3c: {  	p2 =	seq.s32 s10, $0x1;
	s10 =	sld [smem:$0x3FB8]  }
0x3d: {  	_ =	shalt  }
0x3e: {  	_ =	shalt  }
0x3f: {  	_ =	shalt  }
0x40: {  	_ =	shalt  }
0x41: {  	_ =	shalt  }
0x42: {  	_ =	shalt  }
0x43: {  	_ =	shalt  }
0x44: {  	_ =	shalt  }
0x45: {  	_ =	shalt  }
0x46: {  	_ =	shalt  }
0x47: {  	_ =	shalt  }
0x48: {  	_ =	shalt  }
0x49: {  	_ =	shalt  }
0x4a: {  	_ =	shalt  }
0x4b: {  	_ =	shalt  }
0x4c: {  	_ =	shalt  }
0x4d: {  	_ =	shalt  }
0x4e: {  	_ =	shalt  }
0x4f: {  	_ =	shalt  }
0x50: {  	_ =	shalt  }
0x51: {  	_ =	shalt  }
0x52: {  	_ =	shalt  }
0x53: {  	_ =	shalt  }
0x54: {  	_ =	shalt  }
0x55: {  	_ =	shalt  }
0x56: {  	_ =	shalt  }
0x57: {  	_ =	shalt  }
0x58: {  	_ =	shalt  }
0x59: {  	_ =	shalt  }
0x5a: {  	_ =	shalt  }
0x5b: {  	_ =	shalt  }
0x5c: {  	_ =	shalt  }
0x5d: {  	_ =	shalt  }
0x5e: {  	_ =	shalt  }
0x5f: {  	_ =	shalt  }
0x60: {  	_ =	shalt  }
0x61: {  	_ =	shalt  }
0x62: {  	_ =	shalt  }
0x63: {  	_ =	shalt  }
0x64: {  	_ =	shalt  }
0x65: {  	_ =	shalt  }
0x66: {  	_ =	shalt  }
0x67: {  	_ =	shalt  }
0x68: {  	_ =	shalt  }
0x69: {  	_ =	shalt  }
0x6a: {  	_ =	shalt  }
0x6b: {  	_ =	shalt  }
0x6c: {  	_ =	shalt  }
0x6d: {  	_ =	shalt  }
0x6e: {  	_ =	shalt  }
0x6f: {  	_ =	shalt  }
0x70: {  	_ =	shalt  }
0x71: {  	_ =	shalt  }
0x72: {  	_ =	shalt  }
0x73: {  	_ =	shalt  }
0x74: {  	_ =	shalt  }
0x75: {  	_ =	shalt  }
0x76: {  	_ =	shalt  }
0x77: {  	_ =	shalt  }
0x78: {  	_ =	shalt  }
0x79: {  	_ =	shalt  }
0x7a: {  	_ =	shalt  }
0x7b: {  	_ =	shalt  }
0x7c: {  	_ =	shalt  }
0x7d: {  	_ =	shalt  }
0x7e: {  	_ =	shalt  }
0x7f: {  	_ =	shalt  }
0x80: {  	_ =	shalt  }
0x81: {  	_ =	shalt  }
0x82: {  	_ =	shalt  }
0x83: {  	_ =	shalt  }
0x84: {  	_ =	shalt  }
0x85: {  	_ =	shalt  }
0x86: {  	_ =	shalt  }
0x87: {  	_ =	shalt  }
.Lfunc_end0:
.L_simem_size_0:
called_computation.1_lowered:
.L_overlay_start_0:
0x88: {  	s2 =	sld [smem:$0x3FD9]  }
0x89: {  	s3 =	sld [smem:$0x3FFE];
	_ =	sdelay $0x1  }
0x8a: {  	s1 =	srdreg.scid  }
0x8b: {  	s0 =	sand.u32 $0x1, s1  }
0x8c: {  	s16 =	sshll.u32 s0, $0xA;
	s2 =	sadd.s32 s3, s2  }
0x8d: {  	s2 =	sadd.s32 s2, s16  }
0x8e: {  	[smem:$0x3FC4] =	sst s2  }
0x8f: {  	_ = 	snop  }
0x90: {  	(tm) =	ssettm $0x1  }
0x91: {  	s17 =	sld [smem:$0x3FFB];
	_ =	sdelay $0x3  }
0x92: {  	_ =	strace s17  }
0x93: {  	s2 =	sld [smem:$0x3FFC];
	_ =	sdelay $0x3  }
0x94: {  	_ =	strace s2  }
0x95: {  	s2 =	sld [smem:$0x3FFD];
	_ =	sdelay $0x3  }
0x96: {  	_ =	strace s2  }
0x97: {  	_ =	strace $0x8FFFFFFF  }
0x98: {  	s18 =	sld [smem:$0x3FDB];
	_ =	sdelay $0x1  }
0x99: {  	s19 =	simm.s32 $_scs_section_size  }
0x9a: {  	s4 =	simm.s32 $_size__tile_overlayer_lowered;
	s5 =	simm.s32 $_tile_overlayer_lowered  }
0x9b: {  	s22 =	simm.s32 $0x1BFF;
	s21 =	sshll.u32 s5, $0x1;
	s2 =	sadd.s32 s19, s18  }
0x9c: {  	s6 =	simm.s32 $0x0;
	s20 =	sshll.u32 s4, $0x1;
	s4 =	sadd.s32 s21, s2  }
0x9d: {  	[timem:s6], [sflag:s22] =	dma.local [hbm:s4], s20  }
0x9e: {  	_ =	swait.ge [sflag:s22], s20  }
0x9f: {  	s3 =	ssub.s32 $0x0, s20;
	[sflag:s22] =	ssyncset.done $0x0  }
0xa0: {  	[sflag:s22] =	ssyncadd.s32 s3;
	_ =	sdelay $0x1  }
0xa1: {  	s23 =	simm.s32 $0x1B8B  }
0xa2: {  	_ =	swait.ge [sflag:s23], $0x1  }
0xa3: {  	[sflag:s23] =	ssyncset.done $0x0  }
0xa4: {  	s25 =	simm.s32 $0x1B8E;
	s24 =	sld [smem:$0x3FFE];
	[sflag:s23] =	ssyncadd.s32 $0xFFFFFFFF  }
0xa5: {  	s26 =	simm.s32 $execute0_lowered;
	[smem:$0x3FD2] =	sst s25  }
0xa6: {  	s4 =	sshll.u32 s26, $0x1;
	_ =	strace $0x80000049;
	[dreg:$0x1] =	wrdreg $0xFFFFFFFF  }
0xa7: {  	s28 =	simm.s32 $_size_execute0_lowered;
	s2 =	sadd.s32 s2, s4;
	[dreg:$0x0] =	wrdreg $0x0  }
0xa8: {  	s4 =	sshll.u32 s28, $0x1;
	[dreg:$0x2] =	wrdreg s2  }
0xa9: {  	[dreg:$0x3] =	wrdreg s4  }
0xaa: {  	[dreg:$0x4] =	wrdreg $0xC0  }
0xab: {  	_ =	task [dreg:s6], $0x5FFFF  }
0xac: {  	[dreg:$0x1] =	wrdreg $0xFFFFFFFF  }
0xad: {  	[dreg:$0x0] =	wrdreg $0x60  }
0xae: {  	[dreg:$0x2] =	wrdreg s24  }
0xaf: {  	[dreg:$0x3] =	wrdreg $0x9  }
0xb0: {  	_ =	task.clear_ibuf [dreg:s6], $0x4FFFF;
	_ =	strace $0x90000049  }
0xb1: {  	s29 =	simm.s32 $0x9;
	_ =	strace $0x8000004B  }
0xb2: {  	_ =	swait.ge [sflag:s29], $0x1  }
0xb3: {  	[sflag:s29] =	ssyncadd.s32 $0xFFFFFFFF  }
0xb4: {  	_ =	strace $0x9000004B  }
0xb5: {  	_ =	sfence  }
0xb6: {  	s30 =	sld [smem:$0x0];
	_ =	sdelay $0x2  }
0xb7: {  	s31 =	sshll.u32 s1, $0xD;
	s1 =	sshrl.u32 s1, $0x2  }
0xb8: {  	s3 =	sand.u32 $0x4000, s31;
	s1 =	sadd.s32 s1, s30  }
0xb9: {  	s0 =	sor.u32 s3, s0;
	s1 =	sshll.u32 s1, $0x11  }
0xba: {  	s0 =	sor.u32 s1, s0  }
0xbb: {  	s0 =	sadd.s32 $0x8F2B, s0  }
0xbc: {  	[sflag:s0] =	ssyncadd.remote.s32 $0x1  }
0xbd: {  	_ =	sfence.sel $0xFFFF  }
0xbe: {  	[dreg:$0x0] =	wrdreg $0xFFFFFFFF;
	(pc) =	sbr.abs _section_cstart, $3  }
0xbf: {  	[dreg:$0x1] =	wrdreg $0xFFFFFFFF  }
0xc0: {  	_ =	task.clear_ibuf [dreg:s6], $0x2FFFF;
	_ =	strace $0x9FFFFFFF  }
0xc1: {  	(tm) =	ssettm $0x7FFFFFFF  }
tec
execute0_lowered:
.L_overlay_start_1:
0x0: {  	(tag) =	ssettag $0x1  }
0x1: {  	s0 =	rddreg [dreg:$0x0];
	s2 =	simm.s32 $0x0;
	s1 =	srdreg.scid  }
0x2: {  	s3 =	stileid.u32;
	s29 =	simm.s32 $0x680;
	s30 =	simm.s32 $0x1380  }
0x3: {  	s28 =	simm.s32 $0x1CB00;
	s19 =	simm.s32 $0x1D300;
	[smem:$0x7FF] =	sst s2  }
0x4: {  	s5 =	sshll.u32 s3, $0x1;
	s3 =	sadd.s32 $0x1E9A00, s0;
	s4 =	sadd.s32 $0x1F6A00, s0  }
0x5: {  	s1 =	sand.u32 $0x1, s1;
	s6 =	sadd.s32 $0x1400, s0;
	s7 =	sadd.s32 $0x218A00, s0  }
0x6: {  	s8 =	sadd.s32 $0x210A00, s0;
	_ =	strace $0x8000004A;
	s9 =	sor.u32 s1, s5  }
0x7: {  	s5 =	sadd.s32 $0x203A00, s0;
	s1 =	ssub.s32 $0x2, s1;
	s10 =	smul.u32 $0x680, s9  }
0x8: {  	s11 =	sshrl.u32 s1, $0x1;
	s12 =	smul.u32 $0x3400, s9;
	s25 =	sshll.u32 s9, $0x9  }
0x9: {  	s15 =	sshll.u32 s9, $0xA;
	s9 =	simm.s32 $0x6;
	s21 =	ssub.s32 s1, s11  }
0xa: {  	s16 =	sor.u32 $0x80, s25;
	s17 =	sor.u32 $0xC0, s25;
	s22 =	sadd.s32 s3, s10  }
0xb: {  	s23 =	sadd.s32 s4, s10;
	s24 =	sshrl.u32 s12, $0x3;
	[dreg:$0x2] =	wrdreg s22  }
0xc: {  	s10 =	sadd.s32 s5, s10;
	s0 =	smax.u32 s21, $0x1;
	[dreg:$0x3] =	wrdreg s23  }
.Ltmp0:
0xd: {  	[dreg:$0x4] =	wrdreg s10;
	s1 =	sadd.s32 $0xD0, s24;
	(pc) =	sbr.rel .LBB2_1-.Ltmp0, $4  }
0xe: {  	s11 =	simm.s32 $0x0;
	[dreg:$0x8] =	wrdreg s0;
	s26 =	sadd.s32 s3, s1  }
0xf: {  	s22 =	simm.s32 $0x80;
	s31 =	sadd.s32 s4, s1;
	[dreg:$0x5] =	wrdreg s26  }
0x10: {  	s0 =	simm.s32 $0x3;
	s1 =	sadd.s32 s5, s1;
	[dreg:$0x6] =	wrdreg s31  }
0x11: {  	[dreg:$0x7] =	wrdreg s1;
	s1 =	simm.s32 $0x2;
	s26 =	simm.s32 $0x4  }
.LBB2_8:
0x12: {  	s10 =	simm.s32 $0x5  }
0x13: {  	_ =	swait.ge [sflag:s10], $0x400  }
0x14: {  	[sflag:s10] =	ssyncset.done $0x0  }
0x15: {  	[sflag:s10] =	ssyncadd.s32 $0xFFFFFC00  }
0x16: {  	_ =	swait.ge [sflag:s10], $0x400  }
0x17: {  	[sflag:s10] =	ssyncset.done $0x0  }
0x18: {  	[sflag:s10] =	ssyncadd.s32 $0xFFFFFC00  }
0x19: {  	_ =	swait.ge [sflag:s9], $0x400  }
0x1a: {  	[sflag:s9] =	ssyncset.done $0x0  }
0x1b: {  	[sflag:s9] =	ssyncadd.s32 $0xFFFFFC00  }
0x1c: {  	_ =	swait.ge [sflag:s9], $0x400  }
0x1d: {  	s11 =	rddreg [dreg:$0x9]  }
0x1e: {  	s31 =	rddreg [dreg:$0x8];
	s11 =	sadd.s32 $0x1, s11  }
0x1f: {  	p0 =	sne.s32 s11, s31  }
.Ltmp1:
0x20: {  	_ = 	snop;
	(pc) =	sbr.rel @!p0 .LBB2_9-.Ltmp1, $3  }
0x21: {  	_ =	sdelay $0x1  }
0x22: {  	[sflag:s9] =	ssyncset.done $0x0  }
0x23: {  	[sflag:s9] =	ssyncadd.s32 $0xFFFFFC00  }
.LBB2_1:
0x24: {  	[dreg:$0x9] =	wrdreg s11  }
0x25: {  	s10 =	rddreg [dreg:$0x2]  }
0x26: {  	[tilespmem:s2], [sflag:$0x1] =	stream.linear.gather [hbm4b:s10+s2], $0x680, $0x38;
	[tilespmem:$0x1D700] =	vst v63  }
0x27: {  	s20 =	rddreg [dreg:$0x3];
	s21 =	simm.s32 $0xD00  }
0x28: {  	[tilespmem:s21], [sflag:$0x1] =	stream.linear.gather [hbm4b:s20+s2], $0x680, $0x38;
	[tilespmem:$0x1D700] =	vst v63  }
0x29: {  	s23 =	rddreg [dreg:$0x4];
	s12 =	simm.s32 $0x1A00;
	s24 =	simm.s32 $0x1  }
0x2a: {  	[tilespmem:s12], [sflag:$0x1] =	stream.linear.gather [hbm4b:s23+s2], $0x680, $0x38;
	[tilespmem:$0x1D700] =	vst v63  }
0x2b: {  	_ =	swait.ge [sflag:s24], $0x680  }
0x2c: {  	[sflag:s24] =	ssyncset.done $0x0  }
0x2d: {  	[sflag:s24] =	ssyncadd.s32 $0xFFFFF980  }
0x2e: {  	_ =	swait.ge [sflag:s24], $0x680  }
0x2f: {  	[sflag:s24] =	ssyncset.done $0x0  }
0x30: {  	[sflag:s24] =	ssyncadd.s32 $0xFFFFF980  }
0x31: {  	_ =	swait.ge [sflag:s24], $0x680  }
0x32: {  	[sflag:s24] =	ssyncset.done $0x0  }
0x33: {  	s25 =	simm.s32 $0x2700;
	[sflag:s24] =	ssyncadd.s32 $0xFFFFF980  }
0x34: {  	[tilespmem:s25], [sflag:$0x3] =	stream.indirect.gather [hbm4b:s6+s22], $0x10, s2, s22, $0xb8;
	[tilespmem:$0x1D700] =	vst v63  }
0x35: {  	s31 =	simm.s32 $0xF700  }
0x36: {  	[tilespmem:s31], [sflag:$0x3] =	stream.indirect.gather [hbm4b:s6+s22], $0x10, s21, s22, $0xb8;
	[tilespmem:$0x1D700] =	vst v63  }
0x37: {  	s11 =	simm.s32 $0x2F00  }
0x38: {  	[tilespmem:s11], [sflag:$0x3] =	stream.indirect.gather [hbm4b:s6+s22], $0x10, s22, s22, $0xb8;
	[tilespmem:$0x1D700] =	vst v63  }
0x39: {  	s13 =	simm.s32 $0xFF00;
	s12 =	simm.s32 $0xD80  }
0x3a: {  	[tilespmem:s13], [sflag:$0x3] =	stream.indirect.gather [hbm4b:s6+s22], $0x10, s12, s22, $0xb8;
	[tilespmem:$0x1D700] =	vst v63  }
0x3b: {  	s14 =	simm.s32 $0x100;
	s18 =	simm.s32 $0x3700  }
0x3c: {  	[tilespmem:s18], [sflag:$0x3] =	stream.indirect.gather [hbm4b:s6+s22], $0x10, s14, s22, $0xb8;
	[tilespmem:$0x1D700] =	vst v63  }
0x3d: {  	s20 =	simm.s32 $0xE00;
	s21 =	simm.s32 $0x10700  }
0x3e: {  	[tilespmem:s21], [sflag:$0x3] =	stream.indirect.gather [hbm4b:s6+s22], $0x10, s20, s22, $0xb8;
	[tilespmem:$0x1D700] =	vst v63  }
0x3f: {  	s23 =	simm.s32 $0x180;
	s24 =	simm.s32 $0x3F00  }
0x40: {  	[tilespmem:s24], [sflag:$0x3] =	stream.indirect.gather [hbm4b:s6+s22], $0x10, s23, s22, $0xb8;
	[tilespmem:$0x1D700] =	vst v63  }
0x41: {  	s25 =	simm.s32 $0xE80;
	s31 =	simm.s32 $0x10F00  }
0x42: {  	[tilespmem:s31], [sflag:$0x3] =	stream.indirect.gather [hbm4b:s6+s22], $0x10, s25, s22, $0xb8;
	[tilespmem:$0x1D700] =	vst v63  }
0x43: {  	s12 =	simm.s32 $0x200;
	s13 =	simm.s32 $0x4700  }
0x44: {  	[tilespmem:s13], [sflag:$0x3] =	stream.indirect.gather [hbm4b:s6+s22], $0x10, s12, s22, $0xb8;
	[tilespmem:$0x1D700] =	vst v63  }
0x45: {  	s14 =	simm.s32 $0xF00;
	s18 =	simm.s32 $0x11700  }
0x46: {  	[tilespmem:s18], [sflag:$0x3] =	stream.indirect.gather [hbm4b:s6+s22], $0x10, s14, s22, $0xb8;
	[tilespmem:$0x1D700] =	vst v63  }
0x47: {  	s20 =	simm.s32 $0x280;
	s21 =	simm.s32 $0x4F00  }
0x48: {  	[tilespmem:s21], [sflag:$0x3] =	stream.indirect.gather [hbm4b:s6+s22], $0x10, s20, s22, $0xb8;
	[tilespmem:$0x1D700] =	vst v63  }
0x49: {  	s23 =	simm.s32 $0xF80;
	s24 =	simm.s32 $0x11F00  }
0x4a: {  	[tilespmem:s24], [sflag:$0x3] =	stream.indirect.gather [hbm4b:s6+s22], $0x10, s23, s22, $0xb8;
	[tilespmem:$0x1D700] =	vst v63  }
0x4b: {  	s25 =	simm.s32 $0x300;
	s31 =	simm.s32 $0x5700  }
0x4c: {  	[tilespmem:s31], [sflag:$0x3] =	stream.indirect.gather [hbm4b:s6+s22], $0x10, s25, s22, $0xb8;
	[tilespmem:$0x1D700] =	vst v63  }
0x4d: {  	s12 =	simm.s32 $0x1000;
	s13 =	simm.s32 $0x12700  }
0x4e: {  	[tilespmem:s13], [sflag:$0x3] =	stream.indirect.gather [hbm4b:s6+s22], $0x10, s12, s22, $0xb8;
	[tilespmem:$0x1D700] =	vst v63  }
0x4f: {  	s14 =	simm.s32 $0x380;
	s18 =	simm.s32 $0x5F00  }
0x50: {  	[tilespmem:s18], [sflag:$0x3] =	stream.indirect.gather [hbm4b:s6+s22], $0x10, s14, s22, $0xb8;
	[tilespmem:$0x1D700] =	vst v63  }
0x51: {  	s20 =	simm.s32 $0x1080;
	s21 =	simm.s32 $0x12F00  }
0x52: {  	[tilespmem:s21], [sflag:$0x3] =	stream.indirect.gather [hbm4b:s6+s22], $0x10, s20, s22, $0xb8;
	[tilespmem:$0x1D700] =	vst v63  }
0x53: {  	s23 =	simm.s32 $0x400;
	s24 =	simm.s32 $0x6700  }
0x54: {  	[tilespmem:s24], [sflag:$0x3] =	stream.indirect.gather [hbm4b:s6+s22], $0x10, s23, s22, $0xb8;
	[tilespmem:$0x1D700] =	vst v63  }
0x55: {  	s25 =	simm.s32 $0x1100;
	s31 =	simm.s32 $0x13700  }
0x56: {  	[tilespmem:s31], [sflag:$0x3] =	stream.indirect.gather [hbm4b:s6+s22], $0x10, s25, s22, $0xb8;
	[tilespmem:$0x1D700] =	vst v63  }
0x57: {  	s12 =	simm.s32 $0x480;
	s13 =	simm.s32 $0x6F00  }
0x58: {  	[tilespmem:s13], [sflag:$0x3] =	stream.indirect.gather [hbm4b:s6+s22], $0x10, s12, s22, $0xb8;
	[tilespmem:$0x1D700] =	vst v63  }
0x59: {  	s14 =	simm.s32 $0x1180;
	s18 =	simm.s32 $0x13F00  }
0x5a: {  	[tilespmem:s18], [sflag:$0x3] =	stream.indirect.gather [hbm4b:s6+s22], $0x10, s14, s22, $0xb8;
	[tilespmem:$0x1D700] =	vst v63  }
0x5b: {  	s20 =	simm.s32 $0x500;
	s21 =	simm.s32 $0x7700  }
0x5c: {  	[tilespmem:s21], [sflag:$0x3] =	stream.indirect.gather [hbm4b:s6+s22], $0x10, s20, s22, $0xb8;
	[tilespmem:$0x1D700] =	vst v63  }
0x5d: {  	s23 =	simm.s32 $0x1200;
	s24 =	simm.s32 $0x14700  }
0x5e: {  	[tilespmem:s24], [sflag:$0x3] =	stream.indirect.gather [hbm4b:s6+s22], $0x10, s23, s22, $0xb8;
	[tilespmem:$0x1D700] =	vst v63  }
0x5f: {  	s25 =	simm.s32 $0x580;
	s31 =	simm.s32 $0x7F00  }
0x60: {  	[tilespmem:s31], [sflag:$0x3] =	stream.indirect.gather [hbm4b:s6+s22], $0x10, s25, s22, $0xb8;
	[tilespmem:$0x1D700] =	vst v63  }
0x61: {  	s12 =	simm.s32 $0x1280;
	s13 =	simm.s32 $0x14F00  }
0x62: {  	[tilespmem:s13], [sflag:$0x3] =	stream.indirect.gather [hbm4b:s6+s22], $0x10, s12, s22, $0xb8;
	[tilespmem:$0x1D700] =	vst v63  }
0x63: {  	s14 =	simm.s32 $0x600;
	s18 =	simm.s32 $0x8700  }
0x64: {  	[tilespmem:s18], [sflag:$0x3] =	stream.indirect.gather [hbm4b:s6+s22], $0x10, s14, s22, $0xb8;
	[tilespmem:$0x1D700] =	vst v63  }
0x65: {  	s20 =	simm.s32 $0x1300;
	s21 =	simm.s32 $0x15700  }
0x66: {  	[tilespmem:s21], [sflag:$0x3] =	stream.indirect.gather [hbm4b:s6+s22], $0x10, s20, s22, $0xb8;
	[tilespmem:$0x1D700] =	vst v63  }
0x67: {  	s23 =	rddreg [dreg:$0x5]  }
0x68: {  	[tilespmem:s29], [sflag:$0x2] =	stream.linear.gather [hbm4b:s23+s2], $0x680, $0x38;
	[tilespmem:$0x1D700] =	vst v63  }
0x69: {  	s24 =	rddreg [dreg:$0x6]  }
0x6a: {  	[tilespmem:s30], [sflag:$0x2] =	stream.linear.gather [hbm4b:s24+s2], $0x680, $0x38;
	[tilespmem:$0x1D700] =	vst v63  }
0x6b: {  	s10 =	simm.s32 $0x0;
	s25 =	rddreg [dreg:$0x7];
	s31 =	simm.s32 $0x2080  }
0x6c: {  	[tilespmem:s31], [sflag:$0x2] =	stream.linear.gather [hbm4b:s25+s2], $0x680, $0x38;
	[tilespmem:$0x1D700] =	vst v63  }
.LBB2_2:
0x6d: {  	_ =	swait.ge [sflag:s0], $0x800  }
0x6e: {  	[sflag:s0] =	ssyncset.done $0x0  }
0x6f: {  	[sflag:s0] =	ssyncadd.s32 $0xFFFFF800  }
0x70: {  	_ =	swait.ge [sflag:s0], $0x800  }
0x71: {  	[sflag:s0] =	ssyncset.done $0x0  }
0x72: {  	[sflag:s0] =	ssyncadd.s32 $0xFFFFF800  }
0x73: {  	_ =	swait.ge [sflag:s0], $0x800  }
0x74: {  	[sflag:s0] =	ssyncset.done $0x0  }
0x75: {  	[sflag:s0] =	ssyncadd.s32 $0xFFFFF800  }
0x76: {  	_ =	swait.ge [sflag:s0], $0x800  }
0x77: {  	[sflag:s0] =	ssyncset.done $0x0  }
0x78: {  	[sflag:s0] =	ssyncadd.s32 $0xFFFFF800  }
0x79: {  	_ =	swait.ge [sflag:s0], $0x800  }
0x7a: {  	[sflag:s0] =	ssyncset.done $0x0  }
0x7b: {  	[sflag:s0] =	ssyncadd.s32 $0xFFFFF800  }
0x7c: {  	_ =	swait.ge [sflag:s0], $0x800  }
0x7d: {  	[sflag:s0] =	ssyncset.done $0x0  }
0x7e: {  	[sflag:s0] =	ssyncadd.s32 $0xFFFFF800  }
0x7f: {  	_ =	swait.ge [sflag:s0], $0x800  }
0x80: {  	[sflag:s0] =	ssyncset.done $0x0  }
0x81: {  	[sflag:s0] =	ssyncadd.s32 $0xFFFFF800  }
0x82: {  	_ =	swait.ge [sflag:s0], $0x800  }
0x83: {  	[sflag:s0] =	ssyncset.done $0x0  }
0x84: {  	[sflag:s0] =	ssyncadd.s32 $0xFFFFF800  }
0x85: {  	_ =	swait.ge [sflag:s0], $0x800  }
0x86: {  	[sflag:s0] =	ssyncset.done $0x0  }
0x87: {  	[sflag:s0] =	ssyncadd.s32 $0xFFFFF800  }
0x88: {  	_ =	swait.ge [sflag:s0], $0x800  }
0x89: {  	[sflag:s0] =	ssyncset.done $0x0  }
0x8a: {  	[sflag:s0] =	ssyncadd.s32 $0xFFFFF800  }
0x8b: {  	_ =	swait.ge [sflag:s0], $0x800  }
0x8c: {  	[sflag:s0] =	ssyncset.done $0x0  }
0x8d: {  	[sflag:s0] =	ssyncadd.s32 $0xFFFFF800  }
0x8e: {  	_ =	swait.ge [sflag:s0], $0x800  }
0x8f: {  	[sflag:s0] =	ssyncset.done $0x0  }
0x90: {  	[sflag:s0] =	ssyncadd.s32 $0xFFFFF800  }
0x91: {  	_ =	swait.ge [sflag:s0], $0x800  }
0x92: {  	[sflag:s0] =	ssyncset.done $0x0  }
0x93: {  	[sflag:s0] =	ssyncadd.s32 $0xFFFFF800  }
0x94: {  	_ =	swait.ge [sflag:s0], $0x800  }
0x95: {  	[sflag:s0] =	ssyncset.done $0x0  }
0x96: {  	[sflag:s0] =	ssyncadd.s32 $0xFFFFF800  }
0x97: {  	_ =	swait.ge [sflag:s0], $0x800  }
0x98: {  	[sflag:s0] =	ssyncset.done $0x0  }
0x99: {  	[sflag:s0] =	ssyncadd.s32 $0xFFFFF800  }
0x9a: {  	_ =	swait.ge [sflag:s0], $0x800  }
0x9b: {  	[sflag:s0] =	ssyncset.done $0x0  }
0x9c: {  	[sflag:s0] =	ssyncadd.s32 $0xFFFFF800  }
0x9d: {  	_ =	swait.ge [sflag:s0], $0x800  }
0x9e: {  	[sflag:s0] =	ssyncset.done $0x0  }
0x9f: {  	[sflag:s0] =	ssyncadd.s32 $0xFFFFF800  }
0xa0: {  	_ =	swait.ge [sflag:s0], $0x800  }
0xa1: {  	[sflag:s0] =	ssyncset.done $0x0  }
0xa2: {  	[sflag:s0] =	ssyncadd.s32 $0xFFFFF800  }
0xa3: {  	_ =	swait.ge [sflag:s0], $0x800  }
0xa4: {  	[sflag:s0] =	ssyncset.done $0x0  }
0xa5: {  	[sflag:s0] =	ssyncadd.s32 $0xFFFFF800  }
0xa6: {  	_ =	swait.ge [sflag:s0], $0x800  }
0xa7: {  	[sflag:s0] =	ssyncset.done $0x0  }
0xa8: {  	[sflag:s0] =	ssyncadd.s32 $0xFFFFF800  }
0xa9: {  	_ =	swait.ge [sflag:s0], $0x800  }
0xaa: {  	[sflag:s0] =	ssyncset.done $0x0  }
0xab: {  	[sflag:s0] =	ssyncadd.s32 $0xFFFFF800  }
0xac: {  	_ =	swait.ge [sflag:s0], $0x800  }
0xad: {  	[sflag:s0] =	ssyncset.done $0x0  }
0xae: {  	[sflag:s0] =	ssyncadd.s32 $0xFFFFF800  }
0xaf: {  	_ =	swait.ge [sflag:s0], $0x800  }
0xb0: {  	[sflag:s0] =	ssyncset.done $0x0  }
0xb1: {  	[sflag:s0] =	ssyncadd.s32 $0xFFFFF800  }
0xb2: {  	_ =	swait.ge [sflag:s0], $0x800  }
0xb3: {  	[sflag:s0] =	ssyncset.done $0x0  }
0xb4: {  	[sflag:s0] =	ssyncadd.s32 $0xFFFFF800  }
0xb5: {  	_ =	swait.ge [sflag:s0], $0x800  }
0xb6: {  	[sflag:s0] =	ssyncset.done $0x0  }
0xb7: {  	[sflag:s0] =	ssyncadd.s32 $0xFFFFF800  }
0xb8: {  	_ =	swait.ge [sflag:s0], $0x800  }
0xb9: {  	[sflag:s0] =	ssyncset.done $0x0  }
0xba: {  	[sflag:s0] =	ssyncadd.s32 $0xFFFFF800  }
0xbb: {  	_ =	swait.ge [sflag:s1], $0x680  }
0xbc: {  	[sflag:s1] =	ssyncset.done $0x0  }
0xbd: {  	[sflag:s1] =	ssyncadd.s32 $0xFFFFF980  }
0xbe: {  	_ =	swait.ge [sflag:s1], $0x680  }
0xbf: {  	[sflag:s1] =	ssyncset.done $0x0  }
0xc0: {  	[sflag:s1] =	ssyncadd.s32 $0xFFFFF980  }
0xc1: {  	_ =	swait.ge [sflag:s1], $0x680  }
0xc2: {  	[sflag:s1] =	ssyncset.done $0x0  }
0xc3: {  	s11 =	simm.s32 $0x8F00;
	[sflag:s1] =	ssyncadd.s32 $0xFFFFF980  }
0xc4: {  	[tilespmem:s11], [sflag:$0x4] =	stream.indirect.gather [hbm4b:s6+s22], $0x10, s29, s22, $0xb8;
	[tilespmem:$0x1D700] =	vst v63  }
0xc5: {  	s24 =	simm.s32 $0x15F00  }
0xc6: {  	[tilespmem:s24], [sflag:$0x4] =	stream.indirect.gather [hbm4b:s6+s22], $0x10, s30, s22, $0xb8;
	[tilespmem:$0x1D700] =	vst v63  }
0xc7: {  	s25 =	simm.s32 $0x700;
	s12 =	simm.s32 $0x9700  }
0xc8: {  	[tilespmem:s12], [sflag:$0x4] =	stream.indirect.gather [hbm4b:s6+s22], $0x10, s25, s22, $0xb8;
	[tilespmem:$0x1D700] =	vst v63  }
0xc9: {  	s13 =	simm.s32 $0x1400;
	s14 =	simm.s32 $0x16700  }
0xca: {  	[tilespmem:s14], [sflag:$0x4] =	stream.indirect.gather [hbm4b:s6+s22], $0x10, s13, s22, $0xb8;
	[tilespmem:$0x1D700] =	vst v63  }
0xcb: {  	s18 =	simm.s32 $0x780;
	s20 =	simm.s32 $0x9F00  }
0xcc: {  	[tilespmem:s20], [sflag:$0x4] =	stream.indirect.gather [hbm4b:s6+s22], $0x10, s18, s22, $0xb8;
	[tilespmem:$0x1D700] =	vst v63  }
0xcd: {  	s21 =	simm.s32 $0x1480;
	s23 =	simm.s32 $0x16F00  }
0xce: {  	[tilespmem:s23], [sflag:$0x4] =	stream.indirect.gather [hbm4b:s6+s22], $0x10, s21, s22, $0xb8;
	[tilespmem:$0x1D700] =	vst v63  }
0xcf: {  	s24 =	simm.s32 $0x800;
	s25 =	simm.s32 $0xA700  }
0xd0: {  	[tilespmem:s25], [sflag:$0x4] =	stream.indirect.gather [hbm4b:s6+s22], $0x10, s24, s22, $0xb8;
	[tilespmem:$0x1D700] =	vst v63  }
0xd1: {  	s13 =	simm.s32 $0x1500;
	s14 =	simm.s32 $0x17700  }
0xd2: {  	[tilespmem:s14], [sflag:$0x4] =	stream.indirect.gather [hbm4b:s6+s22], $0x10, s13, s22, $0xb8;
	[tilespmem:$0x1D700] =	vst v63  }
0xd3: {  	s18 =	simm.s32 $0x880;
	s20 =	simm.s32 $0xAF00  }
0xd4: {  	[tilespmem:s20], [sflag:$0x4] =	stream.indirect.gather [hbm4b:s6+s22], $0x10, s18, s22, $0xb8;
	[tilespmem:$0x1D700] =	vst v63  }
0xd5: {  	s21 =	simm.s32 $0x1580;
	s23 =	simm.s32 $0x17F00  }
0xd6: {  	[tilespmem:s23], [sflag:$0x4] =	stream.indirect.gather [hbm4b:s6+s22], $0x10, s21, s22, $0xb8;
	[tilespmem:$0x1D700] =	vst v63  }
0xd7: {  	s24 =	simm.s32 $0x900;
	s25 =	simm.s32 $0xB700  }
0xd8: {  	[tilespmem:s25], [sflag:$0x4] =	stream.indirect.gather [hbm4b:s6+s22], $0x10, s24, s22, $0xb8;
	[tilespmem:$0x1D700] =	vst v63  }
0xd9: {  	s13 =	simm.s32 $0x1600;
	s14 =	simm.s32 $0x18700  }
0xda: {  	[tilespmem:s14], [sflag:$0x4] =	stream.indirect.gather [hbm4b:s6+s22], $0x10, s13, s22, $0xb8;
	[tilespmem:$0x1D700] =	vst v63  }
0xdb: {  	s18 =	simm.s32 $0x980;
	s20 =	simm.s32 $0xBF00  }
0xdc: {  	[tilespmem:s20], [sflag:$0x4] =	stream.indirect.gather [hbm4b:s6+s22], $0x10, s18, s22, $0xb8;
	[tilespmem:$0x1D700] =	vst v63  }
0xdd: {  	s21 =	simm.s32 $0x1680;
	s23 =	simm.s32 $0x18F00  }
0xde: {  	[tilespmem:s23], [sflag:$0x4] =	stream.indirect.gather [hbm4b:s6+s22], $0x10, s21, s22, $0xb8;
	[tilespmem:$0x1D700] =	vst v63  }
0xdf: {  	s24 =	simm.s32 $0xA00;
	s25 =	simm.s32 $0xC700  }
0xe0: {  	[tilespmem:s25], [sflag:$0x4] =	stream.indirect.gather [hbm4b:s6+s22], $0x10, s24, s22, $0xb8;
	[tilespmem:$0x1D700] =	vst v63  }
0xe1: {  	s13 =	simm.s32 $0x1700;
	s14 =	simm.s32 $0x19700  }
0xe2: {  	[tilespmem:s14], [sflag:$0x4] =	stream.indirect.gather [hbm4b:s6+s22], $0x10, s13, s22, $0xb8;
	[tilespmem:$0x1D700] =	vst v63  }
0xe3: {  	s18 =	simm.s32 $0xA80;
	s20 =	simm.s32 $0xCF00  }
0xe4: {  	[tilespmem:s20], [sflag:$0x4] =	stream.indirect.gather [hbm4b:s6+s22], $0x10, s18, s22, $0xb8;
	[tilespmem:$0x1D700] =	vst v63  }
0xe5: {  	s21 =	simm.s32 $0x1780;
	s23 =	simm.s32 $0x19F00  }
0xe6: {  	[tilespmem:s23], [sflag:$0x4] =	stream.indirect.gather [hbm4b:s6+s22], $0x10, s21, s22, $0xb8;
	[tilespmem:$0x1D700] =	vst v63  }
0xe7: {  	s24 =	simm.s32 $0xB00;
	s25 =	simm.s32 $0xD700  }
0xe8: {  	[tilespmem:s25], [sflag:$0x4] =	stream.indirect.gather [hbm4b:s6+s22], $0x10, s24, s22, $0xb8;
	[tilespmem:$0x1D700] =	vst v63  }
0xe9: {  	s13 =	simm.s32 $0x1800;
	s14 =	simm.s32 $0x1A700  }
0xea: {  	[tilespmem:s14], [sflag:$0x4] =	stream.indirect.gather [hbm4b:s6+s22], $0x10, s13, s22, $0xb8;
	[tilespmem:$0x1D700] =	vst v63  }
0xeb: {  	s18 =	simm.s32 $0xB80;
	s20 =	simm.s32 $0xDF00  }
0xec: {  	[tilespmem:s20], [sflag:$0x4] =	stream.indirect.gather [hbm4b:s6+s22], $0x10, s18, s22, $0xb8;
	[tilespmem:$0x1D700] =	vst v63  }
0xed: {  	s21 =	simm.s32 $0x1880;
	s23 =	simm.s32 $0x1AF00  }
0xee: {  	[tilespmem:s23], [sflag:$0x4] =	stream.indirect.gather [hbm4b:s6+s22], $0x10, s21, s22, $0xb8;
	[tilespmem:$0x1D700] =	vst v63  }
0xef: {  	s24 =	simm.s32 $0xC00;
	s25 =	simm.s32 $0xE700  }
0xf0: {  	[tilespmem:s25], [sflag:$0x4] =	stream.indirect.gather [hbm4b:s6+s22], $0x10, s24, s22, $0xb8;
	[tilespmem:$0x1D700] =	vst v63  }
0xf1: {  	s13 =	simm.s32 $0x1900;
	s14 =	simm.s32 $0x1B700  }
0xf2: {  	[tilespmem:s14], [sflag:$0x4] =	stream.indirect.gather [hbm4b:s6+s22], $0x10, s13, s22, $0xb8;
	[tilespmem:$0x1D700] =	vst v63  }
0xf3: {  	p0 =	seq.s32 s10, $0x0;
	s18 =	simm.s32 $0xC80;
	s20 =	simm.s32 $0xEF00  }
0xf4: {  	[tilespmem:s20], [sflag:$0x4] =	stream.indirect.gather [hbm4b:s6+s22], $0x10, s18, s22, $0xb8;
	[tilespmem:$0x1D700] =	vst v63  }
0xf5: {  	s11 =	simm.s32 @!p0 $0x5;
	s21 =	simm.s32 $0x1980;
	s23 =	simm.s32 $0x1BF00  }
0xf6: {  	[tilespmem:s23], [sflag:$0x4] =	stream.indirect.gather [hbm4b:s6+s22], $0x10, s21, s22, $0xb8;
	[tilespmem:$0x1D700] =	vst v63  }
0xf7: {  	_ =	swait.ge @!p0 [sflag:s11], $0x400  }
0xf8: {  	[sflag:s11] =	ssyncset.done @!p0 $0x0  }
0xf9: {  	[sflag:s11] =	ssyncadd.s32 @!p0 $0xFFFFFC00  }
0xfa: {  	_ =	swait.ge @!p0 [sflag:s11], $0x400  }
0xfb: {  	[sflag:s11] =	ssyncset.done @!p0 $0x0  }
0xfc: {  	s24 =	simm.s32 $0x1A00;
	[sflag:s11] =	ssyncadd.s32 @!p0 $0xFFFFFC00  }
0xfd: {  	v0 =	vld [tilespmem:s24+$0x0]  }
0xfe: {  	s25 =	simm.s32 $0x27D0  }
0xff: {  	v1 =	vld [tilespmem:s25+$0xFFFFFF30]  }
0x100: {  	v2 =	vld [tilespmem:s25+$0x20]  }
0x101: {  	s12 =	simm.s32 $0xF7D0;
	v3 =	vld [tilespmem:s25+$0xFFFFFF40]  }
0x102: {  	v5 =	vld [tilespmem:s12+$0xFFFFFF30];
	v4 =	vbroadcast v0, $0x0  }
0x103: {  	v6 =	vld [tilespmem:s25+$0xFFFFFF50]  }
0x104: {  	v7 =	vld [tilespmem:s12+$0xFFFFFF40];
	v60 =	vbroadcast v0, $0x1;
	v1 =	vmul.f32 v1, v4  }
0x105: {  	v8 =	vld [tilespmem:s25+$0xFFFFFF60]  }
0x106: {  	v9 =	vld [tilespmem:s12+$0xFFFFFF50];
	v61 =	vbroadcast v0, $0x2;
	v3 =	vmul.f32 v3, v60;
	v1 =	vadd.f32 $0.0e+00, v1  }
0x107: {  	v10 =	vld [tilespmem:s25+$0xFFFFFF70];
	v5 =	vadd.f32 $0.0e+00, v5  }
0x108: {  	v63 =	vld [tilespmem:s12+$0xFFFFFF60];
	v62 =	vbroadcast v0, $0x3;
	v1 =	vadd.f32 v3, v1;
	v3 =	vmul.f32 v6, v61  }
0x109: {  	v12 =	vld [tilespmem:s25+$0xFFFFFF80];
	v5 =	vadd.f32 v7, v5  }
0x10a: {  	v14 =	vld [tilespmem:s12+$0xFFFFFF70];
	v13 =	vbroadcast v0, $0x4;
	v1 =	vadd.f32 v3, v1;
	v3 =	vmul.f32 v8, v62  }
0x10b: {  	v15 =	vld [tilespmem:s25+$0xFFFFFF90];
	v5 =	vadd.f32 v9, v5  }
0x10c: {  	v17 =	vld [tilespmem:s12+$0xFFFFFF80];
	v16 =	vbroadcast v0, $0x5;
	v1 =	vadd.f32 v3, v1;
	v3 =	vmul.f32 v10, v13  }
0x10d: {  	v18 =	vld [tilespmem:s25+$0xFFFFFFA0];
	v5 =	vadd.f32 v63, v5  }
0x10e: {  	v20 =	vld [tilespmem:s12+$0xFFFFFF90];
	v19 =	vbroadcast v0, $0x6;
	v1 =	vadd.f32 v3, v1;
	v3 =	vmul.f32 v12, v16  }
0x10f: {  	v21 =	vld [tilespmem:s25+$0xFFFFFFB0];
	v5 =	vadd.f32 v14, v5  }
0x110: {  	v23 =	vld [tilespmem:s12+$0xFFFFFFA0];
	v22 =	vbroadcast v0, $0x7;
	v1 =	vadd.f32 v3, v1;
	v3 =	vmul.f32 v15, v19  }
0x111: {  	v24 =	vld [tilespmem:s25+$0xFFFFFFC0];
	v5 =	vadd.f32 v17, v5  }
0x112: {  	v26 =	vld [tilespmem:s12+$0xFFFFFFB0];
	v25 =	vbroadcast v0, $0x8;
	v1 =	vadd.f32 v3, v1;
	v3 =	vmul.f32 v18, v22  }
0x113: {  	v27 =	vld [tilespmem:s25+$0xFFFFFFD0];
	v5 =	vadd.f32 v20, v5  }
0x114: {  	v29 =	vld [tilespmem:s12+$0xFFFFFFC0];
	v28 =	vbroadcast v0, $0x9;
	v1 =	vadd.f32 v3, v1;
	v3 =	vmul.f32 v21, v25  }
0x115: {  	v30 =	vld [tilespmem:s25+$0xFFFFFFE0];
	v5 =	vadd.f32 v23, v5  }
0x116: {  	v32 =	vld [tilespmem:s12+$0xFFFFFFD0];
	v31 =	vbroadcast v0, $0xA;
	v1 =	vadd.f32 v3, v1;
	v3 =	vmul.f32 v24, v28  }
0x117: {  	v33 =	vld [tilespmem:s25+$0xFFFFFFF0];
	v5 =	vadd.f32 v26, v5  }
0x118: {  	v35 =	vld [tilespmem:s12+$0xFFFFFFE0];
	v34 =	vbroadcast v0, $0xB;
	v1 =	vadd.f32 v3, v1;
	v3 =	vmul.f32 v27, v31  }
0x119: {  	v36 =	vld [tilespmem:s25+$0x0];
	v5 =	vadd.f32 v29, v5  }
0x11a: {  	s13 =	simm.s32 $0x10;
	s14 =	simm.s32 $0x0;
	v38 =	vld [tilespmem:s12+$0xFFFFFFF0];
	v37 =	vbroadcast v0, $0xC;
	v1 =	vadd.f32 v3, v1;
	v3 =	vmul.f32 v30, v34  }
0x11b: {  	s13 =	sand.u32 $0xFF8, s13;
	s14 =	sand.u32 $0x6, s14;
	v39 =	vld [tilespmem:s25+$0x10];
	v5 =	vadd.f32 v32, v5  }
0x11c: {  	s13 =	sor.u32 s14, s13;
	v41 =	vld [tilespmem:s12+$0x0];
	v40 =	vbroadcast v0, $0xD;
	v1 =	vadd.f32 v3, v1;
	v3 =	vmul.f32 v33, v37  }
0x11d: {  	v11 =	vld [tilespmem:s13+$0x1A00];
	v5 =	vadd.f32 v35, v5  }
0x11e: {  	v43 =	vld [tilespmem:s12+$0x10];
	v42 =	vbroadcast v0, $0xE;
	v1 =	vadd.f32 v3, v1;
	v3 =	vmul.f32 v36, v40  }
0x11f: {  	v44 =	vld [tilespmem:s25+$0x30];
	v5 =	vadd.f32 v38, v5  }
0x120: {  	v45 =	vld [tilespmem:s12+$0x20];
	v0 =	vbroadcast v0, $0xF;
	v1 =	vadd.f32 v3, v1;
	v3 =	vmul.f32 v39, v42  }
0x121: {  	v46 =	vld [tilespmem:s25+$0x40];
	v5 =	vadd.f32 v41, v5  }
0x122: {  	v0 =	vmul.f32 v2, v0;
	v2 =	vbroadcast v11, $0x0;
	v1 =	vadd.f32 v3, v1;
	v3 =	vld [tilespmem:s12+$0x30]  }
0x123: {  	v47 =	vld [tilespmem:s25+$0x50];
	v5 =	vadd.f32 v43, v5  }
0x124: {  	v48 =	vld [tilespmem:s12+$0x40];
	v0 =	vadd.f32 v0, v1;
	v1 =	vmul.f32 v44, v2;
	v2 =	vbroadcast v11, $0x1  }
0x125: {  	v49 =	vld [tilespmem:s25+$0x60];
	v4 =	vadd.f32 v45, v5  }
0x126: {  	v50 =	vld [tilespmem:s12+$0x50];
	v0 =	vadd.f32 v1, v0;
	v1 =	vmul.f32 v46, v2;
	v2 =	vbroadcast v11, $0x2  }
0x127: {  	v51 =	vld [tilespmem:s25+$0x70];
	v3 =	vadd.f32 v3, v4  }
0x128: {  	v52 =	vld [tilespmem:s12+$0x60];
	v0 =	vadd.f32 v1, v0;
	v1 =	vmul.f32 v47, v2;
	v2 =	vbroadcast v11, $0x3  }
0x129: {  	v53 =	vld [tilespmem:s25+$0x80];
	v3 =	vadd.f32 v48, v3  }
0x12a: {  	v54 =	vld [tilespmem:s12+$0x70];
	v0 =	vadd.f32 v1, v0;
	v1 =	vmul.f32 v49, v2;
	v2 =	vbroadcast v11, $0x4  }
0x12b: {  	v55 =	vld [tilespmem:s25+$0x90];
	v3 =	vadd.f32 v50, v3  }
0x12c: {  	v56 =	vld [tilespmem:s12+$0x80];
	v0 =	vadd.f32 v1, v0;
	v1 =	vmul.f32 v51, v2;
	v2 =	vbroadcast v11, $0x5  }
0x12d: {  	v57 =	vld [tilespmem:s25+$0xA0];
	v3 =	vadd.f32 v52, v3  }
0x12e: {  	v58 =	vld [tilespmem:s12+$0x90];
	v0 =	vadd.f32 v1, v0;
	v1 =	vmul.f32 v53, v2;
	v2 =	vbroadcast v11, $0x6  }
0x12f: {  	v59 =	vld [tilespmem:s25+$0xB0];
	v3 =	vadd.f32 v54, v3  }
0x130: {  	v60 =	vld [tilespmem:s12+$0xA0];
	v0 =	vadd.f32 v1, v0;
	v1 =	vmul.f32 v55, v2;
	v2 =	vbroadcast v11, $0x7  }
0x131: {  	v61 =	vld [tilespmem:s25+$0xC0];
	v3 =	vadd.f32 v56, v3  }
0x132: {  	v62 =	vld [tilespmem:s12+$0xB0];
	v0 =	vadd.f32 v1, v0;
	v1 =	vmul.f32 v57, v2;
	v2 =	vbroadcast v11, $0x8  }
0x133: {  	v3 =	vadd.f32 v58, v3  }
0x134: {  	v63 =	vld [tilespmem:s12+$0xC0];
	v0 =	vadd.f32 v1, v0;
	v1 =	vmul.f32 v59, v2;
	v2 =	vbroadcast v11, $0x9  }
0x135: {  	v3 =	vadd.f32 v60, v3  }
0x136: {  	v0 =	vadd.f32 v1, v0;
	v1 =	vmul.f32 v61, v2  }
0x137: {  	v2 =	vadd.f32 v62, v3  }
0x138: {  	v0 =	vadd.f32 v1, v0  }
0x139: {  	s14 =	simm.s32 $0x1C700;
	v1 =	vadd.f32 v63, v2  }
0x13a: {  	s13 =	simm.s32 $0x1CF00;
	[tilespmem:s14+$0x0] =	vst v0  }
0x13b: {  	s31 =	simm.s32 $0x1A1A;
	[tilespmem:s13+$0x0] =	vst v1  }
0x13c: {  	s20 =	simm.s32 $0x44;
	v0 =	vld [tilespmem:s31+$0x0]  }
0x13d: {  	s18 =	simm.s32 $0x2970;
	s21 =	simm.s32 $0x2A;
	s11 =	sshll.u32 s10, $0x7  }
.LBB2_3:
0x13e: {  	p0 =	sne.s32 s20, $0x676;
	v2 =	vld [tilespmem:s18+$0xFFFFFF30]  }
0x13f: {  	v1 =	vld [tilespmem:s18+$0x20]  }
0x140: {  	s12 =	sadd.s32 $0x1A0, s12;
	v3 =	vld [tilespmem:s18+$0xFFFFFF40]  }
0x141: {  	v4 =	vbroadcast v0, $0x0;
	v5 =	vld [tilespmem:s12+$0xFFFFFF30]  }
0x142: {  	v6 =	vld [tilespmem:s18+$0xFFFFFF50]  }
0x143: {  	v2 =	vmul.f32 v2, v4;
	v4 =	vbroadcast v0, $0x1;
	v7 =	vld [tilespmem:s12+$0xFFFFFF40]  }
0x144: {  	v8 =	vld [tilespmem:s18+$0xFFFFFF60]  }
0x145: {  	v2 =	vadd.f32 $0.0e+00, v2;
	v3 =	vmul.f32 v3, v4;
	v4 =	vbroadcast v0, $0x2;
	v9 =	vld [tilespmem:s12+$0xFFFFFF50]  }
0x146: {  	v5 =	vadd.f32 $0.0e+00, v5;
	v10 =	vld [tilespmem:s18+$0xFFFFFF70]  }
0x147: {  	v2 =	vadd.f32 v3, v2;
	v3 =	vmul.f32 v6, v4;
	v4 =	vbroadcast v0, $0x3;
	v6 =	vld [tilespmem:s12+$0xFFFFFF60]  }
0x148: {  	v5 =	vadd.f32 v7, v5;
	v7 =	vld [tilespmem:s18+$0xFFFFFF80]  }
0x149: {  	v2 =	vadd.f32 v3, v2;
	v3 =	vmul.f32 v8, v4;
	v4 =	vbroadcast v0, $0x4;
	v8 =	vld [tilespmem:s12+$0xFFFFFF70]  }
0x14a: {  	v5 =	vadd.f32 v9, v5;
	v9 =	vld [tilespmem:s18+$0xFFFFFF90]  }
0x14b: {  	v2 =	vadd.f32 v3, v2;
	v3 =	vmul.f32 v10, v4;
	v4 =	vbroadcast v0, $0x5;
	v10 =	vld [tilespmem:s12+$0xFFFFFF80]  }
0x14c: {  	v5 =	vadd.f32 v6, v5;
	v6 =	vld [tilespmem:s18+$0xFFFFFFA0]  }
0x14d: {  	v2 =	vadd.f32 v3, v2;
	v3 =	vmul.f32 v7, v4;
	v4 =	vbroadcast v0, $0x6;
	v7 =	vld [tilespmem:s12+$0xFFFFFF90]  }
0x14e: {  	v5 =	vadd.f32 v8, v5;
	v8 =	vld [tilespmem:s18+$0xFFFFFFB0]  }
0x14f: {  	v2 =	vadd.f32 v3, v2;
	v3 =	vmul.f32 v9, v4;
	v4 =	vbroadcast v0, $0x7;
	v9 =	vld [tilespmem:s12+$0xFFFFFFA0]  }
0x150: {  	v5 =	vadd.f32 v10, v5;
	v10 =	vld [tilespmem:s18+$0xFFFFFFC0]  }
0x151: {  	v2 =	vadd.f32 v3, v2;
	v3 =	vmul.f32 v6, v4;
	v4 =	vbroadcast v0, $0x8;
	v6 =	vld [tilespmem:s12+$0xFFFFFFB0]  }
0x152: {  	v5 =	vadd.f32 v7, v5;
	v7 =	vld [tilespmem:s18+$0xFFFFFFD0]  }
0x153: {  	v2 =	vadd.f32 v3, v2;
	v3 =	vmul.f32 v8, v4;
	v4 =	vbroadcast v0, $0x9;
	v8 =	vld [tilespmem:s12+$0xFFFFFFC0]  }
0x154: {  	v5 =	vadd.f32 v9, v5;
	v9 =	vld [tilespmem:s18+$0xFFFFFFE0]  }
0x155: {  	v2 =	vadd.f32 v3, v2;
	v3 =	vmul.f32 v10, v4;
	v4 =	vbroadcast v0, $0xA;
	v10 =	vld [tilespmem:s12+$0xFFFFFFD0]  }
0x156: {  	v5 =	vadd.f32 v6, v5;
	v6 =	vld [tilespmem:s18+$0xFFFFFFF0]  }
0x157: {  	v2 =	vadd.f32 v3, v2;
	v3 =	vmul.f32 v7, v4;
	v4 =	vbroadcast v0, $0xB;
	v7 =	vld [tilespmem:s12+$0xFFFFFFE0]  }
0x158: {  	v5 =	vadd.f32 v8, v5;
	v8 =	vld [tilespmem:s18+$0x0]  }
0x159: {  	s23 =	sadd.s32 $0xFFFFFFF0, s21;
	v2 =	vadd.f32 v3, v2;
	v3 =	vmul.f32 v9, v4;
	v4 =	vbroadcast v0, $0xC;
	v9 =	vld [tilespmem:s12+$0xFFFFFFF0]  }
0x15a: {  	s24 =	sand.u32 $0xFF8, s21;
	s21 =	smov.u32 s20;
	s23 =	sand.u32 $0x6, s23;
	v5 =	vadd.f32 v10, v5;
	v10 =	vld [tilespmem:s18+$0x10]  }
0x15b: {  	s23 =	sor.u32 s23, s24;
	v2 =	vadd.f32 v3, v2;
	v3 =	vmul.f32 v6, v4;
	v4 =	vbroadcast v0, $0xD;
	v6 =	vld [tilespmem:s12+$0x0]  }
0x15c: {  	v11 =	vld [tilespmem:s23+$0x1A00];
	v5 =	vadd.f32 v7, v5  }
0x15d: {  	v2 =	vadd.f32 v3, v2;
	v3 =	vmul.f32 v8, v4;
	v4 =	vbroadcast v0, $0xE;
	v7 =	vld [tilespmem:s12+$0x10]  }
0x15e: {  	v5 =	vadd.f32 v9, v5;
	v8 =	vld [tilespmem:s18+$0x30]  }
0x15f: {  	v0 =	vbroadcast v0, $0xF;
	v2 =	vadd.f32 v3, v2;
	v3 =	vmul.f32 v10, v4;
	v4 =	vld [tilespmem:s12+$0x20]  }
0x160: {  	v5 =	vadd.f32 v6, v5;
	v6 =	vld [tilespmem:s18+$0x40]  }
0x161: {  	v0 =	vmul.f32 v1, v0;
	v2 =	vadd.f32 v3, v2;
	v1 =	vbroadcast v11, $0x0;
	v3 =	vld [tilespmem:s12+$0x30]  }
0x162: {  	v5 =	vadd.f32 v7, v5;
	v7 =	vld [tilespmem:s18+$0x50]  }
0x163: {  	v0 =	vadd.f32 v0, v2;
	v1 =	vmul.f32 v8, v1;
	v2 =	vbroadcast v11, $0x1;
	v8 =	vld [tilespmem:s12+$0x40]  }
0x164: {  	v4 =	vadd.f32 v4, v5;
	v5 =	vld [tilespmem:s18+$0x60]  }
0x165: {  	v0 =	vadd.f32 v1, v0;
	v1 =	vmul.f32 v6, v2;
	v2 =	vbroadcast v11, $0x2;
	v6 =	vld [tilespmem:s12+$0x50]  }
0x166: {  	v3 =	vadd.f32 v3, v4;
	v4 =	vld [tilespmem:s18+$0x70]  }
0x167: {  	v0 =	vadd.f32 v1, v0;
	v1 =	vmul.f32 v7, v2;
	v2 =	vbroadcast v11, $0x3;
	v7 =	vld [tilespmem:s12+$0x60]  }
0x168: {  	v3 =	vadd.f32 v8, v3;
	v8 =	vld [tilespmem:s18+$0x80]  }
0x169: {  	v0 =	vadd.f32 v1, v0;
	v1 =	vmul.f32 v5, v2;
	v2 =	vbroadcast v11, $0x4;
	v5 =	vld [tilespmem:s12+$0x70]  }
0x16a: {  	v3 =	vadd.f32 v6, v3;
	v6 =	vld [tilespmem:s18+$0x90]  }
0x16b: {  	v0 =	vadd.f32 v1, v0;
	v1 =	vmul.f32 v4, v2;
	v2 =	vbroadcast v11, $0x5;
	v4 =	vld [tilespmem:s12+$0x80]  }
0x16c: {  	v3 =	vadd.f32 v7, v3;
	v7 =	vld [tilespmem:s18+$0xA0]  }
0x16d: {  	v0 =	vadd.f32 v1, v0;
	v1 =	vmul.f32 v8, v2;
	v2 =	vbroadcast v11, $0x6;
	v8 =	vld [tilespmem:s12+$0x90]  }
0x16e: {  	v3 =	vadd.f32 v5, v3;
	v5 =	vld [tilespmem:s18+$0xB0]  }
0x16f: {  	v0 =	vadd.f32 v1, v0;
	v1 =	vmul.f32 v6, v2;
	v2 =	vbroadcast v11, $0x7;
	v6 =	vld [tilespmem:s12+$0xA0]  }
0x170: {  	v3 =	vadd.f32 v4, v3;
	v4 =	vld [tilespmem:s18+$0xC0]  }
0x171: {  	v0 =	vadd.f32 v1, v0;
	v1 =	vmul.f32 v7, v2;
	v2 =	vbroadcast v11, $0x8;
	v7 =	vld [tilespmem:s12+$0xB0]  }
0x172: {  	v3 =	vadd.f32 v8, v3  }
0x173: {  	v0 =	vadd.f32 v1, v0;
	v1 =	vmul.f32 v5, v2;
	v2 =	vbroadcast v11, $0x9;
	v5 =	vld [tilespmem:s12+$0xC0]  }
0x174: {  	v3 =	vadd.f32 v6, v3  }
0x175: {  	v0 =	vadd.f32 v1, v0;
	v1 =	vmul.f32 v4, v2  }
0x176: {  	v2 =	vadd.f32 v7, v3  }
0x177: {  	v0 =	vadd.f32 v1, v0  }
.Ltmp2:
0x178: {  	s14 =	sadd.s32 $0x10, s14;
	v1 =	vadd.f32 v5, v2;
	(pc) =	sbr.rel @p0 .LBB2_3-.Ltmp2, $4  }
0x179: {  	s13 =	sadd.s32 $0x10, s13;
	[tilespmem:s14+$0x0] =	vst v0  }
0x17a: {  	s31 =	sadd.s32 $0x1A, s31;
	[tilespmem:s13+$0x0] =	vst v1  }
0x17b: {  	v0 =	vld [tilespmem:s31+$0x0]  }
0x17c: {  	s20 =	sadd.s32 $0x1A, s20;
	s18 =	sadd.s32 $0x1A0, s18  }
0x17d: {  	v1 =	vld [tilespmem:s18+$0xFFFFFF30]  }
0x17e: {  	v2 =	vld [tilespmem:s18+$0x20]  }
0x17f: {  	v3 =	vld [tilespmem:s18+$0xFFFFFF40];
	s12 =	sadd.s32 $0x1A0, s12  }
0x180: {  	v5 =	vld [tilespmem:s12+$0xFFFFFF30];
	v4 =	vbroadcast v0, $0x0  }
0x181: {  	v6 =	vld [tilespmem:s18+$0xFFFFFF50]  }
0x182: {  	v7 =	vld [tilespmem:s12+$0xFFFFFF40];
	v48 =	vbroadcast v0, $0x1;
	v1 =	vmul.f32 v1, v4  }
0x183: {  	v8 =	vld [tilespmem:s18+$0xFFFFFF60]  }
0x184: {  	v9 =	vld [tilespmem:s12+$0xFFFFFF50];
	v49 =	vbroadcast v0, $0x2;
	v3 =	vmul.f32 v3, v48;
	v1 =	vadd.f32 $0.0e+00, v1  }
0x185: {  	v10 =	vld [tilespmem:s18+$0xFFFFFF70];
	v5 =	vadd.f32 $0.0e+00, v5  }
0x186: {  	v51 =	vld [tilespmem:s12+$0xFFFFFF60];
	v50 =	vbroadcast v0, $0x3;
	v1 =	vadd.f32 v3, v1;
	v3 =	vmul.f32 v6, v49  }
0x187: {  	v52 =	vld [tilespmem:s18+$0xFFFFFF80];
	v5 =	vadd.f32 v7, v5  }
0x188: {  	v54 =	vld [tilespmem:s12+$0xFFFFFF70];
	v53 =	vbroadcast v0, $0x4;
	v1 =	vadd.f32 v3, v1;
	v3 =	vmul.f32 v8, v50  }
0x189: {  	v55 =	vld [tilespmem:s18+$0xFFFFFF90];
	v5 =	vadd.f32 v9, v5  }
0x18a: {  	v57 =	vld [tilespmem:s12+$0xFFFFFF80];
	v56 =	vbroadcast v0, $0x5;
	v1 =	vadd.f32 v3, v1;
	v3 =	vmul.f32 v10, v53  }
0x18b: {  	v58 =	vld [tilespmem:s18+$0xFFFFFFA0];
	v5 =	vadd.f32 v51, v5  }
0x18c: {  	v60 =	vld [tilespmem:s12+$0xFFFFFF90];
	v59 =	vbroadcast v0, $0x6;
	v1 =	vadd.f32 v3, v1;
	v3 =	vmul.f32 v52, v56  }
0x18d: {  	v61 =	vld [tilespmem:s18+$0xFFFFFFB0];
	v5 =	vadd.f32 v54, v5  }
0x18e: {  	v63 =	vld [tilespmem:s12+$0xFFFFFFA0];
	v62 =	vbroadcast v0, $0x7;
	v1 =	vadd.f32 v3, v1;
	v3 =	vmul.f32 v55, v59  }
0x18f: {  	v12 =	vld [tilespmem:s18+$0xFFFFFFC0];
	v5 =	vadd.f32 v57, v5  }
0x190: {  	v14 =	vld [tilespmem:s12+$0xFFFFFFB0];
	v13 =	vbroadcast v0, $0x8;
	v1 =	vadd.f32 v3, v1;
	v3 =	vmul.f32 v58, v62  }
0x191: {  	v15 =	vld [tilespmem:s18+$0xFFFFFFD0];
	v5 =	vadd.f32 v60, v5  }
0x192: {  	v17 =	vld [tilespmem:s12+$0xFFFFFFC0];
	v16 =	vbroadcast v0, $0x9;
	v1 =	vadd.f32 v3, v1;
	v3 =	vmul.f32 v61, v13  }
0x193: {  	v18 =	vld [tilespmem:s18+$0xFFFFFFE0];
	v5 =	vadd.f32 v63, v5  }
0x194: {  	v20 =	vld [tilespmem:s12+$0xFFFFFFD0];
	v19 =	vbroadcast v0, $0xA;
	v1 =	vadd.f32 v3, v1;
	v3 =	vmul.f32 v12, v16  }
0x195: {  	v21 =	vld [tilespmem:s18+$0xFFFFFFF0];
	v5 =	vadd.f32 v14, v5  }
0x196: {  	v23 =	vld [tilespmem:s12+$0xFFFFFFE0];
	v22 =	vbroadcast v0, $0xB;
	v1 =	vadd.f32 v3, v1;
	v3 =	vmul.f32 v15, v19  }
0x197: {  	v24 =	vld [tilespmem:s18+$0x0];
	v5 =	vadd.f32 v17, v5  }
0x198: {  	s20 =	sadd.s32 $0xFFFFFFF0, s21;
	v26 =	vld [tilespmem:s12+$0xFFFFFFF0];
	v25 =	vbroadcast v0, $0xC;
	v1 =	vadd.f32 v3, v1;
	v3 =	vmul.f32 v18, v22  }
0x199: {  	s25 =	sand.u32 $0xFF8, s21;
	v27 =	vld [tilespmem:s18+$0x10];
	s20 =	sand.u32 $0x6, s20;
	v5 =	vadd.f32 v20, v5  }
0x19a: {  	v29 =	vld [tilespmem:s12+$0x0];
	s20 =	sor.u32 s20, s25;
	v28 =	vbroadcast v0, $0xD;
	v1 =	vadd.f32 v3, v1;
	v3 =	vmul.f32 v21, v25  }
0x19b: {  	v11 =	vld [tilespmem:s20+$0x1A00];
	v5 =	vadd.f32 v23, v5  }
0x19c: {  	v31 =	vld [tilespmem:s12+$0x10];
	v30 =	vbroadcast v0, $0xE;
	v1 =	vadd.f32 v3, v1;
	v3 =	vmul.f32 v24, v28  }
0x19d: {  	v32 =	vld [tilespmem:s18+$0x30];
	v5 =	vadd.f32 v26, v5  }
0x19e: {  	v33 =	vld [tilespmem:s12+$0x20];
	v0 =	vbroadcast v0, $0xF;
	v1 =	vadd.f32 v3, v1;
	v3 =	vmul.f32 v27, v30  }
0x19f: {  	v34 =	vld [tilespmem:s18+$0x40];
	v5 =	vadd.f32 v29, v5  }
0x1a0: {  	v0 =	vmul.f32 v2, v0;
	v2 =	vbroadcast v11, $0x0;
	v1 =	vadd.f32 v3, v1;
	v3 =	vld [tilespmem:s12+$0x30]  }
0x1a1: {  	v35 =	vld [tilespmem:s18+$0x50];
	v5 =	vadd.f32 v31, v5  }
0x1a2: {  	v36 =	vld [tilespmem:s12+$0x40];
	v0 =	vadd.f32 v0, v1;
	v1 =	vmul.f32 v32, v2;
	v2 =	vbroadcast v11, $0x1  }
0x1a3: {  	v37 =	vld [tilespmem:s18+$0x60];
	v4 =	vadd.f32 v33, v5  }
0x1a4: {  	v38 =	vld [tilespmem:s12+$0x50];
	v0 =	vadd.f32 v1, v0;
	v1 =	vmul.f32 v34, v2;
	v2 =	vbroadcast v11, $0x2  }
0x1a5: {  	v39 =	vld [tilespmem:s18+$0x70];
	v3 =	vadd.f32 v3, v4  }
0x1a6: {  	v40 =	vld [tilespmem:s12+$0x60];
	v0 =	vadd.f32 v1, v0;
	v1 =	vmul.f32 v35, v2;
	v2 =	vbroadcast v11, $0x3  }
0x1a7: {  	v41 =	vld [tilespmem:s18+$0x80];
	v3 =	vadd.f32 v36, v3  }
0x1a8: {  	v42 =	vld [tilespmem:s12+$0x70];
	v0 =	vadd.f32 v1, v0;
	v1 =	vmul.f32 v37, v2;
	v2 =	vbroadcast v11, $0x4  }
0x1a9: {  	v43 =	vld [tilespmem:s18+$0x90];
	v3 =	vadd.f32 v38, v3  }
0x1aa: {  	v44 =	vld [tilespmem:s12+$0x80];
	v0 =	vadd.f32 v1, v0;
	v1 =	vmul.f32 v39, v2;
	v2 =	vbroadcast v11, $0x5  }
0x1ab: {  	v45 =	vld [tilespmem:s18+$0xA0];
	v3 =	vadd.f32 v40, v3  }
0x1ac: {  	v46 =	vld [tilespmem:s12+$0x90];
	v0 =	vadd.f32 v1, v0;
	v1 =	vmul.f32 v41, v2;
	v2 =	vbroadcast v11, $0x6  }
0x1ad: {  	v47 =	vld [tilespmem:s18+$0xB0];
	v3 =	vadd.f32 v42, v3  }
0x1ae: {  	v48 =	vld [tilespmem:s12+$0xA0];
	v0 =	vadd.f32 v1, v0;
	v1 =	vmul.f32 v43, v2;
	v2 =	vbroadcast v11, $0x7  }
0x1af: {  	v49 =	vld [tilespmem:s18+$0xC0];
	v3 =	vadd.f32 v44, v3  }
0x1b0: {  	v50 =	vld [tilespmem:s12+$0xB0];
	v0 =	vadd.f32 v1, v0;
	v1 =	vmul.f32 v45, v2;
	v2 =	vbroadcast v11, $0x8  }
0x1b1: {  	v3 =	vadd.f32 v46, v3  }
0x1b2: {  	v51 =	vld [tilespmem:s12+$0xC0];
	v0 =	vadd.f32 v1, v0;
	v1 =	vmul.f32 v47, v2;
	v2 =	vbroadcast v11, $0x9  }
0x1b3: {  	v3 =	vadd.f32 v48, v3  }
0x1b4: {  	v0 =	vadd.f32 v1, v0;
	v1 =	vmul.f32 v49, v2  }
0x1b5: {  	v2 =	vadd.f32 v50, v3  }
0x1b6: {  	v0 =	vadd.f32 v1, v0  }
0x1b7: {  	s21 =	sadd.s32 $0x10, s14;
	s23 =	sshll.u32 s10, $0x8;
	v1 =	vadd.f32 v51, v2  }
0x1b8: {  	s13 =	sadd.s32 $0x10, s13;
	p0 =	seq.s32 s10, $0x3;
	s12 =	sadd.s32 s15, s23;
	[tilespmem:s21+$0x0] =	vst v0  }
0x1b9: {  	s25 =	simm.s32 $0x1C700;
	s24 =	sadd.s32 s7, s12;
	[tilespmem:s13+$0x0] =	vst v1;
	s13 =	sadd.s32 @!p0 s11, s16  }
0x1ba: {  	[hbm4b:s24+s2] =	stream.linear.scatter [tilespmem:s25], [sflag:$0x5], $0x400, $0x38;
	[tilespmem:$0x1D700] =	vst v63  }
0x1bb: {  	s20 =	simm.s32 $0x1CF00;
	s18 =	sadd.s32 s8, s12;
	s13 =	smul.u32 @!p0 $0x1A, s13  }
0x1bc: {  	[hbm4b:s18+s2] =	stream.linear.scatter [tilespmem:s20], [sflag:$0x5], $0x400, $0x38;
	[tilespmem:$0x1D700] =	vst v63  }
0x1bd: {  	s18 =	sshrl.u32 @!p0 s13, $0x3  }
0x1be: {  	s13 =	simm.s32 @!p0 $0x0;
	s14 =	sadd.s32 @!p0 s3, s18  }
0x1bf: {  	[tilespmem:s13], [sflag:$0x1] =	stream.linear.gather @!p0 [hbm4b:s14+s13], $0x680, $0x38;
	[tilespmem:$0x1D700] =	vst v63  }
0x1c0: {  	s20 =	sadd.s32 @!p0 s4, s18;
	s14 =	simm.s32 @!p0 $0xD00  }
0x1c1: {  	[tilespmem:s14], [sflag:$0x1] =	stream.linear.gather @!p0 [hbm4b:s20+s13], $0x680, $0x38;
	[tilespmem:$0x1D700] =	vst v63  }
0x1c2: {  	s18 =	sadd.s32 @!p0 s5, s18;
	s20 =	simm.s32 @!p0 $0x1A00  }
0x1c3: {  	[tilespmem:s20], [sflag:$0x1] =	stream.linear.gather @!p0 [hbm4b:s18+s13], $0x680, $0x38;
	[tilespmem:$0x1D700] =	vst v63  }
0x1c4: {  	_ =	swait.ge [sflag:s26], $0x800  }
0x1c5: {  	[sflag:s26] =	ssyncset.done $0x0  }
0x1c6: {  	[sflag:s26] =	ssyncadd.s32 $0xFFFFF800  }
0x1c7: {  	_ =	swait.ge [sflag:s26], $0x800  }
0x1c8: {  	[sflag:s26] =	ssyncset.done $0x0  }
0x1c9: {  	[sflag:s26] =	ssyncadd.s32 $0xFFFFF800  }
0x1ca: {  	_ =	swait.ge [sflag:s26], $0x800  }
0x1cb: {  	[sflag:s26] =	ssyncset.done $0x0  }
0x1cc: {  	[sflag:s26] =	ssyncadd.s32 $0xFFFFF800  }
0x1cd: {  	_ =	swait.ge [sflag:s26], $0x800  }
0x1ce: {  	[sflag:s26] =	ssyncset.done $0x0  }
0x1cf: {  	[sflag:s26] =	ssyncadd.s32 $0xFFFFF800  }
0x1d0: {  	_ =	swait.ge [sflag:s26], $0x800  }
0x1d1: {  	[sflag:s26] =	ssyncset.done $0x0  }
0x1d2: {  	[sflag:s26] =	ssyncadd.s32 $0xFFFFF800  }
0x1d3: {  	_ =	swait.ge [sflag:s26], $0x800  }
0x1d4: {  	[sflag:s26] =	ssyncset.done $0x0  }
0x1d5: {  	[sflag:s26] =	ssyncadd.s32 $0xFFFFF800  }
0x1d6: {  	_ =	swait.ge [sflag:s26], $0x800  }
0x1d7: {  	[sflag:s26] =	ssyncset.done $0x0  }
0x1d8: {  	[sflag:s26] =	ssyncadd.s32 $0xFFFFF800  }
0x1d9: {  	_ =	swait.ge [sflag:s26], $0x800  }
0x1da: {  	[sflag:s26] =	ssyncset.done $0x0  }
0x1db: {  	[sflag:s26] =	ssyncadd.s32 $0xFFFFF800  }
0x1dc: {  	_ =	swait.ge [sflag:s26], $0x800  }
0x1dd: {  	[sflag:s26] =	ssyncset.done $0x0  }
0x1de: {  	[sflag:s26] =	ssyncadd.s32 $0xFFFFF800  }
0x1df: {  	_ =	swait.ge [sflag:s26], $0x800  }
0x1e0: {  	[sflag:s26] =	ssyncset.done $0x0  }
0x1e1: {  	[sflag:s26] =	ssyncadd.s32 $0xFFFFF800  }
0x1e2: {  	_ =	swait.ge [sflag:s26], $0x800  }
0x1e3: {  	[sflag:s26] =	ssyncset.done $0x0  }
0x1e4: {  	[sflag:s26] =	ssyncadd.s32 $0xFFFFF800  }
0x1e5: {  	_ =	swait.ge [sflag:s26], $0x800  }
0x1e6: {  	[sflag:s26] =	ssyncset.done $0x0  }
0x1e7: {  	[sflag:s26] =	ssyncadd.s32 $0xFFFFF800  }
0x1e8: {  	_ =	swait.ge [sflag:s26], $0x800  }
0x1e9: {  	[sflag:s26] =	ssyncset.done $0x0  }
0x1ea: {  	[sflag:s26] =	ssyncadd.s32 $0xFFFFF800  }
0x1eb: {  	_ =	swait.ge [sflag:s26], $0x800  }
0x1ec: {  	[sflag:s26] =	ssyncset.done $0x0  }
0x1ed: {  	[sflag:s26] =	ssyncadd.s32 $0xFFFFF800  }
0x1ee: {  	_ =	swait.ge [sflag:s26], $0x800  }
0x1ef: {  	[sflag:s26] =	ssyncset.done $0x0  }
0x1f0: {  	[sflag:s26] =	ssyncadd.s32 $0xFFFFF800  }
0x1f1: {  	_ =	swait.ge [sflag:s26], $0x800  }
0x1f2: {  	[sflag:s26] =	ssyncset.done $0x0  }
0x1f3: {  	[sflag:s26] =	ssyncadd.s32 $0xFFFFF800  }
0x1f4: {  	_ =	swait.ge [sflag:s26], $0x800  }
0x1f5: {  	[sflag:s26] =	ssyncset.done $0x0  }
0x1f6: {  	[sflag:s26] =	ssyncadd.s32 $0xFFFFF800  }
0x1f7: {  	_ =	swait.ge [sflag:s26], $0x800  }
0x1f8: {  	[sflag:s26] =	ssyncset.done $0x0  }
0x1f9: {  	[sflag:s26] =	ssyncadd.s32 $0xFFFFF800  }
0x1fa: {  	_ =	swait.ge [sflag:s26], $0x800  }
0x1fb: {  	[sflag:s26] =	ssyncset.done $0x0  }
0x1fc: {  	[sflag:s26] =	ssyncadd.s32 $0xFFFFF800  }
0x1fd: {  	_ =	swait.ge [sflag:s26], $0x800  }
0x1fe: {  	[sflag:s26] =	ssyncset.done $0x0  }
0x1ff: {  	[sflag:s26] =	ssyncadd.s32 $0xFFFFF800  }
0x200: {  	_ =	swait.ge [sflag:s26], $0x800  }
0x201: {  	[sflag:s26] =	ssyncset.done $0x0  }
0x202: {  	[sflag:s26] =	ssyncadd.s32 $0xFFFFF800  }
0x203: {  	_ =	swait.ge [sflag:s26], $0x800  }
0x204: {  	[sflag:s26] =	ssyncset.done $0x0  }
0x205: {  	[sflag:s26] =	ssyncadd.s32 $0xFFFFF800  }
0x206: {  	_ =	swait.ge [sflag:s26], $0x800  }
0x207: {  	[sflag:s26] =	ssyncset.done $0x0  }
0x208: {  	[sflag:s26] =	ssyncadd.s32 $0xFFFFF800  }
0x209: {  	_ =	swait.ge [sflag:s26], $0x800  }
0x20a: {  	[sflag:s26] =	ssyncset.done $0x0  }
0x20b: {  	[sflag:s26] =	ssyncadd.s32 $0xFFFFF800  }
0x20c: {  	_ =	swait.ge [sflag:s26], $0x800  }
0x20d: {  	[sflag:s26] =	ssyncset.done $0x0  }
0x20e: {  	[sflag:s26] =	ssyncadd.s32 $0xFFFFF800  }
0x20f: {  	_ =	swait.ge [sflag:s26], $0x800  }
0x210: {  	[sflag:s26] =	ssyncset.done $0x0  }
0x211: {  	s18 =	simm.s32 @!p0 $0x1;
	[sflag:s26] =	ssyncadd.s32 $0xFFFFF800  }
0x212: {  	_ =	swait.ge @!p0 [sflag:s18], $0x680  }
0x213: {  	[sflag:s18] =	ssyncset.done @!p0 $0x0  }
0x214: {  	[sflag:s18] =	ssyncadd.s32 @!p0 $0xFFFFF980  }
0x215: {  	_ =	swait.ge @!p0 [sflag:s18], $0x680  }
0x216: {  	[sflag:s18] =	ssyncset.done @!p0 $0x0  }
0x217: {  	[sflag:s18] =	ssyncadd.s32 @!p0 $0xFFFFF980  }
0x218: {  	_ =	swait.ge @!p0 [sflag:s18], $0x680  }
0x219: {  	[sflag:s18] =	ssyncset.done @!p0 $0x0  }
0x21a: {  	s20 =	simm.s32 @!p0 $0x2700;
	[sflag:s18] =	ssyncadd.s32 @!p0 $0xFFFFF980;
	s18 =	simm.s32 @!p0 $0x80  }
0x21b: {  	[tilespmem:s20], [sflag:$0x3] =	stream.indirect.gather @!p0 [hbm4b:s6+s18], $0x10, s13, s18, $0xb8;
	[tilespmem:$0x1D700] =	vst v63  }
0x21c: {  	s13 =	simm.s32 @!p0 $0xF700  }
0x21d: {  	[tilespmem:s13], [sflag:$0x3] =	stream.indirect.gather @!p0 [hbm4b:s6+s18], $0x10, s14, s18, $0xb8;
	[tilespmem:$0x1D700] =	vst v63  }
0x21e: {  	s13 =	simm.s32 @!p0 $0x2F00  }
0x21f: {  	[tilespmem:s13], [sflag:$0x3] =	stream.indirect.gather @!p0 [hbm4b:s6+s18], $0x10, s18, s18, $0xb8;
	[tilespmem:$0x1D700] =	vst v63  }
0x220: {  	s14 =	simm.s32 @!p0 $0xFF00;
	s13 =	simm.s32 @!p0 $0xD80  }
0x221: {  	[tilespmem:s14], [sflag:$0x3] =	stream.indirect.gather @!p0 [hbm4b:s6+s18], $0x10, s13, s18, $0xb8;
	[tilespmem:$0x1D700] =	vst v63  }
0x222: {  	s13 =	simm.s32 @!p0 $0x100;
	s14 =	simm.s32 @!p0 $0x3700  }
0x223: {  	[tilespmem:s14], [sflag:$0x3] =	stream.indirect.gather @!p0 [hbm4b:s6+s18], $0x10, s13, s18, $0xb8;
	[tilespmem:$0x1D700] =	vst v63  }
0x224: {  	s13 =	simm.s32 @!p0 $0xE00;
	s14 =	simm.s32 @!p0 $0x10700  }
0x225: {  	[tilespmem:s14], [sflag:$0x3] =	stream.indirect.gather @!p0 [hbm4b:s6+s18], $0x10, s13, s18, $0xb8;
	[tilespmem:$0x1D700] =	vst v63  }
0x226: {  	s13 =	simm.s32 @!p0 $0x180;
	s14 =	simm.s32 @!p0 $0x3F00  }
0x227: {  	[tilespmem:s14], [sflag:$0x3] =	stream.indirect.gather @!p0 [hbm4b:s6+s18], $0x10, s13, s18, $0xb8;
	[tilespmem:$0x1D700] =	vst v63  }
0x228: {  	s13 =	simm.s32 @!p0 $0xE80;
	s14 =	simm.s32 @!p0 $0x10F00  }
0x229: {  	[tilespmem:s14], [sflag:$0x3] =	stream.indirect.gather @!p0 [hbm4b:s6+s18], $0x10, s13, s18, $0xb8;
	[tilespmem:$0x1D700] =	vst v63  }
0x22a: {  	s13 =	simm.s32 @!p0 $0x200;
	s14 =	simm.s32 @!p0 $0x4700  }
0x22b: {  	[tilespmem:s14], [sflag:$0x3] =	stream.indirect.gather @!p0 [hbm4b:s6+s18], $0x10, s13, s18, $0xb8;
	[tilespmem:$0x1D700] =	vst v63  }
0x22c: {  	s13 =	simm.s32 @!p0 $0xF00;
	s14 =	simm.s32 @!p0 $0x11700  }
0x22d: {  	[tilespmem:s14], [sflag:$0x3] =	stream.indirect.gather @!p0 [hbm4b:s6+s18], $0x10, s13, s18, $0xb8;
	[tilespmem:$0x1D700] =	vst v63  }
0x22e: {  	s13 =	simm.s32 @!p0 $0x280;
	s14 =	simm.s32 @!p0 $0x4F00  }
0x22f: {  	[tilespmem:s14], [sflag:$0x3] =	stream.indirect.gather @!p0 [hbm4b:s6+s18], $0x10, s13, s18, $0xb8;
	[tilespmem:$0x1D700] =	vst v63  }
0x230: {  	s13 =	simm.s32 @!p0 $0xF80;
	s14 =	simm.s32 @!p0 $0x11F00  }
0x231: {  	[tilespmem:s14], [sflag:$0x3] =	stream.indirect.gather @!p0 [hbm4b:s6+s18], $0x10, s13, s18, $0xb8;
	[tilespmem:$0x1D700] =	vst v63  }
0x232: {  	s13 =	simm.s32 @!p0 $0x300;
	s14 =	simm.s32 @!p0 $0x5700  }
0x233: {  	[tilespmem:s14], [sflag:$0x3] =	stream.indirect.gather @!p0 [hbm4b:s6+s18], $0x10, s13, s18, $0xb8;
	[tilespmem:$0x1D700] =	vst v63  }
0x234: {  	s13 =	simm.s32 @!p0 $0x1000;
	s14 =	simm.s32 @!p0 $0x12700  }
0x235: {  	[tilespmem:s14], [sflag:$0x3] =	stream.indirect.gather @!p0 [hbm4b:s6+s18], $0x10, s13, s18, $0xb8;
	[tilespmem:$0x1D700] =	vst v63  }
0x236: {  	s13 =	simm.s32 @!p0 $0x380;
	s14 =	simm.s32 @!p0 $0x5F00  }
0x237: {  	[tilespmem:s14], [sflag:$0x3] =	stream.indirect.gather @!p0 [hbm4b:s6+s18], $0x10, s13, s18, $0xb8;
	[tilespmem:$0x1D700] =	vst v63  }
0x238: {  	s13 =	simm.s32 @!p0 $0x1080;
	s14 =	simm.s32 @!p0 $0x12F00  }
0x239: {  	[tilespmem:s14], [sflag:$0x3] =	stream.indirect.gather @!p0 [hbm4b:s6+s18], $0x10, s13, s18, $0xb8;
	[tilespmem:$0x1D700] =	vst v63  }
0x23a: {  	s13 =	simm.s32 @!p0 $0x400;
	s14 =	simm.s32 @!p0 $0x6700  }
0x23b: {  	[tilespmem:s14], [sflag:$0x3] =	stream.indirect.gather @!p0 [hbm4b:s6+s18], $0x10, s13, s18, $0xb8;
	[tilespmem:$0x1D700] =	vst v63  }
0x23c: {  	s13 =	simm.s32 @!p0 $0x1100;
	s14 =	simm.s32 @!p0 $0x13700  }
0x23d: {  	[tilespmem:s14], [sflag:$0x3] =	stream.indirect.gather @!p0 [hbm4b:s6+s18], $0x10, s13, s18, $0xb8;
	[tilespmem:$0x1D700] =	vst v63  }
0x23e: {  	s13 =	simm.s32 @!p0 $0x480;
	s14 =	simm.s32 @!p0 $0x6F00  }
0x23f: {  	[tilespmem:s14], [sflag:$0x3] =	stream.indirect.gather @!p0 [hbm4b:s6+s18], $0x10, s13, s18, $0xb8;
	[tilespmem:$0x1D700] =	vst v63  }
0x240: {  	s13 =	simm.s32 @!p0 $0x1180;
	s14 =	simm.s32 @!p0 $0x13F00  }
0x241: {  	[tilespmem:s14], [sflag:$0x3] =	stream.indirect.gather @!p0 [hbm4b:s6+s18], $0x10, s13, s18, $0xb8;
	[tilespmem:$0x1D700] =	vst v63  }
0x242: {  	s13 =	simm.s32 @!p0 $0x500;
	s14 =	simm.s32 @!p0 $0x7700  }
0x243: {  	[tilespmem:s14], [sflag:$0x3] =	stream.indirect.gather @!p0 [hbm4b:s6+s18], $0x10, s13, s18, $0xb8;
	[tilespmem:$0x1D700] =	vst v63  }
0x244: {  	s13 =	simm.s32 @!p0 $0x1200;
	s14 =	simm.s32 @!p0 $0x14700  }
0x245: {  	[tilespmem:s14], [sflag:$0x3] =	stream.indirect.gather @!p0 [hbm4b:s6+s18], $0x10, s13, s18, $0xb8;
	[tilespmem:$0x1D700] =	vst v63  }
0x246: {  	s13 =	simm.s32 @!p0 $0x580;
	s14 =	simm.s32 @!p0 $0x7F00  }
0x247: {  	[tilespmem:s14], [sflag:$0x3] =	stream.indirect.gather @!p0 [hbm4b:s6+s18], $0x10, s13, s18, $0xb8;
	[tilespmem:$0x1D700] =	vst v63  }
0x248: {  	s13 =	simm.s32 @!p0 $0x1280;
	s14 =	simm.s32 @!p0 $0x14F00  }
0x249: {  	[tilespmem:s14], [sflag:$0x3] =	stream.indirect.gather @!p0 [hbm4b:s6+s18], $0x10, s13, s18, $0xb8;
	[tilespmem:$0x1D700] =	vst v63  }
0x24a: {  	p1 =	seq.s32 @!p0 s10, $0x0;
	s13 =	simm.s32 @!p0 $0x600;
	s14 =	simm.s32 @!p0 $0x8700  }
0x24b: {  	[tilespmem:s14], [sflag:$0x3] =	stream.indirect.gather @!p0 [hbm4b:s6+s18], $0x10, s13, s18, $0xb8;
	[tilespmem:$0x1D700] =	vst v63  }
0x24c: {  	p1 =	por p0, !p1;
	s13 =	simm.s32 @!p0 $0x1300;
	s14 =	simm.s32 @!p0 $0x15700  }
0x24d: {  	[tilespmem:s14], [sflag:$0x3] =	stream.indirect.gather @!p0 [hbm4b:s6+s18], $0x10, s13, s18, $0xb8;
	[tilespmem:$0x1D700] =	vst v63  }
0x24e: {  	_ =	swait.ge @p1 [sflag:s9], $0x400  }
0x24f: {  	[sflag:s9] =	ssyncset.done @p1 $0x0  }
0x250: {  	[sflag:s9] =	ssyncadd.s32 @p1 $0xFFFFFC00  }
0x251: {  	_ =	swait.ge @p1 [sflag:s9], $0x400  }
0x252: {  	[sflag:s9] =	ssyncset.done @p1 $0x0  }
0x253: {  	s21 =	simm.s32 $0x2080;
	[sflag:s9] =	ssyncadd.s32 @p1 $0xFFFFFC00  }
0x254: {  	v0 =	vld [tilespmem:s21+$0x0]  }
0x255: {  	s23 =	simm.s32 $0x8FD0  }
0x256: {  	v1 =	vld [tilespmem:s23+$0xFFFFFF30]  }
0x257: {  	v2 =	vld [tilespmem:s23+$0x20]  }
0x258: {  	s13 =	simm.s32 $0x15FD0;
	v3 =	vld [tilespmem:s23+$0xFFFFFF40]  }
0x259: {  	v53 =	vld [tilespmem:s13+$0xFFFFFF30];
	v52 =	vbroadcast v0, $0x0  }
0x25a: {  	v54 =	vld [tilespmem:s23+$0xFFFFFF50]  }
0x25b: {  	v56 =	vld [tilespmem:s13+$0xFFFFFF40];
	v55 =	vbroadcast v0, $0x1;
	v1 =	vmul.f32 v1, v52  }
0x25c: {  	v57 =	vld [tilespmem:s23+$0xFFFFFF60]  }
0x25d: {  	v59 =	vld [tilespmem:s13+$0xFFFFFF50];
	v58 =	vbroadcast v0, $0x2;
	v3 =	vmul.f32 v3, v55;
	v1 =	vadd.f32 $0.0e+00, v1  }
0x25e: {  	v60 =	vld [tilespmem:s23+$0xFFFFFF70];
	v5 =	vadd.f32 $0.0e+00, v53  }
0x25f: {  	v62 =	vld [tilespmem:s13+$0xFFFFFF60];
	v61 =	vbroadcast v0, $0x3;
	v1 =	vadd.f32 v3, v1;
	v3 =	vmul.f32 v54, v58  }
0x260: {  	v63 =	vld [tilespmem:s23+$0xFFFFFF80];
	v5 =	vadd.f32 v56, v5  }
0x261: {  	v13 =	vld [tilespmem:s13+$0xFFFFFF70];
	v12 =	vbroadcast v0, $0x4;
	v1 =	vadd.f32 v3, v1;
	v3 =	vmul.f32 v57, v61  }
0x262: {  	v14 =	vld [tilespmem:s23+$0xFFFFFF90];
	v5 =	vadd.f32 v59, v5  }
0x263: {  	v16 =	vld [tilespmem:s13+$0xFFFFFF80];
	v15 =	vbroadcast v0, $0x5;
	v1 =	vadd.f32 v3, v1;
	v3 =	vmul.f32 v60, v12  }
0x264: {  	v17 =	vld [tilespmem:s23+$0xFFFFFFA0];
	v5 =	vadd.f32 v62, v5  }
0x265: {  	v19 =	vld [tilespmem:s13+$0xFFFFFF90];
	v18 =	vbroadcast v0, $0x6;
	v1 =	vadd.f32 v3, v1;
	v3 =	vmul.f32 v63, v15  }
0x266: {  	v20 =	vld [tilespmem:s23+$0xFFFFFFB0];
	v5 =	vadd.f32 v13, v5  }
0x267: {  	v22 =	vld [tilespmem:s13+$0xFFFFFFA0];
	v21 =	vbroadcast v0, $0x7;
	v1 =	vadd.f32 v3, v1;
	v3 =	vmul.f32 v14, v18  }
0x268: {  	v23 =	vld [tilespmem:s23+$0xFFFFFFC0];
	v5 =	vadd.f32 v16, v5  }
0x269: {  	v25 =	vld [tilespmem:s13+$0xFFFFFFB0];
	v24 =	vbroadcast v0, $0x8;
	v1 =	vadd.f32 v3, v1;
	v3 =	vmul.f32 v17, v21  }
0x26a: {  	v26 =	vld [tilespmem:s23+$0xFFFFFFD0];
	v5 =	vadd.f32 v19, v5  }
0x26b: {  	v28 =	vld [tilespmem:s13+$0xFFFFFFC0];
	v27 =	vbroadcast v0, $0x9;
	v1 =	vadd.f32 v3, v1;
	v3 =	vmul.f32 v20, v24  }
0x26c: {  	v29 =	vld [tilespmem:s23+$0xFFFFFFE0];
	v5 =	vadd.f32 v22, v5  }
0x26d: {  	v31 =	vld [tilespmem:s13+$0xFFFFFFD0];
	v30 =	vbroadcast v0, $0xA;
	v1 =	vadd.f32 v3, v1;
	v3 =	vmul.f32 v23, v27  }
0x26e: {  	v32 =	vld [tilespmem:s23+$0xFFFFFFF0];
	v5 =	vadd.f32 v25, v5  }
0x26f: {  	v34 =	vld [tilespmem:s13+$0xFFFFFFE0];
	v33 =	vbroadcast v0, $0xB;
	v1 =	vadd.f32 v3, v1;
	v3 =	vmul.f32 v26, v30  }
0x270: {  	v35 =	vld [tilespmem:s23+$0x0];
	v5 =	vadd.f32 v28, v5  }
0x271: {  	s24 =	simm.s32 $0x10;
	s25 =	simm.s32 $0x0;
	v37 =	vld [tilespmem:s13+$0xFFFFFFF0];
	v36 =	vbroadcast v0, $0xC;
	v1 =	vadd.f32 v3, v1;
	v3 =	vmul.f32 v29, v33  }
0x272: {  	s20 =	sand.u32 $0x6, s25;
	s18 =	sand.u32 $0xFF8, s24;
	v38 =	vld [tilespmem:s23+$0x10];
	v5 =	vadd.f32 v31, v5  }
0x273: {  	s18 =	sor.u32 s20, s18;
	v40 =	vld [tilespmem:s13+$0x0];
	v39 =	vbroadcast v0, $0xD;
	v1 =	vadd.f32 v3, v1;
	v3 =	vmul.f32 v32, v36  }
0x274: {  	v41 =	vld [tilespmem:s18+$0x2080];
	v5 =	vadd.f32 v34, v5  }
0x275: {  	v43 =	vld [tilespmem:s13+$0x10];
	v42 =	vbroadcast v0, $0xE;
	v1 =	vadd.f32 v3, v1;
	v3 =	vmul.f32 v35, v39  }
0x276: {  	v44 =	vld [tilespmem:s23+$0x30];
	v5 =	vadd.f32 v37, v5  }
0x277: {  	v45 =	vld [tilespmem:s13+$0x20];
	v0 =	vbroadcast v0, $0xF;
	v1 =	vadd.f32 v3, v1;
	v3 =	vmul.f32 v38, v42  }
0x278: {  	v46 =	vld [tilespmem:s23+$0x40];
	v5 =	vadd.f32 v40, v5  }
0x279: {  	v0 =	vmul.f32 v2, v0;
	v2 =	vbroadcast v41, $0x0;
	v1 =	vadd.f32 v3, v1;
	v3 =	vld [tilespmem:s13+$0x30]  }
0x27a: {  	v47 =	vld [tilespmem:s23+$0x50];
	v5 =	vadd.f32 v43, v5  }
0x27b: {  	v48 =	vld [tilespmem:s13+$0x40];
	v0 =	vadd.f32 v0, v1;
	v1 =	vmul.f32 v44, v2;
	v2 =	vbroadcast v41, $0x1  }
0x27c: {  	v49 =	vld [tilespmem:s23+$0x60];
	v4 =	vadd.f32 v45, v5  }
0x27d: {  	v50 =	vld [tilespmem:s13+$0x50];
	v0 =	vadd.f32 v1, v0;
	v1 =	vmul.f32 v46, v2;
	v2 =	vbroadcast v41, $0x2  }
0x27e: {  	v51 =	vld [tilespmem:s23+$0x70];
	v3 =	vadd.f32 v3, v4  }
0x27f: {  	v52 =	vld [tilespmem:s13+$0x60];
	v0 =	vadd.f32 v1, v0;
	v1 =	vmul.f32 v47, v2;
	v2 =	vbroadcast v41, $0x3  }
0x280: {  	v53 =	vld [tilespmem:s23+$0x80];
	v3 =	vadd.f32 v48, v3  }
0x281: {  	v54 =	vld [tilespmem:s13+$0x70];
	v0 =	vadd.f32 v1, v0;
	v1 =	vmul.f32 v49, v2;
	v2 =	vbroadcast v41, $0x4  }
0x282: {  	v55 =	vld [tilespmem:s23+$0x90];
	v3 =	vadd.f32 v50, v3  }
0x283: {  	v56 =	vld [tilespmem:s13+$0x80];
	v0 =	vadd.f32 v1, v0;
	v1 =	vmul.f32 v51, v2;
	v2 =	vbroadcast v41, $0x5  }
0x284: {  	v57 =	vld [tilespmem:s23+$0xA0];
	v3 =	vadd.f32 v52, v3  }
0x285: {  	v58 =	vld [tilespmem:s13+$0x90];
	v0 =	vadd.f32 v1, v0;
	v1 =	vmul.f32 v53, v2;
	v2 =	vbroadcast v41, $0x6  }
0x286: {  	v59 =	vld [tilespmem:s23+$0xB0];
	v3 =	vadd.f32 v54, v3  }
0x287: {  	v60 =	vld [tilespmem:s13+$0xA0];
	v0 =	vadd.f32 v1, v0;
	v1 =	vmul.f32 v55, v2;
	v2 =	vbroadcast v41, $0x7  }
0x288: {  	v61 =	vld [tilespmem:s23+$0xC0];
	v3 =	vadd.f32 v56, v3  }
0x289: {  	v62 =	vld [tilespmem:s13+$0xB0];
	v0 =	vadd.f32 v1, v0;
	v1 =	vmul.f32 v57, v2;
	v2 =	vbroadcast v41, $0x8  }
0x28a: {  	v3 =	vadd.f32 v58, v3  }
0x28b: {  	v63 =	vld [tilespmem:s13+$0xC0];
	v0 =	vadd.f32 v1, v0;
	v1 =	vmul.f32 v59, v2;
	v2 =	vbroadcast v41, $0x9  }
0x28c: {  	v3 =	vadd.f32 v60, v3  }
0x28d: {  	v0 =	vadd.f32 v1, v0;
	v1 =	vmul.f32 v61, v2  }
0x28e: {  	v2 =	vadd.f32 v62, v3  }
0x28f: {  	v0 =	vadd.f32 v1, v0  }
0x290: {  	s14 =	simm.s32 $0x1CB00;
	v1 =	vadd.f32 v63, v2  }
0x291: {  	s18 =	simm.s32 $0x1D300;
	[tilespmem:s14+$0x0] =	vst v0  }
0x292: {  	s20 =	simm.s32 $0x209A;
	[tilespmem:s18+$0x0] =	vst v1  }
0x293: {  	v0 =	vld [tilespmem:s20+$0x0]  }
0x294: {  	s31 =	simm.s32 $0x2A;
	s21 =	simm.s32 $0x9170;
	s23 =	simm.s32 $0x44  }
.LBB2_5:
0x295: {  	p1 =	sne.s32 s23, $0x676;
	v2 =	vld [tilespmem:s21+$0xFFFFFF30]  }
0x296: {  	v1 =	vld [tilespmem:s21+$0x20]  }
0x297: {  	s13 =	sadd.s32 $0x1A0, s13;
	v3 =	vld [tilespmem:s21+$0xFFFFFF40]  }
0x298: {  	v4 =	vbroadcast v0, $0x0;
	v5 =	vld [tilespmem:s13+$0xFFFFFF30]  }
0x299: {  	v6 =	vld [tilespmem:s21+$0xFFFFFF50]  }
0x29a: {  	v2 =	vmul.f32 v2, v4;
	v4 =	vbroadcast v0, $0x1;
	v7 =	vld [tilespmem:s13+$0xFFFFFF40]  }
0x29b: {  	v8 =	vld [tilespmem:s21+$0xFFFFFF60]  }
0x29c: {  	v2 =	vadd.f32 $0.0e+00, v2;
	v3 =	vmul.f32 v3, v4;
	v4 =	vbroadcast v0, $0x2;
	v9 =	vld [tilespmem:s13+$0xFFFFFF50]  }
0x29d: {  	v5 =	vadd.f32 $0.0e+00, v5;
	v10 =	vld [tilespmem:s21+$0xFFFFFF70]  }
0x29e: {  	v2 =	vadd.f32 v3, v2;
	v3 =	vmul.f32 v6, v4;
	v4 =	vbroadcast v0, $0x3;
	v6 =	vld [tilespmem:s13+$0xFFFFFF60]  }
0x29f: {  	v5 =	vadd.f32 v7, v5;
	v7 =	vld [tilespmem:s21+$0xFFFFFF80]  }
0x2a0: {  	v2 =	vadd.f32 v3, v2;
	v3 =	vmul.f32 v8, v4;
	v4 =	vbroadcast v0, $0x4;
	v8 =	vld [tilespmem:s13+$0xFFFFFF70]  }
0x2a1: {  	v5 =	vadd.f32 v9, v5;
	v9 =	vld [tilespmem:s21+$0xFFFFFF90]  }
0x2a2: {  	v2 =	vadd.f32 v3, v2;
	v3 =	vmul.f32 v10, v4;
	v4 =	vbroadcast v0, $0x5;
	v10 =	vld [tilespmem:s13+$0xFFFFFF80]  }
0x2a3: {  	v5 =	vadd.f32 v6, v5;
	v6 =	vld [tilespmem:s21+$0xFFFFFFA0]  }
0x2a4: {  	v2 =	vadd.f32 v3, v2;
	v3 =	vmul.f32 v7, v4;
	v4 =	vbroadcast v0, $0x6;
	v7 =	vld [tilespmem:s13+$0xFFFFFF90]  }
0x2a5: {  	v5 =	vadd.f32 v8, v5;
	v8 =	vld [tilespmem:s21+$0xFFFFFFB0]  }
0x2a6: {  	v2 =	vadd.f32 v3, v2;
	v3 =	vmul.f32 v9, v4;
	v4 =	vbroadcast v0, $0x7;
	v9 =	vld [tilespmem:s13+$0xFFFFFFA0]  }
0x2a7: {  	v5 =	vadd.f32 v10, v5;
	v10 =	vld [tilespmem:s21+$0xFFFFFFC0]  }
0x2a8: {  	v2 =	vadd.f32 v3, v2;
	v3 =	vmul.f32 v6, v4;
	v4 =	vbroadcast v0, $0x8;
	v6 =	vld [tilespmem:s13+$0xFFFFFFB0]  }
0x2a9: {  	v5 =	vadd.f32 v7, v5;
	v7 =	vld [tilespmem:s21+$0xFFFFFFD0]  }
0x2aa: {  	v2 =	vadd.f32 v3, v2;
	v3 =	vmul.f32 v8, v4;
	v4 =	vbroadcast v0, $0x9;
	v8 =	vld [tilespmem:s13+$0xFFFFFFC0]  }
0x2ab: {  	v5 =	vadd.f32 v9, v5;
	v9 =	vld [tilespmem:s21+$0xFFFFFFE0]  }
0x2ac: {  	v2 =	vadd.f32 v3, v2;
	v3 =	vmul.f32 v10, v4;
	v4 =	vbroadcast v0, $0xA;
	v10 =	vld [tilespmem:s13+$0xFFFFFFD0]  }
0x2ad: {  	v5 =	vadd.f32 v6, v5;
	v6 =	vld [tilespmem:s21+$0xFFFFFFF0]  }
0x2ae: {  	v2 =	vadd.f32 v3, v2;
	v3 =	vmul.f32 v7, v4;
	v4 =	vbroadcast v0, $0xB;
	v7 =	vld [tilespmem:s13+$0xFFFFFFE0]  }
0x2af: {  	v5 =	vadd.f32 v8, v5;
	v8 =	vld [tilespmem:s21+$0x0]  }
0x2b0: {  	s24 =	sadd.s32 $0xFFFFFFF0, s31;
	v2 =	vadd.f32 v3, v2;
	v3 =	vmul.f32 v9, v4;
	v4 =	vbroadcast v0, $0xC;
	v9 =	vld [tilespmem:s13+$0xFFFFFFF0]  }
0x2b1: {  	s25 =	sand.u32 $0xFF8, s31;
	s31 =	smov.u32 s23;
	s24 =	sand.u32 $0x6, s24;
	v5 =	vadd.f32 v10, v5;
	v10 =	vld [tilespmem:s21+$0x10]  }
0x2b2: {  	s24 =	sor.u32 s24, s25;
	v2 =	vadd.f32 v3, v2;
	v3 =	vmul.f32 v6, v4;
	v4 =	vbroadcast v0, $0xD;
	v6 =	vld [tilespmem:s13+$0x0]  }
0x2b3: {  	v11 =	vld [tilespmem:s24+$0x2080];
	v5 =	vadd.f32 v7, v5  }
0x2b4: {  	v2 =	vadd.f32 v3, v2;
	v3 =	vmul.f32 v8, v4;
	v4 =	vbroadcast v0, $0xE;
	v7 =	vld [tilespmem:s13+$0x10]  }
0x2b5: {  	v5 =	vadd.f32 v9, v5;
	v8 =	vld [tilespmem:s21+$0x30]  }
0x2b6: {  	v0 =	vbroadcast v0, $0xF;
	v2 =	vadd.f32 v3, v2;
	v3 =	vmul.f32 v10, v4;
	v4 =	vld [tilespmem:s13+$0x20]  }
0x2b7: {  	v5 =	vadd.f32 v6, v5;
	v6 =	vld [tilespmem:s21+$0x40]  }
0x2b8: {  	v0 =	vmul.f32 v1, v0;
	v2 =	vadd.f32 v3, v2;
	v1 =	vbroadcast v11, $0x0;
	v3 =	vld [tilespmem:s13+$0x30]  }
0x2b9: {  	v5 =	vadd.f32 v7, v5;
	v7 =	vld [tilespmem:s21+$0x50]  }
0x2ba: {  	v0 =	vadd.f32 v0, v2;
	v1 =	vmul.f32 v8, v1;
	v2 =	vbroadcast v11, $0x1;
	v8 =	vld [tilespmem:s13+$0x40]  }
0x2bb: {  	v4 =	vadd.f32 v4, v5;
	v5 =	vld [tilespmem:s21+$0x60]  }
0x2bc: {  	v0 =	vadd.f32 v1, v0;
	v1 =	vmul.f32 v6, v2;
	v2 =	vbroadcast v11, $0x2;
	v6 =	vld [tilespmem:s13+$0x50]  }
0x2bd: {  	v3 =	vadd.f32 v3, v4;
	v4 =	vld [tilespmem:s21+$0x70]  }
0x2be: {  	v0 =	vadd.f32 v1, v0;
	v1 =	vmul.f32 v7, v2;
	v2 =	vbroadcast v11, $0x3;
	v7 =	vld [tilespmem:s13+$0x60]  }
0x2bf: {  	v3 =	vadd.f32 v8, v3;
	v8 =	vld [tilespmem:s21+$0x80]  }
0x2c0: {  	v0 =	vadd.f32 v1, v0;
	v1 =	vmul.f32 v5, v2;
	v2 =	vbroadcast v11, $0x4;
	v5 =	vld [tilespmem:s13+$0x70]  }
0x2c1: {  	v3 =	vadd.f32 v6, v3;
	v6 =	vld [tilespmem:s21+$0x90]  }
0x2c2: {  	v0 =	vadd.f32 v1, v0;
	v1 =	vmul.f32 v4, v2;
	v2 =	vbroadcast v11, $0x5;
	v4 =	vld [tilespmem:s13+$0x80]  }
0x2c3: {  	v3 =	vadd.f32 v7, v3;
	v7 =	vld [tilespmem:s21+$0xA0]  }
0x2c4: {  	v0 =	vadd.f32 v1, v0;
	v1 =	vmul.f32 v8, v2;
	v2 =	vbroadcast v11, $0x6;
	v8 =	vld [tilespmem:s13+$0x90]  }
0x2c5: {  	v3 =	vadd.f32 v5, v3;
	v5 =	vld [tilespmem:s21+$0xB0]  }
0x2c6: {  	v0 =	vadd.f32 v1, v0;
	v1 =	vmul.f32 v6, v2;
	v2 =	vbroadcast v11, $0x7;
	v6 =	vld [tilespmem:s13+$0xA0]  }
0x2c7: {  	v3 =	vadd.f32 v4, v3;
	v4 =	vld [tilespmem:s21+$0xC0]  }
0x2c8: {  	v0 =	vadd.f32 v1, v0;
	v1 =	vmul.f32 v7, v2;
	v2 =	vbroadcast v11, $0x8;
	v7 =	vld [tilespmem:s13+$0xB0]  }
0x2c9: {  	v3 =	vadd.f32 v8, v3  }
0x2ca: {  	v0 =	vadd.f32 v1, v0;
	v1 =	vmul.f32 v5, v2;
	v2 =	vbroadcast v11, $0x9;
	v5 =	vld [tilespmem:s13+$0xC0]  }
0x2cb: {  	v3 =	vadd.f32 v6, v3  }
0x2cc: {  	v0 =	vadd.f32 v1, v0;
	v1 =	vmul.f32 v4, v2  }
0x2cd: {  	v2 =	vadd.f32 v7, v3  }
0x2ce: {  	v0 =	vadd.f32 v1, v0  }
.Ltmp3:
0x2cf: {  	s14 =	sadd.s32 $0x10, s14;
	v1 =	vadd.f32 v5, v2;
	(pc) =	sbr.rel @p1 .LBB2_5-.Ltmp3, $4  }
0x2d0: {  	s18 =	sadd.s32 $0x10, s18;
	[tilespmem:s14+$0x0] =	vst v0  }
0x2d1: {  	s20 =	sadd.s32 $0x1A, s20;
	[tilespmem:s18+$0x0] =	vst v1  }
0x2d2: {  	v0 =	vld [tilespmem:s20+$0x0]  }
0x2d3: {  	s23 =	sadd.s32 $0x1A, s23;
	s21 =	sadd.s32 $0x1A0, s21  }
0x2d4: {  	v1 =	vld [tilespmem:s21+$0xFFFFFF30]  }
0x2d5: {  	v2 =	vld [tilespmem:s21+$0x20]  }
0x2d6: {  	v3 =	vld [tilespmem:s21+$0xFFFFFF40];
	s13 =	sadd.s32 $0x1A0, s13  }
0x2d7: {  	v5 =	vld [tilespmem:s13+$0xFFFFFF30];
	v4 =	vbroadcast v0, $0x0  }
0x2d8: {  	v6 =	vld [tilespmem:s21+$0xFFFFFF50]  }
0x2d9: {  	v7 =	vld [tilespmem:s13+$0xFFFFFF40];
	v23 =	vbroadcast v0, $0x1;
	v1 =	vmul.f32 v1, v4  }
0x2da: {  	v8 =	vld [tilespmem:s21+$0xFFFFFF60]  }
0x2db: {  	v9 =	vld [tilespmem:s13+$0xFFFFFF50];
	v24 =	vbroadcast v0, $0x2;
	v3 =	vmul.f32 v3, v23;
	v1 =	vadd.f32 $0.0e+00, v1  }
0x2dc: {  	v10 =	vld [tilespmem:s21+$0xFFFFFF70];
	v5 =	vadd.f32 $0.0e+00, v5  }
0x2dd: {  	v27 =	vld [tilespmem:s13+$0xFFFFFF60];
	v26 =	vbroadcast v0, $0x3;
	v25 =	vmul.f32 v6, v24;
	v1 =	vadd.f32 v3, v1  }
0x2de: {  	v28 =	vld [tilespmem:s21+$0xFFFFFF80];
	v5 =	vadd.f32 v7, v5  }
0x2df: {  	v31 =	vld [tilespmem:s13+$0xFFFFFF70];
	v30 =	vbroadcast v0, $0x4;
	v29 =	vmul.f32 v8, v26;
	v1 =	vadd.f32 v25, v1  }
0x2e0: {  	v32 =	vld [tilespmem:s21+$0xFFFFFF90];
	v5 =	vadd.f32 v9, v5  }
0x2e1: {  	v35 =	vld [tilespmem:s13+$0xFFFFFF80];
	v34 =	vbroadcast v0, $0x5;
	v33 =	vmul.f32 v10, v30;
	v1 =	vadd.f32 v29, v1  }
0x2e2: {  	v36 =	vld [tilespmem:s21+$0xFFFFFFA0];
	v5 =	vadd.f32 v27, v5  }
0x2e3: {  	v39 =	vld [tilespmem:s13+$0xFFFFFF90];
	v38 =	vbroadcast v0, $0x6;
	v37 =	vmul.f32 v28, v34;
	v1 =	vadd.f32 v33, v1  }
0x2e4: {  	v40 =	vld [tilespmem:s21+$0xFFFFFFB0];
	v5 =	vadd.f32 v31, v5  }
0x2e5: {  	v43 =	vld [tilespmem:s13+$0xFFFFFFA0];
	v42 =	vbroadcast v0, $0x7;
	v41 =	vmul.f32 v32, v38;
	v1 =	vadd.f32 v37, v1  }
0x2e6: {  	v44 =	vld [tilespmem:s21+$0xFFFFFFC0];
	v5 =	vadd.f32 v35, v5  }
0x2e7: {  	v47 =	vld [tilespmem:s13+$0xFFFFFFB0];
	v46 =	vbroadcast v0, $0x8;
	v45 =	vmul.f32 v36, v42;
	v1 =	vadd.f32 v41, v1  }
0x2e8: {  	v48 =	vld [tilespmem:s21+$0xFFFFFFD0];
	v5 =	vadd.f32 v39, v5  }
0x2e9: {  	v51 =	vld [tilespmem:s13+$0xFFFFFFC0];
	v50 =	vbroadcast v0, $0x9;
	v49 =	vmul.f32 v40, v46;
	v1 =	vadd.f32 v45, v1  }
0x2ea: {  	v52 =	vld [tilespmem:s21+$0xFFFFFFE0];
	v5 =	vadd.f32 v43, v5  }
0x2eb: {  	v55 =	vld [tilespmem:s13+$0xFFFFFFD0];
	v54 =	vbroadcast v0, $0xA;
	v53 =	vmul.f32 v44, v50;
	v1 =	vadd.f32 v49, v1  }
0x2ec: {  	v56 =	vld [tilespmem:s21+$0xFFFFFFF0];
	v5 =	vadd.f32 v47, v5  }
0x2ed: {  	v59 =	vld [tilespmem:s13+$0xFFFFFFE0];
	v58 =	vbroadcast v0, $0xB;
	v57 =	vmul.f32 v48, v54;
	v1 =	vadd.f32 v53, v1  }
0x2ee: {  	v60 =	vld [tilespmem:s21+$0x0];
	v5 =	vadd.f32 v51, v5  }
0x2ef: {  	s20 =	sadd.s32 $0xFFFFFFF0, s31;
	v63 =	vld [tilespmem:s13+$0xFFFFFFF0];
	v62 =	vbroadcast v0, $0xC;
	v61 =	vmul.f32 v52, v58;
	v1 =	vadd.f32 v57, v1  }
0x2f0: {  	s23 =	sand.u32 $0xFF8, s31;
	v12 =	vld [tilespmem:s21+$0x10];
	s20 =	sand.u32 $0x6, s20;
	v5 =	vadd.f32 v55, v5  }
0x2f1: {  	v15 =	vld [tilespmem:s13+$0x0];
	s20 =	sor.u32 s20, s23;
	v14 =	vbroadcast v0, $0xD;
	v13 =	vmul.f32 v56, v62;
	v1 =	vadd.f32 v61, v1  }
0x2f2: {  	v11 =	vld [tilespmem:s20+$0x2080];
	v5 =	vadd.f32 v59, v5  }
0x2f3: {  	v18 =	vld [tilespmem:s13+$0x10];
	v17 =	vbroadcast v0, $0xE;
	v16 =	vmul.f32 v60, v14;
	v1 =	vadd.f32 v13, v1  }
0x2f4: {  	v19 =	vld [tilespmem:s21+$0x30];
	v5 =	vadd.f32 v63, v5  }
0x2f5: {  	v22 =	vld [tilespmem:s13+$0x20];
	v21 =	vbroadcast v0, $0xF;
	v20 =	vmul.f32 v12, v17;
	v1 =	vadd.f32 v16, v1  }
0x2f6: {  	v23 =	vld [tilespmem:s21+$0x40];
	v5 =	vadd.f32 v15, v5  }
0x2f7: {  	v0 =	vmul.f32 v2, v21;
	v24 =	vbroadcast v11, $0x0;
	v25 =	vld [tilespmem:s13+$0x30];
	v1 =	vadd.f32 v20, v1  }
0x2f8: {  	v26 =	vld [tilespmem:s21+$0x50];
	v5 =	vadd.f32 v18, v5  }
0x2f9: {  	v28 =	vbroadcast v11, $0x1;
	v27 =	vmul.f32 v19, v24;
	v29 =	vld [tilespmem:s13+$0x40];
	v0 =	vadd.f32 v0, v1  }
0x2fa: {  	v30 =	vld [tilespmem:s21+$0x60];
	v4 =	vadd.f32 v22, v5  }
0x2fb: {  	v32 =	vbroadcast v11, $0x2;
	v31 =	vmul.f32 v23, v28;
	v33 =	vld [tilespmem:s13+$0x50];
	v0 =	vadd.f32 v27, v0  }
0x2fc: {  	v34 =	vld [tilespmem:s21+$0x70];
	v3 =	vadd.f32 v25, v4  }
0x2fd: {  	v36 =	vbroadcast v11, $0x3;
	v35 =	vmul.f32 v26, v32;
	v37 =	vld [tilespmem:s13+$0x60];
	v0 =	vadd.f32 v31, v0  }
0x2fe: {  	v38 =	vld [tilespmem:s21+$0x80];
	v3 =	vadd.f32 v29, v3  }
0x2ff: {  	v40 =	vbroadcast v11, $0x4;
	v39 =	vmul.f32 v30, v36;
	v41 =	vld [tilespmem:s13+$0x70];
	v0 =	vadd.f32 v35, v0  }
0x300: {  	v42 =	vld [tilespmem:s21+$0x90];
	v3 =	vadd.f32 v33, v3  }
0x301: {  	v44 =	vbroadcast v11, $0x5;
	v43 =	vmul.f32 v34, v40;
	v45 =	vld [tilespmem:s13+$0x80];
	v0 =	vadd.f32 v39, v0  }
0x302: {  	v46 =	vld [tilespmem:s21+$0xA0];
	v3 =	vadd.f32 v37, v3  }
0x303: {  	v48 =	vbroadcast v11, $0x6;
	v47 =	vmul.f32 v38, v44;
	v49 =	vld [tilespmem:s13+$0x90];
	v0 =	vadd.f32 v43, v0  }
0x304: {  	v50 =	vld [tilespmem:s21+$0xB0];
	v3 =	vadd.f32 v41, v3  }
0x305: {  	v52 =	vbroadcast v11, $0x7;
	v51 =	vmul.f32 v42, v48;
	v53 =	vld [tilespmem:s13+$0xA0];
	v0 =	vadd.f32 v47, v0  }
0x306: {  	v54 =	vld [tilespmem:s21+$0xC0];
	v3 =	vadd.f32 v45, v3  }
0x307: {  	v56 =	vbroadcast v11, $0x8;
	v55 =	vmul.f32 v46, v52;
	v57 =	vld [tilespmem:s13+$0xB0];
	v0 =	vadd.f32 v51, v0  }
0x308: {  	v3 =	vadd.f32 v49, v3  }
0x309: {  	v60 =	vld [tilespmem:s13+$0xC0];
	v58 =	vmul.f32 v50, v56;
	v59 =	vbroadcast v11, $0x9;
	v0 =	vadd.f32 v55, v0  }
0x30a: {  	v3 =	vadd.f32 v53, v3  }
0x30b: {  	v61 =	vmul.f32 v54, v59;
	v0 =	vadd.f32 v58, v0  }
0x30c: {  	v62 =	vadd.f32 v57, v3  }
0x30d: {  	v0 =	vadd.f32 v61, v0  }
0x30e: {  	s24 =	sadd.s32 $0x10, s14;
	v63 =	vadd.f32 v60, v62  }
.Ltmp4:
0x30f: {  	s25 =	sadd.s32 $0x10, s18;
	s12 =	sor.u32 $0x80, s12;
	[tilespmem:s24+$0x0] =	vst v0;
	(pc) =	sbr.rel @p0 .LBB2_8-.Ltmp4, $4  }
0x310: {  	s31 =	sadd.s32 s7, s12;
	[tilespmem:s25+$0x0] =	vst v63  }
0x311: {  	[hbm4b:s31+s2] =	stream.linear.scatter [tilespmem:s28], [sflag:$0x6], $0x400, $0x38;
	[tilespmem:$0x1D700] =	vst v63  }
0x312: {  	s12 =	sadd.s32 s8, s12  }
0x313: {  	[hbm4b:s12+s2] =	stream.linear.scatter [tilespmem:s19], [sflag:$0x6], $0x400, $0x38;
	[tilespmem:$0x1D700] =	vst v63  }
0x314: {  	s11 =	sadd.s32 s11, s17  }
0x315: {  	s11 =	smul.u32 $0x1A, s11;
	_ =	sdelay $0x1  }
0x316: {  	s11 =	sshrl.u32 s11, $0x3  }
0x317: {  	s12 =	sadd.s32 s3, s11  }
0x318: {  	[tilespmem:s29], [sflag:$0x2] =	stream.linear.gather [hbm4b:s12+s2], $0x680, $0x38;
	[tilespmem:$0x1D700] =	vst v63  }
.Ltmp5:
0x319: {  	_ = 	snop;
	(pc) =	sbr.rel .LBB2_2-.Ltmp5, $4  }
0x31a: {  	s25 =	sadd.s32 s4, s11  }
0x31b: {  	[tilespmem:s30], [sflag:$0x2] =	stream.linear.gather [hbm4b:s25+s2], $0x680, $0x38;
	[tilespmem:$0x1D700] =	vst v63  }
0x31c: {  	s31 =	simm.s32 $0x2080;
	s10 =	sadd.s32 $0x1, s10;
	s11 =	sadd.s32 s5, s11  }
0x31d: {  	[tilespmem:s31], [sflag:$0x2] =	stream.linear.gather [hbm4b:s11+s2], $0x680, $0x38;
	[tilespmem:$0x1D700] =	vst v63  }
.LBB2_9:
0x31e: {  	_ =	sfence.sel $0x180000  }
0x31f: {  	[bflag:$0x0] =	sbarrier.arrive $0xFFFF  }
0x320: {  	_ =	strace $0x9000004A  }
0x321: {  	s0 =	stileid.u32;
	[bflag:$0x2] =	sbarrier.arrive $0xFFFF  }
0x322: {  	p0 =	sne.s32 s0, $0x0;
	s0 =	rddreg [dreg:$0x1]  }
0x323: {  	s0 =	sadd.s32 @!p0 $0x100000, s0  }
0x324: {  	[sflag:s0] =	ssyncadd.tile.s32 @!p0 $0x1;
	_ =	shalt  }
.Lfunc_end2:
_tile_overlayer_lowered:
.L_overlay_start_2:
0x325: {  	(tag) =	ssettag $0x2  }
0x326: {  	s0 =	rddreg [dreg:$0x0];
	s2 =	stileid.u32  }
0x327: {  	s1 =	rddreg [dreg:$0x1];
	p0 =	sne.s32 s2, $0x0  }
0x328: {  	s3 =	rddreg [dreg:$0x2];
	[bflag:$0x3] =	sbarrier.arrive $0xFFFF;
	s2 =	simm.s32 @!p0 $0x1C07  }
0x329: {  	[timem:s3], [sflag:s2] =	dma.local @!p0 [hbm:s0], s1  }
0x32a: {  	s0 =	simm.s32 @!p0 $0x7  }
0x32b: {  	_ =	swait.ge @!p0 [sflag:s0], s1  }
0x32c: {  	s1 =	ssub.s32 @!p0 $0x0, s1;
	[sflag:s0] =	ssyncset.done @!p0 $0x0  }
0x32d: {  	[sflag:s0] =	ssyncadd.s32 @!p0 s1  }
0x32e: {  	[bflag:$0x3] =	sbarrier.arrive $0xFFFF  }
0x32f: {  	_ =	shalt  }

</sc_bundles>
